<compile_context>
chip_gen: v7x
topology: tpu7x:2x2x1
jax: 0.10.2.dev20260603
libtpu: 0.0.44.dev20260713+nightly
codegen_flags: <defaults>
</compile_context>

<pallas_src>
import functools

import jax
import jax.numpy as jnp
from jax import lax
from jax.experimental import pallas as pl
from jax.experimental.pallas import tpu as pltpu
from jax.experimental.pallas import tpu_sc as plsc

N = 10000
NPAD = 10240
D = 128
E = 320000
NC = 2
NS = 16
NW = NC * NS
EPW = E // NW
CH = 128
EPWP = 10240
NCHUNK = EPWP // CH
RPS = NPAD // NS
LANES = 16
DCH = 80
DNCH = EPW // DCH


NGRP = 2
CPG = NCHUNK // NGRP


def _make_sc_agg():
    mesh = plsc.VectorSubcoreMesh(core_axis_name="c", subcore_axis_name="s")
    out_type = jax.ShapeDtypeStruct((NC, NPAD, D), jnp.float32)
    scratch = [
        pltpu.VMEM((CPG, CH), jnp.int32),
        pltpu.VMEM((CPG, CH), jnp.int32),
        pltpu.VMEM((CH, D), jnp.float32),
        pltpu.VMEM((CH, D), jnp.float32),
        pltpu.VMEM_SHARED((NPAD, D), jnp.float32),
        pltpu.SemaphoreType.DMA,
        pltpu.SemaphoreType.DMA,
    ]

    def body(h_hbm, src_hbm, dst_hbm, agg_hbm,
             src_v, dst_v, buf_a, buf_b, acc_sh, sem_a, sem_b):
        cid = lax.axis_index("c")
        sid = lax.axis_index("s")
        wid = cid * NS + sid

        zvec = jnp.zeros((LANES,), jnp.float32)

        def zrow(i, carry):
            r = i // (D // LANES)
            c = (i % (D // LANES)) * LANES
            buf_a[r, pl.ds(c, LANES)] = zvec
            return carry

        lax.fori_loop(0, CH * (D // LANES), zrow, 0)
        for t in range(RPS // CH):
            pltpu.sync_copy(buf_a, acc_sh.at[pl.ds(sid * RPS + t * CH, CH)])

        plsc.subcore_barrier()

        def gather(j, buf, sem):
            return pltpu.async_copy(h_hbm.at[src_v.at[j]], buf, sem)

        def gwait(buf, sem):
            pltpu.make_async_copy(h_hbm.at[src_v.at[0]], buf, sem).wait()

        def scat(j, buf):
            pltpu.sync_copy(buf, acc_sh.at[dst_v.at[j]], add=True)

        for g in range(NGRP):
            pltpu.sync_copy(src_hbm.at[wid].at[g], src_v)
            pltpu.sync_copy(dst_hbm.at[wid].at[g], dst_v)
            gather(0, buf_a, sem_a)

            def pair(p, carry):
                j = 2 * p
                gather(j + 1, buf_b, sem_b)
                gwait(buf_a, sem_a)
                scat(j, buf_a)
                gather(j + 2, buf_a, sem_a)
                gwait(buf_b, sem_b)
                scat(j + 1, buf_b)
                return carry

            lax.fori_loop(0, CPG // 2 - 1, pair, 0)
            gather(CPG - 1, buf_b, sem_b)
            gwait(buf_a, sem_a)
            scat(CPG - 2, buf_a)
            gwait(buf_b, sem_b)
            scat(CPG - 1, buf_b)

        plsc.subcore_barrier()
        pltpu.sync_copy(acc_sh.at[pl.ds(sid * RPS, RPS)],
                        agg_hbm.at[cid].at[pl.ds(sid * RPS, RPS)])

    return pl.kernel(
        body, out_type=out_type, mesh=mesh, scratch_types=scratch,
        compiler_params=pltpu.CompilerParams(needs_layout_passes=False))


def _make_sc_deg():
    mesh = plsc.VectorSubcoreMesh(core_axis_name="c", subcore_axis_name="s")
    out_type = jax.ShapeDtypeStruct((NW * N,), jnp.float32)
    scratch = [
        pltpu.VMEM((DNCH, DCH), jnp.int32),
        pltpu.VMEM((N,), jnp.float32),
    ]

    def body(dst_hbm, deg_hbm, dst_v, deg_v):
        cid = lax.axis_index("c")
        sid = lax.axis_index("s")
        wid = cid * NS + sid

        pltpu.sync_copy(dst_hbm.at[wid], dst_v)
        zvec = jnp.zeros((LANES,), jnp.float32)

        def dz(i, carry):
            deg_v[pl.ds(i * LANES, LANES)] = zvec
            return carry

        lax.fori_loop(0, N // LANES, dz, 0)
        ones = jnp.ones((LANES,), jnp.float32)

        def dacc(i, carry):
            j = i // (DCH // LANES)
            k = (i % (DCH // LANES)) * LANES
            idx = dst_v[j, pl.ds(k, LANES)]
            plsc.addupdate_scatter(deg_v, [idx], ones)
            return carry

        lax.fori_loop(0, DNCH * (DCH // LANES), dacc, 0)
        pltpu.sync_copy(deg_v, deg_hbm.at[pl.ds(wid * N, N)])

    return pl.kernel(
        body, out_type=out_type, mesh=mesh, scratch_types=scratch,
        compiler_params=pltpu.CompilerParams(needs_layout_passes=False))


_sc_agg = _make_sc_agg()
_sc_deg = _make_sc_deg()

_TC_R = 1000


def _tc_layer1_body(agg_ref, x_ref, degt_ref, wt_ref, b_ref, out_ref, rinv_ref):
    agg = agg_ref[0] + agg_ref[1] + x_ref[...]
    deg = jnp.sum(degt_ref[...], axis=1, keepdims=True)
    rinv = 1.0 / (deg + 1.0)
    hn = agg * rinv
    y = jnp.dot(hn, wt_ref[...], preferred_element_type=jnp.float32) + b_ref[...]
    out_ref[...] = jax.nn.relu(y)
    rinv_ref[...] = jnp.broadcast_to(rinv, (_TC_R, D))


def _tc_layer_body(act, agg_ref, h_ref, rinv_ref, wt_ref, b_ref, out_ref):
    hn = (agg_ref[0] + agg_ref[1] + h_ref[...]) * rinv_ref[...]
    y = jnp.dot(hn, wt_ref[...], preferred_element_type=jnp.float32) + b_ref[...]
    out_ref[...] = act(y)


def _tc_layer1(aggp, x, degt, wt, b):
    grid = (N // _TC_R,)
    return pl.pallas_call(
        _tc_layer1_body,
        grid=grid,
        in_specs=[
            pl.BlockSpec((NC, _TC_R, D), lambda i: (0, i, 0)),
            pl.BlockSpec((_TC_R, D), lambda i: (i, 0)),
            pl.BlockSpec((_TC_R, NW), lambda i: (i, 0)),
            pl.BlockSpec((D, D), lambda i: (0, 0)),
            pl.BlockSpec((1, D), lambda i: (0, 0)),
        ],
        out_specs=[
            pl.BlockSpec((_TC_R, D), lambda i: (i, 0)),
            pl.BlockSpec((_TC_R, D), lambda i: (i, 0)),
        ],
        out_shape=[
            jax.ShapeDtypeStruct((N, D), jnp.float32),
            jax.ShapeDtypeStruct((N, D), jnp.float32),
        ],
    )(aggp, x, degt, wt, b)


def _tc_layer(aggp, h, rinv, wt, b, act):
    grid = (N // _TC_R,)
    return pl.pallas_call(
        functools.partial(_tc_layer_body, act),
        grid=grid,
        in_specs=[
            pl.BlockSpec((NC, _TC_R, D), lambda i: (0, i, 0)),
            pl.BlockSpec((_TC_R, D), lambda i: (i, 0)),
            pl.BlockSpec((_TC_R, D), lambda i: (i, 0)),
            pl.BlockSpec((D, D), lambda i: (0, 0)),
            pl.BlockSpec((1, D), lambda i: (0, 0)),
        ],
        out_specs=pl.BlockSpec((_TC_R, D), lambda i: (i, 0)),
        out_shape=jax.ShapeDtypeStruct((N, D), jnp.float32),
    )(aggp, h, rinv, wt, b)


def kernel(x, edge_index, W1, b1, W2, b2, W3, b3):
    npade = EPWP - EPW
    lane = jnp.arange(npade, dtype=jnp.int32)[None, :]
    wcol = jnp.arange(NW, dtype=jnp.int32)[:, None]
    pad_src = (wcol * npade + lane) % N
    pad_dst = N + (lane + wcol) % (NPAD - N)
    src = jnp.concatenate([edge_index[0].reshape(NW, EPW),
                           jnp.broadcast_to(pad_src, (NW, npade))],
                          axis=1).reshape(NW, NGRP, CPG, CH)
    dst = jnp.concatenate([edge_index[1].reshape(NW, EPW),
                           jnp.broadcast_to(pad_dst, (NW, npade))],
                          axis=1).reshape(NW, NGRP, CPG, CH)
    dst_flat = edge_index[1].reshape(NW, DNCH, DCH)

    degp = _sc_deg(dst_flat)
    aggp1 = _sc_agg(x, src, dst)
    degt = degp.reshape(NW, N).T
    h1, rinv = _tc_layer1(aggp1, x, degt, W1.T, b1.reshape(1, D))

    aggp2 = _sc_agg(h1, src, dst)
    h2 = _tc_layer(aggp2, h1, rinv, W2.T, b2.reshape(1, D), jax.nn.relu)

    aggp3 = _sc_agg(h2, src, dst)
    h3 = _tc_layer(aggp3, h2, rinv, W3.T, b3.reshape(1, D), jax.nn.sigmoid)
    return h3

# --- scband reference (transcript-rebuilt; emitter-appended) ---
"""Pipeline reference for scband-sage-9723805958531 (READ-ONLY COPY).

The authoritative reference and input builder live on the scoring server;
editing this copy changes nothing except your own understanding.
"""

import jax, jax.numpy as jnp
import numpy as np

N = 10000
E = 320000
D_IN = 128
D_HID = 128
D_OUT = 128


def setup_inputs(seed: int = 0) -> dict:
    key = jax.random.key(seed)
    ks = jax.random.split(key, 9)
    x = jax.random.normal(ks[0], (N, D_IN), dtype=jnp.float32)
    edge_index = jax.random.randint(ks[1], (2, E), 0, N, dtype=jnp.int32)
    # DGL SAGEConv(aggregator_type='gcn') has a single fc_neigh Linear per layer
    W1 = jax.random.normal(ks[2], (D_HID, D_IN), dtype=jnp.float32) * 0.05
    b1 = jnp.zeros((D_HID,), dtype=jnp.float32)
    W2 = jax.random.normal(ks[3], (D_HID, D_HID), dtype=jnp.float32) * 0.05
    b2 = jnp.zeros((D_HID,), dtype=jnp.float32)
    W3 = jax.random.normal(ks[4], (D_OUT, D_HID), dtype=jnp.float32) * 0.05
    b3 = jnp.zeros((D_OUT,), dtype=jnp.float32)
    return {"x": x, "edge_index": edge_index, "W1": W1, "b1": b1, "W2": W2, "b2": b2, "W3": W3, "b3": b3}


def _sage_gcn_conv(h, src, dst, W, b):
    # DGL 'gcn' aggregator: h_neigh = (sum_{u in N(v)} h_u + h_v) / (deg(v) + 1); out = fc_neigh(h_neigh)
    msg = jnp.take(h, src, axis=0)
    agg = jax.ops.segment_sum(msg, dst, num_segments=N)
    deg = jax.ops.segment_sum(jnp.ones((src.shape[0],), dtype=h.dtype), dst, num_segments=N)
    h_neigh = (agg + h) / (deg[:, None] + 1.0)
    return h_neigh @ W.T + b


def reference(x, edge_index, W1, b1, W2, b2, W3, b3):
    src = edge_index[0]
    dst = edge_index[1]
    h = jax.nn.relu(_sage_gcn_conv(x, src, dst, W1, b1))
    h = jax.nn.relu(_sage_gcn_conv(h, src, dst, W2, b2))
    h = jax.nn.sigmoid(_sage_gcn_conv(h, src, dst, W3, b3))
    return h

if __name__ == "__main__":
    import jax
    _d = setup_inputs()
    print(jax.jit(kernel)(*tuple(_d.values())))

</pallas_src>

<mosaic_0001>
#map = affine_map<(d0, d1) -> (0, 0)>
#map1 = affine_map<(d0, d1) -> (0, 0, 0, 0)>
#map2 = affine_map<(d0, d1) -> (0, 0, 0)>
module attributes {stable_mosaic.version = 14 : i64} {
  func.func @body(%arg0: i32, %arg1: i32, %arg2: memref<10000x128xf32, #tpu.memory_space<hbm>>, %arg3: memref<32x2x40x128xi32, #tpu.memory_space<hbm>>, %arg4: memref<32x2x40x128xi32, #tpu.memory_space<hbm>>, %arg5: memref<2x10240x128xf32, #tpu.memory_space<hbm>>, %arg6: memref<40x128xi32, #tpu.memory_space<vmem>>, %arg7: memref<40x128xi32, #tpu.memory_space<vmem>>, %arg8: memref<128x128xf32, #tpu.memory_space<vmem>>, %arg9: memref<128x128xf32, #tpu.memory_space<vmem>>, %arg10: memref<10240x128xf32, #tpu.memory_space<vmem_shared>>, %arg11: memref<!tpu.dma_semaphore, #tpu.memory_space<semaphore_mem>>, %arg12: memref<!tpu.dma_semaphore, #tpu.memory_space<semaphore_mem>>) attributes {dimension_semantics = [#tpu.dimension_semantics<core_parallel>, #tpu.dimension_semantics<subcore_parallel>], iteration_bounds = array<i64: 2, 16>, scalar_prefetch = 0 : i64, scratch_operands = 7 : i64, tpu.core_type = #tpu.core_type<sc_vector_subcore>, window_params = [{transform_indices = #map}, {transform_indices = #map1}, {transform_indices = #map1}, {transform_indices = #map2}]} {
    %mul3A = arith.constant 16 : i32
    %mul3A_0 = arith.muli %arg0, %mul3A : i32
    %add3A = arith.addi %mul3A_0, %arg1 : i32
    %broadcast_in_dim3A = arith.constant 0.000000e+00 : f32
    %broadcast_in_dim3A_1 = vector.broadcast %broadcast_in_dim3A : f32 to vector<16xf32>
    %scan3A = arith.constant 0 : i32
    %scan3A_2 = arith.constant 0 : i32
    %scan3A_3 = arith.constant 1024 : i32
    %scan3A_4 = arith.addi %scan3A_2, %scan3A_3 : i32
    %scan3A_5 = arith.constant 1 : i32
    scf.for %scan3A_105 = %scan3A_2 to %scan3A_4 step %scan3A_5  : i32 {
      %jit3A = arith.constant 8 : i32
      %div3A = arith.divsi %scan3A_105, %jit3A : i32
      %sign3A = arith.constant 0 : i32
      %sign3A_106 = arith.cmpi sgt, %scan3A_105, %sign3A : i32
      %sign3A_107 = arith.extui %sign3A_106 : i1 to i32
      %sign3A_108 = arith.constant 0 : i32
      %sign3A_109 = arith.cmpi slt, %scan3A_105, %sign3A_108 : i32
      %sign3A_110 = arith.extui %sign3A_109 : i1 to i32
      %sign3A_111 = arith.subi %sign3A_107, %sign3A_110 : i32
      %sign3A_112 = arith.constant 0 : i32
      %sign3A_113 = arith.cmpi sgt, %jit3A, %sign3A_112 : i32
      %sign3A_114 = arith.extui %sign3A_113 : i1 to i32
      %sign3A_115 = arith.constant 0 : i32
      %sign3A_116 = arith.cmpi slt, %jit3A, %sign3A_115 : i32
      %sign3A_117 = arith.extui %sign3A_116 : i1 to i32
      %sign3A_118 = arith.subi %sign3A_114, %sign3A_117 : i32
      %ne3A = arith.cmpi ne, %sign3A_111, %sign3A_118 : i32
      %rem3A = arith.remsi %scan3A_105, %jit3A : i32
      %ne3A_119 = arith.constant 0 : i32
      %ne3A_120 = arith.cmpi ne, %rem3A, %ne3A_119 : i32
      %and3A = arith.andi %ne3A, %ne3A_120 : i1
      %sub3A = arith.constant 1 : i32
      %sub3A_121 = arith.subi %div3A, %sub3A : i32
      %select_n3A = arith.select %and3A, %sub3A_121, %div3A : i32
      %jit3A_122 = arith.constant 8 : i32
      %eq3A = arith.constant 0 : i32
      %eq3A_123 = arith.cmpi eq, %jit3A_122, %eq3A : i32
      %jit3A_124 = arith.constant 1 : i32
      %select_n3A_125 = arith.select %eq3A_123, %jit3A_124, %jit3A_122 : i32
      %rem3A_126 = arith.remsi %scan3A_105, %select_n3A_125 : i32
      %ne3A_127 = arith.constant 0 : i32
      %ne3A_128 = arith.cmpi ne, %rem3A_126, %ne3A_127 : i32
      %lt3A = arith.constant 0 : i32
      %lt3A_129 = arith.cmpi slt, %rem3A_126, %lt3A : i32
      %lt3A_130 = arith.constant 0 : i32
      %lt3A_131 = arith.cmpi slt, %select_n3A_125, %lt3A_130 : i32
      %ne3A_132 = arith.xori %lt3A_129, %lt3A_131 : i1
      %and3A_133 = arith.andi %ne3A_132, %ne3A_128 : i1
      %add3A_134 = arith.addi %rem3A_126, %select_n3A_125 : i32
      %select_n3A_135 = arith.select %and3A_133, %add3A_134, %rem3A_126 : i32
      %mul3A_136 = arith.constant 16 : i32
      %mul3A_137 = arith.muli %select_n3A_135, %mul3A_136 : i32
      %swap3A = arith.index_cast %select_n3A : i32 to index
      %swap3A_138 = arith.index_cast %mul3A_137 : i32 to index
      %swap3A_139 = tpu.vector_load %arg8[%swap3A, %swap3A_138] {strides = array<i32>} : memref<128x128xf32, #tpu.memory_space<vmem>>, vector<16xf32>,
      tpu.vector_store %arg8[%swap3A, %swap3A_138], %broadcast_in_dim3A_1 {strides = array<i32>} : memref<128x128xf32, #tpu.memory_space<vmem>>, vector<16xf32>,
    }
    %scan3A_6 = arith.constant 1024 : i32
    %mul3A_7 = arith.constant 640 : i32
    %mul3A_8 = arith.muli %arg1, %mul3A_7 : i32
    %add3A_9 = arith.constant 0 : i32
    %add3A_10 = arith.addi %mul3A_8, %add3A_9 : i32
    "tpu.region"() ({
      %run_scoped3A_105 = tpu.sem_alloc : memref<!tpu.dma_semaphore, #tpu.memory_space<semaphore_mem>>
      %dma_start3A_106 = arith.constant 0 : i32
      %dma_start3A_107 = tpu.memref_slice %arg10[%add3A_10, %dma_start3A_106] : memref<10240x128xf32, #tpu.memory_space<vmem_shared>> -> memref<128x128xf32, #tpu.memory_space<vmem_shared>>
      %dma_start3A_108 = arith.constant 0 : i32
      %dma_start3A_109 = tpu.memref_slice %arg10[%add3A_10, %dma_start3A_108] : memref<10240x128xf32, #tpu.memory_space<vmem_shared>> -> memref<128x128xf32, #tpu.memory_space<vmem_shared>>
      tpu.enqueue_dma source(%arg8 : memref<128x128xf32, #tpu.memory_space<vmem>>) target(%dma_start3A_109 : memref<128x128xf32, #tpu.memory_space<vmem_shared>>) target_semaphore(%run_scoped3A_105 : memref<!tpu.dma_semaphore, #tpu.memory_space<semaphore_mem>>)
      %dma_wait3A_110 = arith.constant 0 : i32
      %dma_wait3A_111 = tpu.memref_slice %arg10[%add3A_10, %dma_wait3A_110] : memref<10240x128xf32, #tpu.memory_space<vmem_shared>> -> memref<128x128xf32, #tpu.memory_space<vmem_shared>>
      %dma_wait3A_112 = arith.constant 0 : i32
      %dma_wait3A_113 = tpu.memref_slice %arg10[%add3A_10, %dma_wait3A_112] : memref<10240x128xf32, #tpu.memory_space<vmem_shared>> -> memref<128x128xf32, #tpu.memory_space<vmem_shared>>
      tpu.wait_dma2 semaphore(%run_scoped3A_105 : memref<!tpu.dma_semaphore, #tpu.memory_space<semaphore_mem>>) src(%arg8 : memref<128x128xf32, #tpu.memory_space<vmem>>) dst(%dma_wait3A_113 : memref<128x128xf32, #tpu.memory_space<vmem_shared>>)
      tpu.yield
    }) : () -> ()
    %mul3A_11 = arith.constant 640 : i32
    %mul3A_12 = arith.muli %arg1, %mul3A_11 : i32
    %add3A_13 = arith.constant 128 : i32
    %add3A_14 = arith.addi %mul3A_12, %add3A_13 : i32
    "tpu.region"() ({
      %run_scoped3A_105 = tpu.sem_alloc : memref<!tpu.dma_semaphore, #tpu.memory_space<semaphore_mem>>
      %dma_start3A_106 = arith.constant 0 : i32
      %dma_start3A_107 = tpu.memref_slice %arg10[%add3A_14, %dma_start3A_106] : memref<10240x128xf32, #tpu.memory_space<vmem_shared>> -> memref<128x128xf32, #tpu.memory_space<vmem_shared>>
      %dma_start3A_108 = arith.constant 0 : i32
      %dma_start3A_109 = tpu.memref_slice %arg10[%add3A_14, %dma_start3A_108] : memref<10240x128xf32, #tpu.memory_space<vmem_shared>> -> memref<128x128xf32, #tpu.memory_space<vmem_shared>>
      tpu.enqueue_dma source(%arg8 : memref<128x128xf32, #tpu.memory_space<vmem>>) target(%dma_start3A_109 : memref<128x128xf32, #tpu.memory_space<vmem_shared>>) target_semaphore(%run_scoped3A_105 : memref<!tpu.dma_semaphore, #tpu.memory_space<semaphore_mem>>)
      %dma_wait3A_110 = arith.constant 0 : i32
      %dma_wait3A_111 = tpu.memref_slice %arg10[%add3A_14, %dma_wait3A_110] : memref<10240x128xf32, #tpu.memory_space<vmem_shared>> -> memref<128x128xf32, #tpu.memory_space<vmem_shared>>
      %dma_wait3A_112 = arith.constant 0 : i32
      %dma_wait3A_113 = tpu.memref_slice %arg10[%add3A_14, %dma_wait3A_112] : memref<10240x128xf32, #tpu.memory_space<vmem_shared>> -> memref<128x128xf32, #tpu.memory_space<vmem_shared>>
      tpu.wait_dma2 semaphore(%run_scoped3A_105 : memref<!tpu.dma_semaphore, #tpu.memory_space<semaphore_mem>>) src(%arg8 : memref<128x128xf32, #tpu.memory_space<vmem>>) dst(%dma_wait3A_113 : memref<128x128xf32, #tpu.memory_space<vmem_shared>>)
      tpu.yield
    }) : () -> ()
    %mul3A_15 = arith.constant 640 : i32
    %mul3A_16 = arith.muli %arg1, %mul3A_15 : i32
    %add3A_17 = arith.constant 256 : i32
    %add3A_18 = arith.addi %mul3A_16, %add3A_17 : i32
    "tpu.region"() ({
      %run_scoped3A_105 = tpu.sem_alloc : memref<!tpu.dma_semaphore, #tpu.memory_space<semaphore_mem>>
      %dma_start3A_106 = arith.constant 0 : i32
      %dma_start3A_107 = tpu.memref_slice %arg10[%add3A_18, %dma_start3A_106] : memref<10240x128xf32, #tpu.memory_space<vmem_shared>> -> memref<128x128xf32, #tpu.memory_space<vmem_shared>>
      %dma_start3A_108 = arith.constant 0 : i32
      %dma_start3A_109 = tpu.memref_slice %arg10[%add3A_18, %dma_start3A_108] : memref<10240x128xf32, #tpu.memory_space<vmem_shared>> -> memref<128x128xf32, #tpu.memory_space<vmem_shared>>
      tpu.enqueue_dma source(%arg8 : memref<128x128xf32, #tpu.memory_space<vmem>>) target(%dma_start3A_109 : memref<128x128xf32, #tpu.memory_space<vmem_shared>>) target_semaphore(%run_scoped3A_105 : memref<!tpu.dma_semaphore, #tpu.memory_space<semaphore_mem>>)
      %dma_wait3A_110 = arith.constant 0 : i32
      %dma_wait3A_111 = tpu.memref_slice %arg10[%add3A_18, %dma_wait3A_110] : memref<10240x128xf32, #tpu.memory_space<vmem_shared>> -> memref<128x128xf32, #tpu.memory_space<vmem_shared>>
      %dma_wait3A_112 = arith.constant 0 : i32
      %dma_wait3A_113 = tpu.memref_slice %arg10[%add3A_18, %dma_wait3A_112] : memref<10240x128xf32, #tpu.memory_space<vmem_shared>> -> memref<128x128xf32, #tpu.memory_space<vmem_shared>>
      tpu.wait_dma2 semaphore(%run_scoped3A_105 : memref<!tpu.dma_semaphore, #tpu.memory_space<semaphore_mem>>) src(%arg8 : memref<128x128xf32, #tpu.memory_space<vmem>>) dst(%dma_wait3A_113 : memref<128x128xf32, #tpu.memory_space<vmem_shared>>)
      tpu.yield
    }) : () -> ()
    %mul3A_19 = arith.constant 640 : i32
    %mul3A_20 = arith.muli %arg1, %mul3A_19 : i32
    %add3A_21 = arith.constant 384 : i32
    %add3A_22 = arith.addi %mul3A_20, %add3A_21 : i32
    "tpu.region"() ({
      %run_scoped3A_105 = tpu.sem_alloc : memref<!tpu.dma_semaphore, #tpu.memory_space<semaphore_mem>>
      %dma_start3A_106 = arith.constant 0 : i32
      %dma_start3A_107 = tpu.memref_slice %arg10[%add3A_22, %dma_start3A_106] : memref<10240x128xf32, #tpu.memory_space<vmem_shared>> -> memref<128x128xf32, #tpu.memory_space<vmem_shared>>
      %dma_start3A_108 = arith.constant 0 : i32
      %dma_start3A_109 = tpu.memref_slice %arg10[%add3A_22, %dma_start3A_108] : memref<10240x128xf32, #tpu.memory_space<vmem_shared>> -> memref<128x128xf32, #tpu.memory_space<vmem_shared>>
      tpu.enqueue_dma source(%arg8 : memref<128x128xf32, #tpu.memory_space<vmem>>) target(%dma_start3A_109 : memref<128x128xf32, #tpu.memory_space<vmem_shared>>) target_semaphore(%run_scoped3A_105 : memref<!tpu.dma_semaphore, #tpu.memory_space<semaphore_mem>>)
      %dma_wait3A_110 = arith.constant 0 : i32
      %dma_wait3A_111 = tpu.memref_slice %arg10[%add3A_22, %dma_wait3A_110] : memref<10240x128xf32, #tpu.memory_space<vmem_shared>> -> memref<128x128xf32, #tpu.memory_space<vmem_shared>>
      %dma_wait3A_112 = arith.constant 0 : i32
      %dma_wait3A_113 = tpu.memref_slice %arg10[%add3A_22, %dma_wait3A_112] : memref<10240x128xf32, #tpu.memory_space<vmem_shared>> -> memref<128x128xf32, #tpu.memory_space<vmem_shared>>
      tpu.wait_dma2 semaphore(%run_scoped3A_105 : memref<!tpu.dma_semaphore, #tpu.memory_space<semaphore_mem>>) src(%arg8 : memref<128x128xf32, #tpu.memory_space<vmem>>) dst(%dma_wait3A_113 : memref<128x128xf32, #tpu.memory_space<vmem_shared>>)
      tpu.yield
    }) : () -> ()
    %mul3A_23 = arith.constant 640 : i32
    %mul3A_24 = arith.muli %arg1, %mul3A_23 : i32
    %add3A_25 = arith.constant 512 : i32
    %add3A_26 = arith.addi %mul3A_24, %add3A_25 : i32
    "tpu.region"() ({
      %run_scoped3A_105 = tpu.sem_alloc : memref<!tpu.dma_semaphore, #tpu.memory_space<semaphore_mem>>
      %dma_start3A_106 = arith.constant 0 : i32
      %dma_start3A_107 = tpu.memref_slice %arg10[%add3A_26, %dma_start3A_106] : memref<10240x128xf32, #tpu.memory_space<vmem_shared>> -> memref<128x128xf32, #tpu.memory_space<vmem_shared>>
      %dma_start3A_108 = arith.constant 0 : i32
      %dma_start3A_109 = tpu.memref_slice %arg10[%add3A_26, %dma_start3A_108] : memref<10240x128xf32, #tpu.memory_space<vmem_shared>> -> memref<128x128xf32, #tpu.memory_space<vmem_shared>>
      tpu.enqueue_dma source(%arg8 : memref<128x128xf32, #tpu.memory_space<vmem>>) target(%dma_start3A_109 : memref<128x128xf32, #tpu.memory_space<vmem_shared>>) target_semaphore(%run_scoped3A_105 : memref<!tpu.dma_semaphore, #tpu.memory_space<semaphore_mem>>)
      %dma_wait3A_110 = arith.constant 0 : i32
      %dma_wait3A_111 = tpu.memref_slice %arg10[%add3A_26, %dma_wait3A_110] : memref<10240x128xf32, #tpu.memory_space<vmem_shared>> -> memref<128x128xf32, #tpu.memory_space<vmem_shared>>
      %dma_wait3A_112 = arith.constant 0 : i32
      %dma_wait3A_113 = tpu.memref_slice %arg10[%add3A_26, %dma_wait3A_112] : memref<10240x128xf32, #tpu.memory_space<vmem_shared>> -> memref<128x128xf32, #tpu.memory_space<vmem_shared>>
      tpu.wait_dma2 semaphore(%run_scoped3A_105 : memref<!tpu.dma_semaphore, #tpu.memory_space<semaphore_mem>>) src(%arg8 : memref<128x128xf32, #tpu.memory_space<vmem>>) dst(%dma_wait3A_113 : memref<128x128xf32, #tpu.memory_space<vmem_shared>>)
      tpu.yield
    }) : () -> ()
    %barrier3A = arith.constant 0 : index
    tpu.barrier barrier_id(%barrier3A)
    %run_scoped3A = arith.constant 0 : i32
    "tpu.region"() ({
      %run_scoped3A_105 = tpu.sem_alloc : memref<!tpu.dma_semaphore, #tpu.memory_space<semaphore_mem>>
      %dma_start3A_106 = arith.constant 0 : i32
      %dma_start3A_107 = arith.constant 0 : i32
      %dma_start3A_108 = arith.constant 0 : i32
      %dma_start3A_109 = tpu.memref_slice %arg3[%add3A, %dma_start3A_106, %dma_start3A_107, %dma_start3A_108] : memref<32x2x40x128xi32, #tpu.memory_space<hbm>> -> memref<1x2x40x128xi32, #tpu.memory_space<hbm>>
      %dma_start3A_110 = tpu.memref_squeeze %dma_start3A_109 : memref<1x2x40x128xi32, #tpu.memory_space<hbm>> -> memref<2x40x128xi32, #tpu.memory_space<hbm>>
      %dma_start3A_111 = arith.constant 0 : i32
      %dma_start3A_112 = arith.constant 0 : i32
      %dma_start3A_113 = tpu.memref_slice %dma_start3A_110[%run_scoped3A, %dma_start3A_111, %dma_start3A_112] : memref<2x40x128xi32, #tpu.memory_space<hbm>> -> memref<1x40x128xi32, #tpu.memory_space<hbm>>
      %dma_start3A_114 = tpu.memref_squeeze %dma_start3A_113 : memref<1x40x128xi32, #tpu.memory_space<hbm>> -> memref<40x128xi32, #tpu.memory_space<hbm>>
      %dma_start3A_115 = arith.constant 0 : i32
      %dma_start3A_116 = arith.constant 0 : i32
      %dma_start3A_117 = arith.constant 0 : i32
      %dma_start3A_118 = tpu.memref_slice %arg3[%add3A, %dma_start3A_115, %dma_start3A_116, %dma_start3A_117] : memref<32x2x40x128xi32, #tpu.memory_space<hbm>> -> memref<1x2x40x128xi32, #tpu.memory_space<hbm>>
      %dma_start3A_119 = tpu.memref_squeeze %dma_start3A_118 : memref<1x2x40x128xi32, #tpu.memory_space<hbm>> -> memref<2x40x128xi32, #tpu.memory_space<hbm>>
      %dma_start3A_120 = arith.constant 0 : i32
      %dma_start3A_121 = arith.constant 0 : i32
      %dma_start3A_122 = tpu.memref_slice %dma_start3A_119[%run_scoped3A, %dma_start3A_120, %dma_start3A_121] : memref<2x40x128xi32, #tpu.memory_space<hbm>> -> memref<1x40x128xi32, #tpu.memory_space<hbm>>
      %dma_start3A_123 = tpu.memref_squeeze %dma_start3A_122 : memref<1x40x128xi32, #tpu.memory_space<hbm>> -> memref<40x128xi32, #tpu.memory_space<hbm>>
      tpu.enqueue_dma source(%dma_start3A_123 : memref<40x128xi32, #tpu.memory_space<hbm>>) target(%arg6 : memref<40x128xi32, #tpu.memory_space<vmem>>) target_semaphore(%run_scoped3A_105 : memref<!tpu.dma_semaphore, #tpu.memory_space<semaphore_mem>>)
      %dma_wait3A_124 = arith.constant 0 : i32
      %dma_wait3A_125 = arith.constant 0 : i32
      %dma_wait3A_126 = arith.constant 0 : i32
      %dma_wait3A_127 = tpu.memref_slice %arg3[%add3A, %dma_wait3A_124, %dma_wait3A_125, %dma_wait3A_126] : memref<32x2x40x128xi32, #tpu.memory_space<hbm>> -> memref<1x2x40x128xi32, #tpu.memory_space<hbm>>
      %dma_wait3A_128 = tpu.memref_squeeze %dma_wait3A_127 : memref<1x2x40x128xi32, #tpu.memory_space<hbm>> -> memref<2x40x128xi32, #tpu.memory_space<hbm>>
      %dma_wait3A_129 = arith.constant 0 : i32
      %dma_wait3A_130 = arith.constant 0 : i32
      %dma_wait3A_131 = tpu.memref_slice %dma_wait3A_128[%run_scoped3A, %dma_wait3A_129, %dma_wait3A_130] : memref<2x40x128xi32, #tpu.memory_space<hbm>> -> memref<1x40x128xi32, #tpu.memory_space<hbm>>
      %dma_wait3A_132 = tpu.memref_squeeze %dma_wait3A_131 : memref<1x40x128xi32, #tpu.memory_space<hbm>> -> memref<40x128xi32, #tpu.memory_space<hbm>>
      %dma_wait3A_133 = arith.constant 0 : i32
      %dma_wait3A_134 = arith.constant 0 : i32
      %dma_wait3A_135 = arith.constant 0 : i32
      %dma_wait3A_136 = tpu.memref_slice %arg3[%add3A, %dma_wait3A_133, %dma_wait3A_134, %dma_wait3A_135] : memref<32x2x40x128xi32, #tpu.memory_space<hbm>> -> memref<1x2x40x128xi32, #tpu.memory_space<hbm>>
      %dma_wait3A_137 = tpu.memref_squeeze %dma_wait3A_136 : memref<1x2x40x128xi32, #tpu.memory_space<hbm>> -> memref<2x40x128xi32, #tpu.memory_space<hbm>>
      %dma_wait3A_138 = arith.constant 0 : i32
      %dma_wait3A_139 = arith.constant 0 : i32
      %dma_wait3A_140 = tpu.memref_slice %dma_wait3A_137[%run_scoped3A, %dma_wait3A_138, %dma_wait3A_139] : memref<2x40x128xi32, #tpu.memory_space<hbm>> -> memref<1x40x128xi32, #tpu.memory_space<hbm>>
      %dma_wait3A_141 = tpu.memref_squeeze %dma_wait3A_140 : memref<1x40x128xi32, #tpu.memory_space<hbm>> -> memref<40x128xi32, #tpu.memory_space<hbm>>
      tpu.wait_dma2 semaphore(%run_scoped3A_105 : memref<!tpu.dma_semaphore, #tpu.memory_space<semaphore_mem>>) src(%dma_wait3A_141 : memref<40x128xi32, #tpu.memory_space<hbm>>) dst(%arg6 : memref<40x128xi32, #tpu.memory_space<vmem>>)
      tpu.yield
    }) : () -> ()
    %run_scoped3A_27 = arith.constant 0 : i32
    "tpu.region"() ({
      %run_scoped3A_105 = tpu.sem_alloc : memref<!tpu.dma_semaphore, #tpu.memory_space<semaphore_mem>>
      %dma_start3A_106 = arith.constant 0 : i32
      %dma_start3A_107 = arith.constant 0 : i32
      %dma_start3A_108 = arith.constant 0 : i32
      %dma_start3A_109 = tpu.memref_slice %arg4[%add3A, %dma_start3A_106, %dma_start3A_107, %dma_start3A_108] : memref<32x2x40x128xi32, #tpu.memory_space<hbm>> -> memref<1x2x40x128xi32, #tpu.memory_space<hbm>>
      %dma_start3A_110 = tpu.memref_squeeze %dma_start3A_109 : memref<1x2x40x128xi32, #tpu.memory_space<hbm>> -> memref<2x40x128xi32, #tpu.memory_space<hbm>>
      %dma_start3A_111 = arith.constant 0 : i32
      %dma_start3A_112 = arith.constant 0 : i32
      %dma_start3A_113 = tpu.memref_slice %dma_start3A_110[%run_scoped3A_27, %dma_start3A_111, %dma_start3A_112] : memref<2x40x128xi32, #tpu.memory_space<hbm>> -> memref<1x40x128xi32, #tpu.memory_space<hbm>>
      %dma_start3A_114 = tpu.memref_squeeze %dma_start3A_113 : memref<1x40x128xi32, #tpu.memory_space<hbm>> -> memref<40x128xi32, #tpu.memory_space<hbm>>
      %dma_start3A_115 = arith.constant 0 : i32
      %dma_start3A_116 = arith.constant 0 : i32
      %dma_start3A_117 = arith.constant 0 : i32
      %dma_start3A_118 = tpu.memref_slice %arg4[%add3A, %dma_start3A_115, %dma_start3A_116, %dma_start3A_117] : memref<32x2x40x128xi32, #tpu.memory_space<hbm>> -> memref<1x2x40x128xi32, #tpu.memory_space<hbm>>
      %dma_start3A_119 = tpu.memref_squeeze %dma_start3A_118 : memref<1x2x40x128xi32, #tpu.memory_space<hbm>> -> memref<2x40x128xi32, #tpu.memory_space<hbm>>
      %dma_start3A_120 = arith.constant 0 : i32
      %dma_start3A_121 = arith.constant 0 : i32
      %dma_start3A_122 = tpu.memref_slice %dma_start3A_119[%run_scoped3A_27, %dma_start3A_120, %dma_start3A_121] : memref<2x40x128xi32, #tpu.memory_space<hbm>> -> memref<1x40x128xi32, #tpu.memory_space<hbm>>
      %dma_start3A_123 = tpu.memref_squeeze %dma_start3A_122 : memref<1x40x128xi32, #tpu.memory_space<hbm>> -> memref<40x128xi32, #tpu.memory_space<hbm>>
      tpu.enqueue_dma source(%dma_start3A_123 : memref<40x128xi32, #tpu.memory_space<hbm>>) target(%arg7 : memref<40x128xi32, #tpu.memory_space<vmem>>) target_semaphore(%run_scoped3A_105 : memref<!tpu.dma_semaphore, #tpu.memory_space<semaphore_mem>>)
      %dma_wait3A_124 = arith.constant 0 : i32
      %dma_wait3A_125 = arith.constant 0 : i32
      %dma_wait3A_126 = arith.constant 0 : i32
      %dma_wait3A_127 = tpu.memref_slice %arg4[%add3A, %dma_wait3A_124, %dma_wait3A_125, %dma_wait3A_126] : memref<32x2x40x128xi32, #tpu.memory_space<hbm>> -> memref<1x2x40x128xi32, #tpu.memory_space<hbm>>
      %dma_wait3A_128 = tpu.memref_squeeze %dma_wait3A_127 : memref<1x2x40x128xi32, #tpu.memory_space<hbm>> -> memref<2x40x128xi32, #tpu.memory_space<hbm>>
      %dma_wait3A_129 = arith.constant 0 : i32
      %dma_wait3A_130 = arith.constant 0 : i32
      %dma_wait3A_131 = tpu.memref_slice %dma_wait3A_128[%run_scoped3A_27, %dma_wait3A_129, %dma_wait3A_130] : memref<2x40x128xi32, #tpu.memory_space<hbm>> -> memref<1x40x128xi32, #tpu.memory_space<hbm>>
      %dma_wait3A_132 = tpu.memref_squeeze %dma_wait3A_131 : memref<1x40x128xi32, #tpu.memory_space<hbm>> -> memref<40x128xi32, #tpu.memory_space<hbm>>
      %dma_wait3A_133 = arith.constant 0 : i32
      %dma_wait3A_134 = arith.constant 0 : i32
      %dma_wait3A_135 = arith.constant 0 : i32
      %dma_wait3A_136 = tpu.memref_slice %arg4[%add3A, %dma_wait3A_133, %dma_wait3A_134, %dma_wait3A_135] : memref<32x2x40x128xi32, #tpu.memory_space<hbm>> -> memref<1x2x40x128xi32, #tpu.memory_space<hbm>>
      %dma_wait3A_137 = tpu.memref_squeeze %dma_wait3A_136 : memref<1x2x40x128xi32, #tpu.memory_space<hbm>> -> memref<2x40x128xi32, #tpu.memory_space<hbm>>
      %dma_wait3A_138 = arith.constant 0 : i32
      %dma_wait3A_139 = arith.constant 0 : i32
      %dma_wait3A_140 = tpu.memref_slice %dma_wait3A_137[%run_scoped3A_27, %dma_wait3A_138, %dma_wait3A_139] : memref<2x40x128xi32, #tpu.memory_space<hbm>> -> memref<1x40x128xi32, #tpu.memory_space<hbm>>
      %dma_wait3A_141 = tpu.memref_squeeze %dma_wait3A_140 : memref<1x40x128xi32, #tpu.memory_space<hbm>> -> memref<40x128xi32, #tpu.memory_space<hbm>>
      tpu.wait_dma2 semaphore(%run_scoped3A_105 : memref<!tpu.dma_semaphore, #tpu.memory_space<semaphore_mem>>) src(%dma_wait3A_141 : memref<40x128xi32, #tpu.memory_space<hbm>>) dst(%arg7 : memref<40x128xi32, #tpu.memory_space<vmem>>)
      tpu.yield
    }) : () -> ()
    %dma_start3A = arith.constant 0 : i32
    %dma_start3A_28 = arith.constant 0 : i32
    %dma_start3A_29 = tpu.memref_slice %arg6[%dma_start3A, %dma_start3A_28] : memref<40x128xi32, #tpu.memory_space<vmem>> -> memref<1x128xi32, #tpu.memory_space<vmem>>
    %dma_start3A_30 = tpu.memref_squeeze %dma_start3A_29 : memref<1x128xi32, #tpu.memory_space<vmem>> -> memref<128xi32, #tpu.memory_space<vmem>>
    %dma_start3A_31 = arith.constant 0 : i32
    %dma_start3A_32 = arith.constant 0 : i32
    %dma_start3A_33 = tpu.memref_slice %arg2[%dma_start3A_31, %dma_start3A_32] : memref<10000x128xf32, #tpu.memory_space<hbm>> -> memref<10000x128xf32, #tpu.memory_space<hbm>>
    tpu.enqueue_indirect_dma source(%dma_start3A_33 : memref<10000x128xf32, #tpu.memory_space<hbm>>) target(%arg8 : memref<128x128xf32, #tpu.memory_space<vmem>>) offsets(%dma_start3A_30 : memref<128xi32, #tpu.memory_space<vmem>>) semaphore(%arg11 : memref<!tpu.dma_semaphore, #tpu.memory_space<semaphore_mem>>)
    %scan3A_34 = arith.constant 0 : i32
    %scan3A_35 = arith.constant 0 : i32
    %scan3A_36 = arith.constant 19 : i32
    %scan3A_37 = arith.addi %scan3A_35, %scan3A_36 : i32
    %scan3A_38 = arith.constant 1 : i32
    scf.for %scan3A_105 = %scan3A_35 to %scan3A_37 step %scan3A_38  : i32 {
      %mul3A_106 = arith.constant 2 : i32
      %mul3A_107 = arith.muli %mul3A_106, %scan3A_105 : i32
      %add3A_108 = arith.constant 1 : i32
      %add3A_109 = arith.addi %mul3A_107, %add3A_108 : i32
      %dma_start3A_110 = arith.constant 0 : i32
      %dma_start3A_111 = tpu.memref_slice %arg6[%add3A_109, %dma_start3A_110] : memref<40x128xi32, #tpu.memory_space<vmem>> -> memref<1x128xi32, #tpu.memory_space<vmem>>
      %dma_start3A_112 = tpu.memref_squeeze %dma_start3A_111 : memref<1x128xi32, #tpu.memory_space<vmem>> -> memref<128xi32, #tpu.memory_space<vmem>>
      %dma_start3A_113 = arith.constant 0 : i32
      %dma_start3A_114 = arith.constant 0 : i32
      %dma_start3A_115 = tpu.memref_slice %arg2[%dma_start3A_113, %dma_start3A_114] : memref<10000x128xf32, #tpu.memory_space<hbm>> -> memref<10000x128xf32, #tpu.memory_space<hbm>>
      tpu.enqueue_indirect_dma source(%dma_start3A_115 : memref<10000x128xf32, #tpu.memory_space<hbm>>) target(%arg9 : memref<128x128xf32, #tpu.memory_space<vmem>>) offsets(%dma_start3A_112 : memref<128xi32, #tpu.memory_space<vmem>>) semaphore(%arg12 : memref<!tpu.dma_semaphore, #tpu.memory_space<semaphore_mem>>)
      %dma_wait3A_116 = arith.constant 0 : i32
      %dma_wait3A_117 = arith.constant 0 : i32
      %dma_wait3A_118 = tpu.memref_slice %arg6[%dma_wait3A_116, %dma_wait3A_117] : memref<40x128xi32, #tpu.memory_space<vmem>> -> memref<1x128xi32, #tpu.memory_space<vmem>>
      %dma_wait3A_119 = tpu.memref_squeeze %dma_wait3A_118 : memref<1x128xi32, #tpu.memory_space<vmem>> -> memref<128xi32, #tpu.memory_space<vmem>>
      %dma_wait3A_120 = arith.constant 0 : i32
      %dma_wait3A_121 = arith.constant 0 : i32
      %dma_wait3A_122 = tpu.memref_slice %arg2[%dma_wait3A_120, %dma_wait3A_121] : memref<10000x128xf32, #tpu.memory_space<hbm>> -> memref<10000x128xf32, #tpu.memory_space<hbm>>
      tpu.wait_indirect_dma semaphore(%arg11 : memref<!tpu.dma_semaphore, #tpu.memory_space<semaphore_mem>>) src(%dma_wait3A_122 : memref<10000x128xf32, #tpu.memory_space<hbm>>) dst(%arg8 : memref<128x128xf32, #tpu.memory_space<vmem>>)
      "tpu.region"() ({
        %run_scoped3A_140 = tpu.sem_alloc : memref<!tpu.dma_semaphore, #tpu.memory_space<semaphore_mem>>
        %dma_start3A_141 = arith.constant 0 : i32
        %dma_start3A_142 = tpu.memref_slice %arg7[%mul3A_107, %dma_start3A_141] : memref<40x128xi32, #tpu.memory_space<vmem>> -> memref<1x128xi32, #tpu.memory_space<vmem>>
        %dma_start3A_143 = tpu.memref_squeeze %dma_start3A_142 : memref<1x128xi32, #tpu.memory_space<vmem>> -> memref<128xi32, #tpu.memory_space<vmem>>
        %dma_start3A_144 = arith.constant 0 : i32
        %dma_start3A_145 = arith.constant 0 : i32
        %dma_start3A_146 = tpu.memref_slice %arg10[%dma_start3A_144, %dma_start3A_145] : memref<10240x128xf32, #tpu.memory_space<vmem_shared>> -> memref<10240x128xf32, #tpu.memory_space<vmem_shared>>
        tpu.enqueue_indirect_dma source(%arg8 : memref<128x128xf32, #tpu.memory_space<vmem>>) target(%dma_start3A_146 : memref<10240x128xf32, #tpu.memory_space<vmem_shared>>) offsets(%dma_start3A_143 : memref<128xi32, #tpu.memory_space<vmem>>) semaphore(%run_scoped3A_140 : memref<!tpu.dma_semaphore, #tpu.memory_space<semaphore_mem>>) {add = true}
        %dma_wait3A_147 = arith.constant 0 : i32
        %dma_wait3A_148 = tpu.memref_slice %arg7[%mul3A_107, %dma_wait3A_147] : memref<40x128xi32, #tpu.memory_space<vmem>> -> memref<1x128xi32, #tpu.memory_space<vmem>>
        %dma_wait3A_149 = tpu.memref_squeeze %dma_wait3A_148 : memref<1x128xi32, #tpu.memory_space<vmem>> -> memref<128xi32, #tpu.memory_space<vmem>>
        %dma_wait3A_150 = arith.constant 0 : i32
        %dma_wait3A_151 = arith.constant 0 : i32
        %dma_wait3A_152 = tpu.memref_slice %arg10[%dma_wait3A_150, %dma_wait3A_151] : memref<10240x128xf32, #tpu.memory_space<vmem_shared>> -> memref<10240x128xf32, #tpu.memory_space<vmem_shared>>
        tpu.wait_indirect_dma semaphore(%run_scoped3A_140 : memref<!tpu.dma_semaphore, #tpu.memory_space<semaphore_mem>>) src(%arg8 : memref<128x128xf32, #tpu.memory_space<vmem>>) dst(%dma_wait3A_152 : memref<10240x128xf32, #tpu.memory_space<vmem_shared>>)
        tpu.yield
      }) : () -> ()
      %add3A_123 = arith.constant 2 : i32
      %add3A_124 = arith.addi %mul3A_107, %add3A_123 : i32
      %dma_start3A_125 = arith.constant 0 : i32
      %dma_start3A_126 = tpu.memref_slice %arg6[%add3A_124, %dma_start3A_125] : memref<40x128xi32, #tpu.memory_space<vmem>> -> memref<1x128xi32, #tpu.memory_space<vmem>>
      %dma_start3A_127 = tpu.memref_squeeze %dma_start3A_126 : memref<1x128xi32, #tpu.memory_space<vmem>> -> memref<128xi32, #tpu.memory_space<vmem>>
      %dma_start3A_128 = arith.constant 0 : i32
      %dma_start3A_129 = arith.constant 0 : i32
      %dma_start3A_130 = tpu.memref_slice %arg2[%dma_start3A_128, %dma_start3A_129] : memref<10000x128xf32, #tpu.memory_space<hbm>> -> memref<10000x128xf32, #tpu.memory_space<hbm>>
      tpu.enqueue_indirect_dma source(%dma_start3A_130 : memref<10000x128xf32, #tpu.memory_space<hbm>>) target(%arg8 : memref<128x128xf32, #tpu.memory_space<vmem>>) offsets(%dma_start3A_127 : memref<128xi32, #tpu.memory_space<vmem>>) semaphore(%arg11 : memref<!tpu.dma_semaphore, #tpu.memory_space<semaphore_mem>>)
      %dma_wait3A_131 = arith.constant 0 : i32
      %dma_wait3A_132 = arith.constant 0 : i32
      %dma_wait3A_133 = tpu.memref_slice %arg6[%dma_wait3A_131, %dma_wait3A_132] : memref<40x128xi32, #tpu.memory_space<vmem>> -> memref<1x128xi32, #tpu.memory_space<vmem>>
      %dma_wait3A_134 = tpu.memref_squeeze %dma_wait3A_133 : memref<1x128xi32, #tpu.memory_space<vmem>> -> memref<128xi32, #tpu.memory_space<vmem>>
      %dma_wait3A_135 = arith.constant 0 : i32
      %dma_wait3A_136 = arith.constant 0 : i32
      %dma_wait3A_137 = tpu.memref_slice %arg2[%dma_wait3A_135, %dma_wait3A_136] : memref<10000x128xf32, #tpu.memory_space<hbm>> -> memref<10000x128xf32, #tpu.memory_space<hbm>>
      tpu.wait_indirect_dma semaphore(%arg12 : memref<!tpu.dma_semaphore, #tpu.memory_space<semaphore_mem>>) src(%dma_wait3A_137 : memref<10000x128xf32, #tpu.memory_space<hbm>>) dst(%arg9 : memref<128x128xf32, #tpu.memory_space<vmem>>)
      %add3A_138 = arith.constant 1 : i32
      %add3A_139 = arith.addi %mul3A_107, %add3A_138 : i32
      "tpu.region"() ({
        %run_scoped3A_140 = tpu.sem_alloc : memref<!tpu.dma_semaphore, #tpu.memory_space<semaphore_mem>>
        %dma_start3A_141 = arith.constant 0 : i32
        %dma_start3A_142 = tpu.memref_slice %arg7[%add3A_139, %dma_start3A_141] : memref<40x128xi32, #tpu.memory_space<vmem>> -> memref<1x128xi32, #tpu.memory_space<vmem>>
        %dma_start3A_143 = tpu.memref_squeeze %dma_start3A_142 : memref<1x128xi32, #tpu.memory_space<vmem>> -> memref<128xi32, #tpu.memory_space<vmem>>
        %dma_start3A_144 = arith.constant 0 : i32
        %dma_start3A_145 = arith.constant 0 : i32
        %dma_start3A_146 = tpu.memref_slice %arg10[%dma_start3A_144, %dma_start3A_145] : memref<10240x128xf32, #tpu.memory_space<vmem_shared>> -> memref<10240x128xf32, #tpu.memory_space<vmem_shared>>
        tpu.enqueue_indirect_dma source(%arg9 : memref<128x128xf32, #tpu.memory_space<vmem>>) target(%dma_start3A_146 : memref<10240x128xf32, #tpu.memory_space<vmem_shared>>) offsets(%dma_start3A_143 : memref<128xi32, #tpu.memory_space<vmem>>) semaphore(%run_scoped3A_140 : memref<!tpu.dma_semaphore, #tpu.memory_space<semaphore_mem>>) {add = true}
        %dma_wait3A_147 = arith.constant 0 : i32
        %dma_wait3A_148 = tpu.memref_slice %arg7[%add3A_139, %dma_wait3A_147] : memref<40x128xi32, #tpu.memory_space<vmem>> -> memref<1x128xi32, #tpu.memory_space<vmem>>
        %dma_wait3A_149 = tpu.memref_squeeze %dma_wait3A_148 : memref<1x128xi32, #tpu.memory_space<vmem>> -> memref<128xi32, #tpu.memory_space<vmem>>
        %dma_wait3A_150 = arith.constant 0 : i32
        %dma_wait3A_151 = arith.constant 0 : i32
        %dma_wait3A_152 = tpu.memref_slice %arg10[%dma_wait3A_150, %dma_wait3A_151] : memref<10240x128xf32, #tpu.memory_space<vmem_shared>> -> memref<10240x128xf32, #tpu.memory_space<vmem_shared>>
        tpu.wait_indirect_dma semaphore(%run_scoped3A_140 : memref<!tpu.dma_semaphore, #tpu.memory_space<semaphore_mem>>) src(%arg9 : memref<128x128xf32, #tpu.memory_space<vmem>>) dst(%dma_wait3A_152 : memref<10240x128xf32, #tpu.memory_space<vmem_shared>>)
        tpu.yield
      }) : () -> ()
    }
    %scan3A_39 = arith.constant 19 : i32
    %dma_start3A_40 = arith.constant 39 : i32
    %dma_start3A_41 = arith.constant 0 : i32
    %dma_start3A_42 = tpu.memref_slice %arg6[%dma_start3A_40, %dma_start3A_41] : memref<40x128xi32, #tpu.memory_space<vmem>> -> memref<1x128xi32, #tpu.memory_space<vmem>>
    %dma_start3A_43 = tpu.memref_squeeze %dma_start3A_42 : memref<1x128xi32, #tpu.memory_space<vmem>> -> memref<128xi32, #tpu.memory_space<vmem>>
    %dma_start3A_44 = arith.constant 0 : i32
    %dma_start3A_45 = arith.constant 0 : i32
    %dma_start3A_46 = tpu.memref_slice %arg2[%dma_start3A_44, %dma_start3A_45] : memref<10000x128xf32, #tpu.memory_space<hbm>> -> memref<10000x128xf32, #tpu.memory_space<hbm>>
    tpu.enqueue_indirect_dma source(%dma_start3A_46 : memref<10000x128xf32, #tpu.memory_space<hbm>>) target(%arg9 : memref<128x128xf32, #tpu.memory_space<vmem>>) offsets(%dma_start3A_43 : memref<128xi32, #tpu.memory_space<vmem>>) semaphore(%arg12 : memref<!tpu.dma_semaphore, #tpu.memory_space<semaphore_mem>>)
    %dma_wait3A = arith.constant 0 : i32
    %dma_wait3A_47 = arith.constant 0 : i32
    %dma_wait3A_48 = tpu.memref_slice %arg6[%dma_wait3A, %dma_wait3A_47] : memref<40x128xi32, #tpu.memory_space<vmem>> -> memref<1x128xi32, #tpu.memory_space<vmem>>
    %dma_wait3A_49 = tpu.memref_squeeze %dma_wait3A_48 : memref<1x128xi32, #tpu.memory_space<vmem>> -> memref<128xi32, #tpu.memory_space<vmem>>
    %dma_wait3A_50 = arith.constant 0 : i32
    %dma_wait3A_51 = arith.constant 0 : i32
    %dma_wait3A_52 = tpu.memref_slice %arg2[%dma_wait3A_50, %dma_wait3A_51] : memref<10000x128xf32, #tpu.memory_space<hbm>> -> memref<10000x128xf32, #tpu.memory_space<hbm>>
    tpu.wait_indirect_dma semaphore(%arg11 : memref<!tpu.dma_semaphore, #tpu.memory_space<semaphore_mem>>) src(%dma_wait3A_52 : memref<10000x128xf32, #tpu.memory_space<hbm>>) dst(%arg8 : memref<128x128xf32, #tpu.memory_space<vmem>>)
    %run_scoped3A_53 = arith.constant 38 : i32
    "tpu.region"() ({
      %run_scoped3A_105 = tpu.sem_alloc : memref<!tpu.dma_semaphore, #tpu.memory_space<semaphore_mem>>
      %dma_start3A_106 = arith.constant 0 : i32
      %dma_start3A_107 = tpu.memref_slice %arg7[%run_scoped3A_53, %dma_start3A_106] : memref<40x128xi32, #tpu.memory_space<vmem>> -> memref<1x128xi32, #tpu.memory_space<vmem>>
      %dma_start3A_108 = tpu.memref_squeeze %dma_start3A_107 : memref<1x128xi32, #tpu.memory_space<vmem>> -> memref<128xi32, #tpu.memory_space<vmem>>
      %dma_start3A_109 = arith.constant 0 : i32
      %dma_start3A_110 = arith.constant 0 : i32
      %dma_start3A_111 = tpu.memref_slice %arg10[%dma_start3A_109, %dma_start3A_110] : memref<10240x128xf32, #tpu.memory_space<vmem_shared>> -> memref<10240x128xf32, #tpu.memory_space<vmem_shared>>
      tpu.enqueue_indirect_dma source(%arg8 : memref<128x128xf32, #tpu.memory_space<vmem>>) target(%dma_start3A_111 : memref<10240x128xf32, #tpu.memory_space<vmem_shared>>) offsets(%dma_start3A_108 : memref<128xi32, #tpu.memory_space<vmem>>) semaphore(%run_scoped3A_105 : memref<!tpu.dma_semaphore, #tpu.memory_space<semaphore_mem>>) {add = true}
      %dma_wait3A_112 = arith.constant 0 : i32
      %dma_wait3A_113 = tpu.memref_slice %arg7[%run_scoped3A_53, %dma_wait3A_112] : memref<40x128xi32, #tpu.memory_space<vmem>> -> memref<1x128xi32, #tpu.memory_space<vmem>>
      %dma_wait3A_114 = tpu.memref_squeeze %dma_wait3A_113 : memref<1x128xi32, #tpu.memory_space<vmem>> -> memref<128xi32, #tpu.memory_space<vmem>>
      %dma_wait3A_115 = arith.constant 0 : i32
      %dma_wait3A_116 = arith.constant 0 : i32
      %dma_wait3A_117 = tpu.memref_slice %arg10[%dma_wait3A_115, %dma_wait3A_116] : memref<10240x128xf32, #tpu.memory_space<vmem_shared>> -> memref<10240x128xf32, #tpu.memory_space<vmem_shared>>
      tpu.wait_indirect_dma semaphore(%run_scoped3A_105 : memref<!tpu.dma_semaphore, #tpu.memory_space<semaphore_mem>>) src(%arg8 : memref<128x128xf32, #tpu.memory_space<vmem>>) dst(%dma_wait3A_117 : memref<10240x128xf32, #tpu.memory_space<vmem_shared>>)
      tpu.yield
    }) : () -> ()
    %dma_wait3A_54 = arith.constant 0 : i32
    %dma_wait3A_55 = arith.constant 0 : i32
    %dma_wait3A_56 = tpu.memref_slice %arg6[%dma_wait3A_54, %dma_wait3A_55] : memref<40x128xi32, #tpu.memory_space<vmem>> -> memref<1x128xi32, #tpu.memory_space<vmem>>
    %dma_wait3A_57 = tpu.memref_squeeze %dma_wait3A_56 : memref<1x128xi32, #tpu.memory_space<vmem>> -> memref<128xi32, #tpu.memory_space<vmem>>
    %dma_wait3A_58 = arith.constant 0 : i32
    %dma_wait3A_59 = arith.constant 0 : i32
    %dma_wait3A_60 = tpu.memref_slice %arg2[%dma_wait3A_58, %dma_wait3A_59] : memref<10000x128xf32, #tpu.memory_space<hbm>> -> memref<10000x128xf32, #tpu.memory_space<hbm>>
    tpu.wait_indirect_dma semaphore(%arg12 : memref<!tpu.dma_semaphore, #tpu.memory_space<semaphore_mem>>) src(%dma_wait3A_60 : memref<10000x128xf32, #tpu.memory_space<hbm>>) dst(%arg9 : memref<128x128xf32, #tpu.memory_space<vmem>>)
    %run_scoped3A_61 = arith.constant 39 : i32
    "tpu.region"() ({
      %run_scoped3A_105 = tpu.sem_alloc : memref<!tpu.dma_semaphore, #tpu.memory_space<semaphore_mem>>
      %dma_start3A_106 = arith.constant 0 : i32
      %dma_start3A_107 = tpu.memref_slice %arg7[%run_scoped3A_61, %dma_start3A_106] : memref<40x128xi32, #tpu.memory_space<vmem>> -> memref<1x128xi32, #tpu.memory_space<vmem>>
      %dma_start3A_108 = tpu.memref_squeeze %dma_start3A_107 : memref<1x128xi32, #tpu.memory_space<vmem>> -> memref<128xi32, #tpu.memory_space<vmem>>
      %dma_start3A_109 = arith.constant 0 : i32
      %dma_start3A_110 = arith.constant 0 : i32
      %dma_start3A_111 = tpu.memref_slice %arg10[%dma_start3A_109, %dma_start3A_110] : memref<10240x128xf32, #tpu.memory_space<vmem_shared>> -> memref<10240x128xf32, #tpu.memory_space<vmem_shared>>
      tpu.enqueue_indirect_dma source(%arg9 : memref<128x128xf32, #tpu.memory_space<vmem>>) target(%dma_start3A_111 : memref<10240x128xf32, #tpu.memory_space<vmem_shared>>) offsets(%dma_start3A_108 : memref<128xi32, #tpu.memory_space<vmem>>) semaphore(%run_scoped3A_105 : memref<!tpu.dma_semaphore, #tpu.memory_space<semaphore_mem>>) {add = true}
      %dma_wait3A_112 = arith.constant 0 : i32
      %dma_wait3A_113 = tpu.memref_slice %arg7[%run_scoped3A_61, %dma_wait3A_112] : memref<40x128xi32, #tpu.memory_space<vmem>> -> memref<1x128xi32, #tpu.memory_space<vmem>>
      %dma_wait3A_114 = tpu.memref_squeeze %dma_wait3A_113 : memref<1x128xi32, #tpu.memory_space<vmem>> -> memref<128xi32, #tpu.memory_space<vmem>>
      %dma_wait3A_115 = arith.constant 0 : i32
      %dma_wait3A_116 = arith.constant 0 : i32
      %dma_wait3A_117 = tpu.memref_slice %arg10[%dma_wait3A_115, %dma_wait3A_116] : memref<10240x128xf32, #tpu.memory_space<vmem_shared>> -> memref<10240x128xf32, #tpu.memory_space<vmem_shared>>
      tpu.wait_indirect_dma semaphore(%run_scoped3A_105 : memref<!tpu.dma_semaphore, #tpu.memory_space<semaphore_mem>>) src(%arg9 : memref<128x128xf32, #tpu.memory_space<vmem>>) dst(%dma_wait3A_117 : memref<10240x128xf32, #tpu.memory_space<vmem_shared>>)
      tpu.yield
    }) : () -> ()
    %run_scoped3A_62 = arith.constant 1 : i32
    "tpu.region"() ({
      %run_scoped3A_105 = tpu.sem_alloc : memref<!tpu.dma_semaphore, #tpu.memory_space<semaphore_mem>>
      %dma_start3A_106 = arith.constant 0 : i32
      %dma_start3A_107 = arith.constant 0 : i32
      %dma_start3A_108 = arith.constant 0 : i32
      %dma_start3A_109 = tpu.memref_slice %arg3[%add3A, %dma_start3A_106, %dma_start3A_107, %dma_start3A_108] : memref<32x2x40x128xi32, #tpu.memory_space<hbm>> -> memref<1x2x40x128xi32, #tpu.memory_space<hbm>>
      %dma_start3A_110 = tpu.memref_squeeze %dma_start3A_109 : memref<1x2x40x128xi32, #tpu.memory_space<hbm>> -> memref<2x40x128xi32, #tpu.memory_space<hbm>>
      %dma_start3A_111 = arith.constant 0 : i32
      %dma_start3A_112 = arith.constant 0 : i32
      %dma_start3A_113 = tpu.memref_slice %dma_start3A_110[%run_scoped3A_62, %dma_start3A_111, %dma_start3A_112] : memref<2x40x128xi32, #tpu.memory_space<hbm>> -> memref<1x40x128xi32, #tpu.memory_space<hbm>>
      %dma_start3A_114 = tpu.memref_squeeze %dma_start3A_113 : memref<1x40x128xi32, #tpu.memory_space<hbm>> -> memref<40x128xi32, #tpu.memory_space<hbm>>
      %dma_start3A_115 = arith.constant 0 : i32
      %dma_start3A_116 = arith.constant 0 : i32
      %dma_start3A_117 = arith.constant 0 : i32
      %dma_start3A_118 = tpu.memref_slice %arg3[%add3A, %dma_start3A_115, %dma_start3A_116, %dma_start3A_117] : memref<32x2x40x128xi32, #tpu.memory_space<hbm>> -> memref<1x2x40x128xi32, #tpu.memory_space<hbm>>
      %dma_start3A_119 = tpu.memref_squeeze %dma_start3A_118 : memref<1x2x40x128xi32, #tpu.memory_space<hbm>> -> memref<2x40x128xi32, #tpu.memory_space<hbm>>
      %dma_start3A_120 = arith.constant 0 : i32
      %dma_start3A_121 = arith.constant 0 : i32
      %dma_start3A_122 = tpu.memref_slice %dma_start3A_119[%run_scoped3A_62, %dma_start3A_120, %dma_start3A_121] : memref<2x40x128xi32, #tpu.memory_space<hbm>> -> memref<1x40x128xi32, #tpu.memory_space<hbm>>
      %dma_start3A_123 = tpu.memref_squeeze %dma_start3A_122 : memref<1x40x128xi32, #tpu.memory_space<hbm>> -> memref<40x128xi32, #tpu.memory_space<hbm>>
      tpu.enqueue_dma source(%dma_start3A_123 : memref<40x128xi32, #tpu.memory_space<hbm>>) target(%arg6 : memref<40x128xi32, #tpu.memory_space<vmem>>) target_semaphore(%run_scoped3A_105 : memref<!tpu.dma_semaphore, #tpu.memory_space<semaphore_mem>>)
      %dma_wait3A_124 = arith.constant 0 : i32
      %dma_wait3A_125 = arith.constant 0 : i32
      %dma_wait3A_126 = arith.constant 0 : i32
      %dma_wait3A_127 = tpu.memref_slice %arg3[%add3A, %dma_wait3A_124, %dma_wait3A_125, %dma_wait3A_126] : memref<32x2x40x128xi32, #tpu.memory_space<hbm>> -> memref<1x2x40x128xi32, #tpu.memory_space<hbm>>
      %dma_wait3A_128 = tpu.memref_squeeze %dma_wait3A_127 : memref<1x2x40x128xi32, #tpu.memory_space<hbm>> -> memref<2x40x128xi32, #tpu.memory_space<hbm>>
      %dma_wait3A_129 = arith.constant 0 : i32
      %dma_wait3A_130 = arith.constant 0 : i32
      %dma_wait3A_131 = tpu.memref_slice %dma_wait3A_128[%run_scoped3A_62, %dma_wait3A_129, %dma_wait3A_130] : memref<2x40x128xi32, #tpu.memory_space<hbm>> -> memref<1x40x128xi32, #tpu.memory_space<hbm>>
      %dma_wait3A_132 = tpu.memref_squeeze %dma_wait3A_131 : memref<1x40x128xi32, #tpu.memory_space<hbm>> -> memref<40x128xi32, #tpu.memory_space<hbm>>
      %dma_wait3A_133 = arith.constant 0 : i32
      %dma_wait3A_134 = arith.constant 0 : i32
      %dma_wait3A_135 = arith.constant 0 : i32
      %dma_wait3A_136 = tpu.memref_slice %arg3[%add3A, %dma_wait3A_133, %dma_wait3A_134, %dma_wait3A_135] : memref<32x2x40x128xi32, #tpu.memory_space<hbm>> -> memref<1x2x40x128xi32, #tpu.memory_space<hbm>>
      %dma_wait3A_137 = tpu.memref_squeeze %dma_wait3A_136 : memref<1x2x40x128xi32, #tpu.memory_space<hbm>> -> memref<2x40x128xi32, #tpu.memory_space<hbm>>
      %dma_wait3A_138 = arith.constant 0 : i32
      %dma_wait3A_139 = arith.constant 0 : i32
      %dma_wait3A_140 = tpu.memref_slice %dma_wait3A_137[%run_scoped3A_62, %dma_wait3A_138, %dma_wait3A_139] : memref<2x40x128xi32, #tpu.memory_space<hbm>> -> memref<1x40x128xi32, #tpu.memory_space<hbm>>
      %dma_wait3A_141 = tpu.memref_squeeze %dma_wait3A_140 : memref<1x40x128xi32, #tpu.memory_space<hbm>> -> memref<40x128xi32, #tpu.memory_space<hbm>>
      tpu.wait_dma2 semaphore(%run_scoped3A_105 : memref<!tpu.dma_semaphore, #tpu.memory_space<semaphore_mem>>) src(%dma_wait3A_141 : memref<40x128xi32, #tpu.memory_space<hbm>>) dst(%arg6 : memref<40x128xi32, #tpu.memory_space<vmem>>)
      tpu.yield
    }) : () -> ()
    %run_scoped3A_63 = arith.constant 1 : i32
    "tpu.region"() ({
      %run_scoped3A_105 = tpu.sem_alloc : memref<!tpu.dma_semaphore, #tpu.memory_space<semaphore_mem>>
      %dma_start3A_106 = arith.constant 0 : i32
      %dma_start3A_107 = arith.constant 0 : i32
      %dma_start3A_108 = arith.constant 0 : i32
      %dma_start3A_109 = tpu.memref_slice %arg4[%add3A, %dma_start3A_106, %dma_start3A_107, %dma_start3A_108] : memref<32x2x40x128xi32, #tpu.memory_space<hbm>> -> memref<1x2x40x128xi32, #tpu.memory_space<hbm>>
      %dma_start3A_110 = tpu.memref_squeeze %dma_start3A_109 : memref<1x2x40x128xi32, #tpu.memory_space<hbm>> -> memref<2x40x128xi32, #tpu.memory_space<hbm>>
      %dma_start3A_111 = arith.constant 0 : i32
      %dma_start3A_112 = arith.constant 0 : i32
      %dma_start3A_113 = tpu.memref_slice %dma_start3A_110[%run_scoped3A_63, %dma_start3A_111, %dma_start3A_112] : memref<2x40x128xi32, #tpu.memory_space<hbm>> -> memref<1x40x128xi32, #tpu.memory_space<hbm>>
      %dma_start3A_114 = tpu.memref_squeeze %dma_start3A_113 : memref<1x40x128xi32, #tpu.memory_space<hbm>> -> memref<40x128xi32, #tpu.memory_space<hbm>>
      %dma_start3A_115 = arith.constant 0 : i32
      %dma_start3A_116 = arith.constant 0 : i32
      %dma_start3A_117 = arith.constant 0 : i32
      %dma_start3A_118 = tpu.memref_slice %arg4[%add3A, %dma_start3A_115, %dma_start3A_116, %dma_start3A_117] : memref<32x2x40x128xi32, #tpu.memory_space<hbm>> -> memref<1x2x40x128xi32, #tpu.memory_space<hbm>>
      %dma_start3A_119 = tpu.memref_squeeze %dma_start3A_118 : memref<1x2x40x128xi32, #tpu.memory_space<hbm>> -> memref<2x40x128xi32, #tpu.memory_space<hbm>>
      %dma_start3A_120 = arith.constant 0 : i32
      %dma_start3A_121 = arith.constant 0 : i32
      %dma_start3A_122 = tpu.memref_slice %dma_start3A_119[%run_scoped3A_63, %dma_start3A_120, %dma_start3A_121] : memref<2x40x128xi32, #tpu.memory_space<hbm>> -> memref<1x40x128xi32, #tpu.memory_space<hbm>>
      %dma_start3A_123 = tpu.memref_squeeze %dma_start3A_122 : memref<1x40x128xi32, #tpu.memory_space<hbm>> -> memref<40x128xi32, #tpu.memory_space<hbm>>
      tpu.enqueue_dma source(%dma_start3A_123 : memref<40x128xi32, #tpu.memory_space<hbm>>) target(%arg7 : memref<40x128xi32, #tpu.memory_space<vmem>>) target_semaphore(%run_scoped3A_105 : memref<!tpu.dma_semaphore, #tpu.memory_space<semaphore_mem>>)
      %dma_wait3A_124 = arith.constant 0 : i32
      %dma_wait3A_125 = arith.constant 0 : i32
      %dma_wait3A_126 = arith.constant 0 : i32
      %dma_wait3A_127 = tpu.memref_slice %arg4[%add3A, %dma_wait3A_124, %dma_wait3A_125, %dma_wait3A_126] : memref<32x2x40x128xi32, #tpu.memory_space<hbm>> -> memref<1x2x40x128xi32, #tpu.memory_space<hbm>>
      %dma_wait3A_128 = tpu.memref_squeeze %dma_wait3A_127 : memref<1x2x40x128xi32, #tpu.memory_space<hbm>> -> memref<2x40x128xi32, #tpu.memory_space<hbm>>
      %dma_wait3A_129 = arith.constant 0 : i32
      %dma_wait3A_130 = arith.constant 0 : i32
      %dma_wait3A_131 = tpu.memref_slice %dma_wait3A_128[%run_scoped3A_63, %dma_wait3A_129, %dma_wait3A_130] : memref<2x40x128xi32, #tpu.memory_space<hbm>> -> memref<1x40x128xi32, #tpu.memory_space<hbm>>
      %dma_wait3A_132 = tpu.memref_squeeze %dma_wait3A_131 : memref<1x40x128xi32, #tpu.memory_space<hbm>> -> memref<40x128xi32, #tpu.memory_space<hbm>>
      %dma_wait3A_133 = arith.constant 0 : i32
      %dma_wait3A_134 = arith.constant 0 : i32
      %dma_wait3A_135 = arith.constant 0 : i32
      %dma_wait3A_136 = tpu.memref_slice %arg4[%add3A, %dma_wait3A_133, %dma_wait3A_134, %dma_wait3A_135] : memref<32x2x40x128xi32, #tpu.memory_space<hbm>> -> memref<1x2x40x128xi32, #tpu.memory_space<hbm>>
      %dma_wait3A_137 = tpu.memref_squeeze %dma_wait3A_136 : memref<1x2x40x128xi32, #tpu.memory_space<hbm>> -> memref<2x40x128xi32, #tpu.memory_space<hbm>>
      %dma_wait3A_138 = arith.constant 0 : i32
      %dma_wait3A_139 = arith.constant 0 : i32
      %dma_wait3A_140 = tpu.memref_slice %dma_wait3A_137[%run_scoped3A_63, %dma_wait3A_138, %dma_wait3A_139] : memref<2x40x128xi32, #tpu.memory_space<hbm>> -> memref<1x40x128xi32, #tpu.memory_space<hbm>>
      %dma_wait3A_141 = tpu.memref_squeeze %dma_wait3A_140 : memref<1x40x128xi32, #tpu.memory_space<hbm>> -> memref<40x128xi32, #tpu.memory_space<hbm>>
      tpu.wait_dma2 semaphore(%run_scoped3A_105 : memref<!tpu.dma_semaphore, #tpu.memory_space<semaphore_mem>>) src(%dma_wait3A_141 : memref<40x128xi32, #tpu.memory_space<hbm>>) dst(%arg7 : memref<40x128xi32, #tpu.memory_space<vmem>>)
      tpu.yield
    }) : () -> ()
    %dma_start3A_64 = arith.constant 0 : i32
    %dma_start3A_65 = arith.constant 0 : i32
    %dma_start3A_66 = tpu.memref_slice %arg6[%dma_start3A_64, %dma_start3A_65] : memref<40x128xi32, #tpu.memory_space<vmem>> -> memref<1x128xi32, #tpu.memory_space<vmem>>
    %dma_start3A_67 = tpu.memref_squeeze %dma_start3A_66 : memref<1x128xi32, #tpu.memory_space<vmem>> -> memref<128xi32, #tpu.memory_space<vmem>>
    %dma_start3A_68 = arith.constant 0 : i32
    %dma_start3A_69 = arith.constant 0 : i32
    %dma_start3A_70 = tpu.memref_slice %arg2[%dma_start3A_68, %dma_start3A_69] : memref<10000x128xf32, #tpu.memory_space<hbm>> -> memref<10000x128xf32, #tpu.memory_space<hbm>>
    tpu.enqueue_indirect_dma source(%dma_start3A_70 : memref<10000x128xf32, #tpu.memory_space<hbm>>) target(%arg8 : memref<128x128xf32, #tpu.memory_space<vmem>>) offsets(%dma_start3A_67 : memref<128xi32, #tpu.memory_space<vmem>>) semaphore(%arg11 : memref<!tpu.dma_semaphore, #tpu.memory_space<semaphore_mem>>)
    %scan3A_71 = arith.constant 0 : i32
    %scan3A_72 = arith.constant 0 : i32
    %scan3A_73 = arith.constant 19 : i32
    %scan3A_74 = arith.addi %scan3A_72, %scan3A_73 : i32
    %scan3A_75 = arith.constant 1 : i32
    scf.for %scan3A_105 = %scan3A_72 to %scan3A_74 step %scan3A_75  : i32 {
      %mul3A_106 = arith.constant 2 : i32
      %mul3A_107 = arith.muli %mul3A_106, %scan3A_105 : i32
      %add3A_108 = arith.constant 1 : i32
      %add3A_109 = arith.addi %mul3A_107, %add3A_108 : i32
      %dma_start3A_110 = arith.constant 0 : i32
      %dma_start3A_111 = tpu.memref_slice %arg6[%add3A_109, %dma_start3A_110] : memref<40x128xi32, #tpu.memory_space<vmem>> -> memref<1x128xi32, #tpu.memory_space<vmem>>
      %dma_start3A_112 = tpu.memref_squeeze %dma_start3A_111 : memref<1x128xi32, #tpu.memory_space<vmem>> -> memref<128xi32, #tpu.memory_space<vmem>>
      %dma_start3A_113 = arith.constant 0 : i32
      %dma_start3A_114 = arith.constant 0 : i32
      %dma_start3A_115 = tpu.memref_slice %arg2[%dma_start3A_113, %dma_start3A_114] : memref<10000x128xf32, #tpu.memory_space<hbm>> -> memref<10000x128xf32, #tpu.memory_space<hbm>>
      tpu.enqueue_indirect_dma source(%dma_start3A_115 : memref<10000x128xf32, #tpu.memory_space<hbm>>) target(%arg9 : memref<128x128xf32, #tpu.memory_space<vmem>>) offsets(%dma_start3A_112 : memref<128xi32, #tpu.memory_space<vmem>>) semaphore(%arg12 : memref<!tpu.dma_semaphore, #tpu.memory_space<semaphore_mem>>)
      %dma_wait3A_116 = arith.constant 0 : i32
      %dma_wait3A_117 = arith.constant 0 : i32
      %dma_wait3A_118 = tpu.memref_slice %arg6[%dma_wait3A_116, %dma_wait3A_117] : memref<40x128xi32, #tpu.memory_space<vmem>> -> memref<1x128xi32, #tpu.memory_space<vmem>>
      %dma_wait3A_119 = tpu.memref_squeeze %dma_wait3A_118 : memref<1x128xi32, #tpu.memory_space<vmem>> -> memref<128xi32, #tpu.memory_space<vmem>>
      %dma_wait3A_120 = arith.constant 0 : i32
      %dma_wait3A_121 = arith.constant 0 : i32
      %dma_wait3A_122 = tpu.memref_slice %arg2[%dma_wait3A_120, %dma_wait3A_121] : memref<10000x128xf32, #tpu.memory_space<hbm>> -> memref<10000x128xf32, #tpu.memory_space<hbm>>
      tpu.wait_indirect_dma semaphore(%arg11 : memref<!tpu.dma_semaphore, #tpu.memory_space<semaphore_mem>>) src(%dma_wait3A_122 : memref<10000x128xf32, #tpu.memory_space<hbm>>) dst(%arg8 : memref<128x128xf32, #tpu.memory_space<vmem>>)
      "tpu.region"() ({
        %run_scoped3A_140 = tpu.sem_alloc : memref<!tpu.dma_semaphore, #tpu.memory_space<semaphore_mem>>
        %dma_start3A_141 = arith.constant 0 : i32
        %dma_start3A_142 = tpu.memref_slice %arg7[%mul3A_107, %dma_start3A_141] : memref<40x128xi32, #tpu.memory_space<vmem>> -> memref<1x128xi32, #tpu.memory_space<vmem>>
        %dma_start3A_143 = tpu.memref_squeeze %dma_start3A_142 : memref<1x128xi32, #tpu.memory_space<vmem>> -> memref<128xi32, #tpu.memory_space<vmem>>
        %dma_start3A_144 = arith.constant 0 : i32
        %dma_start3A_145 = arith.constant 0 : i32
        %dma_start3A_146 = tpu.memref_slice %arg10[%dma_start3A_144, %dma_start3A_145] : memref<10240x128xf32, #tpu.memory_space<vmem_shared>> -> memref<10240x128xf32, #tpu.memory_space<vmem_shared>>
        tpu.enqueue_indirect_dma source(%arg8 : memref<128x128xf32, #tpu.memory_space<vmem>>) target(%dma_start3A_146 : memref<10240x128xf32, #tpu.memory_space<vmem_shared>>) offsets(%dma_start3A_143 : memref<128xi32, #tpu.memory_space<vmem>>) semaphore(%run_scoped3A_140 : memref<!tpu.dma_semaphore, #tpu.memory_space<semaphore_mem>>) {add = true}
        %dma_wait3A_147 = arith.constant 0 : i32
        %dma_wait3A_148 = tpu.memref_slice %arg7[%mul3A_107, %dma_wait3A_147] : memref<40x128xi32, #tpu.memory_space<vmem>> -> memref<1x128xi32, #tpu.memory_space<vmem>>
        %dma_wait3A_149 = tpu.memref_squeeze %dma_wait3A_148 : memref<1x128xi32, #tpu.memory_space<vmem>> -> memref<128xi32, #tpu.memory_space<vmem>>
        %dma_wait3A_150 = arith.constant 0 : i32
        %dma_wait3A_151 = arith.constant 0 : i32
        %dma_wait3A_152 = tpu.memref_slice %arg10[%dma_wait3A_150, %dma_wait3A_151] : memref<10240x128xf32, #tpu.memory_space<vmem_shared>> -> memref<10240x128xf32, #tpu.memory_space<vmem_shared>>
        tpu.wait_indirect_dma semaphore(%run_scoped3A_140 : memref<!tpu.dma_semaphore, #tpu.memory_space<semaphore_mem>>) src(%arg8 : memref<128x128xf32, #tpu.memory_space<vmem>>) dst(%dma_wait3A_152 : memref<10240x128xf32, #tpu.memory_space<vmem_shared>>)
        tpu.yield
      }) : () -> ()
      %add3A_123 = arith.constant 2 : i32
      %add3A_124 = arith.addi %mul3A_107, %add3A_123 : i32
      %dma_start3A_125 = arith.constant 0 : i32
      %dma_start3A_126 = tpu.memref_slice %arg6[%add3A_124, %dma_start3A_125] : memref<40x128xi32, #tpu.memory_space<vmem>> -> memref<1x128xi32, #tpu.memory_space<vmem>>
      %dma_start3A_127 = tpu.memref_squeeze %dma_start3A_126 : memref<1x128xi32, #tpu.memory_space<vmem>> -> memref<128xi32, #tpu.memory_space<vmem>>
      %dma_start3A_128 = arith.constant 0 : i32
      %dma_start3A_129 = arith.constant 0 : i32
      %dma_start3A_130 = tpu.memref_slice %arg2[%dma_start3A_128, %dma_start3A_129] : memref<10000x128xf32, #tpu.memory_space<hbm>> -> memref<10000x128xf32, #tpu.memory_space<hbm>>
      tpu.enqueue_indirect_dma source(%dma_start3A_130 : memref<10000x128xf32, #tpu.memory_space<hbm>>) target(%arg8 : memref<128x128xf32, #tpu.memory_space<vmem>>) offsets(%dma_start3A_127 : memref<128xi32, #tpu.memory_space<vmem>>) semaphore(%arg11 : memref<!tpu.dma_semaphore, #tpu.memory_space<semaphore_mem>>)
      %dma_wait3A_131 = arith.constant 0 : i32
      %dma_wait3A_132 = arith.constant 0 : i32
      %dma_wait3A_133 = tpu.memref_slice %arg6[%dma_wait3A_131, %dma_wait3A_132] : memref<40x128xi32, #tpu.memory_space<vmem>> -> memref<1x128xi32, #tpu.memory_space<vmem>>
      %dma_wait3A_134 = tpu.memref_squeeze %dma_wait3A_133 : memref<1x128xi32, #tpu.memory_space<vmem>> -> memref<128xi32, #tpu.memory_space<vmem>>
      %dma_wait3A_135 = arith.constant 0 : i32
      %dma_wait3A_136 = arith.constant 0 : i32
      %dma_wait3A_137 = tpu.memref_slice %arg2[%dma_wait3A_135, %dma_wait3A_136] : memref<10000x128xf32, #tpu.memory_space<hbm>> -> memref<10000x128xf32, #tpu.memory_space<hbm>>
      tpu.wait_indirect_dma semaphore(%arg12 : memref<!tpu.dma_semaphore, #tpu.memory_space<semaphore_mem>>) src(%dma_wait3A_137 : memref<10000x128xf32, #tpu.memory_space<hbm>>) dst(%arg9 : memref<128x128xf32, #tpu.memory_space<vmem>>)
      %add3A_138 = arith.constant 1 : i32
      %add3A_139 = arith.addi %mul3A_107, %add3A_138 : i32
      "tpu.region"() ({
        %run_scoped3A_140 = tpu.sem_alloc : memref<!tpu.dma_semaphore, #tpu.memory_space<semaphore_mem>>
        %dma_start3A_141 = arith.constant 0 : i32
        %dma_start3A_142 = tpu.memref_slice %arg7[%add3A_139, %dma_start3A_141] : memref<40x128xi32, #tpu.memory_space<vmem>> -> memref<1x128xi32, #tpu.memory_space<vmem>>
        %dma_start3A_143 = tpu.memref_squeeze %dma_start3A_142 : memref<1x128xi32, #tpu.memory_space<vmem>> -> memref<128xi32, #tpu.memory_space<vmem>>
        %dma_start3A_144 = arith.constant 0 : i32
        %dma_start3A_145 = arith.constant 0 : i32
        %dma_start3A_146 = tpu.memref_slice %arg10[%dma_start3A_144, %dma_start3A_145] : memref<10240x128xf32, #tpu.memory_space<vmem_shared>> -> memref<10240x128xf32, #tpu.memory_space<vmem_shared>>
        tpu.enqueue_indirect_dma source(%arg9 : memref<128x128xf32, #tpu.memory_space<vmem>>) target(%dma_start3A_146 : memref<10240x128xf32, #tpu.memory_space<vmem_shared>>) offsets(%dma_start3A_143 : memref<128xi32, #tpu.memory_space<vmem>>) semaphore(%run_scoped3A_140 : memref<!tpu.dma_semaphore, #tpu.memory_space<semaphore_mem>>) {add = true}
        %dma_wait3A_147 = arith.constant 0 : i32
        %dma_wait3A_148 = tpu.memref_slice %arg7[%add3A_139, %dma_wait3A_147] : memref<40x128xi32, #tpu.memory_space<vmem>> -> memref<1x128xi32, #tpu.memory_space<vmem>>
        %dma_wait3A_149 = tpu.memref_squeeze %dma_wait3A_148 : memref<1x128xi32, #tpu.memory_space<vmem>> -> memref<128xi32, #tpu.memory_space<vmem>>
        %dma_wait3A_150 = arith.constant 0 : i32
        %dma_wait3A_151 = arith.constant 0 : i32
        %dma_wait3A_152 = tpu.memref_slice %arg10[%dma_wait3A_150, %dma_wait3A_151] : memref<10240x128xf32, #tpu.memory_space<vmem_shared>> -> memref<10240x128xf32, #tpu.memory_space<vmem_shared>>
        tpu.wait_indirect_dma semaphore(%run_scoped3A_140 : memref<!tpu.dma_semaphore, #tpu.memory_space<semaphore_mem>>) src(%arg9 : memref<128x128xf32, #tpu.memory_space<vmem>>) dst(%dma_wait3A_152 : memref<10240x128xf32, #tpu.memory_space<vmem_shared>>)
        tpu.yield
      }) : () -> ()
    }
    %scan3A_76 = arith.constant 19 : i32
    %dma_start3A_77 = arith.constant 39 : i32
    %dma_start3A_78 = arith.constant 0 : i32
    %dma_start3A_79 = tpu.memref_slice %arg6[%dma_start3A_77, %dma_start3A_78] : memref<40x128xi32, #tpu.memory_space<vmem>> -> memref<1x128xi32, #tpu.memory_space<vmem>>
    %dma_start3A_80 = tpu.memref_squeeze %dma_start3A_79 : memref<1x128xi32, #tpu.memory_space<vmem>> -> memref<128xi32, #tpu.memory_space<vmem>>
    %dma_start3A_81 = arith.constant 0 : i32
    %dma_start3A_82 = arith.constant 0 : i32
    %dma_start3A_83 = tpu.memref_slice %arg2[%dma_start3A_81, %dma_start3A_82] : memref<10000x128xf32, #tpu.memory_space<hbm>> -> memref<10000x128xf32, #tpu.memory_space<hbm>>
    tpu.enqueue_indirect_dma source(%dma_start3A_83 : memref<10000x128xf32, #tpu.memory_space<hbm>>) target(%arg9 : memref<128x128xf32, #tpu.memory_space<vmem>>) offsets(%dma_start3A_80 : memref<128xi32, #tpu.memory_space<vmem>>) semaphore(%arg12 : memref<!tpu.dma_semaphore, #tpu.memory_space<semaphore_mem>>)
    %dma_wait3A_84 = arith.constant 0 : i32
    %dma_wait3A_85 = arith.constant 0 : i32
    %dma_wait3A_86 = tpu.memref_slice %arg6[%dma_wait3A_84, %dma_wait3A_85] : memref<40x128xi32, #tpu.memory_space<vmem>> -> memref<1x128xi32, #tpu.memory_space<vmem>>
    %dma_wait3A_87 = tpu.memref_squeeze %dma_wait3A_86 : memref<1x128xi32, #tpu.memory_space<vmem>> -> memref<128xi32, #tpu.memory_space<vmem>>
    %dma_wait3A_88 = arith.constant 0 : i32
    %dma_wait3A_89 = arith.constant 0 : i32
    %dma_wait3A_90 = tpu.memref_slice %arg2[%dma_wait3A_88, %dma_wait3A_89] : memref<10000x128xf32, #tpu.memory_space<hbm>> -> memref<10000x128xf32, #tpu.memory_space<hbm>>
    tpu.wait_indirect_dma semaphore(%arg11 : memref<!tpu.dma_semaphore, #tpu.memory_space<semaphore_mem>>) src(%dma_wait3A_90 : memref<10000x128xf32, #tpu.memory_space<hbm>>) dst(%arg8 : memref<128x128xf32, #tpu.memory_space<vmem>>)
    %run_scoped3A_91 = arith.constant 38 : i32
    "tpu.region"() ({
      %run_scoped3A_105 = tpu.sem_alloc : memref<!tpu.dma_semaphore, #tpu.memory_space<semaphore_mem>>
      %dma_start3A_106 = arith.constant 0 : i32
      %dma_start3A_107 = tpu.memref_slice %arg7[%run_scoped3A_91, %dma_start3A_106] : memref<40x128xi32, #tpu.memory_space<vmem>> -> memref<1x128xi32, #tpu.memory_space<vmem>>
      %dma_start3A_108 = tpu.memref_squeeze %dma_start3A_107 : memref<1x128xi32, #tpu.memory_space<vmem>> -> memref<128xi32, #tpu.memory_space<vmem>>
      %dma_start3A_109 = arith.constant 0 : i32
      %dma_start3A_110 = arith.constant 0 : i32
      %dma_start3A_111 = tpu.memref_slice %arg10[%dma_start3A_109, %dma_start3A_110] : memref<10240x128xf32, #tpu.memory_space<vmem_shared>> -> memref<10240x128xf32, #tpu.memory_space<vmem_shared>>
      tpu.enqueue_indirect_dma source(%arg8 : memref<128x128xf32, #tpu.memory_space<vmem>>) target(%dma_start3A_111 : memref<10240x128xf32, #tpu.memory_space<vmem_shared>>) offsets(%dma_start3A_108 : memref<128xi32, #tpu.memory_space<vmem>>) semaphore(%run_scoped3A_105 : memref<!tpu.dma_semaphore, #tpu.memory_space<semaphore_mem>>) {add = true}
      %dma_wait3A_112 = arith.constant 0 : i32
      %dma_wait3A_113 = tpu.memref_slice %arg7[%run_scoped3A_91, %dma_wait3A_112] : memref<40x128xi32, #tpu.memory_space<vmem>> -> memref<1x128xi32, #tpu.memory_space<vmem>>
      %dma_wait3A_114 = tpu.memref_squeeze %dma_wait3A_113 : memref<1x128xi32, #tpu.memory_space<vmem>> -> memref<128xi32, #tpu.memory_space<vmem>>
      %dma_wait3A_115 = arith.constant 0 : i32
      %dma_wait3A_116 = arith.constant 0 : i32
      %dma_wait3A_117 = tpu.memref_slice %arg10[%dma_wait3A_115, %dma_wait3A_116] : memref<10240x128xf32, #tpu.memory_space<vmem_shared>> -> memref<10240x128xf32, #tpu.memory_space<vmem_shared>>
      tpu.wait_indirect_dma semaphore(%run_scoped3A_105 : memref<!tpu.dma_semaphore, #tpu.memory_space<semaphore_mem>>) src(%arg8 : memref<128x128xf32, #tpu.memory_space<vmem>>) dst(%dma_wait3A_117 : memref<10240x128xf32, #tpu.memory_space<vmem_shared>>)
      tpu.yield
    }) : () -> ()
    %dma_wait3A_92 = arith.constant 0 : i32
    %dma_wait3A_93 = arith.constant 0 : i32
    %dma_wait3A_94 = tpu.memref_slice %arg6[%dma_wait3A_92, %dma_wait3A_93] : memref<40x128xi32, #tpu.memory_space<vmem>> -> memref<1x128xi32, #tpu.memory_space<vmem>>
    %dma_wait3A_95 = tpu.memref_squeeze %dma_wait3A_94 : memref<1x128xi32, #tpu.memory_space<vmem>> -> memref<128xi32, #tpu.memory_space<vmem>>
    %dma_wait3A_96 = arith.constant 0 : i32
    %dma_wait3A_97 = arith.constant 0 : i32
    %dma_wait3A_98 = tpu.memref_slice %arg2[%dma_wait3A_96, %dma_wait3A_97] : memref<10000x128xf32, #tpu.memory_space<hbm>> -> memref<10000x128xf32, #tpu.memory_space<hbm>>
    tpu.wait_indirect_dma semaphore(%arg12 : memref<!tpu.dma_semaphore, #tpu.memory_space<semaphore_mem>>) src(%dma_wait3A_98 : memref<10000x128xf32, #tpu.memory_space<hbm>>) dst(%arg9 : memref<128x128xf32, #tpu.memory_space<vmem>>)
    %run_scoped3A_99 = arith.constant 39 : i32
    "tpu.region"() ({
      %run_scoped3A_105 = tpu.sem_alloc : memref<!tpu.dma_semaphore, #tpu.memory_space<semaphore_mem>>
      %dma_start3A_106 = arith.constant 0 : i32
      %dma_start3A_107 = tpu.memref_slice %arg7[%run_scoped3A_99, %dma_start3A_106] : memref<40x128xi32, #tpu.memory_space<vmem>> -> memref<1x128xi32, #tpu.memory_space<vmem>>
      %dma_start3A_108 = tpu.memref_squeeze %dma_start3A_107 : memref<1x128xi32, #tpu.memory_space<vmem>> -> memref<128xi32, #tpu.memory_space<vmem>>
      %dma_start3A_109 = arith.constant 0 : i32
      %dma_start3A_110 = arith.constant 0 : i32
      %dma_start3A_111 = tpu.memref_slice %arg10[%dma_start3A_109, %dma_start3A_110] : memref<10240x128xf32, #tpu.memory_space<vmem_shared>> -> memref<10240x128xf32, #tpu.memory_space<vmem_shared>>
      tpu.enqueue_indirect_dma source(%arg9 : memref<128x128xf32, #tpu.memory_space<vmem>>) target(%dma_start3A_111 : memref<10240x128xf32, #tpu.memory_space<vmem_shared>>) offsets(%dma_start3A_108 : memref<128xi32, #tpu.memory_space<vmem>>) semaphore(%run_scoped3A_105 : memref<!tpu.dma_semaphore, #tpu.memory_space<semaphore_mem>>) {add = true}
      %dma_wait3A_112 = arith.constant 0 : i32
      %dma_wait3A_113 = tpu.memref_slice %arg7[%run_scoped3A_99, %dma_wait3A_112] : memref<40x128xi32, #tpu.memory_space<vmem>> -> memref<1x128xi32, #tpu.memory_space<vmem>>
      %dma_wait3A_114 = tpu.memref_squeeze %dma_wait3A_113 : memref<1x128xi32, #tpu.memory_space<vmem>> -> memref<128xi32, #tpu.memory_space<vmem>>
      %dma_wait3A_115 = arith.constant 0 : i32
      %dma_wait3A_116 = arith.constant 0 : i32
      %dma_wait3A_117 = tpu.memref_slice %arg10[%dma_wait3A_115, %dma_wait3A_116] : memref<10240x128xf32, #tpu.memory_space<vmem_shared>> -> memref<10240x128xf32, #tpu.memory_space<vmem_shared>>
      tpu.wait_indirect_dma semaphore(%run_scoped3A_105 : memref<!tpu.dma_semaphore, #tpu.memory_space<semaphore_mem>>) src(%arg9 : memref<128x128xf32, #tpu.memory_space<vmem>>) dst(%dma_wait3A_117 : memref<10240x128xf32, #tpu.memory_space<vmem_shared>>)
      tpu.yield
    }) : () -> ()
    %barrier3A_100 = arith.constant 0 : index
    tpu.barrier barrier_id(%barrier3A_100)
    %mul3A_101 = arith.constant 640 : i32
    %mul3A_102 = arith.muli %arg1, %mul3A_101 : i32
    %mul3A_103 = arith.constant 640 : i32
    %mul3A_104 = arith.muli %arg1, %mul3A_103 : i32
    "tpu.region"() ({
      %run_scoped3A_105 = tpu.sem_alloc : memref<!tpu.dma_semaphore, #tpu.memory_space<semaphore_mem>>
      %dma_start3A_106 = arith.constant 0 : i32
      %dma_start3A_107 = arith.constant 0 : i32
      %dma_start3A_108 = tpu.memref_slice %arg5[%arg0, %dma_start3A_106, %dma_start3A_107] : memref<2x10240x128xf32, #tpu.memory_space<hbm>> -> memref<1x10240x128xf32, #tpu.memory_space<hbm>>
      %dma_start3A_109 = tpu.memref_squeeze %dma_start3A_108 : memref<1x10240x128xf32, #tpu.memory_space<hbm>> -> memref<10240x128xf32, #tpu.memory_space<hbm>>
      %dma_start3A_110 = arith.constant 0 : i32
      %dma_start3A_111 = tpu.memref_slice %dma_start3A_109[%mul3A_104, %dma_start3A_110] : memref<10240x128xf32, #tpu.memory_space<hbm>> -> memref<640x128xf32, #tpu.memory_space<hbm>>
      %dma_start3A_112 = arith.constant 0 : i32
      %dma_start3A_113 = tpu.memref_slice %arg10[%mul3A_102, %dma_start3A_112] : memref<10240x128xf32, #tpu.memory_space<vmem_shared>> -> memref<640x128xf32, #tpu.memory_space<vmem_shared>>
      tpu.enqueue_dma source(%dma_start3A_113 : memref<640x128xf32, #tpu.memory_space<vmem_shared>>) target(%dma_start3A_111 : memref<640x128xf32, #tpu.memory_space<hbm>>) target_semaphore(%run_scoped3A_105 : memref<!tpu.dma_semaphore, #tpu.memory_space<semaphore_mem>>)
      %dma_wait3A_114 = arith.constant 0 : i32
      %dma_wait3A_115 = arith.constant 0 : i32
      %dma_wait3A_116 = tpu.memref_slice %arg5[%arg0, %dma_wait3A_114, %dma_wait3A_115] : memref<2x10240x128xf32, #tpu.memory_space<hbm>> -> memref<1x10240x128xf32, #tpu.memory_space<hbm>>
      %dma_wait3A_117 = tpu.memref_squeeze %dma_wait3A_116 : memref<1x10240x128xf32, #tpu.memory_space<hbm>> -> memref<10240x128xf32, #tpu.memory_space<hbm>>
      %dma_wait3A_118 = arith.constant 0 : i32
      %dma_wait3A_119 = tpu.memref_slice %dma_wait3A_117[%mul3A_104, %dma_wait3A_118] : memref<10240x128xf32, #tpu.memory_space<hbm>> -> memref<640x128xf32, #tpu.memory_space<hbm>>
      %dma_wait3A_120 = arith.constant 0 : i32
      %dma_wait3A_121 = tpu.memref_slice %arg10[%mul3A_102, %dma_wait3A_120] : memref<10240x128xf32, #tpu.memory_space<vmem_shared>> -> memref<640x128xf32, #tpu.memory_space<vmem_shared>>
      tpu.wait_dma2 semaphore(%run_scoped3A_105 : memref<!tpu.dma_semaphore, #tpu.memory_space<semaphore_mem>>) src(%dma_wait3A_121 : memref<640x128xf32, #tpu.memory_space<vmem_shared>>) dst(%dma_wait3A_119 : memref<640x128xf32, #tpu.memory_space<hbm>>)
      tpu.yield
    }) : () -> ()
    return
  }
}

#map = affine_map<(d0, d1) -> (0, 0)>
#map1 = affine_map<(d0, d1) -> (0, 0, 0, 0)>
#map2 = affine_map<(d0, d1) -> (0, 0, 0)>
module attributes {stable_mosaic.version = 14 : i64} {
  func.func @body(%arg0: i32, %arg1: i32, %arg2: memref<10000x128xf32, #tpu.memory_space<hbm>>, %arg3: memref<32x2x40x128xi32, #tpu.memory_space<hbm>>, %arg4: memref<32x2x40x128xi32, #tpu.memory_space<hbm>>, %arg5: memref<2x10240x128xf32, #tpu.memory_space<hbm>>, %arg6: memref<40x128xi32, #tpu.memory_space<vmem>>, %arg7: memref<40x128xi32, #tpu.memory_space<vmem>>, %arg8: memref<128x128xf32, #tpu.memory_space<vmem>>, %arg9: memref<128x128xf32, #tpu.memory_space<vmem>>, %arg10: memref<10240x128xf32, #tpu.memory_space<vmem_shared>>, %arg11: memref<!tpu.dma_semaphore, #tpu.memory_space<semaphore_mem>>, %arg12: memref<!tpu.dma_semaphore, #tpu.memory_space<semaphore_mem>>) attributes {dimension_semantics = [#tpu.dimension_semantics<core_parallel>, #tpu.dimension_semantics<subcore_parallel>], iteration_bounds = array<i64: 2, 16>, scalar_prefetch = 0 : i64, scratch_operands = 7 : i64, tpu.core_type = #tpu.core_type<sc_vector_subcore>, window_params = [{transform_indices = #map}, {transform_indices = #map1}, {transform_indices = #map1}, {transform_indices = #map2}]} {
    %mul3A = arith.constant 16 : i32
    %mul3A_0 = arith.muli %arg0, %mul3A : i32
    %add3A = arith.addi %mul3A_0, %arg1 : i32
    %broadcast_in_dim3A = arith.constant 0.000000e+00 : f32
    %broadcast_in_dim3A_1 = vector.broadcast %broadcast_in_dim3A : f32 to vector<16xf32>
    %scan3A = arith.constant 0 : i32
    %scan3A_2 = arith.constant 0 : i32
    %scan3A_3 = arith.constant 1024 : i32
    %scan3A_4 = arith.addi %scan3A_2, %scan3A_3 : i32
    %scan3A_5 = arith.constant 1 : i32
    scf.for %scan3A_105 = %scan3A_2 to %scan3A_4 step %scan3A_5  : i32 {
      %jit3A = arith.constant 8 : i32
      %div3A = arith.divsi %scan3A_105, %jit3A : i32
      %sign3A = arith.constant 0 : i32
      %sign3A_106 = arith.cmpi sgt, %scan3A_105, %sign3A : i32
      %sign3A_107 = arith.extui %sign3A_106 : i1 to i32
      %sign3A_108 = arith.constant 0 : i32
      %sign3A_109 = arith.cmpi slt, %scan3A_105, %sign3A_108 : i32
      %sign3A_110 = arith.extui %sign3A_109 : i1 to i32
      %sign3A_111 = arith.subi %sign3A_107, %sign3A_110 : i32
      %sign3A_112 = arith.constant 0 : i32
      %sign3A_113 = arith.cmpi sgt, %jit3A, %sign3A_112 : i32
      %sign3A_114 = arith.extui %sign3A_113 : i1 to i32
      %sign3A_115 = arith.constant 0 : i32
      %sign3A_116 = arith.cmpi slt, %jit3A, %sign3A_115 : i32
      %sign3A_117 = arith.extui %sign3A_116 : i1 to i32
      %sign3A_118 = arith.subi %sign3A_114, %sign3A_117 : i32
      %ne3A = arith.cmpi ne, %sign3A_111, %sign3A_118 : i32
      %rem3A = arith.remsi %scan3A_105, %jit3A : i32
      %ne3A_119 = arith.constant 0 : i32
      %ne3A_120 = arith.cmpi ne, %rem3A, %ne3A_119 : i32
      %and3A = arith.andi %ne3A, %ne3A_120 : i1
      %sub3A = arith.constant 1 : i32
      %sub3A_121 = arith.subi %div3A, %sub3A : i32
      %select_n3A = arith.select %and3A, %sub3A_121, %div3A : i32
      %jit3A_122 = arith.constant 8 : i32
      %eq3A = arith.constant 0 : i32
      %eq3A_123 = arith.cmpi eq, %jit3A_122, %eq3A : i32
      %jit3A_124 = arith.constant 1 : i32
      %select_n3A_125 = arith.select %eq3A_123, %jit3A_124, %jit3A_122 : i32
      %rem3A_126 = arith.remsi %scan3A_105, %select_n3A_125 : i32
      %ne3A_127 = arith.constant 0 : i32
      %ne3A_128 = arith.cmpi ne, %rem3A_126, %ne3A_127 : i32
      %lt3A = arith.constant 0 : i32
      %lt3A_129 = arith.cmpi slt, %rem3A_126, %lt3A : i32
      %lt3A_130 = arith.constant 0 : i32
      %lt3A_131 = arith.cmpi slt, %select_n3A_125, %lt3A_130 : i32
      %ne3A_132 = arith.xori %lt3A_129, %lt3A_131 : i1
      %and3A_133 = arith.andi %ne3A_132, %ne3A_128 : i1
      %add3A_134 = arith.addi %rem3A_126, %select_n3A_125 : i32
      %select_n3A_135 = arith.select %and3A_133, %add3A_134, %rem3A_126 : i32
      %mul3A_136 = arith.constant 16 : i32
      %mul3A_137 = arith.muli %select_n3A_135, %mul3A_136 : i32
      %swap3A = arith.index_cast %select_n3A : i32 to index
      %swap3A_138 = arith.index_cast %mul3A_137 : i32 to index
      %swap3A_139 = tpu.vector_load %arg8[%swap3A, %swap3A_138] {strides = array<i32>} : memref<128x128xf32, #tpu.memory_space<vmem>>, vector<16xf32>,
      tpu.vector_store %arg8[%swap3A, %swap3A_138], %broadcast_in_dim3A_1 {strides = array<i32>} : memref<128x128xf32, #tpu.memory_space<vmem>>, vector<16xf32>,
    }
    %scan3A_6 = arith.constant 1024 : i32
    %mul3A_7 = arith.constant 640 : i32
    %mul3A_8 = arith.muli %arg1, %mul3A_7 : i32
    %add3A_9 = arith.constant 0 : i32
    %add3A_10 = arith.addi %mul3A_8, %add3A_9 : i32
    "tpu.region"() ({
      %run_scoped3A_105 = tpu.sem_alloc : memref<!tpu.dma_semaphore, #tpu.memory_space<semaphore_mem>>
      %dma_start3A_106 = arith.constant 0 : i32
      %dma_start3A_107 = tpu.memref_slice %arg10[%add3A_10, %dma_start3A_106] : memref<10240x128xf32, #tpu.memory_space<vmem_shared>> -> memref<128x128xf32, #tpu.memory_space<vmem_shared>>
      %dma_start3A_108 = arith.constant 0 : i32
      %dma_start3A_109 = tpu.memref_slice %arg10[%add3A_10, %dma_start3A_108] : memref<10240x128xf32, #tpu.memory_space<vmem_shared>> -> memref<128x128xf32, #tpu.memory_space<vmem_shared>>
      tpu.enqueue_dma source(%arg8 : memref<128x128xf32, #tpu.memory_space<vmem>>) target(%dma_start3A_109 : memref<128x128xf32, #tpu.memory_space<vmem_shared>>) target_semaphore(%run_scoped3A_105 : memref<!tpu.dma_semaphore, #tpu.memory_space<semaphore_mem>>)
      %dma_wait3A_110 = arith.constant 0 : i32
      %dma_wait3A_111 = tpu.memref_slice %arg10[%add3A_10, %dma_wait3A_110] : memref<10240x128xf32, #tpu.memory_space<vmem_shared>> -> memref<128x128xf32, #tpu.memory_space<vmem_shared>>
      %dma_wait3A_112 = arith.constant 0 : i32
      %dma_wait3A_113 = tpu.memref_slice %arg10[%add3A_10, %dma_wait3A_112] : memref<10240x128xf32, #tpu.memory_space<vmem_shared>> -> memref<128x128xf32, #tpu.memory_space<vmem_shared>>
      tpu.wait_dma2 semaphore(%run_scoped3A_105 : memref<!tpu.dma_semaphore, #tpu.memory_space<semaphore_mem>>) src(%arg8 : memref<128x128xf32, #tpu.memory_space<vmem>>) dst(%dma_wait3A_113 : memref<128x128xf32, #tpu.memory_space<vmem_shared>>)
      tpu.yield
    }) : () -> ()
    %mul3A_11 = arith.constant 640 : i32
    %mul3A_12 = arith.muli %arg1, %mul3A_11 : i32
    %add3A_13 = arith.constant 128 : i32
    %add3A_14 = arith.addi %mul3A_12, %add3A_13 : i32
    "tpu.region"() ({
      %run_scoped3A_105 = tpu.sem_alloc : memref<!tpu.dma_semaphore, #tpu.memory_space<semaphore_mem>>
      %dma_start3A_106 = arith.constant 0 : i32
      %dma_start3A_107 = tpu.memref_slice %arg10[%add3A_14, %dma_start3A_106] : memref<10240x128xf32, #tpu.memory_space<vmem_shared>> -> memref<128x128xf32, #tpu.memory_space<vmem_shared>>
      %dma_start3A_108 = arith.constant 0 : i32
      %dma_start3A_109 = tpu.memref_slice %arg10[%add3A_14, %dma_start3A_108] : memref<10240x128xf32, #tpu.memory_space<vmem_shared>> -> memref<128x128xf32, #tpu.memory_space<vmem_shared>>
      tpu.enqueue_dma source(%arg8 : memref<128x128xf32, #tpu.memory_space<vmem>>) target(%dma_start3A_109 : memref<128x128xf32, #tpu.memory_space<vmem_shared>>) target_semaphore(%run_scoped3A_105 : memref<!tpu.dma_semaphore, #tpu.memory_space<semaphore_mem>>)
      %dma_wait3A_110 = arith.constant 0 : i32
      %dma_wait3A_111 = tpu.memref_slice %arg10[%add3A_14, %dma_wait3A_110] : memref<10240x128xf32, #tpu.memory_space<vmem_shared>> -> memref<128x128xf32, #tpu.memory_space<vmem_shared>>
      %dma_wait3A_112 = arith.constant 0 : i32
      %dma_wait3A_113 = tpu.memref_slice %arg10[%add3A_14, %dma_wait3A_112] : memref<10240x128xf32, #tpu.memory_space<vmem_shared>> -> memref<128x128xf32, #tpu.memory_space<vmem_shared>>
      tpu.wait_dma2 semaphore(%run_scoped3A_105 : memref<!tpu.dma_semaphore, #tpu.memory_space<semaphore_mem>>) src(%arg8 : memref<128x128xf32, #tpu.memory_space<vmem>>) dst(%dma_wait3A_113 : memref<128x128xf32, #tpu.memory_space<vmem_shared>>)
      tpu.yield
    }) : () -> ()
    %mul3A_15 = arith.constant 640 : i32
    %mul3A_16 = arith.muli %arg1, %mul3A_15 : i32
    %add3A_17 = arith.constant 256 : i32
    %add3A_18 = arith.addi %mul3A_16, %add3A_17 : i32
    "tpu.region"() ({
      %run_scoped3A_105 = tpu.sem_alloc : memref<!tpu.dma_semaphore, #tpu.memory_space<semaphore_mem>>
      %dma_start3A_106 = arith.constant 0 : i32
      %dma_start3A_107 = tpu.memref_slice %arg10[%add3A_18, %dma_start3A_106] : memref<10240x128xf32, #tpu.memory_space<vmem_shared>> -> memref<128x128xf32, #tpu.memory_space<vmem_shared>>
      %dma_start3A_108 = arith.constant 0 : i32
      %dma_start3A_109 = tpu.memref_slice %arg10[%add3A_18, %dma_start3A_108] : memref<10240x128xf32, #tpu.memory_space<vmem_shared>> -> memref<128x128xf32, #tpu.memory_space<vmem_shared>>
      tpu.enqueue_dma source(%arg8 : memref<128x128xf32, #tpu.memory_space<vmem>>) target(%dma_start3A_109 : memref<128x128xf32, #tpu.memory_space<vmem_shared>>) target_semaphore(%run_scoped3A_105 : memref<!tpu.dma_semaphore, #tpu.memory_space<semaphore_mem>>)
      %dma_wait3A_110 = arith.constant 0 : i32
      %dma_wait3A_111 = tpu.memref_slice %arg10[%add3A_18, %dma_wait3A_110] : memref<10240x128xf32, #tpu.memory_space<vmem_shared>> -> memref<128x128xf32, #tpu.memory_space<vmem_shared>>
      %dma_wait3A_112 = arith.constant 0 : i32
      %dma_wait3A_113 = tpu.memref_slice %arg10[%add3A_18, %dma_wait3A_112] : memref<10240x128xf32, #tpu.memory_space<vmem_shared>> -> memref<128x128xf32, #tpu.memory_space<vmem_shared>>
      tpu.wait_dma2 semaphore(%run_scoped3A_105 : memref<!tpu.dma_semaphore, #tpu.memory_space<semaphore_mem>>) src(%arg8 : memref<128x128xf32, #tpu.memory_space<vmem>>) dst(%dma_wait3A_113 : memref<128x128xf32, #tpu.memory_space<vmem_shared>>)
      tpu.yield
    }) : () -> ()
    %mul3A_19 = arith.constant 640 : i32
    %mul3A_20 = arith.muli %arg1, %mul3A_19 : i32
    %add3A_21 = arith.constant 384 : i32
    %add3A_22 = arith.addi %mul3A_20, %add3A_21 : i32
    "tpu.region"() ({
      %run_scoped3A_105 = tpu.sem_alloc : memref<!tpu.dma_semaphore, #tpu.memory_space<semaphore_mem>>
      %dma_start3A_106 = arith.constant 0 : i32
      %dma_start3A_107 = tpu.memref_slice %arg10[%add3A_22, %dma_start3A_106] : memref<10240x128xf32, #tpu.memory_space<vmem_shared>> -> memref<128x128xf32, #tpu.memory_space<vmem_shared>>
      %dma_start3A_108 = arith.constant 0 : i32
      %dma_start3A_109 = tpu.memref_slice %arg10[%add3A_22, %dma_start3A_108] : memref<10240x128xf32, #tpu.memory_space<vmem_shared>> -> memref<128x128xf32, #tpu.memory_space<vmem_shared>>
      tpu.enqueue_dma source(%arg8 : memref<128x128xf32, #tpu.memory_space<vmem>>) target(%dma_start3A_109 : memref<128x128xf32, #tpu.memory_space<vmem_shared>>) target_semaphore(%run_scoped3A_105 : memref<!tpu.dma_semaphore, #tpu.memory_space<semaphore_mem>>)
      %dma_wait3A_110 = arith.constant 0 : i32
      %dma_wait3A_111 = tpu.memref_slice %arg10[%add3A_22, %dma_wait3A_110] : memref<10240x128xf32, #tpu.memory_space<vmem_shared>> -> memref<128x128xf32, #tpu.memory_space<vmem_shared>>
      %dma_wait3A_112 = arith.constant 0 : i32
      %dma_wait3A_113 = tpu.memref_slice %arg10[%add3A_22, %dma_wait3A_112] : memref<10240x128xf32, #tpu.memory_space<vmem_shared>> -> memref<128x128xf32, #tpu.memory_space<vmem_shared>>
      tpu.wait_dma2 semaphore(%run_scoped3A_105 : memref<!tpu.dma_semaphore, #tpu.memory_space<semaphore_mem>>) src(%arg8 : memref<128x128xf32, #tpu.memory_space<vmem>>) dst(%dma_wait3A_113 : memref<128x128xf32, #tpu.memory_space<vmem_shared>>)
      tpu.yield
    }) : () -> ()
    %mul3A_23 = arith.constant 640 : i32
    %mul3A_24 = arith.muli %arg1, %mul3A_23 : i32
    %add3A_25 = arith.constant 512 : i32
    %add3A_26 = arith.addi %mul3A_24, %add3A_25 : i32
    "tpu.region"() ({
      %run_scoped3A_105 = tpu.sem_alloc : memref<!tpu.dma_semaphore, #tpu.memory_space<semaphore_mem>>
      %dma_start3A_106 = arith.constant 0 : i32
      %dma_start3A_107 = tpu.memref_slice %arg10[%add3A_26, %dma_start3A_106] : memref<10240x128xf32, #tpu.memory_space<vmem_shared>> -> memref<128x128xf32, #tpu.memory_space<vmem_shared>>
      %dma_start3A_108 = arith.constant 0 : i32
      %dma_start3A_109 = tpu.memref_slice %arg10[%add3A_26, %dma_start3A_108] : memref<10240x128xf32, #tpu.memory_space<vmem_shared>> -> memref<128x128xf32, #tpu.memory_space<vmem_shared>>
      tpu.enqueue_dma source(%arg8 : memref<128x128xf32, #tpu.memory_space<vmem>>) target(%dma_start3A_109 : memref<128x128xf32, #tpu.memory_space<vmem_shared>>) target_semaphore(%run_scoped3A_105 : memref<!tpu.dma_semaphore, #tpu.memory_space<semaphore_mem>>)
      %dma_wait3A_110 = arith.constant 0 : i32
      %dma_wait3A_111 = tpu.memref_slice %arg10[%add3A_26, %dma_wait3A_110] : memref<10240x128xf32, #tpu.memory_space<vmem_shared>> -> memref<128x128xf32, #tpu.memory_space<vmem_shared>>
      %dma_wait3A_112 = arith.constant 0 : i32
      %dma_wait3A_113 = tpu.memref_slice %arg10[%add3A_26, %dma_wait3A_112] : memref<10240x128xf32, #tpu.memory_space<vmem_shared>> -> memref<128x128xf32, #tpu.memory_space<vmem_shared>>
      tpu.wait_dma2 semaphore(%run_scoped3A_105 : memref<!tpu.dma_semaphore, #tpu.memory_space<semaphore_mem>>) src(%arg8 : memref<128x128xf32, #tpu.memory_space<vmem>>) dst(%dma_wait3A_113 : memref<128x128xf32, #tpu.memory_space<vmem_shared>>)
      tpu.yield
    }) : () -> ()
    %barrier3A = arith.constant 0 : index
    tpu.barrier barrier_id(%barrier3A)
    %run_scoped3A = arith.constant 0 : i32
    "tpu.region"() ({
      %run_scoped3A_105 = tpu.sem_alloc : memref<!tpu.dma_semaphore, #tpu.memory_space<semaphore_mem>>
      %dma_start3A_106 = arith.constant 0 : i32
      %dma_start3A_107 = arith.constant 0 : i32
      %dma_start3A_108 = arith.constant 0 : i32
      %dma_start3A_109 = tpu.memref_slice %arg3[%add3A, %dma_start3A_106, %dma_start3A_107, %dma_start3A_108] : memref<32x2x40x128xi32, #tpu.memory_space<hbm>> -> memref<1x2x40x128xi32, #tpu.memory_space<hbm>>
      %dma_start3A_110 = tpu.memref_squeeze %dma_start3A_109 : memref<1x2x40x128xi32, #tpu.memory_space<hbm>> -> memref<2x40x128xi32, #tpu.memory_space<hbm>>
      %dma_start3A_111 = arith.constant 0 : i32
      %dma_start3A_112 = arith.constant 0 : i32
      %dma_start3A_113 = tpu.memref_slice %dma_start3A_110[%run_scoped3A, %dma_start3A_111, %dma_start3A_112] : memref<2x40x128xi32, #tpu.memory_space<hbm>> -> memref<1x40x128xi32, #tpu.memory_space<hbm>>
      %dma_start3A_114 = tpu.memref_squeeze %dma_start3A_113 : memref<1x40x128xi32, #tpu.memory_space<hbm>> -> memref<40x128xi32, #tpu.memory_space<hbm>>
      %dma_start3A_115 = arith.constant 0 : i32
      %dma_start3A_116 = arith.constant 0 : i32
      %dma_start3A_117 = arith.constant 0 : i32
      %dma_start3A_118 = tpu.memref_slice %arg3[%add3A, %dma_start3A_115, %dma_start3A_116, %dma_start3A_117] : memref<32x2x40x128xi32, #tpu.memory_space<hbm>> -> memref<1x2x40x128xi32, #tpu.memory_space<hbm>>
      %dma_start3A_119 = tpu.memref_squeeze %dma_start3A_118 : memref<1x2x40x128xi32, #tpu.memory_space<hbm>> -> memref<2x40x128xi32, #tpu.memory_space<hbm>>
      %dma_start3A_120 = arith.constant 0 : i32
      %dma_start3A_121 = arith.constant 0 : i32
      %dma_start3A_122 = tpu.memref_slice %dma_start3A_119[%run_scoped3A, %dma_start3A_120, %dma_start3A_121] : memref<2x40x128xi32, #tpu.memory_space<hbm>> -> memref<1x40x128xi32, #tpu.memory_space<hbm>>
      %dma_start3A_123 = tpu.memref_squeeze %dma_start3A_122 : memref<1x40x128xi32, #tpu.memory_space<hbm>> -> memref<40x128xi32, #tpu.memory_space<hbm>>
      tpu.enqueue_dma source(%dma_start3A_123 : memref<40x128xi32, #tpu.memory_space<hbm>>) target(%arg6 : memref<40x128xi32, #tpu.memory_space<vmem>>) target_semaphore(%run_scoped3A_105 : memref<!tpu.dma_semaphore, #tpu.memory_space<semaphore_mem>>)
      %dma_wait3A_124 = arith.constant 0 : i32
      %dma_wait3A_125 = arith.constant 0 : i32
      %dma_wait3A_126 = arith.constant 0 : i32
      %dma_wait3A_127 = tpu.memref_slice %arg3[%add3A, %dma_wait3A_124, %dma_wait3A_125, %dma_wait3A_126] : memref<32x2x40x128xi32, #tpu.memory_space<hbm>> -> memref<1x2x40x128xi32, #tpu.memory_space<hbm>>
      %dma_wait3A_128 = tpu.memref_squeeze %dma_wait3A_127 : memref<1x2x40x128xi32, #tpu.memory_space<hbm>> -> memref<2x40x128xi32, #tpu.memory_space<hbm>>
      %dma_wait3A_129 = arith.constant 0 : i32
      %dma_wait3A_130 = arith.constant 0 : i32
      %dma_wait3A_131 = tpu.memref_slice %dma_wait3A_128[%run_scoped3A, %dma_wait3A_129, %dma_wait3A_130] : memref<2x40x128xi32, #tpu.memory_space<hbm>> -> memref<1x40x128xi32, #tpu.memory_space<hbm>>
      %dma_wait3A_132 = tpu.memref_squeeze %dma_wait3A_131 : memref<1x40x128xi32, #tpu.memory_space<hbm>> -> memref<40x128xi32, #tpu.memory_space<hbm>>
      %dma_wait3A_133 = arith.constant 0 : i32
      %dma_wait3A_134 = arith.constant 0 : i32
      %dma_wait3A_135 = arith.constant 0 : i32
      %dma_wait3A_136 = tpu.memref_slice %arg3[%add3A, %dma_wait3A_133, %dma_wait3A_134, %dma_wait3A_135] : memref<32x2x40x128xi32, #tpu.memory_space<hbm>> -> memref<1x2x40x128xi32, #tpu.memory_space<hbm>>
      %dma_wait3A_137 = tpu.memref_squeeze %dma_wait3A_136 : memref<1x2x40x128xi32, #tpu.memory_space<hbm>> -> memref<2x40x128xi32, #tpu.memory_space<hbm>>
      %dma_wait3A_138 = arith.constant 0 : i32
      %dma_wait3A_139 = arith.constant 0 : i32
      %dma_wait3A_140 = tpu.memref_slice %dma_wait3A_137[%run_scoped3A, %dma_wait3A_138, %dma_wait3A_139] : memref<2x40x128xi32, #tpu.memory_space<hbm>> -> memref<1x40x128xi32, #tpu.memory_space<hbm>>
      %dma_wait3A_141 = tpu.memref_squeeze %dma_wait3A_140 : memref<1x40x128xi32, #tpu.memory_space<hbm>> -> memref<40x128xi32, #tpu.memory_space<hbm>>
      tpu.wait_dma2 semaphore(%run_scoped3A_105 : memref<!tpu.dma_semaphore, #tpu.memory_space<semaphore_mem>>) src(%dma_wait3A_141 : memref<40x128xi32, #tpu.memory_space<hbm>>) dst(%arg6 : memref<40x128xi32, #tpu.memory_space<vmem>>)
      tpu.yield
    }) : () -> ()
    %run_scoped3A_27 = arith.constant 0 : i32
    "tpu.region"() ({
      %run_scoped3A_105 = tpu.sem_alloc : memref<!tpu.dma_semaphore, #tpu.memory_space<semaphore_mem>>
      %dma_start3A_106 = arith.constant 0 : i32
      %dma_start3A_107 = arith.constant 0 : i32
      %dma_start3A_108 = arith.constant 0 : i32
      %dma_start3A_109 = tpu.memref_slice %arg4[%add3A, %dma_start3A_106, %dma_start3A_107, %dma_start3A_108] : memref<32x2x40x128xi32, #tpu.memory_space<hbm>> -> memref<1x2x40x128xi32, #tpu.memory_space<hbm>>
      %dma_start3A_110 = tpu.memref_squeeze %dma_start3A_109 : memref<1x2x40x128xi32, #tpu.memory_space<hbm>> -> memref<2x40x128xi32, #tpu.memory_space<hbm>>
      %dma_start3A_111 = arith.constant 0 : i32
      %dma_start3A_112 = arith.constant 0 : i32
      %dma_start3A_113 = tpu.memref_slice %dma_start3A_110[%run_scoped3A_27, %dma_start3A_111, %dma_start3A_112] : memref<2x40x128xi32, #tpu.memory_space<hbm>> -> memref<1x40x128xi32, #tpu.memory_space<hbm>>
      %dma_start3A_114 = tpu.memref_squeeze %dma_start3A_113 : memref<1x40x128xi32, #tpu.memory_space<hbm>> -> memref<40x128xi32, #tpu.memory_space<hbm>>
      %dma_start3A_115 = arith.constant 0 : i32
      %dma_start3A_116 = arith.constant 0 : i32
      %dma_start3A_117 = arith.constant 0 : i32
      %dma_start3A_118 = tpu.memref_slice %arg4[%add3A, %dma_start3A_115, %dma_start3A_116, %dma_start3A_117] : memref<32x2x40x128xi32, #tpu.memory_space<hbm>> -> memref<1x2x40x128xi32, #tpu.memory_space<hbm>>
      %dma_start3A_119 = tpu.memref_squeeze %dma_start3A_118 : memref<1x2x40x128xi32, #tpu.memory_space<hbm>> -> memref<2x40x128xi32, #tpu.memory_space<hbm>>
      %dma_start3A_120 = arith.constant 0 : i32
      %dma_start3A_121 = arith.constant 0 : i32
      %dma_start3A_122 = tpu.memref_slice %dma_start3A_119[%run_scoped3A_27, %dma_start3A_120, %dma_start3A_121] : memref<2x40x128xi32, #tpu.memory_space<hbm>> -> memref<1x40x128xi32, #tpu.memory_space<hbm>>
      %dma_start3A_123 = tpu.memref_squeeze %dma_start3A_122 : memref<1x40x128xi32, #tpu.memory_space<hbm>> -> memref<40x128xi32, #tpu.memory_space<hbm>>
      tpu.enqueue_dma source(%dma_start3A_123 : memref<40x128xi32, #tpu.memory_space<hbm>>) target(%arg7 : memref<40x128xi32, #tpu.memory_space<vmem>>) target_semaphore(%run_scoped3A_105 : memref<!tpu.dma_semaphore, #tpu.memory_space<semaphore_mem>>)
      %dma_wait3A_124 = arith.constant 0 : i32
      %dma_wait3A_125 = arith.constant 0 : i32
      %dma_wait3A_126 = arith.constant 0 : i32
      %dma_wait3A_127 = tpu.memref_slice %arg4[%add3A, %dma_wait3A_124, %dma_wait3A_125, %dma_wait3A_126] : memref<32x2x40x128xi32, #tpu.memory_space<hbm>> -> memref<1x2x40x128xi32, #tpu.memory_space<hbm>>
      %dma_wait3A_128 = tpu.memref_squeeze %dma_wait3A_127 : memref<1x2x40x128xi32, #tpu.memory_space<hbm>> -> memref<2x40x128xi32, #tpu.memory_space<hbm>>
      %dma_wait3A_129 = arith.constant 0 : i32
      %dma_wait3A_130 = arith.constant 0 : i32
      %dma_wait3A_131 = tpu.memref_slice %dma_wait3A_128[%run_scoped3A_27, %dma_wait3A_129, %dma_wait3A_130] : memref<2x40x128xi32, #tpu.memory_space<hbm>> -> memref<1x40x128xi32, #tpu.memory_space<hbm>>
      %dma_wait3A_132 = tpu.memref_squeeze %dma_wait3A_131 : memref<1x40x128xi32, #tpu.memory_space<hbm>> -> memref<40x128xi32, #tpu.memory_space<hbm>>
      %dma_wait3A_133 = arith.constant 0 : i32
      %dma_wait3A_134 = arith.constant 0 : i32
      %dma_wait3A_135 = arith.constant 0 : i32
      %dma_wait3A_136 = tpu.memref_slice %arg4[%add3A, %dma_wait3A_133, %dma_wait3A_134, %dma_wait3A_135] : memref<32x2x40x128xi32, #tpu.memory_space<hbm>> -> memref<1x2x40x128xi32, #tpu.memory_space<hbm>>
      %dma_wait3A_137 = tpu.memref_squeeze %dma_wait3A_136 : memref<1x2x40x128xi32, #tpu.memory_space<hbm>> -> memref<2x40x128xi32, #tpu.memory_space<hbm>>
      %dma_wait3A_138 = arith.constant 0 : i32
      %dma_wait3A_139 = arith.constant 0 : i32
      %dma_wait3A_140 = tpu.memref_slice %dma_wait3A_137[%run_scoped3A_27, %dma_wait3A_138, %dma_wait3A_139] : memref<2x40x128xi32, #tpu.memory_space<hbm>> -> memref<1x40x128xi32, #tpu.memory_space<hbm>>
      %dma_wait3A_141 = tpu.memref_squeeze %dma_wait3A_140 : memref<1x40x128xi32, #tpu.memory_space<hbm>> -> memref<40x128xi32, #tpu.memory_space<hbm>>
      tpu.wait_dma2 semaphore(%run_scoped3A_105 : memref<!tpu.dma_semaphore, #tpu.memory_space<semaphore_mem>>) src(%dma_wait3A_141 : memref<40x128xi32, #tpu.memory_space<hbm>>) dst(%arg7 : memref<40x128xi32, #tpu.memory_space<vmem>>)
      tpu.yield
    }) : () -> ()
    %dma_start3A = arith.constant 0 : i32
    %dma_start3A_28 = arith.constant 0 : i32
    %dma_start3A_29 = tpu.memref_slice %arg6[%dma_start3A, %dma_start3A_28] : memref<40x128xi32, #tpu.memory_space<vmem>> -> memref<1x128xi32, #tpu.memory_space<vmem>>
    %dma_start3A_30 = tpu.memref_squeeze %dma_start3A_29 : memref<1x128xi32, #tpu.memory_space<vmem>> -> memref<128xi32, #tpu.memory_space<vmem>>
    %dma_start3A_31 = arith.constant 0 : i32
    %dma_start3A_32 = arith.constant 0 : i32
    %dma_start3A_33 = tpu.memref_slice %arg2[%dma_start3A_31, %dma_start3A_32] : memref<10000x128xf32, #tpu.memory_space<hbm>> -> memref<10000x128xf32, #tpu.memory_space<hbm>>
    tpu.enqueue_indirect_dma source(%dma_start3A_33 : memref<10000x128xf32, #tpu.memory_space<hbm>>) target(%arg8 : memref<128x128xf32, #tpu.memory_space<vmem>>) offsets(%dma_start3A_30 : memref<128xi32, #tpu.memory_space<vmem>>) semaphore(%arg11 : memref<!tpu.dma_semaphore, #tpu.memory_space<semaphore_mem>>)
    %scan3A_34 = arith.constant 0 : i32
    %scan3A_35 = arith.constant 0 : i32
    %scan3A_36 = arith.constant 19 : i32
    %scan3A_37 = arith.addi %scan3A_35, %scan3A_36 : i32
    %scan3A_38 = arith.constant 1 : i32
    scf.for %scan3A_105 = %scan3A_35 to %scan3A_37 step %scan3A_38  : i32 {
      %mul3A_106 = arith.constant 2 : i32
      %mul3A_107 = arith.muli %mul3A_106, %scan3A_105 : i32
      %add3A_108 = arith.constant 1 : i32
      %add3A_109 = arith.addi %mul3A_107, %add3A_108 : i32
      %dma_start3A_110 = arith.constant 0 : i32
      %dma_start3A_111 = tpu.memref_slice %arg6[%add3A_109, %dma_start3A_110] : memref<40x128xi32, #tpu.memory_space<vmem>> -> memref<1x128xi32, #tpu.memory_space<vmem>>
      %dma_start3A_112 = tpu.memref_squeeze %dma_start3A_111 : memref<1x128xi32, #tpu.memory_space<vmem>> -> memref<128xi32, #tpu.memory_space<vmem>>
      %dma_start3A_113 = arith.constant 0 : i32
      %dma_start3A_114 = arith.constant 0 : i32
      %dma_start3A_115 = tpu.memref_slice %arg2[%dma_start3A_113, %dma_start3A_114] : memref<10000x128xf32, #tpu.memory_space<hbm>> -> memref<10000x128xf32, #tpu.memory_space<hbm>>
      tpu.enqueue_indirect_dma source(%dma_start3A_115 : memref<10000x128xf32, #tpu.memory_space<hbm>>) target(%arg9 : memref<128x128xf32, #tpu.memory_space<vmem>>) offsets(%dma_start3A_112 : memref<128xi32, #tpu.memory_space<vmem>>) semaphore(%arg12 : memref<!tpu.dma_semaphore, #tpu.memory_space<semaphore_mem>>)
      %dma_wait3A_116 = arith.constant 0 : i32
      %dma_wait3A_117 = arith.constant 0 : i32
      %dma_wait3A_118 = tpu.memref_slice %arg6[%dma_wait3A_116, %dma_wait3A_117] : memref<40x128xi32, #tpu.memory_space<vmem>> -> memref<1x128xi32, #tpu.memory_space<vmem>>
      %dma_wait3A_119 = tpu.memref_squeeze %dma_wait3A_118 : memref<1x128xi32, #tpu.memory_space<vmem>> -> memref<128xi32, #tpu.memory_space<vmem>>
      %dma_wait3A_120 = arith.constant 0 : i32
      %dma_wait3A_121 = arith.constant 0 : i32
      %dma_wait3A_122 = tpu.memref_slice %arg2[%dma_wait3A_120, %dma_wait3A_121] : memref<10000x128xf32, #tpu.memory_space<hbm>> -> memref<10000x128xf32, #tpu.memory_space<hbm>>
      tpu.wait_indirect_dma semaphore(%arg11 : memref<!tpu.dma_semaphore, #tpu.memory_space<semaphore_mem>>) src(%dma_wait3A_122 : memref<10000x128xf32, #tpu.memory_space<hbm>>) dst(%arg8 : memref<128x128xf32, #tpu.memory_space<vmem>>)
      "tpu.region"() ({
        %run_scoped3A_140 = tpu.sem_alloc : memref<!tpu.dma_semaphore, #tpu.memory_space<semaphore_mem>>
        %dma_start3A_141 = arith.constant 0 : i32
        %dma_start3A_142 = tpu.memref_slice %arg7[%mul3A_107, %dma_start3A_141] : memref<40x128xi32, #tpu.memory_space<vmem>> -> memref<1x128xi32, #tpu.memory_space<vmem>>
        %dma_start3A_143 = tpu.memref_squeeze %dma_start3A_142 : memref<1x128xi32, #tpu.memory_space<vmem>> -> memref<128xi32, #tpu.memory_space<vmem>>
        %dma_start3A_144 = arith.constant 0 : i32
        %dma_start3A_145 = arith.constant 0 : i32
        %dma_start3A_146 = tpu.memref_slice %arg10[%dma_start3A_144, %dma_start3A_145] : memref<10240x128xf32, #tpu.memory_space<vmem_shared>> -> memref<10240x128xf32, #tpu.memory_space<vmem_shared>>
        tpu.enqueue_indirect_dma source(%arg8 : memref<128x128xf32, #tpu.memory_space<vmem>>) target(%dma_start3A_146 : memref<10240x128xf32, #tpu.memory_space<vmem_shared>>) offsets(%dma_start3A_143 : memref<128xi32, #tpu.memory_space<vmem>>) semaphore(%run_scoped3A_140 : memref<!tpu.dma_semaphore, #tpu.memory_space<semaphore_mem>>) {add = true}
        %dma_wait3A_147 = arith.constant 0 : i32
        %dma_wait3A_148 = tpu.memref_slice %arg7[%mul3A_107, %dma_wait3A_147] : memref<40x128xi32, #tpu.memory_space<vmem>> -> memref<1x128xi32, #tpu.memory_space<vmem>>
        %dma_wait3A_149 = tpu.memref_squeeze %dma_wait3A_148 : memref<1x128xi32, #tpu.memory_space<vmem>> -> memref<128xi32, #tpu.memory_space<vmem>>
        %dma_wait3A_150 = arith.constant 0 : i32
        %dma_wait3A_151 = arith.constant 0 : i32
        %dma_wait3A_152 = tpu.memref_slice %arg10[%dma_wait3A_150, %dma_wait3A_151] : memref<10240x128xf32, #tpu.memory_space<vmem_shared>> -> memref<10240x128xf32, #tpu.memory_space<vmem_shared>>
        tpu.wait_indirect_dma semaphore(%run_scoped3A_140 : memref<!tpu.dma_semaphore, #tpu.memory_space<semaphore_mem>>) src(%arg8 : memref<128x128xf32, #tpu.memory_space<vmem>>) dst(%dma_wait3A_152 : memref<10240x128xf32, #tpu.memory_space<vmem_shared>>)
        tpu.yield
      }) : () -> ()
      %add3A_123 = arith.constant 2 : i32
      %add3A_124 = arith.addi %mul3A_107, %add3A_123 : i32
      %dma_start3A_125 = arith.constant 0 : i32
      %dma_start3A_126 = tpu.memref_slice %arg6[%add3A_124, %dma_start3A_125] : memref<40x128xi32, #tpu.memory_space<vmem>> -> memref<1x128xi32, #tpu.memory_space<vmem>>
      %dma_start3A_127 = tpu.memref_squeeze %dma_start3A_126 : memref<1x128xi32, #tpu.memory_space<vmem>> -> memref<128xi32, #tpu.memory_space<vmem>>
      %dma_start3A_128 = arith.constant 0 : i32
      %dma_start3A_129 = arith.constant 0 : i32
      %dma_start3A_130 = tpu.memref_slice %arg2[%dma_start3A_128, %dma_start3A_129] : memref<10000x128xf32, #tpu.memory_space<hbm>> -> memref<10000x128xf32, #tpu.memory_space<hbm>>
      tpu.enqueue_indirect_dma source(%dma_start3A_130 : memref<10000x128xf32, #tpu.memory_space<hbm>>) target(%arg8 : memref<128x128xf32, #tpu.memory_space<vmem>>) offsets(%dma_start3A_127 : memref<128xi32, #tpu.memory_space<vmem>>) semaphore(%arg11 : memref<!tpu.dma_semaphore, #tpu.memory_space<semaphore_mem>>)
      %dma_wait3A_131 = arith.constant 0 : i32
      %dma_wait3A_132 = arith.constant 0 : i32
      %dma_wait3A_133 = tpu.memref_slice %arg6[%dma_wait3A_131, %dma_wait3A_132] : memref<40x128xi32, #tpu.memory_space<vmem>> -> memref<1x128xi32, #tpu.memory_space<vmem>>
      %dma_wait3A_134 = tpu.memref_squeeze %dma_wait3A_133 : memref<1x128xi32, #tpu.memory_space<vmem>> -> memref<128xi32, #tpu.memory_space<vmem>>
      %dma_wait3A_135 = arith.constant 0 : i32
      %dma_wait3A_136 = arith.constant 0 : i32
      %dma_wait3A_137 = tpu.memref_slice %arg2[%dma_wait3A_135, %dma_wait3A_136] : memref<10000x128xf32, #tpu.memory_space<hbm>> -> memref<10000x128xf32, #tpu.memory_space<hbm>>
      tpu.wait_indirect_dma semaphore(%arg12 : memref<!tpu.dma_semaphore, #tpu.memory_space<semaphore_mem>>) src(%dma_wait3A_137 : memref<10000x128xf32, #tpu.memory_space<hbm>>) dst(%arg9 : memref<128x128xf32, #tpu.memory_space<vmem>>)
      %add3A_138 = arith.constant 1 : i32
      %add3A_139 = arith.addi %mul3A_107, %add3A_138 : i32
      "tpu.region"() ({
        %run_scoped3A_140 = tpu.sem_alloc : memref<!tpu.dma_semaphore, #tpu.memory_space<semaphore_mem>>
        %dma_start3A_141 = arith.constant 0 : i32
        %dma_start3A_142 = tpu.memref_slice %arg7[%add3A_139, %dma_start3A_141] : memref<40x128xi32, #tpu.memory_space<vmem>> -> memref<1x128xi32, #tpu.memory_space<vmem>>
        %dma_start3A_143 = tpu.memref_squeeze %dma_start3A_142 : memref<1x128xi32, #tpu.memory_space<vmem>> -> memref<128xi32, #tpu.memory_space<vmem>>
        %dma_start3A_144 = arith.constant 0 : i32
        %dma_start3A_145 = arith.constant 0 : i32
        %dma_start3A_146 = tpu.memref_slice %arg10[%dma_start3A_144, %dma_start3A_145] : memref<10240x128xf32, #tpu.memory_space<vmem_shared>> -> memref<10240x128xf32, #tpu.memory_space<vmem_shared>>
        tpu.enqueue_indirect_dma source(%arg9 : memref<128x128xf32, #tpu.memory_space<vmem>>) target(%dma_start3A_146 : memref<10240x128xf32, #tpu.memory_space<vmem_shared>>) offsets(%dma_start3A_143 : memref<128xi32, #tpu.memory_space<vmem>>) semaphore(%run_scoped3A_140 : memref<!tpu.dma_semaphore, #tpu.memory_space<semaphore_mem>>) {add = true}
        %dma_wait3A_147 = arith.constant 0 : i32
        %dma_wait3A_148 = tpu.memref_slice %arg7[%add3A_139, %dma_wait3A_147] : memref<40x128xi32, #tpu.memory_space<vmem>> -> memref<1x128xi32, #tpu.memory_space<vmem>>
        %dma_wait3A_149 = tpu.memref_squeeze %dma_wait3A_148 : memref<1x128xi32, #tpu.memory_space<vmem>> -> memref<128xi32, #tpu.memory_space<vmem>>
        %dma_wait3A_150 = arith.constant 0 : i32
        %dma_wait3A_151 = arith.constant 0 : i32
        %dma_wait3A_152 = tpu.memref_slice %arg10[%dma_wait3A_150, %dma_wait3A_151] : memref<10240x128xf32, #tpu.memory_space<vmem_shared>> -> memref<10240x128xf32, #tpu.memory_space<vmem_shared>>
        tpu.wait_indirect_dma semaphore(%run_scoped3A_140 : memref<!tpu.dma_semaphore, #tpu.memory_space<semaphore_mem>>) src(%arg9 : memref<128x128xf32, #tpu.memory_space<vmem>>) dst(%dma_wait3A_152 : memref<10240x128xf32, #tpu.memory_space<vmem_shared>>)
        tpu.yield
      }) : () -> ()
    }
    %scan3A_39 = arith.constant 19 : i32
    %dma_start3A_40 = arith.constant 39 : i32
    %dma_start3A_41 = arith.constant 0 : i32
    %dma_start3A_42 = tpu.memref_slice %arg6[%dma_start3A_40, %dma_start3A_41] : memref<40x128xi32, #tpu.memory_space<vmem>> -> memref<1x128xi32, #tpu.memory_space<vmem>>
    %dma_start3A_43 = tpu.memref_squeeze %dma_start3A_42 : memref<1x128xi32, #tpu.memory_space<vmem>> -> memref<128xi32, #tpu.memory_space<vmem>>
    %dma_start3A_44 = arith.constant 0 : i32
    %dma_start3A_45 = arith.constant 0 : i32
    %dma_start3A_46 = tpu.memref_slice %arg2[%dma_start3A_44, %dma_start3A_45] : memref<10000x128xf32, #tpu.memory_space<hbm>> -> memref<10000x128xf32, #tpu.memory_space<hbm>>
    tpu.enqueue_indirect_dma source(%dma_start3A_46 : memref<10000x128xf32, #tpu.memory_space<hbm>>) target(%arg9 : memref<128x128xf32, #tpu.memory_space<vmem>>) offsets(%dma_start3A_43 : memref<128xi32, #tpu.memory_space<vmem>>) semaphore(%arg12 : memref<!tpu.dma_semaphore, #tpu.memory_space<semaphore_mem>>)
    %dma_wait3A = arith.constant 0 : i32
    %dma_wait3A_47 = arith.constant 0 : i32
    %dma_wait3A_48 = tpu.memref_slice %arg6[%dma_wait3A, %dma_wait3A_47] : memref<40x128xi32, #tpu.memory_space<vmem>> -> memref<1x128xi32, #tpu.memory_space<vmem>>
    %dma_wait3A_49 = tpu.memref_squeeze %dma_wait3A_48 : memref<1x128xi32, #tpu.memory_space<vmem>> -> memref<128xi32, #tpu.memory_space<vmem>>
    %dma_wait3A_50 = arith.constant 0 : i32
    %dma_wait3A_51 = arith.constant 0 : i32
    %dma_wait3A_52 = tpu.memref_slice %arg2[%dma_wait3A_50, %dma_wait3A_51] : memref<10000x128xf32, #tpu.memory_space<hbm>> -> memref<10000x128xf32, #tpu.memory_space<hbm>>
    tpu.wait_indirect_dma semaphore(%arg11 : memref<!tpu.dma_semaphore, #tpu.memory_space<semaphore_mem>>) src(%dma_wait3A_52 : memref<10000x128xf32, #tpu.memory_space<hbm>>) dst(%arg8 : memref<128x128xf32, #tpu.memory_space<vmem>>)
    %run_scoped3A_53 = arith.constant 38 : i32
    "tpu.region"() ({
      %run_scoped3A_105 = tpu.sem_alloc : memref<!tpu.dma_semaphore, #tpu.memory_space<semaphore_mem>>
      %dma_start3A_106 = arith.constant 0 : i32
      %dma_start3A_107 = tpu.memref_slice %arg7[%run_scoped3A_53, %dma_start3A_106] : memref<40x128xi32, #tpu.memory_space<vmem>> -> memref<1x128xi32, #tpu.memory_space<vmem>>
      %dma_start3A_108 = tpu.memref_squeeze %dma_start3A_107 : memref<1x128xi32, #tpu.memory_space<vmem>> -> memref<128xi32, #tpu.memory_space<vmem>>
      %dma_start3A_109 = arith.constant 0 : i32
      %dma_start3A_110 = arith.constant 0 : i32
      %dma_start3A_111 = tpu.memref_slice %arg10[%dma_start3A_109, %dma_start3A_110] : memref<10240x128xf32, #tpu.memory_space<vmem_shared>> -> memref<10240x128xf32, #tpu.memory_space<vmem_shared>>
      tpu.enqueue_indirect_dma source(%arg8 : memref<128x128xf32, #tpu.memory_space<vmem>>) target(%dma_start3A_111 : memref<10240x128xf32, #tpu.memory_space<vmem_shared>>) offsets(%dma_start3A_108 : memref<128xi32, #tpu.memory_space<vmem>>) semaphore(%run_scoped3A_105 : memref<!tpu.dma_semaphore, #tpu.memory_space<semaphore_mem>>) {add = true}
      %dma_wait3A_112 = arith.constant 0 : i32
      %dma_wait3A_113 = tpu.memref_slice %arg7[%run_scoped3A_53, %dma_wait3A_112] : memref<40x128xi32, #tpu.memory_space<vmem>> -> memref<1x128xi32, #tpu.memory_space<vmem>>
      %dma_wait3A_114 = tpu.memref_squeeze %dma_wait3A_113 : memref<1x128xi32, #tpu.memory_space<vmem>> -> memref<128xi32, #tpu.memory_space<vmem>>
      %dma_wait3A_115 = arith.constant 0 : i32
      %dma_wait3A_116 = arith.constant 0 : i32
      %dma_wait3A_117 = tpu.memref_slice %arg10[%dma_wait3A_115, %dma_wait3A_116] : memref<10240x128xf32, #tpu.memory_space<vmem_shared>> -> memref<10240x128xf32, #tpu.memory_space<vmem_shared>>
      tpu.wait_indirect_dma semaphore(%run_scoped3A_105 : memref<!tpu.dma_semaphore, #tpu.memory_space<semaphore_mem>>) src(%arg8 : memref<128x128xf32, #tpu.memory_space<vmem>>) dst(%dma_wait3A_117 : memref<10240x128xf32, #tpu.memory_space<vmem_shared>>)
      tpu.yield
    }) : () -> ()
    %dma_wait3A_54 = arith.constant 0 : i32
    %dma_wait3A_55 = arith.constant 0 : i32
    %dma_wait3A_56 = tpu.memref_slice %arg6[%dma_wait3A_54, %dma_wait3A_55] : memref<40x128xi32, #tpu.memory_space<vmem>> -> memref<1x128xi32, #tpu.memory_space<vmem>>
    %dma_wait3A_57 = tpu.memref_squeeze %dma_wait3A_56 : memref<1x128xi32, #tpu.memory_space<vmem>> -> memref<128xi32, #tpu.memory_space<vmem>>
    %dma_wait3A_58 = arith.constant 0 : i32
    %dma_wait3A_59 = arith.constant 0 : i32
    %dma_wait3A_60 = tpu.memref_slice %arg2[%dma_wait3A_58, %dma_wait3A_59] : memref<10000x128xf32, #tpu.memory_space<hbm>> -> memref<10000x128xf32, #tpu.memory_space<hbm>>
    tpu.wait_indirect_dma semaphore(%arg12 : memref<!tpu.dma_semaphore, #tpu.memory_space<semaphore_mem>>) src(%dma_wait3A_60 : memref<10000x128xf32, #tpu.memory_space<hbm>>) dst(%arg9 : memref<128x128xf32, #tpu.memory_space<vmem>>)
    %run_scoped3A_61 = arith.constant 39 : i32
    "tpu.region"() ({
      %run_scoped3A_105 = tpu.sem_alloc : memref<!tpu.dma_semaphore, #tpu.memory_space<semaphore_mem>>
      %dma_start3A_106 = arith.constant 0 : i32
      %dma_start3A_107 = tpu.memref_slice %arg7[%run_scoped3A_61, %dma_start3A_106] : memref<40x128xi32, #tpu.memory_space<vmem>> -> memref<1x128xi32, #tpu.memory_space<vmem>>
      %dma_start3A_108 = tpu.memref_squeeze %dma_start3A_107 : memref<1x128xi32, #tpu.memory_space<vmem>> -> memref<128xi32, #tpu.memory_space<vmem>>
      %dma_start3A_109 = arith.constant 0 : i32
      %dma_start3A_110 = arith.constant 0 : i32
      %dma_start3A_111 = tpu.memref_slice %arg10[%dma_start3A_109, %dma_start3A_110] : memref<10240x128xf32, #tpu.memory_space<vmem_shared>> -> memref<10240x128xf32, #tpu.memory_space<vmem_shared>>
      tpu.enqueue_indirect_dma source(%arg9 : memref<128x128xf32, #tpu.memory_space<vmem>>) target(%dma_start3A_111 : memref<10240x128xf32, #tpu.memory_space<vmem_shared>>) offsets(%dma_start3A_108 : memref<128xi32, #tpu.memory_space<vmem>>) semaphore(%run_scoped3A_105 : memref<!tpu.dma_semaphore, #tpu.memory_space<semaphore_mem>>) {add = true}
      %dma_wait3A_112 = arith.constant 0 : i32
      %dma_wait3A_113 = tpu.memref_slice %arg7[%run_scoped3A_61, %dma_wait3A_112] : memref<40x128xi32, #tpu.memory_space<vmem>> -> memref<1x128xi32, #tpu.memory_space<vmem>>
      %dma_wait3A_114 = tpu.memref_squeeze %dma_wait3A_113 : memref<1x128xi32, #tpu.memory_space<vmem>> -> memref<128xi32, #tpu.memory_space<vmem>>
      %dma_wait3A_115 = arith.constant 0 : i32
      %dma_wait3A_116 = arith.constant 0 : i32
      %dma_wait3A_117 = tpu.memref_slice %arg10[%dma_wait3A_115, %dma_wait3A_116] : memref<10240x128xf32, #tpu.memory_space<vmem_shared>> -> memref<10240x128xf32, #tpu.memory_space<vmem_shared>>
      tpu.wait_indirect_dma semaphore(%run_scoped3A_105 : memref<!tpu.dma_semaphore, #tpu.memory_space<semaphore_mem>>) src(%arg9 : memref<128x128xf32, #tpu.memory_space<vmem>>) dst(%dma_wait3A_117 : memref<10240x128xf32, #tpu.memory_space<vmem_shared>>)
      tpu.yield
    }) : () -> ()
    %run_scoped3A_62 = arith.constant 1 : i32
    "tpu.region"() ({
      %run_scoped3A_105 = tpu.sem_alloc : memref<!tpu.dma_semaphore, #tpu.memory_space<semaphore_mem>>
      %dma_start3A_106 = arith.constant 0 : i32
      %dma_start3A_107 = arith.constant 0 : i32
      %dma_start3A_108 = arith.constant 0 : i32
      %dma_start3A_109 = tpu.memref_slice %arg3[%add3A, %dma_start3A_106, %dma_start3A_107, %dma_start3A_108] : memref<32x2x40x128xi32, #tpu.memory_space<hbm>> -> memref<1x2x40x128xi32, #tpu.memory_space<hbm>>
      %dma_start3A_110 = tpu.memref_squeeze %dma_start3A_109 : memref<1x2x40x128xi32, #tpu.memory_space<hbm>> -> memref<2x40x128xi32, #tpu.memory_space<hbm>>
      %dma_start3A_111 = arith.constant 0 : i32
      %dma_start3A_112 = arith.constant 0 : i32
      %dma_start3A_113 = tpu.memref_slice %dma_start3A_110[%run_scoped3A_62, %dma_start3A_111, %dma_start3A_112] : memref<2x40x128xi32, #tpu.memory_space<hbm>> -> memref<1x40x128xi32, #tpu.memory_space<hbm>>
      %dma_start3A_114 = tpu.memref_squeeze %dma_start3A_113 : memref<1x40x128xi32, #tpu.memory_space<hbm>> -> memref<40x128xi32, #tpu.memory_space<hbm>>
      %dma_start3A_115 = arith.constant 0 : i32
      %dma_start3A_116 = arith.constant 0 : i32
      %dma_start3A_117 = arith.constant 0 : i32
      %dma_start3A_118 = tpu.memref_slice %arg3[%add3A, %dma_start3A_115, %dma_start3A_116, %dma_start3A_117] : memref<32x2x40x128xi32, #tpu.memory_space<hbm>> -> memref<1x2x40x128xi32, #tpu.memory_space<hbm>>
      %dma_start3A_119 = tpu.memref_squeeze %dma_start3A_118 : memref<1x2x40x128xi32, #tpu.memory_space<hbm>> -> memref<2x40x128xi32, #tpu.memory_space<hbm>>
      %dma_start3A_120 = arith.constant 0 : i32
      %dma_start3A_121 = arith.constant 0 : i32
      %dma_start3A_122 = tpu.memref_slice %dma_start3A_119[%run_scoped3A_62, %dma_start3A_120, %dma_start3A_121] : memref<2x40x128xi32, #tpu.memory_space<hbm>> -> memref<1x40x128xi32, #tpu.memory_space<hbm>>
      %dma_start3A_123 = tpu.memref_squeeze %dma_start3A_122 : memref<1x40x128xi32, #tpu.memory_space<hbm>> -> memref<40x128xi32, #tpu.memory_space<hbm>>
      tpu.enqueue_dma source(%dma_start3A_123 : memref<40x128xi32, #tpu.memory_space<hbm>>) target(%arg6 : memref<40x128xi32, #tpu.memory_space<vmem>>) target_semaphore(%run_scoped3A_105 : memref<!tpu.dma_semaphore, #tpu.memory_space<semaphore_mem>>)
      %dma_wait3A_124 = arith.constant 0 : i32
      %dma_wait3A_125 = arith.constant 0 : i32
      %dma_wait3A_126 = arith.constant 0 : i32
      %dma_wait3A_127 = tpu.memref_slice %arg3[%add3A, %dma_wait3A_124, %dma_wait3A_125, %dma_wait3A_126] : memref<32x2x40x128xi32, #tpu.memory_space<hbm>> -> memref<1x2x40x128xi32, #tpu.memory_space<hbm>>
      %dma_wait3A_128 = tpu.memref_squeeze %dma_wait3A_127 : memref<1x2x40x128xi32, #tpu.memory_space<hbm>> -> memref<2x40x128xi32, #tpu.memory_space<hbm>>
      %dma_wait3A_129 = arith.constant 0 : i32
      %dma_wait3A_130 = arith.constant 0 : i32
      %dma_wait3A_131 = tpu.memref_slice %dma_wait3A_128[%run_scoped3A_62, %dma_wait3A_129, %dma_wait3A_130] : memref<2x40x128xi32, #tpu.memory_space<hbm>> -> memref<1x40x128xi32, #tpu.memory_space<hbm>>
      %dma_wait3A_132 = tpu.memref_squeeze %dma_wait3A_131 : memref<1x40x128xi32, #tpu.memory_space<hbm>> -> memref<40x128xi32, #tpu.memory_space<hbm>>
      %dma_wait3A_133 = arith.constant 0 : i32
      %dma_wait3A_134 = arith.constant 0 : i32
      %dma_wait3A_135 = arith.constant 0 : i32
      %dma_wait3A_136 = tpu.memref_slice %arg3[%add3A, %dma_wait3A_133, %dma_wait3A_134, %dma_wait3A_135] : memref<32x2x40x128xi32, #tpu.memory_space<hbm>> -> memref<1x2x40x128xi32, #tpu.memory_space<hbm>>
      %dma_wait3A_137 = tpu.memref_squeeze %dma_wait3A_136 : memref<1x2x40x128xi32, #tpu.memory_space<hbm>> -> memref<2x40x128xi32, #tpu.memory_space<hbm>>
      %dma_wait3A_138 = arith.constant 0 : i32
      %dma_wait3A_139 = arith.constant 0 : i32
      %dma_wait3A_140 = tpu.memref_slice %dma_wait3A_137[%run_scoped3A_62, %dma_wait3A_138, %dma_wait3A_139] : memref<2x40x128xi32, #tpu.memory_space<hbm>> -> memref<1x40x128xi32, #tpu.memory_space<hbm>>
      %dma_wait3A_141 = tpu.memref_squeeze %dma_wait3A_140 : memref<1x40x128xi32, #tpu.memory_space<hbm>> -> memref<40x128xi32, #tpu.memory_space<hbm>>
      tpu.wait_dma2 semaphore(%run_scoped3A_105 : memref<!tpu.dma_semaphore, #tpu.memory_space<semaphore_mem>>) src(%dma_wait3A_141 : memref<40x128xi32, #tpu.memory_space<hbm>>) dst(%arg6 : memref<40x128xi32, #tpu.memory_space<vmem>>)
      tpu.yield
    }) : () -> ()
    %run_scoped3A_63 = arith.constant 1 : i32
    "tpu.region"() ({
      %run_scoped3A_105 = tpu.sem_alloc : memref<!tpu.dma_semaphore, #tpu.memory_space<semaphore_mem>>
      %dma_start3A_106 = arith.constant 0 : i32
      %dma_start3A_107 = arith.constant 0 : i32
      %dma_start3A_108 = arith.constant 0 : i32
      %dma_start3A_109 = tpu.memref_slice %arg4[%add3A, %dma_start3A_106, %dma_start3A_107, %dma_start3A_108] : memref<32x2x40x128xi32, #tpu.memory_space<hbm>> -> memref<1x2x40x128xi32, #tpu.memory_space<hbm>>
      %dma_start3A_110 = tpu.memref_squeeze %dma_start3A_109 : memref<1x2x40x128xi32, #tpu.memory_space<hbm>> -> memref<2x40x128xi32, #tpu.memory_space<hbm>>
      %dma_start3A_111 = arith.constant 0 : i32
      %dma_start3A_112 = arith.constant 0 : i32
      %dma_start3A_113 = tpu.memref_slice %dma_start3A_110[%run_scoped3A_63, %dma_start3A_111, %dma_start3A_112] : memref<2x40x128xi32, #tpu.memory_space<hbm>> -> memref<1x40x128xi32, #tpu.memory_space<hbm>>
      %dma_start3A_114 = tpu.memref_squeeze %dma_start3A_113 : memref<1x40x128xi32, #tpu.memory_space<hbm>> -> memref<40x128xi32, #tpu.memory_space<hbm>>
      %dma_start3A_115 = arith.constant 0 : i32
      %dma_start3A_116 = arith.constant 0 : i32
      %dma_start3A_117 = arith.constant 0 : i32
      %dma_start3A_118 = tpu.memref_slice %arg4[%add3A, %dma_start3A_115, %dma_start3A_116, %dma_start3A_117] : memref<32x2x40x128xi32, #tpu.memory_space<hbm>> -> memref<1x2x40x128xi32, #tpu.memory_space<hbm>>
      %dma_start3A_119 = tpu.memref_squeeze %dma_start3A_118 : memref<1x2x40x128xi32, #tpu.memory_space<hbm>> -> memref<2x40x128xi32, #tpu.memory_space<hbm>>
      %dma_start3A_120 = arith.constant 0 : i32
      %dma_start3A_121 = arith.constant 0 : i32
      %dma_start3A_122 = tpu.memref_slice %dma_start3A_119[%run_scoped3A_63, %dma_start3A_120, %dma_start3A_121] : memref<2x40x128xi32, #tpu.memory_space<hbm>> -> memref<1x40x128xi32, #tpu.memory_space<hbm>>
      %dma_start3A_123 = tpu.memref_squeeze %dma_start3A_122 : memref<1x40x128xi32, #tpu.memory_space<hbm>> -> memref<40x128xi32, #tpu.memory_space<hbm>>
      tpu.enqueue_dma source(%dma_start3A_123 : memref<40x128xi32, #tpu.memory_space<hbm>>) target(%arg7 : memref<40x128xi32, #tpu.memory_space<vmem>>) target_semaphore(%run_scoped3A_105 : memref<!tpu.dma_semaphore, #tpu.memory_space<semaphore_mem>>)
      %dma_wait3A_124 = arith.constant 0 : i32
      %dma_wait3A_125 = arith.constant 0 : i32
      %dma_wait3A_126 = arith.constant 0 : i32
      %dma_wait3A_127 = tpu.memref_slice %arg4[%add3A, %dma_wait3A_124, %dma_wait3A_125, %dma_wait3A_126] : memref<32x2x40x128xi32, #tpu.memory_space<hbm>> -> memref<1x2x40x128xi32, #tpu.memory_space<hbm>>
      %dma_wait3A_128 = tpu.memref_squeeze %dma_wait3A_127 : memref<1x2x40x128xi32, #tpu.memory_space<hbm>> -> memref<2x40x128xi32, #tpu.memory_space<hbm>>
      %dma_wait3A_129 = arith.constant 0 : i32
      %dma_wait3A_130 = arith.constant 0 : i32
      %dma_wait3A_131 = tpu.memref_slice %dma_wait3A_128[%run_scoped3A_63, %dma_wait3A_129, %dma_wait3A_130] : memref<2x40x128xi32, #tpu.memory_space<hbm>> -> memref<1x40x128xi32, #tpu.memory_space<hbm>>
      %dma_wait3A_132 = tpu.memref_squeeze %dma_wait3A_131 : memref<1x40x128xi32, #tpu.memory_space<hbm>> -> memref<40x128xi32, #tpu.memory_space<hbm>>
      %dma_wait3A_133 = arith.constant 0 : i32
      %dma_wait3A_134 = arith.constant 0 : i32
      %dma_wait3A_135 = arith.constant 0 : i32
      %dma_wait3A_136 = tpu.memref_slice %arg4[%add3A, %dma_wait3A_133, %dma_wait3A_134, %dma_wait3A_135] : memref<32x2x40x128xi32, #tpu.memory_space<hbm>> -> memref<1x2x40x128xi32, #tpu.memory_space<hbm>>
      %dma_wait3A_137 = tpu.memref_squeeze %dma_wait3A_136 : memref<1x2x40x128xi32, #tpu.memory_space<hbm>> -> memref<2x40x128xi32, #tpu.memory_space<hbm>>
      %dma_wait3A_138 = arith.constant 0 : i32
      %dma_wait3A_139 = arith.constant 0 : i32
      %dma_wait3A_140 = tpu.memref_slice %dma_wait3A_137[%run_scoped3A_63, %dma_wait3A_138, %dma_wait3A_139] : memref<2x40x128xi32, #tpu.memory_space<hbm>> -> memref<1x40x128xi32, #tpu.memory_space<hbm>>
      %dma_wait3A_141 = tpu.memref_squeeze %dma_wait3A_140 : memref<1x40x128xi32, #tpu.memory_space<hbm>> -> memref<40x128xi32, #tpu.memory_space<hbm>>
      tpu.wait_dma2 semaphore(%run_scoped3A_105 : memref<!tpu.dma_semaphore, #tpu.memory_space<semaphore_mem>>) src(%dma_wait3A_141 : memref<40x128xi32, #tpu.memory_space<hbm>>) dst(%arg7 : memref<40x128xi32, #tpu.memory_space<vmem>>)
      tpu.yield
    }) : () -> ()
    %dma_start3A_64 = arith.constant 0 : i32
    %dma_start3A_65 = arith.constant 0 : i32
    %dma_start3A_66 = tpu.memref_slice %arg6[%dma_start3A_64, %dma_start3A_65] : memref<40x128xi32, #tpu.memory_space<vmem>> -> memref<1x128xi32, #tpu.memory_space<vmem>>
    %dma_start3A_67 = tpu.memref_squeeze %dma_start3A_66 : memref<1x128xi32, #tpu.memory_space<vmem>> -> memref<128xi32, #tpu.memory_space<vmem>>
    %dma_start3A_68 = arith.constant 0 : i32
    %dma_start3A_69 = arith.constant 0 : i32
    %dma_start3A_70 = tpu.memref_slice %arg2[%dma_start3A_68, %dma_start3A_69] : memref<10000x128xf32, #tpu.memory_space<hbm>> -> memref<10000x128xf32, #tpu.memory_space<hbm>>
    tpu.enqueue_indirect_dma source(%dma_start3A_70 : memref<10000x128xf32, #tpu.memory_space<hbm>>) target(%arg8 : memref<128x128xf32, #tpu.memory_space<vmem>>) offsets(%dma_start3A_67 : memref<128xi32, #tpu.memory_space<vmem>>) semaphore(%arg11 : memref<!tpu.dma_semaphore, #tpu.memory_space<semaphore_mem>>)
    %scan3A_71 = arith.constant 0 : i32
    %scan3A_72 = arith.constant 0 : i32
    %scan3A_73 = arith.constant 19 : i32
    %scan3A_74 = arith.addi %scan3A_72, %scan3A_73 : i32
    %scan3A_75 = arith.constant 1 : i32
    scf.for %scan3A_105 = %scan3A_72 to %scan3A_74 step %scan3A_75  : i32 {
      %mul3A_106 = arith.constant 2 : i32
      %mul3A_107 = arith.muli %mul3A_106, %scan3A_105 : i32
      %add3A_108 = arith.constant 1 : i32
      %add3A_109 = arith.addi %mul3A_107, %add3A_108 : i32
      %dma_start3A_110 = arith.constant 0 : i32
      %dma_start3A_111 = tpu.memref_slice %arg6[%add3A_109, %dma_start3A_110] : memref<40x128xi32, #tpu.memory_space<vmem>> -> memref<1x128xi32, #tpu.memory_space<vmem>>
      %dma_start3A_112 = tpu.memref_squeeze %dma_start3A_111 : memref<1x128xi32, #tpu.memory_space<vmem>> -> memref<128xi32, #tpu.memory_space<vmem>>
      %dma_start3A_113 = arith.constant 0 : i32
      %dma_start3A_114 = arith.constant 0 : i32
      %dma_start3A_115 = tpu.memref_slice %arg2[%dma_start3A_113, %dma_start3A_114] : memref<10000x128xf32, #tpu.memory_space<hbm>> -> memref<10000x128xf32, #tpu.memory_space<hbm>>
      tpu.enqueue_indirect_dma source(%dma_start3A_115 : memref<10000x128xf32, #tpu.memory_space<hbm>>) target(%arg9 : memref<128x128xf32, #tpu.memory_space<vmem>>) offsets(%dma_start3A_112 : memref<128xi32, #tpu.memory_space<vmem>>) semaphore(%arg12 : memref<!tpu.dma_semaphore, #tpu.memory_space<semaphore_mem>>)
      %dma_wait3A_116 = arith.constant 0 : i32
      %dma_wait3A_117 = arith.constant 0 : i32
      %dma_wait3A_118 = tpu.memref_slice %arg6[%dma_wait3A_116, %dma_wait3A_117] : memref<40x128xi32, #tpu.memory_space<vmem>> -> memref<1x128xi32, #tpu.memory_space<vmem>>
      %dma_wait3A_119 = tpu.memref_squeeze %dma_wait3A_118 : memref<1x128xi32, #tpu.memory_space<vmem>> -> memref<128xi32, #tpu.memory_space<vmem>>
      %dma_wait3A_120 = arith.constant 0 : i32
      %dma_wait3A_121 = arith.constant 0 : i32
      %dma_wait3A_122 = tpu.memref_slice %arg2[%dma_wait3A_120, %dma_wait3A_121] : memref<10000x128xf32, #tpu.memory_space<hbm>> -> memref<10000x128xf32, #tpu.memory_space<hbm>>
      tpu.wait_indirect_dma semaphore(%arg11 : memref<!tpu.dma_semaphore, #tpu.memory_space<semaphore_mem>>) src(%dma_wait3A_122 : memref<10000x128xf32, #tpu.memory_space<hbm>>) dst(%arg8 : memref<128x128xf32, #tpu.memory_space<vmem>>)
      "tpu.region"() ({
        %run_scoped3A_140 = tpu.sem_alloc : memref<!tpu.dma_semaphore, #tpu.memory_space<semaphore_mem>>
        %dma_start3A_141 = arith.constant 0 : i32
        %dma_start3A_142 = tpu.memref_slice %arg7[%mul3A_107, %dma_start3A_141] : memref<40x128xi32, #tpu.memory_space<vmem>> -> memref<1x128xi32, #tpu.memory_space<vmem>>
        %dma_start3A_143 = tpu.memref_squeeze %dma_start3A_142 : memref<1x128xi32, #tpu.memory_space<vmem>> -> memref<128xi32, #tpu.memory_space<vmem>>
        %dma_start3A_144 = arith.constant 0 : i32
        %dma_start3A_145 = arith.constant 0 : i32
        %dma_start3A_146 = tpu.memref_slice %arg10[%dma_start3A_144, %dma_start3A_145] : memref<10240x128xf32, #tpu.memory_space<vmem_shared>> -> memref<10240x128xf32, #tpu.memory_space<vmem_shared>>
        tpu.enqueue_indirect_dma source(%arg8 : memref<128x128xf32, #tpu.memory_space<vmem>>) target(%dma_start3A_146 : memref<10240x128xf32, #tpu.memory_space<vmem_shared>>) offsets(%dma_start3A_143 : memref<128xi32, #tpu.memory_space<vmem>>) semaphore(%run_scoped3A_140 : memref<!tpu.dma_semaphore, #tpu.memory_space<semaphore_mem>>) {add = true}
        %dma_wait3A_147 = arith.constant 0 : i32
        %dma_wait3A_148 = tpu.memref_slice %arg7[%mul3A_107, %dma_wait3A_147] : memref<40x128xi32, #tpu.memory_space<vmem>> -> memref<1x128xi32, #tpu.memory_space<vmem>>
        %dma_wait3A_149 = tpu.memref_squeeze %dma_wait3A_148 : memref<1x128xi32, #tpu.memory_space<vmem>> -> memref<128xi32, #tpu.memory_space<vmem>>
        %dma_wait3A_150 = arith.constant 0 : i32
        %dma_wait3A_151 = arith.constant 0 : i32
        %dma_wait3A_152 = tpu.memref_slice %arg10[%dma_wait3A_150, %dma_wait3A_151] : memref<10240x128xf32, #tpu.memory_space<vmem_shared>> -> memref<10240x128xf32, #tpu.memory_space<vmem_shared>>
        tpu.wait_indirect_dma semaphore(%run_scoped3A_140 : memref<!tpu.dma_semaphore, #tpu.memory_space<semaphore_mem>>) src(%arg8 : memref<128x128xf32, #tpu.memory_space<vmem>>) dst(%dma_wait3A_152 : memref<10240x128xf32, #tpu.memory_space<vmem_shared>>)
        tpu.yield
      }) : () -> ()
      %add3A_123 = arith.constant 2 : i32
      %add3A_124 = arith.addi %mul3A_107, %add3A_123 : i32
      %dma_start3A_125 = arith.constant 0 : i32
      %dma_start3A_126 = tpu.memref_slice %arg6[%add3A_124, %dma_start3A_125] : memref<40x128xi32, #tpu.memory_space<vmem>> -> memref<1x128xi32, #tpu.memory_space<vmem>>
      %dma_start3A_127 = tpu.memref_squeeze %dma_start3A_126 : memref<1x128xi32, #tpu.memory_space<vmem>> -> memref<128xi32, #tpu.memory_space<vmem>>
      %dma_start3A_128 = arith.constant 0 : i32
      %dma_start3A_129 = arith.constant 0 : i32
      %dma_start3A_130 = tpu.memref_slice %arg2[%dma_start3A_128, %dma_start3A_129] : memref<10000x128xf32, #tpu.memory_space<hbm>> -> memref<10000x128xf32, #tpu.memory_space<hbm>>
      tpu.enqueue_indirect_dma source(%dma_start3A_130 : memref<10000x128xf32, #tpu.memory_space<hbm>>) target(%arg8 : memref<128x128xf32, #tpu.memory_space<vmem>>) offsets(%dma_start3A_127 : memref<128xi32, #tpu.memory_space<vmem>>) semaphore(%arg11 : memref<!tpu.dma_semaphore, #tpu.memory_space<semaphore_mem>>)
      %dma_wait3A_131 = arith.constant 0 : i32
      %dma_wait3A_132 = arith.constant 0 : i32
      %dma_wait3A_133 = tpu.memref_slice %arg6[%dma_wait3A_131, %dma_wait3A_132] : memref<40x128xi32, #tpu.memory_space<vmem>> -> memref<1x128xi32, #tpu.memory_space<vmem>>
      %dma_wait3A_134 = tpu.memref_squeeze %dma_wait3A_133 : memref<1x128xi32, #tpu.memory_space<vmem>> -> memref<128xi32, #tpu.memory_space<vmem>>
      %dma_wait3A_135 = arith.constant 0 : i32
      %dma_wait3A_136 = arith.constant 0 : i32
      %dma_wait3A_137 = tpu.memref_slice %arg2[%dma_wait3A_135, %dma_wait3A_136] : memref<10000x128xf32, #tpu.memory_space<hbm>> -> memref<10000x128xf32, #tpu.memory_space<hbm>>
      tpu.wait_indirect_dma semaphore(%arg12 : memref<!tpu.dma_semaphore, #tpu.memory_space<semaphore_mem>>) src(%dma_wait3A_137 : memref<10000x128xf32, #tpu.memory_space<hbm>>) dst(%arg9 : memref<128x128xf32, #tpu.memory_space<vmem>>)
      %add3A_138 = arith.constant 1 : i32
      %add3A_139 = arith.addi %mul3A_107, %add3A_138 : i32
      "tpu.region"() ({
        %run_scoped3A_140 = tpu.sem_alloc : memref<!tpu.dma_semaphore, #tpu.memory_space<semaphore_mem>>
        %dma_start3A_141 = arith.constant 0 : i32
        %dma_start3A_142 = tpu.memref_slice %arg7[%add3A_139, %dma_start3A_141] : memref<40x128xi32, #tpu.memory_space<vmem>> -> memref<1x128xi32, #tpu.memory_space<vmem>>
        %dma_start3A_143 = tpu.memref_squeeze %dma_start3A_142 : memref<1x128xi32, #tpu.memory_space<vmem>> -> memref<128xi32, #tpu.memory_space<vmem>>
        %dma_start3A_144 = arith.constant 0 : i32
        %dma_start3A_145 = arith.constant 0 : i32
        %dma_start3A_146 = tpu.memref_slice %arg10[%dma_start3A_144, %dma_start3A_145] : memref<10240x128xf32, #tpu.memory_space<vmem_shared>> -> memref<10240x128xf32, #tpu.memory_space<vmem_shared>>
        tpu.enqueue_indirect_dma source(%arg9 : memref<128x128xf32, #tpu.memory_space<vmem>>) target(%dma_start3A_146 : memref<10240x128xf32, #tpu.memory_space<vmem_shared>>) offsets(%dma_start3A_143 : memref<128xi32, #tpu.memory_space<vmem>>) semaphore(%run_scoped3A_140 : memref<!tpu.dma_semaphore, #tpu.memory_space<semaphore_mem>>) {add = true}
        %dma_wait3A_147 = arith.constant 0 : i32
        %dma_wait3A_148 = tpu.memref_slice %arg7[%add3A_139, %dma_wait3A_147] : memref<40x128xi32, #tpu.memory_space<vmem>> -> memref<1x128xi32, #tpu.memory_space<vmem>>
        %dma_wait3A_149 = tpu.memref_squeeze %dma_wait3A_148 : memref<1x128xi32, #tpu.memory_space<vmem>> -> memref<128xi32, #tpu.memory_space<vmem>>
        %dma_wait3A_150 = arith.constant 0 : i32
        %dma_wait3A_151 = arith.constant 0 : i32
        %dma_wait3A_152 = tpu.memref_slice %arg10[%dma_wait3A_150, %dma_wait3A_151] : memref<10240x128xf32, #tpu.memory_space<vmem_shared>> -> memref<10240x128xf32, #tpu.memory_space<vmem_shared>>
        tpu.wait_indirect_dma semaphore(%run_scoped3A_140 : memref<!tpu.dma_semaphore, #tpu.memory_space<semaphore_mem>>) src(%arg9 : memref<128x128xf32, #tpu.memory_space<vmem>>) dst(%dma_wait3A_152 : memref<10240x128xf32, #tpu.memory_space<vmem_shared>>)
        tpu.yield
      }) : () -> ()
    }
    %scan3A_76 = arith.constant 19 : i32
    %dma_start3A_77 = arith.constant 39 : i32
    %dma_start3A_78 = arith.constant 0 : i32
    %dma_start3A_79 = tpu.memref_slice %arg6[%dma_start3A_77, %dma_start3A_78] : memref<40x128xi32, #tpu.memory_space<vmem>> -> memref<1x128xi32, #tpu.memory_space<vmem>>
    %dma_start3A_80 = tpu.memref_squeeze %dma_start3A_79 : memref<1x128xi32, #tpu.memory_space<vmem>> -> memref<128xi32, #tpu.memory_space<vmem>>
    %dma_start3A_81 = arith.constant 0 : i32
    %dma_start3A_82 = arith.constant 0 : i32
    %dma_start3A_83 = tpu.memref_slice %arg2[%dma_start3A_81, %dma_start3A_82] : memref<10000x128xf32, #tpu.memory_space<hbm>> -> memref<10000x128xf32, #tpu.memory_space<hbm>>
    tpu.enqueue_indirect_dma source(%dma_start3A_83 : memref<10000x128xf32, #tpu.memory_space<hbm>>) target(%arg9 : memref<128x128xf32, #tpu.memory_space<vmem>>) offsets(%dma_start3A_80 : memref<128xi32, #tpu.memory_space<vmem>>) semaphore(%arg12 : memref<!tpu.dma_semaphore, #tpu.memory_space<semaphore_mem>>)
    %dma_wait3A_84 = arith.constant 0 : i32
    %dma_wait3A_85 = arith.constant 0 : i32
    %dma_wait3A_86 = tpu.memref_slice %arg6[%dma_wait3A_84, %dma_wait3A_85] : memref<40x128xi32, #tpu.memory_space<vmem>> -> memref<1x128xi32, #tpu.memory_space<vmem>>
    %dma_wait3A_87 = tpu.memref_squeeze %dma_wait3A_86 : memref<1x128xi32, #tpu.memory_space<vmem>> -> memref<128xi32, #tpu.memory_space<vmem>>
    %dma_wait3A_88 = arith.constant 0 : i32
    %dma_wait3A_89 = arith.constant 0 : i32
    %dma_wait3A_90 = tpu.memref_slice %arg2[%dma_wait3A_88, %dma_wait3A_89] : memref<10000x128xf32, #tpu.memory_space<hbm>> -> memref<10000x128xf32, #tpu.memory_space<hbm>>
    tpu.wait_indirect_dma semaphore(%arg11 : memref<!tpu.dma_semaphore, #tpu.memory_space<semaphore_mem>>) src(%dma_wait3A_90 : memref<10000x128xf32, #tpu.memory_space<hbm>>) dst(%arg8 : memref<128x128xf32, #tpu.memory_space<vmem>>)
    %run_scoped3A_91 = arith.constant 38 : i32
    "tpu.region"() ({
      %run_scoped3A_105 = tpu.sem_alloc : memref<!tpu.dma_semaphore, #tpu.memory_space<semaphore_mem>>
      %dma_start3A_106 = arith.constant 0 : i32
      %dma_start3A_107 = tpu.memref_slice %arg7[%run_scoped3A_91, %dma_start3A_106] : memref<40x128xi32, #tpu.memory_space<vmem>> -> memref<1x128xi32, #tpu.memory_space<vmem>>
      %dma_start3A_108 = tpu.memref_squeeze %dma_start3A_107 : memref<1x128xi32, #tpu.memory_space<vmem>> -> memref<128xi32, #tpu.memory_space<vmem>>
      %dma_start3A_109 = arith.constant 0 : i32
      %dma_start3A_110 = arith.constant 0 : i32
      %dma_start3A_111 = tpu.memref_slice %arg10[%dma_start3A_109, %dma_start3A_110] : memref<10240x128xf32, #tpu.memory_space<vmem_shared>> -> memref<10240x128xf32, #tpu.memory_space<vmem_shared>>
      tpu.enqueue_indirect_dma source(%arg8 : memref<128x128xf32, #tpu.memory_space<vmem>>) target(%dma_start3A_111 : memref<10240x128xf32, #tpu.memory_space<vmem_shared>>) offsets(%dma_start3A_108 : memref<128xi32, #tpu.memory_space<vmem>>) semaphore(%run_scoped3A_105 : memref<!tpu.dma_semaphore, #tpu.memory_space<semaphore_mem>>) {add = true}
      %dma_wait3A_112 = arith.constant 0 : i32
      %dma_wait3A_113 = tpu.memref_slice %arg7[%run_scoped3A_91, %dma_wait3A_112] : memref<40x128xi32, #tpu.memory_space<vmem>> -> memref<1x128xi32, #tpu.memory_space<vmem>>
      %dma_wait3A_114 = tpu.memref_squeeze %dma_wait3A_113 : memref<1x128xi32, #tpu.memory_space<vmem>> -> memref<128xi32, #tpu.memory_space<vmem>>
      %dma_wait3A_115 = arith.constant 0 : i32
      %dma_wait3A_116 = arith.constant 0 : i32
      %dma_wait3A_117 = tpu.memref_slice %arg10[%dma_wait3A_115, %dma_wait3A_116] : memref<10240x128xf32, #tpu.memory_space<vmem_shared>> -> memref<10240x128xf32, #tpu.memory_space<vmem_shared>>
      tpu.wait_indirect_dma semaphore(%run_scoped3A_105 : memref<!tpu.dma_semaphore, #tpu.memory_space<semaphore_mem>>) src(%arg8 : memref<128x128xf32, #tpu.memory_space<vmem>>) dst(%dma_wait3A_117 : memref<10240x128xf32, #tpu.memory_space<vmem_shared>>)
      tpu.yield
    }) : () -> ()
    %dma_wait3A_92 = arith.constant 0 : i32
    %dma_wait3A_93 = arith.constant 0 : i32
    %dma_wait3A_94 = tpu.memref_slice %arg6[%dma_wait3A_92, %dma_wait3A_93] : memref<40x128xi32, #tpu.memory_space<vmem>> -> memref<1x128xi32, #tpu.memory_space<vmem>>
    %dma_wait3A_95 = tpu.memref_squeeze %dma_wait3A_94 : memref<1x128xi32, #tpu.memory_space<vmem>> -> memref<128xi32, #tpu.memory_space<vmem>>
    %dma_wait3A_96 = arith.constant 0 : i32
    %dma_wait3A_97 = arith.constant 0 : i32
    %dma_wait3A_98 = tpu.memref_slice %arg2[%dma_wait3A_96, %dma_wait3A_97] : memref<10000x128xf32, #tpu.memory_space<hbm>> -> memref<10000x128xf32, #tpu.memory_space<hbm>>
    tpu.wait_indirect_dma semaphore(%arg12 : memref<!tpu.dma_semaphore, #tpu.memory_space<semaphore_mem>>) src(%dma_wait3A_98 : memref<10000x128xf32, #tpu.memory_space<hbm>>) dst(%arg9 : memref<128x128xf32, #tpu.memory_space<vmem>>)
    %run_scoped3A_99 = arith.constant 39 : i32
    "tpu.region"() ({
      %run_scoped3A_105 = tpu.sem_alloc : memref<!tpu.dma_semaphore, #tpu.memory_space<semaphore_mem>>
      %dma_start3A_106 = arith.constant 0 : i32
      %dma_start3A_107 = tpu.memref_slice %arg7[%run_scoped3A_99, %dma_start3A_106] : memref<40x128xi32, #tpu.memory_space<vmem>> -> memref<1x128xi32, #tpu.memory_space<vmem>>
      %dma_start3A_108 = tpu.memref_squeeze %dma_start3A_107 : memref<1x128xi32, #tpu.memory_space<vmem>> -> memref<128xi32, #tpu.memory_space<vmem>>
      %dma_start3A_109 = arith.constant 0 : i32
      %dma_start3A_110 = arith.constant 0 : i32
      %dma_start3A_111 = tpu.memref_slice %arg10[%dma_start3A_109, %dma_start3A_110] : memref<10240x128xf32, #tpu.memory_space<vmem_shared>> -> memref<10240x128xf32, #tpu.memory_space<vmem_shared>>
      tpu.enqueue_indirect_dma source(%arg9 : memref<128x128xf32, #tpu.memory_space<vmem>>) target(%dma_start3A_111 : memref<10240x128xf32, #tpu.memory_space<vmem_shared>>) offsets(%dma_start3A_108 : memref<128xi32, #tpu.memory_space<vmem>>) semaphore(%run_scoped3A_105 : memref<!tpu.dma_semaphore, #tpu.memory_space<semaphore_mem>>) {add = true}
      %dma_wait3A_112 = arith.constant 0 : i32
      %dma_wait3A_113 = tpu.memref_slice %arg7[%run_scoped3A_99, %dma_wait3A_112] : memref<40x128xi32, #tpu.memory_space<vmem>> -> memref<1x128xi32, #tpu.memory_space<vmem>>
      %dma_wait3A_114 = tpu.memref_squeeze %dma_wait3A_113 : memref<1x128xi32, #tpu.memory_space<vmem>> -> memref<128xi32, #tpu.memory_space<vmem>>
      %dma_wait3A_115 = arith.constant 0 : i32
      %dma_wait3A_116 = arith.constant 0 : i32
      %dma_wait3A_117 = tpu.memref_slice %arg10[%dma_wait3A_115, %dma_wait3A_116] : memref<10240x128xf32, #tpu.memory_space<vmem_shared>> -> memref<10240x128xf32, #tpu.memory_space<vmem_shared>>
      tpu.wait_indirect_dma semaphore(%run_scoped3A_105 : memref<!tpu.dma_semaphore, #tpu.memory_space<semaphore_mem>>) src(%arg9 : memref<128x128xf32, #tpu.memory_space<vmem>>) dst(%dma_wait3A_117 : memref<10240x128xf32, #tpu.memory_space<vmem_shared>>)
      tpu.yield
    }) : () -> ()
    %barrier3A_100 = arith.constant 0 : index
    tpu.barrier barrier_id(%barrier3A_100)
    %mul3A_101 = arith.constant 640 : i32
    %mul3A_102 = arith.muli %arg1, %mul3A_101 : i32
    %mul3A_103 = arith.constant 640 : i32
    %mul3A_104 = arith.muli %arg1, %mul3A_103 : i32
    "tpu.region"() ({
      %run_scoped3A_105 = tpu.sem_alloc : memref<!tpu.dma_semaphore, #tpu.memory_space<semaphore_mem>>
      %dma_start3A_106 = arith.constant 0 : i32
      %dma_start3A_107 = arith.constant 0 : i32
      %dma_start3A_108 = tpu.memref_slice %arg5[%arg0, %dma_start3A_106, %dma_start3A_107] : memref<2x10240x128xf32, #tpu.memory_space<hbm>> -> memref<1x10240x128xf32, #tpu.memory_space<hbm>>
      %dma_start3A_109 = tpu.memref_squeeze %dma_start3A_108 : memref<1x10240x128xf32, #tpu.memory_space<hbm>> -> memref<10240x128xf32, #tpu.memory_space<hbm>>
      %dma_start3A_110 = arith.constant 0 : i32
      %dma_start3A_111 = tpu.memref_slice %dma_start3A_109[%mul3A_104, %dma_start3A_110] : memref<10240x128xf32, #tpu.memory_space<hbm>> -> memref<640x128xf32, #tpu.memory_space<hbm>>
      %dma_start3A_112 = arith.constant 0 : i32
      %dma_start3A_113 = tpu.memref_slice %arg10[%mul3A_102, %dma_start3A_112] : memref<10240x128xf32, #tpu.memory_space<vmem_shared>> -> memref<640x128xf32, #tpu.memory_space<vmem_shared>>
      tpu.enqueue_dma source(%dma_start3A_113 : memref<640x128xf32, #tpu.memory_space<vmem_shared>>) target(%dma_start3A_111 : memref<640x128xf32, #tpu.memory_space<hbm>>) target_semaphore(%run_scoped3A_105 : memref<!tpu.dma_semaphore, #tpu.memory_space<semaphore_mem>>)
      %dma_wait3A_114 = arith.constant 0 : i32
      %dma_wait3A_115 = arith.constant 0 : i32
      %dma_wait3A_116 = tpu.memref_slice %arg5[%arg0, %dma_wait3A_114, %dma_wait3A_115] : memref<2x10240x128xf32, #tpu.memory_space<hbm>> -> memref<1x10240x128xf32, #tpu.memory_space<hbm>>
      %dma_wait3A_117 = tpu.memref_squeeze %dma_wait3A_116 : memref<1x10240x128xf32, #tpu.memory_space<hbm>> -> memref<10240x128xf32, #tpu.memory_space<hbm>>
      %dma_wait3A_118 = arith.constant 0 : i32
      %dma_wait3A_119 = tpu.memref_slice %dma_wait3A_117[%mul3A_104, %dma_wait3A_118] : memref<10240x128xf32, #tpu.memory_space<hbm>> -> memref<640x128xf32, #tpu.memory_space<hbm>>
      %dma_wait3A_120 = arith.constant 0 : i32
      %dma_wait3A_121 = tpu.memref_slice %arg10[%mul3A_102, %dma_wait3A_120] : memref<10240x128xf32, #tpu.memory_space<vmem_shared>> -> memref<640x128xf32, #tpu.memory_space<vmem_shared>>
      tpu.wait_dma2 semaphore(%run_scoped3A_105 : memref<!tpu.dma_semaphore, #tpu.memory_space<semaphore_mem>>) src(%dma_wait3A_121 : memref<640x128xf32, #tpu.memory_space<vmem_shared>>) dst(%dma_wait3A_119 : memref<640x128xf32, #tpu.memory_space<hbm>>)
      tpu.yield
    }) : () -> ()
    return
  }
}

#map = affine_map<(d0, d1) -> (0, 0, 0)>
#map1 = affine_map<(d0, d1) -> (0)>
module attributes {stable_mosaic.version = 14 : i64} {
  func.func @body(%arg0: i32, %arg1: i32, %arg2: memref<32x125x80xi32, #tpu.memory_space<hbm>>, %arg3: memref<320000xf32, #tpu.memory_space<hbm>>, %arg4: memref<125x80xi32, #tpu.memory_space<vmem>>, %arg5: memref<10000xf32, #tpu.memory_space<vmem>>) attributes {dimension_semantics = [#tpu.dimension_semantics<core_parallel>, #tpu.dimension_semantics<subcore_parallel>], iteration_bounds = array<i64: 2, 16>, scalar_prefetch = 0 : i64, scratch_operands = 2 : i64, tpu.core_type = #tpu.core_type<sc_vector_subcore>, window_params = [{transform_indices = #map}, {transform_indices = #map1}]} {
    %mul3A = arith.constant 16 : i32
    %mul3A_0 = arith.muli %arg0, %mul3A : i32
    %add3A = arith.addi %mul3A_0, %arg1 : i32
    "tpu.region"() ({
      %run_scoped3A = tpu.sem_alloc : memref<!tpu.dma_semaphore, #tpu.memory_space<semaphore_mem>>
      %dma_start3A = arith.constant 0 : i32
      %dma_start3A_17 = arith.constant 0 : i32
      %dma_start3A_18 = tpu.memref_slice %arg2[%add3A, %dma_start3A, %dma_start3A_17] : memref<32x125x80xi32, #tpu.memory_space<hbm>> -> memref<1x125x80xi32, #tpu.memory_space<hbm>>
      %dma_start3A_19 = tpu.memref_squeeze %dma_start3A_18 : memref<1x125x80xi32, #tpu.memory_space<hbm>> -> memref<125x80xi32, #tpu.memory_space<hbm>>
      %dma_start3A_20 = arith.constant 0 : i32
      %dma_start3A_21 = arith.constant 0 : i32
      %dma_start3A_22 = tpu.memref_slice %arg2[%add3A, %dma_start3A_20, %dma_start3A_21] : memref<32x125x80xi32, #tpu.memory_space<hbm>> -> memref<1x125x80xi32, #tpu.memory_space<hbm>>
      %dma_start3A_23 = tpu.memref_squeeze %dma_start3A_22 : memref<1x125x80xi32, #tpu.memory_space<hbm>> -> memref<125x80xi32, #tpu.memory_space<hbm>>
      tpu.enqueue_dma source(%dma_start3A_23 : memref<125x80xi32, #tpu.memory_space<hbm>>) target(%arg4 : memref<125x80xi32, #tpu.memory_space<vmem>>) target_semaphore(%run_scoped3A : memref<!tpu.dma_semaphore, #tpu.memory_space<semaphore_mem>>)
      %dma_wait3A = arith.constant 0 : i32
      %dma_wait3A_24 = arith.constant 0 : i32
      %dma_wait3A_25 = tpu.memref_slice %arg2[%add3A, %dma_wait3A, %dma_wait3A_24] : memref<32x125x80xi32, #tpu.memory_space<hbm>> -> memref<1x125x80xi32, #tpu.memory_space<hbm>>
      %dma_wait3A_26 = tpu.memref_squeeze %dma_wait3A_25 : memref<1x125x80xi32, #tpu.memory_space<hbm>> -> memref<125x80xi32, #tpu.memory_space<hbm>>
      %dma_wait3A_27 = arith.constant 0 : i32
      %dma_wait3A_28 = arith.constant 0 : i32
      %dma_wait3A_29 = tpu.memref_slice %arg2[%add3A, %dma_wait3A_27, %dma_wait3A_28] : memref<32x125x80xi32, #tpu.memory_space<hbm>> -> memref<1x125x80xi32, #tpu.memory_space<hbm>>
      %dma_wait3A_30 = tpu.memref_squeeze %dma_wait3A_29 : memref<1x125x80xi32, #tpu.memory_space<hbm>> -> memref<125x80xi32, #tpu.memory_space<hbm>>
      tpu.wait_dma2 semaphore(%run_scoped3A : memref<!tpu.dma_semaphore, #tpu.memory_space<semaphore_mem>>) src(%dma_wait3A_30 : memref<125x80xi32, #tpu.memory_space<hbm>>) dst(%arg4 : memref<125x80xi32, #tpu.memory_space<vmem>>)
      tpu.yield
    }) : () -> ()
    %broadcast_in_dim3A = arith.constant 0.000000e+00 : f32
    %broadcast_in_dim3A_1 = vector.broadcast %broadcast_in_dim3A : f32 to vector<16xf32>
    %scan3A = arith.constant 0 : i32
    %scan3A_2 = arith.constant 0 : i32
    %scan3A_3 = arith.constant 625 : i32
    %scan3A_4 = arith.addi %scan3A_2, %scan3A_3 : i32
    %scan3A_5 = arith.constant 1 : i32
    scf.for %scan3A_17 = %scan3A_2 to %scan3A_4 step %scan3A_5  : i32 {
      %mul3A_18 = arith.constant 16 : i32
      %mul3A_19 = arith.muli %scan3A_17, %mul3A_18 : i32
      %swap3A = arith.index_cast %mul3A_19 : i32 to index
      %swap3A_20 = tpu.vector_load %arg5[%swap3A] {strides = array<i32>} : memref<10000xf32, #tpu.memory_space<vmem>>, vector<16xf32>,
      tpu.vector_store %arg5[%swap3A], %broadcast_in_dim3A_1 {strides = array<i32>} : memref<10000xf32, #tpu.memory_space<vmem>>, vector<16xf32>,
    }
    %scan3A_6 = arith.constant 625 : i32
    %broadcast_in_dim3A_7 = arith.constant 1.000000e+00 : f32
    %broadcast_in_dim3A_8 = vector.broadcast %broadcast_in_dim3A_7 : f32 to vector<16xf32>
    %scan3A_9 = arith.constant 0 : i32
    %scan3A_10 = arith.constant 0 : i32
    %scan3A_11 = arith.constant 625 : i32
    %scan3A_12 = arith.addi %scan3A_10, %scan3A_11 : i32
    %scan3A_13 = arith.constant 1 : i32
    scf.for %scan3A_17 = %scan3A_10 to %scan3A_12 step %scan3A_13  : i32 {
      %jit3A = arith.constant 5 : i32
      %div3A = arith.divsi %scan3A_17, %jit3A : i32
      %sign3A = arith.constant 0 : i32
      %sign3A_18 = arith.cmpi sgt, %scan3A_17, %sign3A : i32
      %sign3A_19 = arith.extui %sign3A_18 : i1 to i32
      %sign3A_20 = arith.constant 0 : i32
      %sign3A_21 = arith.cmpi slt, %scan3A_17, %sign3A_20 : i32
      %sign3A_22 = arith.extui %sign3A_21 : i1 to i32
      %sign3A_23 = arith.subi %sign3A_19, %sign3A_22 : i32
      %sign3A_24 = arith.constant 0 : i32
      %sign3A_25 = arith.cmpi sgt, %jit3A, %sign3A_24 : i32
      %sign3A_26 = arith.extui %sign3A_25 : i1 to i32
      %sign3A_27 = arith.constant 0 : i32
      %sign3A_28 = arith.cmpi slt, %jit3A, %sign3A_27 : i32
      %sign3A_29 = arith.extui %sign3A_28 : i1 to i32
      %sign3A_30 = arith.subi %sign3A_26, %sign3A_29 : i32
      %ne3A = arith.cmpi ne, %sign3A_23, %sign3A_30 : i32
      %rem3A = arith.remsi %scan3A_17, %jit3A : i32
      %ne3A_31 = arith.constant 0 : i32
      %ne3A_32 = arith.cmpi ne, %rem3A, %ne3A_31 : i32
      %and3A = arith.andi %ne3A, %ne3A_32 : i1
      %sub3A = arith.constant 1 : i32
      %sub3A_33 = arith.subi %div3A, %sub3A : i32
      %select_n3A = arith.select %and3A, %sub3A_33, %div3A : i32
      %jit3A_34 = arith.constant 5 : i32
      %eq3A = arith.constant 0 : i32
      %eq3A_35 = arith.cmpi eq, %jit3A_34, %eq3A : i32
      %jit3A_36 = arith.constant 1 : i32
      %select_n3A_37 = arith.select %eq3A_35, %jit3A_36, %jit3A_34 : i32
      %rem3A_38 = arith.remsi %scan3A_17, %select_n3A_37 : i32
      %ne3A_39 = arith.constant 0 : i32
      %ne3A_40 = arith.cmpi ne, %rem3A_38, %ne3A_39 : i32
      %lt3A = arith.constant 0 : i32
      %lt3A_41 = arith.cmpi slt, %rem3A_38, %lt3A : i32
      %lt3A_42 = arith.constant 0 : i32
      %lt3A_43 = arith.cmpi slt, %select_n3A_37, %lt3A_42 : i32
      %ne3A_44 = arith.xori %lt3A_41, %lt3A_43 : i1
      %and3A_45 = arith.andi %ne3A_44, %ne3A_40 : i1
      %add3A_46 = arith.addi %rem3A_38, %select_n3A_37 : i32
      %select_n3A_47 = arith.select %and3A_45, %add3A_46, %rem3A_38 : i32
      %mul3A_48 = arith.constant 16 : i32
      %mul3A_49 = arith.muli %select_n3A_47, %mul3A_48 : i32
      %get3A = arith.index_cast %select_n3A : i32 to index
      %get3A_50 = arith.index_cast %mul3A_49 : i32 to index
      %get3A_51 = tpu.vector_load %arg4[%get3A, %get3A_50] {strides = array<i32>} : memref<125x80xi32, #tpu.memory_space<vmem>>, vector<16xi32>,
      tpu.vector_store_idx %arg5[%get3A_51], %broadcast_in_dim3A_8 {add = true} : memref<10000xf32, #tpu.memory_space<vmem>>[vector<16xi32>], vector<16xf32>,
    }
    %scan3A_14 = arith.constant 625 : i32
    %mul3A_15 = arith.constant 10000 : i32
    %mul3A_16 = arith.muli %add3A, %mul3A_15 : i32
    "tpu.region"() ({
      %run_scoped3A = tpu.sem_alloc : memref<!tpu.dma_semaphore, #tpu.memory_space<semaphore_mem>>
      %dma_start3A = tpu.memref_slice %arg3[%mul3A_16] : memref<320000xf32, #tpu.memory_space<hbm>> -> memref<10000xf32, #tpu.memory_space<hbm>>
      %dma_start3A_17 = tpu.memref_slice %arg3[%mul3A_16] : memref<320000xf32, #tpu.memory_space<hbm>> -> memref<10000xf32, #tpu.memory_space<hbm>>
      tpu.enqueue_dma source(%arg5 : memref<10000xf32, #tpu.memory_space<vmem>>) target(%dma_start3A_17 : memref<10000xf32, #tpu.memory_space<hbm>>) target_semaphore(%run_scoped3A : memref<!tpu.dma_semaphore, #tpu.memory_space<semaphore_mem>>)
      %dma_wait3A = tpu.memref_slice %arg3[%mul3A_16] : memref<320000xf32, #tpu.memory_space<hbm>> -> memref<10000xf32, #tpu.memory_space<hbm>>
      %dma_wait3A_18 = tpu.memref_slice %arg3[%mul3A_16] : memref<320000xf32, #tpu.memory_space<hbm>> -> memref<10000xf32, #tpu.memory_space<hbm>>
      tpu.wait_dma2 semaphore(%run_scoped3A : memref<!tpu.dma_semaphore, #tpu.memory_space<semaphore_mem>>) src(%arg5 : memref<10000xf32, #tpu.memory_space<vmem>>) dst(%dma_wait3A_18 : memref<10000xf32, #tpu.memory_space<hbm>>)
      tpu.yield
    }) : () -> ()
    return
  }
}

#map = affine_map<(d0, d1) -> (0, 0)>
#map1 = affine_map<(d0, d1) -> (0, 0, 0, 0)>
#map2 = affine_map<(d0, d1) -> (0, 0, 0)>
module attributes {stable_mosaic.version = 14 : i64} {
  func.func @body(%arg0: i32, %arg1: i32, %arg2: memref<10000x128xf32, #tpu.memory_space<hbm>>, %arg3: memref<32x2x40x128xi32, #tpu.memory_space<hbm>>, %arg4: memref<32x2x40x128xi32, #tpu.memory_space<hbm>>, %arg5: memref<2x10240x128xf32, #tpu.memory_space<hbm>>, %arg6: memref<40x128xi32, #tpu.memory_space<vmem>>, %arg7: memref<40x128xi32, #tpu.memory_space<vmem>>, %arg8: memref<128x128xf32, #tpu.memory_space<vmem>>, %arg9: memref<128x128xf32, #tpu.memory_space<vmem>>, %arg10: memref<10240x128xf32, #tpu.memory_space<vmem_shared>>, %arg11: memref<!tpu.dma_semaphore, #tpu.memory_space<semaphore_mem>>, %arg12: memref<!tpu.dma_semaphore, #tpu.memory_space<semaphore_mem>>) attributes {dimension_semantics = [#tpu.dimension_semantics<core_parallel>, #tpu.dimension_semantics<subcore_parallel>], iteration_bounds = array<i64: 2, 16>, scalar_prefetch = 0 : i64, scratch_operands = 7 : i64, tpu.core_type = #tpu.core_type<sc_vector_subcore>, window_params = [{transform_indices = #map}, {transform_indices = #map1}, {transform_indices = #map1}, {transform_indices = #map2}]} {
    %mul3A = arith.constant 16 : i32
    %mul3A_0 = arith.muli %arg0, %mul3A : i32
    %add3A = arith.addi %mul3A_0, %arg1 : i32
    %broadcast_in_dim3A = arith.constant 0.000000e+00 : f32
    %broadcast_in_dim3A_1 = vector.broadcast %broadcast_in_dim3A : f32 to vector<16xf32>
    %scan3A = arith.constant 0 : i32
    %scan3A_2 = arith.constant 0 : i32
    %scan3A_3 = arith.constant 1024 : i32
    %scan3A_4 = arith.addi %scan3A_2, %scan3A_3 : i32
    %scan3A_5 = arith.constant 1 : i32
    scf.for %scan3A_105 = %scan3A_2 to %scan3A_4 step %scan3A_5  : i32 {
      %jit3A = arith.constant 8 : i32
      %div3A = arith.divsi %scan3A_105, %jit3A : i32
      %sign3A = arith.constant 0 : i32
      %sign3A_106 = arith.cmpi sgt, %scan3A_105, %sign3A : i32
      %sign3A_107 = arith.extui %sign3A_106 : i1 to i32
      %sign3A_108 = arith.constant 0 : i32
      %sign3A_109 = arith.cmpi slt, %scan3A_105, %sign3A_108 : i32
      %sign3A_110 = arith.extui %sign3A_109 : i1 to i32
      %sign3A_111 = arith.subi %sign3A_107, %sign3A_110 : i32
      %sign3A_112 = arith.constant 0 : i32
      %sign3A_113 = arith.cmpi sgt, %jit3A, %sign3A_112 : i32
      %sign3A_114 = arith.extui %sign3A_113 : i1 to i32
      %sign3A_115 = arith.constant 0 : i32
      %sign3A_116 = arith.cmpi slt, %jit3A, %sign3A_115 : i32
      %sign3A_117 = arith.extui %sign3A_116 : i1 to i32
      %sign3A_118 = arith.subi %sign3A_114, %sign3A_117 : i32
      %ne3A = arith.cmpi ne, %sign3A_111, %sign3A_118 : i32
      %rem3A = arith.remsi %scan3A_105, %jit3A : i32
      %ne3A_119 = arith.constant 0 : i32
      %ne3A_120 = arith.cmpi ne, %rem3A, %ne3A_119 : i32
      %and3A = arith.andi %ne3A, %ne3A_120 : i1
      %sub3A = arith.constant 1 : i32
      %sub3A_121 = arith.subi %div3A, %sub3A : i32
      %select_n3A = arith.select %and3A, %sub3A_121, %div3A : i32
      %jit3A_122 = arith.constant 8 : i32
      %eq3A = arith.constant 0 : i32
      %eq3A_123 = arith.cmpi eq, %jit3A_122, %eq3A : i32
      %jit3A_124 = arith.constant 1 : i32
      %select_n3A_125 = arith.select %eq3A_123, %jit3A_124, %jit3A_122 : i32
      %rem3A_126 = arith.remsi %scan3A_105, %select_n3A_125 : i32
      %ne3A_127 = arith.constant 0 : i32
      %ne3A_128 = arith.cmpi ne, %rem3A_126, %ne3A_127 : i32
      %lt3A = arith.constant 0 : i32
      %lt3A_129 = arith.cmpi slt, %rem3A_126, %lt3A : i32
      %lt3A_130 = arith.constant 0 : i32
      %lt3A_131 = arith.cmpi slt, %select_n3A_125, %lt3A_130 : i32
      %ne3A_132 = arith.xori %lt3A_129, %lt3A_131 : i1
      %and3A_133 = arith.andi %ne3A_132, %ne3A_128 : i1
      %add3A_134 = arith.addi %rem3A_126, %select_n3A_125 : i32
      %select_n3A_135 = arith.select %and3A_133, %add3A_134, %rem3A_126 : i32
      %mul3A_136 = arith.constant 16 : i32
      %mul3A_137 = arith.muli %select_n3A_135, %mul3A_136 : i32
      %swap3A = arith.index_cast %select_n3A : i32 to index
      %swap3A_138 = arith.index_cast %mul3A_137 : i32 to index
      %swap3A_139 = tpu.vector_load %arg8[%swap3A, %swap3A_138] {strides = array<i32>} : memref<128x128xf32, #tpu.memory_space<vmem>>, vector<16xf32>,
      tpu.vector_store %arg8[%swap3A, %swap3A_138], %broadcast_in_dim3A_1 {strides = array<i32>} : memref<128x128xf32, #tpu.memory_space<vmem>>, vector<16xf32>,
    }
    %scan3A_6 = arith.constant 1024 : i32
    %mul3A_7 = arith.constant 640 : i32
    %mul3A_8 = arith.muli %arg1, %mul3A_7 : i32
    %add3A_9 = arith.constant 0 : i32
    %add3A_10 = arith.addi %mul3A_8, %add3A_9 : i32
    "tpu.region"() ({
      %run_scoped3A_105 = tpu.sem_alloc : memref<!tpu.dma_semaphore, #tpu.memory_space<semaphore_mem>>
      %dma_start3A_106 = arith.constant 0 : i32
      %dma_start3A_107 = tpu.memref_slice %arg10[%add3A_10, %dma_start3A_106] : memref<10240x128xf32, #tpu.memory_space<vmem_shared>> -> memref<128x128xf32, #tpu.memory_space<vmem_shared>>
      %dma_start3A_108 = arith.constant 0 : i32
      %dma_start3A_109 = tpu.memref_slice %arg10[%add3A_10, %dma_start3A_108] : memref<10240x128xf32, #tpu.memory_space<vmem_shared>> -> memref<128x128xf32, #tpu.memory_space<vmem_shared>>
      tpu.enqueue_dma source(%arg8 : memref<128x128xf32, #tpu.memory_space<vmem>>) target(%dma_start3A_109 : memref<128x128xf32, #tpu.memory_space<vmem_shared>>) target_semaphore(%run_scoped3A_105 : memref<!tpu.dma_semaphore, #tpu.memory_space<semaphore_mem>>)
      %dma_wait3A_110 = arith.constant 0 : i32
      %dma_wait3A_111 = tpu.memref_slice %arg10[%add3A_10, %dma_wait3A_110] : memref<10240x128xf32, #tpu.memory_space<vmem_shared>> -> memref<128x128xf32, #tpu.memory_space<vmem_shared>>
      %dma_wait3A_112 = arith.constant 0 : i32
      %dma_wait3A_113 = tpu.memref_slice %arg10[%add3A_10, %dma_wait3A_112] : memref<10240x128xf32, #tpu.memory_space<vmem_shared>> -> memref<128x128xf32, #tpu.memory_space<vmem_shared>>
      tpu.wait_dma2 semaphore(%run_scoped3A_105 : memref<!tpu.dma_semaphore, #tpu.memory_space<semaphore_mem>>) src(%arg8 : memref<128x128xf32, #tpu.memory_space<vmem>>) dst(%dma_wait3A_113 : memref<128x128xf32, #tpu.memory_space<vmem_shared>>)
      tpu.yield
    }) : () -> ()
    %mul3A_11 = arith.constant 640 : i32
    %mul3A_12 = arith.muli %arg1, %mul3A_11 : i32
    %add3A_13 = arith.constant 128 : i32
    %add3A_14 = arith.addi %mul3A_12, %add3A_13 : i32
    "tpu.region"() ({
      %run_scoped3A_105 = tpu.sem_alloc : memref<!tpu.dma_semaphore, #tpu.memory_space<semaphore_mem>>
      %dma_start3A_106 = arith.constant 0 : i32
      %dma_start3A_107 = tpu.memref_slice %arg10[%add3A_14, %dma_start3A_106] : memref<10240x128xf32, #tpu.memory_space<vmem_shared>> -> memref<128x128xf32, #tpu.memory_space<vmem_shared>>
      %dma_start3A_108 = arith.constant 0 : i32
      %dma_start3A_109 = tpu.memref_slice %arg10[%add3A_14, %dma_start3A_108] : memref<10240x128xf32, #tpu.memory_space<vmem_shared>> -> memref<128x128xf32, #tpu.memory_space<vmem_shared>>
      tpu.enqueue_dma source(%arg8 : memref<128x128xf32, #tpu.memory_space<vmem>>) target(%dma_start3A_109 : memref<128x128xf32, #tpu.memory_space<vmem_shared>>) target_semaphore(%run_scoped3A_105 : memref<!tpu.dma_semaphore, #tpu.memory_space<semaphore_mem>>)
      %dma_wait3A_110 = arith.constant 0 : i32
      %dma_wait3A_111 = tpu.memref_slice %arg10[%add3A_14, %dma_wait3A_110] : memref<10240x128xf32, #tpu.memory_space<vmem_shared>> -> memref<128x128xf32, #tpu.memory_space<vmem_shared>>
      %dma_wait3A_112 = arith.constant 0 : i32
      %dma_wait3A_113 = tpu.memref_slice %arg10[%add3A_14, %dma_wait3A_112] : memref<10240x128xf32, #tpu.memory_space<vmem_shared>> -> memref<128x128xf32, #tpu.memory_space<vmem_shared>>
      tpu.wait_dma2 semaphore(%run_scoped3A_105 : memref<!tpu.dma_semaphore, #tpu.memory_space<semaphore_mem>>) src(%arg8 : memref<128x128xf32, #tpu.memory_space<vmem>>) dst(%dma_wait3A_113 : memref<128x128xf32, #tpu.memory_space<vmem_shared>>)
      tpu.yield
    }) : () -> ()
    %mul3A_15 = arith.constant 640 : i32
    %mul3A_16 = arith.muli %arg1, %mul3A_15 : i32
    %add3A_17 = arith.constant 256 : i32
    %add3A_18 = arith.addi %mul3A_16, %add3A_17 : i32
    "tpu.region"() ({
      %run_scoped3A_105 = tpu.sem_alloc : memref<!tpu.dma_semaphore, #tpu.memory_space<semaphore_mem>>
      %dma_start3A_106 = arith.constant 0 : i32
      %dma_start3A_107 = tpu.memref_slice %arg10[%add3A_18, %dma_start3A_106] : memref<10240x128xf32, #tpu.memory_space<vmem_shared>> -> memref<128x128xf32, #tpu.memory_space<vmem_shared>>
      %dma_start3A_108 = arith.constant 0 : i32
      %dma_start3A_109 = tpu.memref_slice %arg10[%add3A_18, %dma_start3A_108] : memref<10240x128xf32, #tpu.memory_space<vmem_shared>> -> memref<128x128xf32, #tpu.memory_space<vmem_shared>>
      tpu.enqueue_dma source(%arg8 : memref<128x128xf32, #tpu.memory_space<vmem>>) target(%dma_start3A_109 : memref<128x128xf32, #tpu.memory_space<vmem_shared>>) target_semaphore(%run_scoped3A_105 : memref<!tpu.dma_semaphore, #tpu.memory_space<semaphore_mem>>)
      %dma_wait3A_110 = arith.constant 0 : i32
      %dma_wait3A_111 = tpu.memref_slice %arg10[%add3A_18, %dma_wait3A_110] : memref<10240x128xf32, #tpu.memory_space<vmem_shared>> -> memref<128x128xf32, #tpu.memory_space<vmem_shared>>
      %dma_wait3A_112 = arith.constant 0 : i32
      %dma_wait3A_113 = tpu.memref_slice %arg10[%add3A_18, %dma_wait3A_112] : memref<10240x128xf32, #tpu.memory_space<vmem_shared>> -> memref<128x128xf32, #tpu.memory_space<vmem_shared>>
      tpu.wait_dma2 semaphore(%run_scoped3A_105 : memref<!tpu.dma_semaphore, #tpu.memory_space<semaphore_mem>>) src(%arg8 : memref<128x128xf32, #tpu.memory_space<vmem>>) dst(%dma_wait3A_113 : memref<128x128xf32, #tpu.memory_space<vmem_shared>>)
      tpu.yield
    }) : () -> ()
    %mul3A_19 = arith.constant 640 : i32
    %mul3A_20 = arith.muli %arg1, %mul3A_19 : i32
    %add3A_21 = arith.constant 384 : i32
    %add3A_22 = arith.addi %mul3A_20, %add3A_21 : i32
    "tpu.region"() ({
      %run_scoped3A_105 = tpu.sem_alloc : memref<!tpu.dma_semaphore, #tpu.memory_space<semaphore_mem>>
      %dma_start3A_106 = arith.constant 0 : i32
      %dma_start3A_107 = tpu.memref_slice %arg10[%add3A_22, %dma_start3A_106] : memref<10240x128xf32, #tpu.memory_space<vmem_shared>> -> memref<128x128xf32, #tpu.memory_space<vmem_shared>>
      %dma_start3A_108 = arith.constant 0 : i32
      %dma_start3A_109 = tpu.memref_slice %arg10[%add3A_22, %dma_start3A_108] : memref<10240x128xf32, #tpu.memory_space<vmem_shared>> -> memref<128x128xf32, #tpu.memory_space<vmem_shared>>
      tpu.enqueue_dma source(%arg8 : memref<128x128xf32, #tpu.memory_space<vmem>>) target(%dma_start3A_109 : memref<128x128xf32, #tpu.memory_space<vmem_shared>>) target_semaphore(%run_scoped3A_105 : memref<!tpu.dma_semaphore, #tpu.memory_space<semaphore_mem>>)
      %dma_wait3A_110 = arith.constant 0 : i32
      %dma_wait3A_111 = tpu.memref_slice %arg10[%add3A_22, %dma_wait3A_110] : memref<10240x128xf32, #tpu.memory_space<vmem_shared>> -> memref<128x128xf32, #tpu.memory_space<vmem_shared>>
      %dma_wait3A_112 = arith.constant 0 : i32
      %dma_wait3A_113 = tpu.memref_slice %arg10[%add3A_22, %dma_wait3A_112] : memref<10240x128xf32, #tpu.memory_space<vmem_shared>> -> memref<128x128xf32, #tpu.memory_space<vmem_shared>>
      tpu.wait_dma2 semaphore(%run_scoped3A_105 : memref<!tpu.dma_semaphore, #tpu.memory_space<semaphore_mem>>) src(%arg8 : memref<128x128xf32, #tpu.memory_space<vmem>>) dst(%dma_wait3A_113 : memref<128x128xf32, #tpu.memory_space<vmem_shared>>)
      tpu.yield
    }) : () -> ()
    %mul3A_23 = arith.constant 640 : i32
    %mul3A_24 = arith.muli %arg1, %mul3A_23 : i32
    %add3A_25 = arith.constant 512 : i32
    %add3A_26 = arith.addi %mul3A_24, %add3A_25 : i32
    "tpu.region"() ({
      %run_scoped3A_105 = tpu.sem_alloc : memref<!tpu.dma_semaphore, #tpu.memory_space<semaphore_mem>>
      %dma_start3A_106 = arith.constant 0 : i32
      %dma_start3A_107 = tpu.memref_slice %arg10[%add3A_26, %dma_start3A_106] : memref<10240x128xf32, #tpu.memory_space<vmem_shared>> -> memref<128x128xf32, #tpu.memory_space<vmem_shared>>
      %dma_start3A_108 = arith.constant 0 : i32
      %dma_start3A_109 = tpu.memref_slice %arg10[%add3A_26, %dma_start3A_108] : memref<10240x128xf32, #tpu.memory_space<vmem_shared>> -> memref<128x128xf32, #tpu.memory_space<vmem_shared>>
      tpu.enqueue_dma source(%arg8 : memref<128x128xf32, #tpu.memory_space<vmem>>) target(%dma_start3A_109 : memref<128x128xf32, #tpu.memory_space<vmem_shared>>) target_semaphore(%run_scoped3A_105 : memref<!tpu.dma_semaphore, #tpu.memory_space<semaphore_mem>>)
      %dma_wait3A_110 = arith.constant 0 : i32
      %dma_wait3A_111 = tpu.memref_slice %arg10[%add3A_26, %dma_wait3A_110] : memref<10240x128xf32, #tpu.memory_space<vmem_shared>> -> memref<128x128xf32, #tpu.memory_space<vmem_shared>>
      %dma_wait3A_112 = arith.constant 0 : i32
      %dma_wait3A_113 = tpu.memref_slice %arg10[%add3A_26, %dma_wait3A_112] : memref<10240x128xf32, #tpu.memory_space<vmem_shared>> -> memref<128x128xf32, #tpu.memory_space<vmem_shared>>
      tpu.wait_dma2 semaphore(%run_scoped3A_105 : memref<!tpu.dma_semaphore, #tpu.memory_space<semaphore_mem>>) src(%arg8 : memref<128x128xf32, #tpu.memory_space<vmem>>) dst(%dma_wait3A_113 : memref<128x128xf32, #tpu.memory_space<vmem_shared>>)
      tpu.yield
    }) : () -> ()
    %barrier3A = arith.constant 0 : index
    tpu.barrier barrier_id(%barrier3A)
    %run_scoped3A = arith.constant 0 : i32
    "tpu.region"() ({
      %run_scoped3A_105 = tpu.sem_alloc : memref<!tpu.dma_semaphore, #tpu.memory_space<semaphore_mem>>
      %dma_start3A_106 = arith.constant 0 : i32
      %dma_start3A_107 = arith.constant 0 : i32
      %dma_start3A_108 = arith.constant 0 : i32
      %dma_start3A_109 = tpu.memref_slice %arg3[%add3A, %dma_start3A_106, %dma_start3A_107, %dma_start3A_108] : memref<32x2x40x128xi32, #tpu.memory_space<hbm>> -> memref<1x2x40x128xi32, #tpu.memory_space<hbm>>
      %dma_start3A_110 = tpu.memref_squeeze %dma_start3A_109 : memref<1x2x40x128xi32, #tpu.memory_space<hbm>> -> memref<2x40x128xi32, #tpu.memory_space<hbm>>
      %dma_start3A_111 = arith.constant 0 : i32
      %dma_start3A_112 = arith.constant 0 : i32
      %dma_start3A_113 = tpu.memref_slice %dma_start3A_110[%run_scoped3A, %dma_start3A_111, %dma_start3A_112] : memref<2x40x128xi32, #tpu.memory_space<hbm>> -> memref<1x40x128xi32, #tpu.memory_space<hbm>>
      %dma_start3A_114 = tpu.memref_squeeze %dma_start3A_113 : memref<1x40x128xi32, #tpu.memory_space<hbm>> -> memref<40x128xi32, #tpu.memory_space<hbm>>
      %dma_start3A_115 = arith.constant 0 : i32
      %dma_start3A_116 = arith.constant 0 : i32
      %dma_start3A_117 = arith.constant 0 : i32
      %dma_start3A_118 = tpu.memref_slice %arg3[%add3A, %dma_start3A_115, %dma_start3A_116, %dma_start3A_117] : memref<32x2x40x128xi32, #tpu.memory_space<hbm>> -> memref<1x2x40x128xi32, #tpu.memory_space<hbm>>
      %dma_start3A_119 = tpu.memref_squeeze %dma_start3A_118 : memref<1x2x40x128xi32, #tpu.memory_space<hbm>> -> memref<2x40x128xi32, #tpu.memory_space<hbm>>
      %dma_start3A_120 = arith.constant 0 : i32
      %dma_start3A_121 = arith.constant 0 : i32
      %dma_start3A_122 = tpu.memref_slice %dma_start3A_119[%run_scoped3A, %dma_start3A_120, %dma_start3A_121] : memref<2x40x128xi32, #tpu.memory_space<hbm>> -> memref<1x40x128xi32, #tpu.memory_space<hbm>>
      %dma_start3A_123 = tpu.memref_squeeze %dma_start3A_122 : memref<1x40x128xi32, #tpu.memory_space<hbm>> -> memref<40x128xi32, #tpu.memory_space<hbm>>
      tpu.enqueue_dma source(%dma_start3A_123 : memref<40x128xi32, #tpu.memory_space<hbm>>) target(%arg6 : memref<40x128xi32, #tpu.memory_space<vmem>>) target_semaphore(%run_scoped3A_105 : memref<!tpu.dma_semaphore, #tpu.memory_space<semaphore_mem>>)
      %dma_wait3A_124 = arith.constant 0 : i32
      %dma_wait3A_125 = arith.constant 0 : i32
      %dma_wait3A_126 = arith.constant 0 : i32
      %dma_wait3A_127 = tpu.memref_slice %arg3[%add3A, %dma_wait3A_124, %dma_wait3A_125, %dma_wait3A_126] : memref<32x2x40x128xi32, #tpu.memory_space<hbm>> -> memref<1x2x40x128xi32, #tpu.memory_space<hbm>>
      %dma_wait3A_128 = tpu.memref_squeeze %dma_wait3A_127 : memref<1x2x40x128xi32, #tpu.memory_space<hbm>> -> memref<2x40x128xi32, #tpu.memory_space<hbm>>
      %dma_wait3A_129 = arith.constant 0 : i32
      %dma_wait3A_130 = arith.constant 0 : i32
      %dma_wait3A_131 = tpu.memref_slice %dma_wait3A_128[%run_scoped3A, %dma_wait3A_129, %dma_wait3A_130] : memref<2x40x128xi32, #tpu.memory_space<hbm>> -> memref<1x40x128xi32, #tpu.memory_space<hbm>>
      %dma_wait3A_132 = tpu.memref_squeeze %dma_wait3A_131 : memref<1x40x128xi32, #tpu.memory_space<hbm>> -> memref<40x128xi32, #tpu.memory_space<hbm>>
      %dma_wait3A_133 = arith.constant 0 : i32
      %dma_wait3A_134 = arith.constant 0 : i32
      %dma_wait3A_135 = arith.constant 0 : i32
      %dma_wait3A_136 = tpu.memref_slice %arg3[%add3A, %dma_wait3A_133, %dma_wait3A_134, %dma_wait3A_135] : memref<32x2x40x128xi32, #tpu.memory_space<hbm>> -> memref<1x2x40x128xi32, #tpu.memory_space<hbm>>
      %dma_wait3A_137 = tpu.memref_squeeze %dma_wait3A_136 : memref<1x2x40x128xi32, #tpu.memory_space<hbm>> -> memref<2x40x128xi32, #tpu.memory_space<hbm>>
      %dma_wait3A_138 = arith.constant 0 : i32
      %dma_wait3A_139 = arith.constant 0 : i32
      %dma_wait3A_140 = tpu.memref_slice %dma_wait3A_137[%run_scoped3A, %dma_wait3A_138, %dma_wait3A_139] : memref<2x40x128xi32, #tpu.memory_space<hbm>> -> memref<1x40x128xi32, #tpu.memory_space<hbm>>
      %dma_wait3A_141 = tpu.memref_squeeze %dma_wait3A_140 : memref<1x40x128xi32, #tpu.memory_space<hbm>> -> memref<40x128xi32, #tpu.memory_space<hbm>>
      tpu.wait_dma2 semaphore(%run_scoped3A_105 : memref<!tpu.dma_semaphore, #tpu.memory_space<semaphore_mem>>) src(%dma_wait3A_141 : memref<40x128xi32, #tpu.memory_space<hbm>>) dst(%arg6 : memref<40x128xi32, #tpu.memory_space<vmem>>)
      tpu.yield
    }) : () -> ()
    %run_scoped3A_27 = arith.constant 0 : i32
    "tpu.region"() ({
      %run_scoped3A_105 = tpu.sem_alloc : memref<!tpu.dma_semaphore, #tpu.memory_space<semaphore_mem>>
      %dma_start3A_106 = arith.constant 0 : i32
      %dma_start3A_107 = arith.constant 0 : i32
      %dma_start3A_108 = arith.constant 0 : i32
      %dma_start3A_109 = tpu.memref_slice %arg4[%add3A, %dma_start3A_106, %dma_start3A_107, %dma_start3A_108] : memref<32x2x40x128xi32, #tpu.memory_space<hbm>> -> memref<1x2x40x128xi32, #tpu.memory_space<hbm>>
      %dma_start3A_110 = tpu.memref_squeeze %dma_start3A_109 : memref<1x2x40x128xi32, #tpu.memory_space<hbm>> -> memref<2x40x128xi32, #tpu.memory_space<hbm>>
      %dma_start3A_111 = arith.constant 0 : i32
      %dma_start3A_112 = arith.constant 0 : i32
      %dma_start3A_113 = tpu.memref_slice %dma_start3A_110[%run_scoped3A_27, %dma_start3A_111, %dma_start3A_112] : memref<2x40x128xi32, #tpu.memory_space<hbm>> -> memref<1x40x128xi32, #tpu.memory_space<hbm>>
      %dma_start3A_114 = tpu.memref_squeeze %dma_start3A_113 : memref<1x40x128xi32, #tpu.memory_space<hbm>> -> memref<40x128xi32, #tpu.memory_space<hbm>>
      %dma_start3A_115 = arith.constant 0 : i32
      %dma_start3A_116 = arith.constant 0 : i32
      %dma_start3A_117 = arith.constant 0 : i32
      %dma_start3A_118 = tpu.memref_slice %arg4[%add3A, %dma_start3A_115, %dma_start3A_116, %dma_start3A_117] : memref<32x2x40x128xi32, #tpu.memory_space<hbm>> -> memref<1x2x40x128xi32, #tpu.memory_space<hbm>>
      %dma_start3A_119 = tpu.memref_squeeze %dma_start3A_118 : memref<1x2x40x128xi32, #tpu.memory_space<hbm>> -> memref<2x40x128xi32, #tpu.memory_space<hbm>>
      %dma_start3A_120 = arith.constant 0 : i32
      %dma_start3A_121 = arith.constant 0 : i32
      %dma_start3A_122 = tpu.memref_slice %dma_start3A_119[%run_scoped3A_27, %dma_start3A_120, %dma_start3A_121] : memref<2x40x128xi32, #tpu.memory_space<hbm>> -> memref<1x40x128xi32, #tpu.memory_space<hbm>>
      %dma_start3A_123 = tpu.memref_squeeze %dma_start3A_122 : memref<1x40x128xi32, #tpu.memory_space<hbm>> -> memref<40x128xi32, #tpu.memory_space<hbm>>
      tpu.enqueue_dma source(%dma_start3A_123 : memref<40x128xi32, #tpu.memory_space<hbm>>) target(%arg7 : memref<40x128xi32, #tpu.memory_space<vmem>>) target_semaphore(%run_scoped3A_105 : memref<!tpu.dma_semaphore, #tpu.memory_space<semaphore_mem>>)
      %dma_wait3A_124 = arith.constant 0 : i32
      %dma_wait3A_125 = arith.constant 0 : i32
      %dma_wait3A_126 = arith.constant 0 : i32
      %dma_wait3A_127 = tpu.memref_slice %arg4[%add3A, %dma_wait3A_124, %dma_wait3A_125, %dma_wait3A_126] : memref<32x2x40x128xi32, #tpu.memory_space<hbm>> -> memref<1x2x40x128xi32, #tpu.memory_space<hbm>>
      %dma_wait3A_128 = tpu.memref_squeeze %dma_wait3A_127 : memref<1x2x40x128xi32, #tpu.memory_space<hbm>> -> memref<2x40x128xi32, #tpu.memory_space<hbm>>
      %dma_wait3A_129 = arith.constant 0 : i32
      %dma_wait3A_130 = arith.constant 0 : i32
      %dma_wait3A_131 = tpu.memref_slice %dma_wait3A_128[%run_scoped3A_27, %dma_wait3A_129, %dma_wait3A_130] : memref<2x40x128xi32, #tpu.memory_space<hbm>> -> memref<1x40x128xi32, #tpu.memory_space<hbm>>
      %dma_wait3A_132 = tpu.memref_squeeze %dma_wait3A_131 : memref<1x40x128xi32, #tpu.memory_space<hbm>> -> memref<40x128xi32, #tpu.memory_space<hbm>>
      %dma_wait3A_133 = arith.constant 0 : i32
      %dma_wait3A_134 = arith.constant 0 : i32
      %dma_wait3A_135 = arith.constant 0 : i32
      %dma_wait3A_136 = tpu.memref_slice %arg4[%add3A, %dma_wait3A_133, %dma_wait3A_134, %dma_wait3A_135] : memref<32x2x40x128xi32, #tpu.memory_space<hbm>> -> memref<1x2x40x128xi32, #tpu.memory_space<hbm>>
      %dma_wait3A_137 = tpu.memref_squeeze %dma_wait3A_136 : memref<1x2x40x128xi32, #tpu.memory_space<hbm>> -> memref<2x40x128xi32, #tpu.memory_space<hbm>>
      %dma_wait3A_138 = arith.constant 0 : i32
      %dma_wait3A_139 = arith.constant 0 : i32
      %dma_wait3A_140 = tpu.memref_slice %dma_wait3A_137[%run_scoped3A_27, %dma_wait3A_138, %dma_wait3A_139] : memref<2x40x128xi32, #tpu.memory_space<hbm>> -> memref<1x40x128xi32, #tpu.memory_space<hbm>>
      %dma_wait3A_141 = tpu.memref_squeeze %dma_wait3A_140 : memref<1x40x128xi32, #tpu.memory_space<hbm>> -> memref<40x128xi32, #tpu.memory_space<hbm>>
      tpu.wait_dma2 semaphore(%run_scoped3A_105 : memref<!tpu.dma_semaphore, #tpu.memory_space<semaphore_mem>>) src(%dma_wait3A_141 : memref<40x128xi32, #tpu.memory_space<hbm>>) dst(%arg7 : memref<40x128xi32, #tpu.memory_space<vmem>>)
      tpu.yield
    }) : () -> ()
    %dma_start3A = arith.constant 0 : i32
    %dma_start3A_28 = arith.constant 0 : i32
    %dma_start3A_29 = tpu.memref_slice %arg6[%dma_start3A, %dma_start3A_28] : memref<40x128xi32, #tpu.memory_space<vmem>> -> memref<1x128xi32, #tpu.memory_space<vmem>>
    %dma_start3A_30 = tpu.memref_squeeze %dma_start3A_29 : memref<1x128xi32, #tpu.memory_space<vmem>> -> memref<128xi32, #tpu.memory_space<vmem>>
    %dma_start3A_31 = arith.constant 0 : i32
    %dma_start3A_32 = arith.constant 0 : i32
    %dma_start3A_33 = tpu.memref_slice %arg2[%dma_start3A_31, %dma_start3A_32] : memref<10000x128xf32, #tpu.memory_space<hbm>> -> memref<10000x128xf32, #tpu.memory_space<hbm>>
    tpu.enqueue_indirect_dma source(%dma_start3A_33 : memref<10000x128xf32, #tpu.memory_space<hbm>>) target(%arg8 : memref<128x128xf32, #tpu.memory_space<vmem>>) offsets(%dma_start3A_30 : memref<128xi32, #tpu.memory_space<vmem>>) semaphore(%arg11 : memref<!tpu.dma_semaphore, #tpu.memory_space<semaphore_mem>>)
    %scan3A_34 = arith.constant 0 : i32
    %scan3A_35 = arith.constant 0 : i32
    %scan3A_36 = arith.constant 19 : i32
    %scan3A_37 = arith.addi %scan3A_35, %scan3A_36 : i32
    %scan3A_38 = arith.constant 1 : i32
    scf.for %scan3A_105 = %scan3A_35 to %scan3A_37 step %scan3A_38  : i32 {
      %mul3A_106 = arith.constant 2 : i32
      %mul3A_107 = arith.muli %mul3A_106, %scan3A_105 : i32
      %add3A_108 = arith.constant 1 : i32
      %add3A_109 = arith.addi %mul3A_107, %add3A_108 : i32
      %dma_start3A_110 = arith.constant 0 : i32
      %dma_start3A_111 = tpu.memref_slice %arg6[%add3A_109, %dma_start3A_110] : memref<40x128xi32, #tpu.memory_space<vmem>> -> memref<1x128xi32, #tpu.memory_space<vmem>>
      %dma_start3A_112 = tpu.memref_squeeze %dma_start3A_111 : memref<1x128xi32, #tpu.memory_space<vmem>> -> memref<128xi32, #tpu.memory_space<vmem>>
      %dma_start3A_113 = arith.constant 0 : i32
      %dma_start3A_114 = arith.constant 0 : i32
      %dma_start3A_115 = tpu.memref_slice %arg2[%dma_start3A_113, %dma_start3A_114] : memref<10000x128xf32, #tpu.memory_space<hbm>> -> memref<10000x128xf32, #tpu.memory_space<hbm>>
      tpu.enqueue_indirect_dma source(%dma_start3A_115 : memref<10000x128xf32, #tpu.memory_space<hbm>>) target(%arg9 : memref<128x128xf32, #tpu.memory_space<vmem>>) offsets(%dma_start3A_112 : memref<128xi32, #tpu.memory_space<vmem>>) semaphore(%arg12 : memref<!tpu.dma_semaphore, #tpu.memory_space<semaphore_mem>>)
      %dma_wait3A_116 = arith.constant 0 : i32
      %dma_wait3A_117 = arith.constant 0 : i32
      %dma_wait3A_118 = tpu.memref_slice %arg6[%dma_wait3A_116, %dma_wait3A_117] : memref<40x128xi32, #tpu.memory_space<vmem>> -> memref<1x128xi32, #tpu.memory_space<vmem>>
      %dma_wait3A_119 = tpu.memref_squeeze %dma_wait3A_118 : memref<1x128xi32, #tpu.memory_space<vmem>> -> memref<128xi32, #tpu.memory_space<vmem>>
      %dma_wait3A_120 = arith.constant 0 : i32
      %dma_wait3A_121 = arith.constant 0 : i32
      %dma_wait3A_122 = tpu.memref_slice %arg2[%dma_wait3A_120, %dma_wait3A_121] : memref<10000x128xf32, #tpu.memory_space<hbm>> -> memref<10000x128xf32, #tpu.memory_space<hbm>>
      tpu.wait_indirect_dma semaphore(%arg11 : memref<!tpu.dma_semaphore, #tpu.memory_space<semaphore_mem>>) src(%dma_wait3A_122 : memref<10000x128xf32, #tpu.memory_space<hbm>>) dst(%arg8 : memref<128x128xf32, #tpu.memory_space<vmem>>)
      "tpu.region"() ({
        %run_scoped3A_140 = tpu.sem_alloc : memref<!tpu.dma_semaphore, #tpu.memory_space<semaphore_mem>>
        %dma_start3A_141 = arith.constant 0 : i32
        %dma_start3A_142 = tpu.memref_slice %arg7[%mul3A_107, %dma_start3A_141] : memref<40x128xi32, #tpu.memory_space<vmem>> -> memref<1x128xi32, #tpu.memory_space<vmem>>
        %dma_start3A_143 = tpu.memref_squeeze %dma_start3A_142 : memref<1x128xi32, #tpu.memory_space<vmem>> -> memref<128xi32, #tpu.memory_space<vmem>>
        %dma_start3A_144 = arith.constant 0 : i32
        %dma_start3A_145 = arith.constant 0 : i32
        %dma_start3A_146 = tpu.memref_slice %arg10[%dma_start3A_144, %dma_start3A_145] : memref<10240x128xf32, #tpu.memory_space<vmem_shared>> -> memref<10240x128xf32, #tpu.memory_space<vmem_shared>>
        tpu.enqueue_indirect_dma source(%arg8 : memref<128x128xf32, #tpu.memory_space<vmem>>) target(%dma_start3A_146 : memref<10240x128xf32, #tpu.memory_space<vmem_shared>>) offsets(%dma_start3A_143 : memref<128xi32, #tpu.memory_space<vmem>>) semaphore(%run_scoped3A_140 : memref<!tpu.dma_semaphore, #tpu.memory_space<semaphore_mem>>) {add = true}
        %dma_wait3A_147 = arith.constant 0 : i32
        %dma_wait3A_148 = tpu.memref_slice %arg7[%mul3A_107, %dma_wait3A_147] : memref<40x128xi32, #tpu.memory_space<vmem>> -> memref<1x128xi32, #tpu.memory_space<vmem>>
        %dma_wait3A_149 = tpu.memref_squeeze %dma_wait3A_148 : memref<1x128xi32, #tpu.memory_space<vmem>> -> memref<128xi32, #tpu.memory_space<vmem>>
        %dma_wait3A_150 = arith.constant 0 : i32
        %dma_wait3A_151 = arith.constant 0 : i32
        %dma_wait3A_152 = tpu.memref_slice %arg10[%dma_wait3A_150, %dma_wait3A_151] : memref<10240x128xf32, #tpu.memory_space<vmem_shared>> -> memref<10240x128xf32, #tpu.memory_space<vmem_shared>>
        tpu.wait_indirect_dma semaphore(%run_scoped3A_140 : memref<!tpu.dma_semaphore, #tpu.memory_space<semaphore_mem>>) src(%arg8 : memref<128x128xf32, #tpu.memory_space<vmem>>) dst(%dma_wait3A_152 : memref<10240x128xf32, #tpu.memory_space<vmem_shared>>)
        tpu.yield
      }) : () -> ()
      %add3A_123 = arith.constant 2 : i32
      %add3A_124 = arith.addi %mul3A_107, %add3A_123 : i32
      %dma_start3A_125 = arith.constant 0 : i32
      %dma_start3A_126 = tpu.memref_slice %arg6[%add3A_124, %dma_start3A_125] : memref<40x128xi32, #tpu.memory_space<vmem>> -> memref<1x128xi32, #tpu.memory_space<vmem>>
      %dma_start3A_127 = tpu.memref_squeeze %dma_start3A_126 : memref<1x128xi32, #tpu.memory_space<vmem>> -> memref<128xi32, #tpu.memory_space<vmem>>
      %dma_start3A_128 = arith.constant 0 : i32
      %dma_start3A_129 = arith.constant 0 : i32
      %dma_start3A_130 = tpu.memref_slice %arg2[%dma_start3A_128, %dma_start3A_129] : memref<10000x128xf32, #tpu.memory_space<hbm>> -> memref<10000x128xf32, #tpu.memory_space<hbm>>
      tpu.enqueue_indirect_dma source(%dma_start3A_130 : memref<10000x128xf32, #tpu.memory_space<hbm>>) target(%arg8 : memref<128x128xf32, #tpu.memory_space<vmem>>) offsets(%dma_start3A_127 : memref<128xi32, #tpu.memory_space<vmem>>) semaphore(%arg11 : memref<!tpu.dma_semaphore, #tpu.memory_space<semaphore_mem>>)
      %dma_wait3A_131 = arith.constant 0 : i32
      %dma_wait3A_132 = arith.constant 0 : i32
      %dma_wait3A_133 = tpu.memref_slice %arg6[%dma_wait3A_131, %dma_wait3A_132] : memref<40x128xi32, #tpu.memory_space<vmem>> -> memref<1x128xi32, #tpu.memory_space<vmem>>
      %dma_wait3A_134 = tpu.memref_squeeze %dma_wait3A_133 : memref<1x128xi32, #tpu.memory_space<vmem>> -> memref<128xi32, #tpu.memory_space<vmem>>
      %dma_wait3A_135 = arith.constant 0 : i32
      %dma_wait3A_136 = arith.constant 0 : i32
      %dma_wait3A_137 = tpu.memref_slice %arg2[%dma_wait3A_135, %dma_wait3A_136] : memref<10000x128xf32, #tpu.memory_space<hbm>> -> memref<10000x128xf32, #tpu.memory_space<hbm>>
      tpu.wait_indirect_dma semaphore(%arg12 : memref<!tpu.dma_semaphore, #tpu.memory_space<semaphore_mem>>) src(%dma_wait3A_137 : memref<10000x128xf32, #tpu.memory_space<hbm>>) dst(%arg9 : memref<128x128xf32, #tpu.memory_space<vmem>>)
      %add3A_138 = arith.constant 1 : i32
      %add3A_139 = arith.addi %mul3A_107, %add3A_138 : i32
      "tpu.region"() ({
        %run_scoped3A_140 = tpu.sem_alloc : memref<!tpu.dma_semaphore, #tpu.memory_space<semaphore_mem>>
        %dma_start3A_141 = arith.constant 0 : i32
        %dma_start3A_142 = tpu.memref_slice %arg7[%add3A_139, %dma_start3A_141] : memref<40x128xi32, #tpu.memory_space<vmem>> -> memref<1x128xi32, #tpu.memory_space<vmem>>
        %dma_start3A_143 = tpu.memref_squeeze %dma_start3A_142 : memref<1x128xi32, #tpu.memory_space<vmem>> -> memref<128xi32, #tpu.memory_space<vmem>>
        %dma_start3A_144 = arith.constant 0 : i32
        %dma_start3A_145 = arith.constant 0 : i32
        %dma_start3A_146 = tpu.memref_slice %arg10[%dma_start3A_144, %dma_start3A_145] : memref<10240x128xf32, #tpu.memory_space<vmem_shared>> -> memref<10240x128xf32, #tpu.memory_space<vmem_shared>>
        tpu.enqueue_indirect_dma source(%arg9 : memref<128x128xf32, #tpu.memory_space<vmem>>) target(%dma_start3A_146 : memref<10240x128xf32, #tpu.memory_space<vmem_shared>>) offsets(%dma_start3A_143 : memref<128xi32, #tpu.memory_space<vmem>>) semaphore(%run_scoped3A_140 : memref<!tpu.dma_semaphore, #tpu.memory_space<semaphore_mem>>) {add = true}
        %dma_wait3A_147 = arith.constant 0 : i32
        %dma_wait3A_148 = tpu.memref_slice %arg7[%add3A_139, %dma_wait3A_147] : memref<40x128xi32, #tpu.memory_space<vmem>> -> memref<1x128xi32, #tpu.memory_space<vmem>>
        %dma_wait3A_149 = tpu.memref_squeeze %dma_wait3A_148 : memref<1x128xi32, #tpu.memory_space<vmem>> -> memref<128xi32, #tpu.memory_space<vmem>>
        %dma_wait3A_150 = arith.constant 0 : i32
        %dma_wait3A_151 = arith.constant 0 : i32
        %dma_wait3A_152 = tpu.memref_slice %arg10[%dma_wait3A_150, %dma_wait3A_151] : memref<10240x128xf32, #tpu.memory_space<vmem_shared>> -> memref<10240x128xf32, #tpu.memory_space<vmem_shared>>
        tpu.wait_indirect_dma semaphore(%run_scoped3A_140 : memref<!tpu.dma_semaphore, #tpu.memory_space<semaphore_mem>>) src(%arg9 : memref<128x128xf32, #tpu.memory_space<vmem>>) dst(%dma_wait3A_152 : memref<10240x128xf32, #tpu.memory_space<vmem_shared>>)
        tpu.yield
      }) : () -> ()
    }
    %scan3A_39 = arith.constant 19 : i32
    %dma_start3A_40 = arith.constant 39 : i32
    %dma_start3A_41 = arith.constant 0 : i32
    %dma_start3A_42 = tpu.memref_slice %arg6[%dma_start3A_40, %dma_start3A_41] : memref<40x128xi32, #tpu.memory_space<vmem>> -> memref<1x128xi32, #tpu.memory_space<vmem>>
    %dma_start3A_43 = tpu.memref_squeeze %dma_start3A_42 : memref<1x128xi32, #tpu.memory_space<vmem>> -> memref<128xi32, #tpu.memory_space<vmem>>
    %dma_start3A_44 = arith.constant 0 : i32
    %dma_start3A_45 = arith.constant 0 : i32
    %dma_start3A_46 = tpu.memref_slice %arg2[%dma_start3A_44, %dma_start3A_45] : memref<10000x128xf32, #tpu.memory_space<hbm>> -> memref<10000x128xf32, #tpu.memory_space<hbm>>
    tpu.enqueue_indirect_dma source(%dma_start3A_46 : memref<10000x128xf32, #tpu.memory_space<hbm>>) target(%arg9 : memref<128x128xf32, #tpu.memory_space<vmem>>) offsets(%dma_start3A_43 : memref<128xi32, #tpu.memory_space<vmem>>) semaphore(%arg12 : memref<!tpu.dma_semaphore, #tpu.memory_space<semaphore_mem>>)
    %dma_wait3A = arith.constant 0 : i32
    %dma_wait3A_47 = arith.constant 0 : i32
    %dma_wait3A_48 = tpu.memref_slice %arg6[%dma_wait3A, %dma_wait3A_47] : memref<40x128xi32, #tpu.memory_space<vmem>> -> memref<1x128xi32, #tpu.memory_space<vmem>>
    %dma_wait3A_49 = tpu.memref_squeeze %dma_wait3A_48 : memref<1x128xi32, #tpu.memory_space<vmem>> -> memref<128xi32, #tpu.memory_space<vmem>>
    %dma_wait3A_50 = arith.constant 0 : i32
    %dma_wait3A_51 = arith.constant 0 : i32
    %dma_wait3A_52 = tpu.memref_slice %arg2[%dma_wait3A_50, %dma_wait3A_51] : memref<10000x128xf32, #tpu.memory_space<hbm>> -> memref<10000x128xf32, #tpu.memory_space<hbm>>
    tpu.wait_indirect_dma semaphore(%arg11 : memref<!tpu.dma_semaphore, #tpu.memory_space<semaphore_mem>>) src(%dma_wait3A_52 : memref<10000x128xf32, #tpu.memory_space<hbm>>) dst(%arg8 : memref<128x128xf32, #tpu.memory_space<vmem>>)
    %run_scoped3A_53 = arith.constant 38 : i32
    "tpu.region"() ({
      %run_scoped3A_105 = tpu.sem_alloc : memref<!tpu.dma_semaphore, #tpu.memory_space<semaphore_mem>>
      %dma_start3A_106 = arith.constant 0 : i32
      %dma_start3A_107 = tpu.memref_slice %arg7[%run_scoped3A_53, %dma_start3A_106] : memref<40x128xi32, #tpu.memory_space<vmem>> -> memref<1x128xi32, #tpu.memory_space<vmem>>
      %dma_start3A_108 = tpu.memref_squeeze %dma_start3A_107 : memref<1x128xi32, #tpu.memory_space<vmem>> -> memref<128xi32, #tpu.memory_space<vmem>>
      %dma_start3A_109 = arith.constant 0 : i32
      %dma_start3A_110 = arith.constant 0 : i32
      %dma_start3A_111 = tpu.memref_slice %arg10[%dma_start3A_109, %dma_start3A_110] : memref<10240x128xf32, #tpu.memory_space<vmem_shared>> -> memref<10240x128xf32, #tpu.memory_space<vmem_shared>>
      tpu.enqueue_indirect_dma source(%arg8 : memref<128x128xf32, #tpu.memory_space<vmem>>) target(%dma_start3A_111 : memref<10240x128xf32, #tpu.memory_space<vmem_shared>>) offsets(%dma_start3A_108 : memref<128xi32, #tpu.memory_space<vmem>>) semaphore(%run_scoped3A_105 : memref<!tpu.dma_semaphore, #tpu.memory_space<semaphore_mem>>) {add = true}
      %dma_wait3A_112 = arith.constant 0 : i32
      %dma_wait3A_113 = tpu.memref_slice %arg7[%run_scoped3A_53, %dma_wait3A_112] : memref<40x128xi32, #tpu.memory_space<vmem>> -> memref<1x128xi32, #tpu.memory_space<vmem>>
      %dma_wait3A_114 = tpu.memref_squeeze %dma_wait3A_113 : memref<1x128xi32, #tpu.memory_space<vmem>> -> memref<128xi32, #tpu.memory_space<vmem>>
      %dma_wait3A_115 = arith.constant 0 : i32
      %dma_wait3A_116 = arith.constant 0 : i32
      %dma_wait3A_117 = tpu.memref_slice %arg10[%dma_wait3A_115, %dma_wait3A_116] : memref<10240x128xf32, #tpu.memory_space<vmem_shared>> -> memref<10240x128xf32, #tpu.memory_space<vmem_shared>>
      tpu.wait_indirect_dma semaphore(%run_scoped3A_105 : memref<!tpu.dma_semaphore, #tpu.memory_space<semaphore_mem>>) src(%arg8 : memref<128x128xf32, #tpu.memory_space<vmem>>) dst(%dma_wait3A_117 : memref<10240x128xf32, #tpu.memory_space<vmem_shared>>)
      tpu.yield
    }) : () -> ()
    %dma_wait3A_54 = arith.constant 0 : i32
    %dma_wait3A_55 = arith.constant 0 : i32
    %dma_wait3A_56 = tpu.memref_slice %arg6[%dma_wait3A_54, %dma_wait3A_55] : memref<40x128xi32, #tpu.memory_space<vmem>> -> memref<1x128xi32, #tpu.memory_space<vmem>>
    %dma_wait3A_57 = tpu.memref_squeeze %dma_wait3A_56 : memref<1x128xi32, #tpu.memory_space<vmem>> -> memref<128xi32, #tpu.memory_space<vmem>>
    %dma_wait3A_58 = arith.constant 0 : i32
    %dma_wait3A_59 = arith.constant 0 : i32
    %dma_wait3A_60 = tpu.memref_slice %arg2[%dma_wait3A_58, %dma_wait3A_59] : memref<10000x128xf32, #tpu.memory_space<hbm>> -> memref<10000x128xf32, #tpu.memory_space<hbm>>
    tpu.wait_indirect_dma semaphore(%arg12 : memref<!tpu.dma_semaphore, #tpu.memory_space<semaphore_mem>>) src(%dma_wait3A_60 : memref<10000x128xf32, #tpu.memory_space<hbm>>) dst(%arg9 : memref<128x128xf32, #tpu.memory_space<vmem>>)
    %run_scoped3A_61 = arith.constant 39 : i32
    "tpu.region"() ({
      %run_scoped3A_105 = tpu.sem_alloc : memref<!tpu.dma_semaphore, #tpu.memory_space<semaphore_mem>>
      %dma_start3A_106 = arith.constant 0 : i32
      %dma_start3A_107 = tpu.memref_slice %arg7[%run_scoped3A_61, %dma_start3A_106] : memref<40x128xi32, #tpu.memory_space<vmem>> -> memref<1x128xi32, #tpu.memory_space<vmem>>
      %dma_start3A_108 = tpu.memref_squeeze %dma_start3A_107 : memref<1x128xi32, #tpu.memory_space<vmem>> -> memref<128xi32, #tpu.memory_space<vmem>>
      %dma_start3A_109 = arith.constant 0 : i32
      %dma_start3A_110 = arith.constant 0 : i32
      %dma_start3A_111 = tpu.memref_slice %arg10[%dma_start3A_109, %dma_start3A_110] : memref<10240x128xf32, #tpu.memory_space<vmem_shared>> -> memref<10240x128xf32, #tpu.memory_space<vmem_shared>>
      tpu.enqueue_indirect_dma source(%arg9 : memref<128x128xf32, #tpu.memory_space<vmem>>) target(%dma_start3A_111 : memref<10240x128xf32, #tpu.memory_space<vmem_shared>>) offsets(%dma_start3A_108 : memref<128xi32, #tpu.memory_space<vmem>>) semaphore(%run_scoped3A_105 : memref<!tpu.dma_semaphore, #tpu.memory_space<semaphore_mem>>) {add = true}
      %dma_wait3A_112 = arith.constant 0 : i32
      %dma_wait3A_113 = tpu.memref_slice %arg7[%run_scoped3A_61, %dma_wait3A_112] : memref<40x128xi32, #tpu.memory_space<vmem>> -> memref<1x128xi32, #tpu.memory_space<vmem>>
      %dma_wait3A_114 = tpu.memref_squeeze %dma_wait3A_113 : memref<1x128xi32, #tpu.memory_space<vmem>> -> memref<128xi32, #tpu.memory_space<vmem>>
      %dma_wait3A_115 = arith.constant 0 : i32
      %dma_wait3A_116 = arith.constant 0 : i32
      %dma_wait3A_117 = tpu.memref_slice %arg10[%dma_wait3A_115, %dma_wait3A_116] : memref<10240x128xf32, #tpu.memory_space<vmem_shared>> -> memref<10240x128xf32, #tpu.memory_space<vmem_shared>>
      tpu.wait_indirect_dma semaphore(%run_scoped3A_105 : memref<!tpu.dma_semaphore, #tpu.memory_space<semaphore_mem>>) src(%arg9 : memref<128x128xf32, #tpu.memory_space<vmem>>) dst(%dma_wait3A_117 : memref<10240x128xf32, #tpu.memory_space<vmem_shared>>)
      tpu.yield
    }) : () -> ()
    %run_scoped3A_62 = arith.constant 1 : i32
    "tpu.region"() ({
      %run_scoped3A_105 = tpu.sem_alloc : memref<!tpu.dma_semaphore, #tpu.memory_space<semaphore_mem>>
      %dma_start3A_106 = arith.constant 0 : i32
      %dma_start3A_107 = arith.constant 0 : i32
      %dma_start3A_108 = arith.constant 0 : i32
      %dma_start3A_109 = tpu.memref_slice %arg3[%add3A, %dma_start3A_106, %dma_start3A_107, %dma_start3A_108] : memref<32x2x40x128xi32, #tpu.memory_space<hbm>> -> memref<1x2x40x128xi32, #tpu.memory_space<hbm>>
      %dma_start3A_110 = tpu.memref_squeeze %dma_start3A_109 : memref<1x2x40x128xi32, #tpu.memory_space<hbm>> -> memref<2x40x128xi32, #tpu.memory_space<hbm>>
      %dma_start3A_111 = arith.constant 0 : i32
      %dma_start3A_112 = arith.constant 0 : i32
      %dma_start3A_113 = tpu.memref_slice %dma_start3A_110[%run_scoped3A_62, %dma_start3A_111, %dma_start3A_112] : memref<2x40x128xi32, #tpu.memory_space<hbm>> -> memref<1x40x128xi32, #tpu.memory_space<hbm>>
      %dma_start3A_114 = tpu.memref_squeeze %dma_start3A_113 : memref<1x40x128xi32, #tpu.memory_space<hbm>> -> memref<40x128xi32, #tpu.memory_space<hbm>>
      %dma_start3A_115 = arith.constant 0 : i32
      %dma_start3A_116 = arith.constant 0 : i32
      %dma_start3A_117 = arith.constant 0 : i32
      %dma_start3A_118 = tpu.memref_slice %arg3[%add3A, %dma_start3A_115, %dma_start3A_116, %dma_start3A_117] : memref<32x2x40x128xi32, #tpu.memory_space<hbm>> -> memref<1x2x40x128xi32, #tpu.memory_space<hbm>>
      %dma_start3A_119 = tpu.memref_squeeze %dma_start3A_118 : memref<1x2x40x128xi32, #tpu.memory_space<hbm>> -> memref<2x40x128xi32, #tpu.memory_space<hbm>>
      %dma_start3A_120 = arith.constant 0 : i32
      %dma_start3A_121 = arith.constant 0 : i32
      %dma_start3A_122 = tpu.memref_slice %dma_start3A_119[%run_scoped3A_62, %dma_start3A_120, %dma_start3A_121] : memref<2x40x128xi32, #tpu.memory_space<hbm>> -> memref<1x40x128xi32, #tpu.memory_space<hbm>>
      %dma_start3A_123 = tpu.memref_squeeze %dma_start3A_122 : memref<1x40x128xi32, #tpu.memory_space<hbm>> -> memref<40x128xi32, #tpu.memory_space<hbm>>
      tpu.enqueue_dma source(%dma_start3A_123 : memref<40x128xi32, #tpu.memory_space<hbm>>) target(%arg6 : memref<40x128xi32, #tpu.memory_space<vmem>>) target_semaphore(%run_scoped3A_105 : memref<!tpu.dma_semaphore, #tpu.memory_space<semaphore_mem>>)
      %dma_wait3A_124 = arith.constant 0 : i32
      %dma_wait3A_125 = arith.constant 0 : i32
      %dma_wait3A_126 = arith.constant 0 : i32
      %dma_wait3A_127 = tpu.memref_slice %arg3[%add3A, %dma_wait3A_124, %dma_wait3A_125, %dma_wait3A_126] : memref<32x2x40x128xi32, #tpu.memory_space<hbm>> -> memref<1x2x40x128xi32, #tpu.memory_space<hbm>>
      %dma_wait3A_128 = tpu.memref_squeeze %dma_wait3A_127 : memref<1x2x40x128xi32, #tpu.memory_space<hbm>> -> memref<2x40x128xi32, #tpu.memory_space<hbm>>
      %dma_wait3A_129 = arith.constant 0 : i32
      %dma_wait3A_130 = arith.constant 0 : i32
      %dma_wait3A_131 = tpu.memref_slice %dma_wait3A_128[%run_scoped3A_62, %dma_wait3A_129, %dma_wait3A_130] : memref<2x40x128xi32, #tpu.memory_space<hbm>> -> memref<1x40x128xi32, #tpu.memory_space<hbm>>
      %dma_wait3A_132 = tpu.memref_squeeze %dma_wait3A_131 : memref<1x40x128xi32, #tpu.memory_space<hbm>> -> memref<40x128xi32, #tpu.memory_space<hbm>>
      %dma_wait3A_133 = arith.constant 0 : i32
      %dma_wait3A_134 = arith.constant 0 : i32
      %dma_wait3A_135 = arith.constant 0 : i32
      %dma_wait3A_136 = tpu.memref_slice %arg3[%add3A, %dma_wait3A_133, %dma_wait3A_134, %dma_wait3A_135] : memref<32x2x40x128xi32, #tpu.memory_space<hbm>> -> memref<1x2x40x128xi32, #tpu.memory_space<hbm>>
      %dma_wait3A_137 = tpu.memref_squeeze %dma_wait3A_136 : memref<1x2x40x128xi32, #tpu.memory_space<hbm>> -> memref<2x40x128xi32, #tpu.memory_space<hbm>>
      %dma_wait3A_138 = arith.constant 0 : i32
      %dma_wait3A_139 = arith.constant 0 : i32
      %dma_wait3A_140 = tpu.memref_slice %dma_wait3A_137[%run_scoped3A_62, %dma_wait3A_138, %dma_wait3A_139] : memref<2x40x128xi32, #tpu.memory_space<hbm>> -> memref<1x40x128xi32, #tpu.memory_space<hbm>>
      %dma_wait3A_141 = tpu.memref_squeeze %dma_wait3A_140 : memref<1x40x128xi32, #tpu.memory_space<hbm>> -> memref<40x128xi32, #tpu.memory_space<hbm>>
      tpu.wait_dma2 semaphore(%run_scoped3A_105 : memref<!tpu.dma_semaphore, #tpu.memory_space<semaphore_mem>>) src(%dma_wait3A_141 : memref<40x128xi32, #tpu.memory_space<hbm>>) dst(%arg6 : memref<40x128xi32, #tpu.memory_space<vmem>>)
      tpu.yield
    }) : () -> ()
    %run_scoped3A_63 = arith.constant 1 : i32
    "tpu.region"() ({
      %run_scoped3A_105 = tpu.sem_alloc : memref<!tpu.dma_semaphore, #tpu.memory_space<semaphore_mem>>
      %dma_start3A_106 = arith.constant 0 : i32
      %dma_start3A_107 = arith.constant 0 : i32
      %dma_start3A_108 = arith.constant 0 : i32
      %dma_start3A_109 = tpu.memref_slice %arg4[%add3A, %dma_start3A_106, %dma_start3A_107, %dma_start3A_108] : memref<32x2x40x128xi32, #tpu.memory_space<hbm>> -> memref<1x2x40x128xi32, #tpu.memory_space<hbm>>
      %dma_start3A_110 = tpu.memref_squeeze %dma_start3A_109 : memref<1x2x40x128xi32, #tpu.memory_space<hbm>> -> memref<2x40x128xi32, #tpu.memory_space<hbm>>
      %dma_start3A_111 = arith.constant 0 : i32
      %dma_start3A_112 = arith.constant 0 : i32
      %dma_start3A_113 = tpu.memref_slice %dma_start3A_110[%run_scoped3A_63, %dma_start3A_111, %dma_start3A_112] : memref<2x40x128xi32, #tpu.memory_space<hbm>> -> memref<1x40x128xi32, #tpu.memory_space<hbm>>
      %dma_start3A_114 = tpu.memref_squeeze %dma_start3A_113 : memref<1x40x128xi32, #tpu.memory_space<hbm>> -> memref<40x128xi32, #tpu.memory_space<hbm>>
      %dma_start3A_115 = arith.constant 0 : i32
      %dma_start3A_116 = arith.constant 0 : i32
      %dma_start3A_117 = arith.constant 0 : i32
      %dma_start3A_118 = tpu.memref_slice %arg4[%add3A, %dma_start3A_115, %dma_start3A_116, %dma_start3A_117] : memref<32x2x40x128xi32, #tpu.memory_space<hbm>> -> memref<1x2x40x128xi32, #tpu.memory_space<hbm>>
      %dma_start3A_119 = tpu.memref_squeeze %dma_start3A_118 : memref<1x2x40x128xi32, #tpu.memory_space<hbm>> -> memref<2x40x128xi32, #tpu.memory_space<hbm>>
      %dma_start3A_120 = arith.constant 0 : i32
      %dma_start3A_121 = arith.constant 0 : i32
      %dma_start3A_122 = tpu.memref_slice %dma_start3A_119[%run_scoped3A_63, %dma_start3A_120, %dma_start3A_121] : memref<2x40x128xi32, #tpu.memory_space<hbm>> -> memref<1x40x128xi32, #tpu.memory_space<hbm>>
      %dma_start3A_123 = tpu.memref_squeeze %dma_start3A_122 : memref<1x40x128xi32, #tpu.memory_space<hbm>> -> memref<40x128xi32, #tpu.memory_space<hbm>>
      tpu.enqueue_dma source(%dma_start3A_123 : memref<40x128xi32, #tpu.memory_space<hbm>>) target(%arg7 : memref<40x128xi32, #tpu.memory_space<vmem>>) target_semaphore(%run_scoped3A_105 : memref<!tpu.dma_semaphore, #tpu.memory_space<semaphore_mem>>)
      %dma_wait3A_124 = arith.constant 0 : i32
      %dma_wait3A_125 = arith.constant 0 : i32
      %dma_wait3A_126 = arith.constant 0 : i32
      %dma_wait3A_127 = tpu.memref_slice %arg4[%add3A, %dma_wait3A_124, %dma_wait3A_125, %dma_wait3A_126] : memref<32x2x40x128xi32, #tpu.memory_space<hbm>> -> memref<1x2x40x128xi32, #tpu.memory_space<hbm>>
      %dma_wait3A_128 = tpu.memref_squeeze %dma_wait3A_127 : memref<1x2x40x128xi32, #tpu.memory_space<hbm>> -> memref<2x40x128xi32, #tpu.memory_space<hbm>>
      %dma_wait3A_129 = arith.constant 0 : i32
      %dma_wait3A_130 = arith.constant 0 : i32
      %dma_wait3A_131 = tpu.memref_slice %dma_wait3A_128[%run_scoped3A_63, %dma_wait3A_129, %dma_wait3A_130] : memref<2x40x128xi32, #tpu.memory_space<hbm>> -> memref<1x40x128xi32, #tpu.memory_space<hbm>>
      %dma_wait3A_132 = tpu.memref_squeeze %dma_wait3A_131 : memref<1x40x128xi32, #tpu.memory_space<hbm>> -> memref<40x128xi32, #tpu.memory_space<hbm>>
      %dma_wait3A_133 = arith.constant 0 : i32
      %dma_wait3A_134 = arith.constant 0 : i32
      %dma_wait3A_135 = arith.constant 0 : i32
      %dma_wait3A_136 = tpu.memref_slice %arg4[%add3A, %dma_wait3A_133, %dma_wait3A_134, %dma_wait3A_135] : memref<32x2x40x128xi32, #tpu.memory_space<hbm>> -> memref<1x2x40x128xi32, #tpu.memory_space<hbm>>
      %dma_wait3A_137 = tpu.memref_squeeze %dma_wait3A_136 : memref<1x2x40x128xi32, #tpu.memory_space<hbm>> -> memref<2x40x128xi32, #tpu.memory_space<hbm>>
      %dma_wait3A_138 = arith.constant 0 : i32
      %dma_wait3A_139 = arith.constant 0 : i32
      %dma_wait3A_140 = tpu.memref_slice %dma_wait3A_137[%run_scoped3A_63, %dma_wait3A_138, %dma_wait3A_139] : memref<2x40x128xi32, #tpu.memory_space<hbm>> -> memref<1x40x128xi32, #tpu.memory_space<hbm>>
      %dma_wait3A_141 = tpu.memref_squeeze %dma_wait3A_140 : memref<1x40x128xi32, #tpu.memory_space<hbm>> -> memref<40x128xi32, #tpu.memory_space<hbm>>
      tpu.wait_dma2 semaphore(%run_scoped3A_105 : memref<!tpu.dma_semaphore, #tpu.memory_space<semaphore_mem>>) src(%dma_wait3A_141 : memref<40x128xi32, #tpu.memory_space<hbm>>) dst(%arg7 : memref<40x128xi32, #tpu.memory_space<vmem>>)
      tpu.yield
    }) : () -> ()
    %dma_start3A_64 = arith.constant 0 : i32
    %dma_start3A_65 = arith.constant 0 : i32
    %dma_start3A_66 = tpu.memref_slice %arg6[%dma_start3A_64, %dma_start3A_65] : memref<40x128xi32, #tpu.memory_space<vmem>> -> memref<1x128xi32, #tpu.memory_space<vmem>>
    %dma_start3A_67 = tpu.memref_squeeze %dma_start3A_66 : memref<1x128xi32, #tpu.memory_space<vmem>> -> memref<128xi32, #tpu.memory_space<vmem>>
    %dma_start3A_68 = arith.constant 0 : i32
    %dma_start3A_69 = arith.constant 0 : i32
    %dma_start3A_70 = tpu.memref_slice %arg2[%dma_start3A_68, %dma_start3A_69] : memref<10000x128xf32, #tpu.memory_space<hbm>> -> memref<10000x128xf32, #tpu.memory_space<hbm>>
    tpu.enqueue_indirect_dma source(%dma_start3A_70 : memref<10000x128xf32, #tpu.memory_space<hbm>>) target(%arg8 : memref<128x128xf32, #tpu.memory_space<vmem>>) offsets(%dma_start3A_67 : memref<128xi32, #tpu.memory_space<vmem>>) semaphore(%arg11 : memref<!tpu.dma_semaphore, #tpu.memory_space<semaphore_mem>>)
    %scan3A_71 = arith.constant 0 : i32
    %scan3A_72 = arith.constant 0 : i32
    %scan3A_73 = arith.constant 19 : i32
    %scan3A_74 = arith.addi %scan3A_72, %scan3A_73 : i32
    %scan3A_75 = arith.constant 1 : i32
    scf.for %scan3A_105 = %scan3A_72 to %scan3A_74 step %scan3A_75  : i32 {
      %mul3A_106 = arith.constant 2 : i32
      %mul3A_107 = arith.muli %mul3A_106, %scan3A_105 : i32
      %add3A_108 = arith.constant 1 : i32
      %add3A_109 = arith.addi %mul3A_107, %add3A_108 : i32
      %dma_start3A_110 = arith.constant 0 : i32
      %dma_start3A_111 = tpu.memref_slice %arg6[%add3A_109, %dma_start3A_110] : memref<40x128xi32, #tpu.memory_space<vmem>> -> memref<1x128xi32, #tpu.memory_space<vmem>>
      %dma_start3A_112 = tpu.memref_squeeze %dma_start3A_111 : memref<1x128xi32, #tpu.memory_space<vmem>> -> memref<128xi32, #tpu.memory_space<vmem>>
      %dma_start3A_113 = arith.constant 0 : i32
      %dma_start3A_114 = arith.constant 0 : i32
      %dma_start3A_115 = tpu.memref_slice %arg2[%dma_start3A_113, %dma_start3A_114] : memref<10000x128xf32, #tpu.memory_space<hbm>> -> memref<10000x128xf32, #tpu.memory_space<hbm>>
      tpu.enqueue_indirect_dma source(%dma_start3A_115 : memref<10000x128xf32, #tpu.memory_space<hbm>>) target(%arg9 : memref<128x128xf32, #tpu.memory_space<vmem>>) offsets(%dma_start3A_112 : memref<128xi32, #tpu.memory_space<vmem>>) semaphore(%arg12 : memref<!tpu.dma_semaphore, #tpu.memory_space<semaphore_mem>>)
      %dma_wait3A_116 = arith.constant 0 : i32
      %dma_wait3A_117 = arith.constant 0 : i32
      %dma_wait3A_118 = tpu.memref_slice %arg6[%dma_wait3A_116, %dma_wait3A_117] : memref<40x128xi32, #tpu.memory_space<vmem>> -> memref<1x128xi32, #tpu.memory_space<vmem>>
      %dma_wait3A_119 = tpu.memref_squeeze %dma_wait3A_118 : memref<1x128xi32, #tpu.memory_space<vmem>> -> memref<128xi32, #tpu.memory_space<vmem>>
      %dma_wait3A_120 = arith.constant 0 : i32
      %dma_wait3A_121 = arith.constant 0 : i32
      %dma_wait3A_122 = tpu.memref_slice %arg2[%dma_wait3A_120, %dma_wait3A_121] : memref<10000x128xf32, #tpu.memory_space<hbm>> -> memref<10000x128xf32, #tpu.memory_space<hbm>>
      tpu.wait_indirect_dma semaphore(%arg11 : memref<!tpu.dma_semaphore, #tpu.memory_space<semaphore_mem>>) src(%dma_wait3A_122 : memref<10000x128xf32, #tpu.memory_space<hbm>>) dst(%arg8 : memref<128x128xf32, #tpu.memory_space<vmem>>)
      "tpu.region"() ({
        %run_scoped3A_140 = tpu.sem_alloc : memref<!tpu.dma_semaphore, #tpu.memory_space<semaphore_mem>>
        %dma_start3A_141 = arith.constant 0 : i32
        %dma_start3A_142 = tpu.memref_slice %arg7[%mul3A_107, %dma_start3A_141] : memref<40x128xi32, #tpu.memory_space<vmem>> -> memref<1x128xi32, #tpu.memory_space<vmem>>
        %dma_start3A_143 = tpu.memref_squeeze %dma_start3A_142 : memref<1x128xi32, #tpu.memory_space<vmem>> -> memref<128xi32, #tpu.memory_space<vmem>>
        %dma_start3A_144 = arith.constant 0 : i32
        %dma_start3A_145 = arith.constant 0 : i32
        %dma_start3A_146 = tpu.memref_slice %arg10[%dma_start3A_144, %dma_start3A_145] : memref<10240x128xf32, #tpu.memory_space<vmem_shared>> -> memref<10240x128xf32, #tpu.memory_space<vmem_shared>>
        tpu.enqueue_indirect_dma source(%arg8 : memref<128x128xf32, #tpu.memory_space<vmem>>) target(%dma_start3A_146 : memref<10240x128xf32, #tpu.memory_space<vmem_shared>>) offsets(%dma_start3A_143 : memref<128xi32, #tpu.memory_space<vmem>>) semaphore(%run_scoped3A_140 : memref<!tpu.dma_semaphore, #tpu.memory_space<semaphore_mem>>) {add = true}
        %dma_wait3A_147 = arith.constant 0 : i32
        %dma_wait3A_148 = tpu.memref_slice %arg7[%mul3A_107, %dma_wait3A_147] : memref<40x128xi32, #tpu.memory_space<vmem>> -> memref<1x128xi32, #tpu.memory_space<vmem>>
        %dma_wait3A_149 = tpu.memref_squeeze %dma_wait3A_148 : memref<1x128xi32, #tpu.memory_space<vmem>> -> memref<128xi32, #tpu.memory_space<vmem>>
        %dma_wait3A_150 = arith.constant 0 : i32
        %dma_wait3A_151 = arith.constant 0 : i32
        %dma_wait3A_152 = tpu.memref_slice %arg10[%dma_wait3A_150, %dma_wait3A_151] : memref<10240x128xf32, #tpu.memory_space<vmem_shared>> -> memref<10240x128xf32, #tpu.memory_space<vmem_shared>>
        tpu.wait_indirect_dma semaphore(%run_scoped3A_140 : memref<!tpu.dma_semaphore, #tpu.memory_space<semaphore_mem>>) src(%arg8 : memref<128x128xf32, #tpu.memory_space<vmem>>) dst(%dma_wait3A_152 : memref<10240x128xf32, #tpu.memory_space<vmem_shared>>)
        tpu.yield
      }) : () -> ()
      %add3A_123 = arith.constant 2 : i32
      %add3A_124 = arith.addi %mul3A_107, %add3A_123 : i32
      %dma_start3A_125 = arith.constant 0 : i32
      %dma_start3A_126 = tpu.memref_slice %arg6[%add3A_124, %dma_start3A_125] : memref<40x128xi32, #tpu.memory_space<vmem>> -> memref<1x128xi32, #tpu.memory_space<vmem>>
      %dma_start3A_127 = tpu.memref_squeeze %dma_start3A_126 : memref<1x128xi32, #tpu.memory_space<vmem>> -> memref<128xi32, #tpu.memory_space<vmem>>
      %dma_start3A_128 = arith.constant 0 : i32
      %dma_start3A_129 = arith.constant 0 : i32
      %dma_start3A_130 = tpu.memref_slice %arg2[%dma_start3A_128, %dma_start3A_129] : memref<10000x128xf32, #tpu.memory_space<hbm>> -> memref<10000x128xf32, #tpu.memory_space<hbm>>
      tpu.enqueue_indirect_dma source(%dma_start3A_130 : memref<10000x128xf32, #tpu.memory_space<hbm>>) target(%arg8 : memref<128x128xf32, #tpu.memory_space<vmem>>) offsets(%dma_start3A_127 : memref<128xi32, #tpu.memory_space<vmem>>) semaphore(%arg11 : memref<!tpu.dma_semaphore, #tpu.memory_space<semaphore_mem>>)
      %dma_wait3A_131 = arith.constant 0 : i32
      %dma_wait3A_132 = arith.constant 0 : i32
      %dma_wait3A_133 = tpu.memref_slice %arg6[%dma_wait3A_131, %dma_wait3A_132] : memref<40x128xi32, #tpu.memory_space<vmem>> -> memref<1x128xi32, #tpu.memory_space<vmem>>
      %dma_wait3A_134 = tpu.memref_squeeze %dma_wait3A_133 : memref<1x128xi32, #tpu.memory_space<vmem>> -> memref<128xi32, #tpu.memory_space<vmem>>
      %dma_wait3A_135 = arith.constant 0 : i32
      %dma_wait3A_136 = arith.constant 0 : i32
      %dma_wait3A_137 = tpu.memref_slice %arg2[%dma_wait3A_135, %dma_wait3A_136] : memref<10000x128xf32, #tpu.memory_space<hbm>> -> memref<10000x128xf32, #tpu.memory_space<hbm>>
      tpu.wait_indirect_dma semaphore(%arg12 : memref<!tpu.dma_semaphore, #tpu.memory_space<semaphore_mem>>) src(%dma_wait3A_137 : memref<10000x128xf32, #tpu.memory_space<hbm>>) dst(%arg9 : memref<128x128xf32, #tpu.memory_space<vmem>>)
      %add3A_138 = arith.constant 1 : i32
      %add3A_139 = arith.addi %mul3A_107, %add3A_138 : i32
      "tpu.region"() ({
        %run_scoped3A_140 = tpu.sem_alloc : memref<!tpu.dma_semaphore, #tpu.memory_space<semaphore_mem>>
        %dma_start3A_141 = arith.constant 0 : i32
        %dma_start3A_142 = tpu.memref_slice %arg7[%add3A_139, %dma_start3A_141] : memref<40x128xi32, #tpu.memory_space<vmem>> -> memref<1x128xi32, #tpu.memory_space<vmem>>
        %dma_start3A_143 = tpu.memref_squeeze %dma_start3A_142 : memref<1x128xi32, #tpu.memory_space<vmem>> -> memref<128xi32, #tpu.memory_space<vmem>>
        %dma_start3A_144 = arith.constant 0 : i32
        %dma_start3A_145 = arith.constant 0 : i32
        %dma_start3A_146 = tpu.memref_slice %arg10[%dma_start3A_144, %dma_start3A_145] : memref<10240x128xf32, #tpu.memory_space<vmem_shared>> -> memref<10240x128xf32, #tpu.memory_space<vmem_shared>>
        tpu.enqueue_indirect_dma source(%arg9 : memref<128x128xf32, #tpu.memory_space<vmem>>) target(%dma_start3A_146 : memref<10240x128xf32, #tpu.memory_space<vmem_shared>>) offsets(%dma_start3A_143 : memref<128xi32, #tpu.memory_space<vmem>>) semaphore(%run_scoped3A_140 : memref<!tpu.dma_semaphore, #tpu.memory_space<semaphore_mem>>) {add = true}
        %dma_wait3A_147 = arith.constant 0 : i32
        %dma_wait3A_148 = tpu.memref_slice %arg7[%add3A_139, %dma_wait3A_147] : memref<40x128xi32, #tpu.memory_space<vmem>> -> memref<1x128xi32, #tpu.memory_space<vmem>>
        %dma_wait3A_149 = tpu.memref_squeeze %dma_wait3A_148 : memref<1x128xi32, #tpu.memory_space<vmem>> -> memref<128xi32, #tpu.memory_space<vmem>>
        %dma_wait3A_150 = arith.constant 0 : i32
        %dma_wait3A_151 = arith.constant 0 : i32
        %dma_wait3A_152 = tpu.memref_slice %arg10[%dma_wait3A_150, %dma_wait3A_151] : memref<10240x128xf32, #tpu.memory_space<vmem_shared>> -> memref<10240x128xf32, #tpu.memory_space<vmem_shared>>
        tpu.wait_indirect_dma semaphore(%run_scoped3A_140 : memref<!tpu.dma_semaphore, #tpu.memory_space<semaphore_mem>>) src(%arg9 : memref<128x128xf32, #tpu.memory_space<vmem>>) dst(%dma_wait3A_152 : memref<10240x128xf32, #tpu.memory_space<vmem_shared>>)
        tpu.yield
      }) : () -> ()
    }
    %scan3A_76 = arith.constant 19 : i32
    %dma_start3A_77 = arith.constant 39 : i32
    %dma_start3A_78 = arith.constant 0 : i32
    %dma_start3A_79 = tpu.memref_slice %arg6[%dma_start3A_77, %dma_start3A_78] : memref<40x128xi32, #tpu.memory_space<vmem>> -> memref<1x128xi32, #tpu.memory_space<vmem>>
    %dma_start3A_80 = tpu.memref_squeeze %dma_start3A_79 : memref<1x128xi32, #tpu.memory_space<vmem>> -> memref<128xi32, #tpu.memory_space<vmem>>
    %dma_start3A_81 = arith.constant 0 : i32
    %dma_start3A_82 = arith.constant 0 : i32
    %dma_start3A_83 = tpu.memref_slice %arg2[%dma_start3A_81, %dma_start3A_82] : memref<10000x128xf32, #tpu.memory_space<hbm>> -> memref<10000x128xf32, #tpu.memory_space<hbm>>
    tpu.enqueue_indirect_dma source(%dma_start3A_83 : memref<10000x128xf32, #tpu.memory_space<hbm>>) target(%arg9 : memref<128x128xf32, #tpu.memory_space<vmem>>) offsets(%dma_start3A_80 : memref<128xi32, #tpu.memory_space<vmem>>) semaphore(%arg12 : memref<!tpu.dma_semaphore, #tpu.memory_space<semaphore_mem>>)
    %dma_wait3A_84 = arith.constant 0 : i32
    %dma_wait3A_85 = arith.constant 0 : i32
    %dma_wait3A_86 = tpu.memref_slice %arg6[%dma_wait3A_84, %dma_wait3A_85] : memref<40x128xi32, #tpu.memory_space<vmem>> -> memref<1x128xi32, #tpu.memory_space<vmem>>
    %dma_wait3A_87 = tpu.memref_squeeze %dma_wait3A_86 : memref<1x128xi32, #tpu.memory_space<vmem>> -> memref<128xi32, #tpu.memory_space<vmem>>
    %dma_wait3A_88 = arith.constant 0 : i32
    %dma_wait3A_89 = arith.constant 0 : i32
    %dma_wait3A_90 = tpu.memref_slice %arg2[%dma_wait3A_88, %dma_wait3A_89] : memref<10000x128xf32, #tpu.memory_space<hbm>> -> memref<10000x128xf32, #tpu.memory_space<hbm>>
    tpu.wait_indirect_dma semaphore(%arg11 : memref<!tpu.dma_semaphore, #tpu.memory_space<semaphore_mem>>) src(%dma_wait3A_90 : memref<10000x128xf32, #tpu.memory_space<hbm>>) dst(%arg8 : memref<128x128xf32, #tpu.memory_space<vmem>>)
    %run_scoped3A_91 = arith.constant 38 : i32
    "tpu.region"() ({
      %run_scoped3A_105 = tpu.sem_alloc : memref<!tpu.dma_semaphore, #tpu.memory_space<semaphore_mem>>
      %dma_start3A_106 = arith.constant 0 : i32
      %dma_start3A_107 = tpu.memref_slice %arg7[%run_scoped3A_91, %dma_start3A_106] : memref<40x128xi32, #tpu.memory_space<vmem>> -> memref<1x128xi32, #tpu.memory_space<vmem>>
      %dma_start3A_108 = tpu.memref_squeeze %dma_start3A_107 : memref<1x128xi32, #tpu.memory_space<vmem>> -> memref<128xi32, #tpu.memory_space<vmem>>
      %dma_start3A_109 = arith.constant 0 : i32
      %dma_start3A_110 = arith.constant 0 : i32
      %dma_start3A_111 = tpu.memref_slice %arg10[%dma_start3A_109, %dma_start3A_110] : memref<10240x128xf32, #tpu.memory_space<vmem_shared>> -> memref<10240x128xf32, #tpu.memory_space<vmem_shared>>
      tpu.enqueue_indirect_dma source(%arg8 : memref<128x128xf32, #tpu.memory_space<vmem>>) target(%dma_start3A_111 : memref<10240x128xf32, #tpu.memory_space<vmem_shared>>) offsets(%dma_start3A_108 : memref<128xi32, #tpu.memory_space<vmem>>) semaphore(%run_scoped3A_105 : memref<!tpu.dma_semaphore, #tpu.memory_space<semaphore_mem>>) {add = true}
      %dma_wait3A_112 = arith.constant 0 : i32
      %dma_wait3A_113 = tpu.memref_slice %arg7[%run_scoped3A_91, %dma_wait3A_112] : memref<40x128xi32, #tpu.memory_space<vmem>> -> memref<1x128xi32, #tpu.memory_space<vmem>>
      %dma_wait3A_114 = tpu.memref_squeeze %dma_wait3A_113 : memref<1x128xi32, #tpu.memory_space<vmem>> -> memref<128xi32, #tpu.memory_space<vmem>>
      %dma_wait3A_115 = arith.constant 0 : i32
      %dma_wait3A_116 = arith.constant 0 : i32
      %dma_wait3A_117 = tpu.memref_slice %arg10[%dma_wait3A_115, %dma_wait3A_116] : memref<10240x128xf32, #tpu.memory_space<vmem_shared>> -> memref<10240x128xf32, #tpu.memory_space<vmem_shared>>
      tpu.wait_indirect_dma semaphore(%run_scoped3A_105 : memref<!tpu.dma_semaphore, #tpu.memory_space<semaphore_mem>>) src(%arg8 : memref<128x128xf32, #tpu.memory_space<vmem>>) dst(%dma_wait3A_117 : memref<10240x128xf32, #tpu.memory_space<vmem_shared>>)
      tpu.yield
    }) : () -> ()
    %dma_wait3A_92 = arith.constant 0 : i32
    %dma_wait3A_93 = arith.constant 0 : i32
    %dma_wait3A_94 = tpu.memref_slice %arg6[%dma_wait3A_92, %dma_wait3A_93] : memref<40x128xi32, #tpu.memory_space<vmem>> -> memref<1x128xi32, #tpu.memory_space<vmem>>
    %dma_wait3A_95 = tpu.memref_squeeze %dma_wait3A_94 : memref<1x128xi32, #tpu.memory_space<vmem>> -> memref<128xi32, #tpu.memory_space<vmem>>
    %dma_wait3A_96 = arith.constant 0 : i32
    %dma_wait3A_97 = arith.constant 0 : i32
    %dma_wait3A_98 = tpu.memref_slice %arg2[%dma_wait3A_96, %dma_wait3A_97] : memref<10000x128xf32, #tpu.memory_space<hbm>> -> memref<10000x128xf32, #tpu.memory_space<hbm>>
    tpu.wait_indirect_dma semaphore(%arg12 : memref<!tpu.dma_semaphore, #tpu.memory_space<semaphore_mem>>) src(%dma_wait3A_98 : memref<10000x128xf32, #tpu.memory_space<hbm>>) dst(%arg9 : memref<128x128xf32, #tpu.memory_space<vmem>>)
    %run_scoped3A_99 = arith.constant 39 : i32
    "tpu.region"() ({
      %run_scoped3A_105 = tpu.sem_alloc : memref<!tpu.dma_semaphore, #tpu.memory_space<semaphore_mem>>
      %dma_start3A_106 = arith.constant 0 : i32
      %dma_start3A_107 = tpu.memref_slice %arg7[%run_scoped3A_99, %dma_start3A_106] : memref<40x128xi32, #tpu.memory_space<vmem>> -> memref<1x128xi32, #tpu.memory_space<vmem>>
      %dma_start3A_108 = tpu.memref_squeeze %dma_start3A_107 : memref<1x128xi32, #tpu.memory_space<vmem>> -> memref<128xi32, #tpu.memory_space<vmem>>
      %dma_start3A_109 = arith.constant 0 : i32
      %dma_start3A_110 = arith.constant 0 : i32
      %dma_start3A_111 = tpu.memref_slice %arg10[%dma_start3A_109, %dma_start3A_110] : memref<10240x128xf32, #tpu.memory_space<vmem_shared>> -> memref<10240x128xf32, #tpu.memory_space<vmem_shared>>
      tpu.enqueue_indirect_dma source(%arg9 : memref<128x128xf32, #tpu.memory_space<vmem>>) target(%dma_start3A_111 : memref<10240x128xf32, #tpu.memory_space<vmem_shared>>) offsets(%dma_start3A_108 : memref<128xi32, #tpu.memory_space<vmem>>) semaphore(%run_scoped3A_105 : memref<!tpu.dma_semaphore, #tpu.memory_space<semaphore_mem>>) {add = true}
      %dma_wait3A_112 = arith.constant 0 : i32
      %dma_wait3A_113 = tpu.memref_slice %arg7[%run_scoped3A_99, %dma_wait3A_112] : memref<40x128xi32, #tpu.memory_space<vmem>> -> memref<1x128xi32, #tpu.memory_space<vmem>>
      %dma_wait3A_114 = tpu.memref_squeeze %dma_wait3A_113 : memref<1x128xi32, #tpu.memory_space<vmem>> -> memref<128xi32, #tpu.memory_space<vmem>>
      %dma_wait3A_115 = arith.constant 0 : i32
      %dma_wait3A_116 = arith.constant 0 : i32
      %dma_wait3A_117 = tpu.memref_slice %arg10[%dma_wait3A_115, %dma_wait3A_116] : memref<10240x128xf32, #tpu.memory_space<vmem_shared>> -> memref<10240x128xf32, #tpu.memory_space<vmem_shared>>
      tpu.wait_indirect_dma semaphore(%run_scoped3A_105 : memref<!tpu.dma_semaphore, #tpu.memory_space<semaphore_mem>>) src(%arg9 : memref<128x128xf32, #tpu.memory_space<vmem>>) dst(%dma_wait3A_117 : memref<10240x128xf32, #tpu.memory_space<vmem_shared>>)
      tpu.yield
    }) : () -> ()
    %barrier3A_100 = arith.constant 0 : index
    tpu.barrier barrier_id(%barrier3A_100)
    %mul3A_101 = arith.constant 640 : i32
    %mul3A_102 = arith.muli %arg1, %mul3A_101 : i32
    %mul3A_103 = arith.constant 640 : i32
    %mul3A_104 = arith.muli %arg1, %mul3A_103 : i32
    "tpu.region"() ({
      %run_scoped3A_105 = tpu.sem_alloc : memref<!tpu.dma_semaphore, #tpu.memory_space<semaphore_mem>>
      %dma_start3A_106 = arith.constant 0 : i32
      %dma_start3A_107 = arith.constant 0 : i32
      %dma_start3A_108 = tpu.memref_slice %arg5[%arg0, %dma_start3A_106, %dma_start3A_107] : memref<2x10240x128xf32, #tpu.memory_space<hbm>> -> memref<1x10240x128xf32, #tpu.memory_space<hbm>>
      %dma_start3A_109 = tpu.memref_squeeze %dma_start3A_108 : memref<1x10240x128xf32, #tpu.memory_space<hbm>> -> memref<10240x128xf32, #tpu.memory_space<hbm>>
      %dma_start3A_110 = arith.constant 0 : i32
      %dma_start3A_111 = tpu.memref_slice %dma_start3A_109[%mul3A_104, %dma_start3A_110] : memref<10240x128xf32, #tpu.memory_space<hbm>> -> memref<640x128xf32, #tpu.memory_space<hbm>>
      %dma_start3A_112 = arith.constant 0 : i32
      %dma_start3A_113 = tpu.memref_slice %arg10[%mul3A_102, %dma_start3A_112] : memref<10240x128xf32, #tpu.memory_space<vmem_shared>> -> memref<640x128xf32, #tpu.memory_space<vmem_shared>>
      tpu.enqueue_dma source(%dma_start3A_113 : memref<640x128xf32, #tpu.memory_space<vmem_shared>>) target(%dma_start3A_111 : memref<640x128xf32, #tpu.memory_space<hbm>>) target_semaphore(%run_scoped3A_105 : memref<!tpu.dma_semaphore, #tpu.memory_space<semaphore_mem>>)
      %dma_wait3A_114 = arith.constant 0 : i32
      %dma_wait3A_115 = arith.constant 0 : i32
      %dma_wait3A_116 = tpu.memref_slice %arg5[%arg0, %dma_wait3A_114, %dma_wait3A_115] : memref<2x10240x128xf32, #tpu.memory_space<hbm>> -> memref<1x10240x128xf32, #tpu.memory_space<hbm>>
      %dma_wait3A_117 = tpu.memref_squeeze %dma_wait3A_116 : memref<1x10240x128xf32, #tpu.memory_space<hbm>> -> memref<10240x128xf32, #tpu.memory_space<hbm>>
      %dma_wait3A_118 = arith.constant 0 : i32
      %dma_wait3A_119 = tpu.memref_slice %dma_wait3A_117[%mul3A_104, %dma_wait3A_118] : memref<10240x128xf32, #tpu.memory_space<hbm>> -> memref<640x128xf32, #tpu.memory_space<hbm>>
      %dma_wait3A_120 = arith.constant 0 : i32
      %dma_wait3A_121 = tpu.memref_slice %arg10[%mul3A_102, %dma_wait3A_120] : memref<10240x128xf32, #tpu.memory_space<vmem_shared>> -> memref<640x128xf32, #tpu.memory_space<vmem_shared>>
      tpu.wait_dma2 semaphore(%run_scoped3A_105 : memref<!tpu.dma_semaphore, #tpu.memory_space<semaphore_mem>>) src(%dma_wait3A_121 : memref<640x128xf32, #tpu.memory_space<vmem_shared>>) dst(%dma_wait3A_119 : memref<640x128xf32, #tpu.memory_space<hbm>>)
      tpu.yield
    }) : () -> ()
    return
  }
}

module attributes {stable_mosaic.version = 14 : i64} {
  func.func @_tc_layer1_body(%arg0: i32, %arg1: memref<2x1000x128xf32, #tpu.memory_space<vmem>>, %arg2: memref<1000x128xf32, #tpu.memory_space<vmem>>, %arg3: memref<1000x32xf32, #tpu.memory_space<vmem>>, %arg4: memref<128x128xf32, #tpu.memory_space<vmem>>, %arg5: memref<1x128xf32, #tpu.memory_space<vmem>>, %arg6: memref<1000x128xf32, #tpu.memory_space<vmem>>, %arg7: memref<1000x128xf32, #tpu.memory_space<vmem>>) attributes {dimension_semantics = [#tpu.dimension_semantics<arbitrary>], iteration_bounds = array<i64: 10>, scalar_prefetch = 0 : i64, scratch_operands = 0 : i64, tpu.core_type = #tpu.core_type<tc>, window_params = [{transform_indices = @transform_0, window_bounds = array<i64: 2, 1000, 128>}, {transform_indices = @transform_1, window_bounds = array<i64: 1000, 128>}, {transform_indices = @transform_2, window_bounds = array<i64: 1000, 32>}, {pipeline_mode = #tpu.pipeline_mode<synchronous>, transform_indices = @transform_3, window_bounds = array<i64: 128, 128>}, {pipeline_mode = #tpu.pipeline_mode<synchronous>, transform_indices = @transform_4, window_bounds = array<i64: 1, 128>}, {transform_indices = @transform_5, window_bounds = array<i64: 1000, 128>}, {transform_indices = @transform_6, window_bounds = array<i64: 1000, 128>}]} {
    %get3A = arith.constant 0 : index
    %get3A_0 = arith.constant 0 : index
    %get3A_1 = arith.constant 0 : index
    %get3A_2 = vector.load %arg1[%get3A, %get3A_0, %get3A_1] : memref<2x1000x128xf32, #tpu.memory_space<vmem>>, vector<1x1000x128xf32>
    %get3A_3 = vector.shape_cast %get3A_2 : vector<1x1000x128xf32> to vector<1000x128xf32>
    %get3A_4 = arith.constant 1 : index
    %get3A_5 = arith.constant 0 : index
    %get3A_6 = arith.constant 0 : index
    %get3A_7 = vector.load %arg1[%get3A_4, %get3A_5, %get3A_6] : memref<2x1000x128xf32, #tpu.memory_space<vmem>>, vector<1x1000x128xf32>
    %get3A_8 = vector.shape_cast %get3A_7 : vector<1x1000x128xf32> to vector<1000x128xf32>
    %add3A = arith.addf %get3A_3, %get3A_8 : vector<1000x128xf32>
    %get3A_9 = arith.constant 0 : index
    %get3A_10 = arith.constant 0 : index
    %get3A_11 = vector.load %arg2[%get3A_9, %get3A_10] : memref<1000x128xf32, #tpu.memory_space<vmem>>, vector<1000x128xf32>
    %add3A_12 = arith.addf %add3A, %get3A_11 : vector<1000x128xf32>
    %get3A_13 = arith.constant 0 : index
    %get3A_14 = arith.constant 0 : index
    %get3A_15 = vector.load %arg3[%get3A_13, %get3A_14] : memref<1000x32xf32, #tpu.memory_space<vmem>>, vector<1000x32xf32>
    %reduce_sum3A = arith.constant dense<0.000000e+00> : vector<1000xf32>
    %reduce_sum3A_16 = vector.multi_reduction <add>, %get3A_15, %reduce_sum3A [1] : vector<1000x32xf32> to vector<1000xf32>
    %broadcast_in_dim3A = vector.shape_cast %reduce_sum3A_16 : vector<1000xf32> to vector<1000x1xf32>
    %add3A_17 = arith.constant 1.000000e+00 : f32
    %add3A_18 = vector.broadcast %add3A_17 : f32 to vector<1000x1xf32>
    %add3A_19 = arith.addf %broadcast_in_dim3A, %add3A_18 : vector<1000x1xf32>
    %div3A = arith.constant 1.000000e+00 : f32
    %div3A_20 = vector.broadcast %div3A : f32 to vector<1000x1xf32>
    %div3A_21 = arith.divf %div3A_20, %add3A_19 : vector<1000x1xf32>
    %mul3A = vector.broadcast %div3A_21 : vector<1000x1xf32> to vector<1000x128xf32>
    %mul3A_22 = arith.mulf %add3A_12, %mul3A : vector<1000x128xf32>
    %get3A_23 = arith.constant 0 : index
    %get3A_24 = arith.constant 0 : index
    %get3A_25 = vector.load %arg4[%get3A_23, %get3A_24] : memref<128x128xf32, #tpu.memory_space<vmem>>, vector<128x128xf32>
    %dot_general3A = arith.constant dense<0.000000e+00> : vector<1000x128xf32>
    %dot_general3A_26 = tpu.matmul %mul3A_22, %get3A_25, %dot_general3A {dimension_numbers = #tpu.dot_dimension_numbers<[1], [0], [0], [1], [0, 0, 1, 1], [], []>, transpose_lhs_hint = false} : vector<1000x128xf32>, vector<128x128xf32>, vector<1000x128xf32> -> vector<1000x128xf32>
    %get3A_27 = arith.constant 0 : index
    %get3A_28 = arith.constant 0 : index
    %get3A_29 = vector.load %arg5[%get3A_27, %get3A_28] : memref<1x128xf32, #tpu.memory_space<vmem>>, vector<1x128xf32>
    %add3A_30 = vector.broadcast %get3A_29 : vector<1x128xf32> to vector<1000x128xf32>
    %add3A_31 = arith.addf %dot_general3A_26, %add3A_30 : vector<1000x128xf32>
    %max3A = arith.constant 0.000000e+00 : f32
    %max3A_32 = vector.broadcast %max3A : f32 to vector<1000x128xf32>
    %max3A_33 = arith.maximumf %add3A_31, %max3A_32 : vector<1000x128xf32>
    %swap3A = arith.constant 0 : index
    %swap3A_34 = arith.constant 0 : index
    %swap3A_35 = vector.load %arg6[%swap3A, %swap3A_34] : memref<1000x128xf32, #tpu.memory_space<vmem>>, vector<1000x128xf32>
    tpu.vector_store %arg6[%swap3A, %swap3A_34], %max3A_33 {strides = array<i32>} : memref<1000x128xf32, #tpu.memory_space<vmem>>, vector<1000x128xf32>,
    %broadcast_in_dim3A_36 = vector.shape_cast %div3A_21 : vector<1000x1xf32> to vector<1000x1xf32>
    %broadcast_in_dim3A_37 = vector.broadcast %broadcast_in_dim3A_36 : vector<1000x1xf32> to vector<1000x128xf32>
    %swap3A_38 = arith.constant 0 : index
    %swap3A_39 = arith.constant 0 : index
    %swap3A_40 = vector.load %arg7[%swap3A_38, %swap3A_39] : memref<1000x128xf32, #tpu.memory_space<vmem>>, vector<1000x128xf32>
    tpu.vector_store %arg7[%swap3A_38, %swap3A_39], %broadcast_in_dim3A_37 {strides = array<i32>} : memref<1000x128xf32, #tpu.memory_space<vmem>>, vector<1000x128xf32>,
    return
  }
  func.func @transform_0(%arg0: i32) -> (i32, i32, i32) {
    %c0_i32 = arith.constant 0 : i32
    %c0_i32_0 = arith.constant 0 : i32
    %c0_i32_1 = arith.constant 0 : i32
    return %c0_i32, %arg0, %c0_i32_0 : i32, i32, i32
  }
  func.func @transform_1(%arg0: i32) -> (i32, i32) {
    %c0_i32 = arith.constant 0 : i32
    %c0_i32_0 = arith.constant 0 : i32
    return %arg0, %c0_i32 : i32, i32
  }
  func.func @transform_2(%arg0: i32) -> (i32, i32) {
    %c0_i32 = arith.constant 0 : i32
    %c0_i32_0 = arith.constant 0 : i32
    return %arg0, %c0_i32 : i32, i32
  }
  func.func @transform_3(%arg0: i32) -> (i32, i32) {
    %c0_i32 = arith.constant 0 : i32
    %c0_i32_0 = arith.constant 0 : i32
    %c0_i32_1 = arith.constant 0 : i32
    return %c0_i32, %c0_i32_0 : i32, i32
  }
  func.func @transform_4(%arg0: i32) -> (i32, i32) {
    %c0_i32 = arith.constant 0 : i32
    %c0_i32_0 = arith.constant 0 : i32
    %c0_i32_1 = arith.constant 0 : i32
    return %c0_i32, %c0_i32_0 : i32, i32
  }
  func.func @transform_5(%arg0: i32) -> (i32, i32) {
    %c0_i32 = arith.constant 0 : i32
    %c0_i32_0 = arith.constant 0 : i32
    return %arg0, %c0_i32 : i32, i32
  }
  func.func @transform_6(%arg0: i32) -> (i32, i32) {
    %c0_i32 = arith.constant 0 : i32
    %c0_i32_0 = arith.constant 0 : i32
    return %arg0, %c0_i32 : i32, i32
  }
}

module attributes {stable_mosaic.version = 14 : i64} {
  func.func @_tc_layer_body(%arg0: i32, %arg1: memref<2x1000x128xf32, #tpu.memory_space<vmem>>, %arg2: memref<1000x128xf32, #tpu.memory_space<vmem>>, %arg3: memref<1000x128xf32, #tpu.memory_space<vmem>>, %arg4: memref<128x128xf32, #tpu.memory_space<vmem>>, %arg5: memref<1x128xf32, #tpu.memory_space<vmem>>, %arg6: memref<1000x128xf32, #tpu.memory_space<vmem>>) attributes {dimension_semantics = [#tpu.dimension_semantics<arbitrary>], iteration_bounds = array<i64: 10>, scalar_prefetch = 0 : i64, scratch_operands = 0 : i64, tpu.core_type = #tpu.core_type<tc>, window_params = [{transform_indices = @transform_0, window_bounds = array<i64: 2, 1000, 128>}, {transform_indices = @transform_1, window_bounds = array<i64: 1000, 128>}, {transform_indices = @transform_2, window_bounds = array<i64: 1000, 128>}, {pipeline_mode = #tpu.pipeline_mode<synchronous>, transform_indices = @transform_3, window_bounds = array<i64: 128, 128>}, {pipeline_mode = #tpu.pipeline_mode<synchronous>, transform_indices = @transform_4, window_bounds = array<i64: 1, 128>}, {transform_indices = @transform_5, window_bounds = array<i64: 1000, 128>}]} {
    %get3A = arith.constant 0 : index
    %get3A_0 = arith.constant 0 : index
    %get3A_1 = arith.constant 0 : index
    %get3A_2 = vector.load %arg1[%get3A, %get3A_0, %get3A_1] : memref<2x1000x128xf32, #tpu.memory_space<vmem>>, vector<1x1000x128xf32>
    %get3A_3 = vector.shape_cast %get3A_2 : vector<1x1000x128xf32> to vector<1000x128xf32>
    %get3A_4 = arith.constant 1 : index
    %get3A_5 = arith.constant 0 : index
    %get3A_6 = arith.constant 0 : index
    %get3A_7 = vector.load %arg1[%get3A_4, %get3A_5, %get3A_6] : memref<2x1000x128xf32, #tpu.memory_space<vmem>>, vector<1x1000x128xf32>
    %get3A_8 = vector.shape_cast %get3A_7 : vector<1x1000x128xf32> to vector<1000x128xf32>
    %add3A = arith.addf %get3A_3, %get3A_8 : vector<1000x128xf32>
    %get3A_9 = arith.constant 0 : index
    %get3A_10 = arith.constant 0 : index
    %get3A_11 = vector.load %arg2[%get3A_9, %get3A_10] : memref<1000x128xf32, #tpu.memory_space<vmem>>, vector<1000x128xf32>
    %add3A_12 = arith.addf %add3A, %get3A_11 : vector<1000x128xf32>
    %get3A_13 = arith.constant 0 : index
    %get3A_14 = arith.constant 0 : index
    %get3A_15 = vector.load %arg3[%get3A_13, %get3A_14] : memref<1000x128xf32, #tpu.memory_space<vmem>>, vector<1000x128xf32>
    %mul3A = arith.mulf %add3A_12, %get3A_15 : vector<1000x128xf32>
    %get3A_16 = arith.constant 0 : index
    %get3A_17 = arith.constant 0 : index
    %get3A_18 = vector.load %arg4[%get3A_16, %get3A_17] : memref<128x128xf32, #tpu.memory_space<vmem>>, vector<128x128xf32>
    %dot_general3A = arith.constant dense<0.000000e+00> : vector<1000x128xf32>
    %dot_general3A_19 = tpu.matmul %mul3A, %get3A_18, %dot_general3A {dimension_numbers = #tpu.dot_dimension_numbers<[1], [0], [0], [1], [0, 0, 1, 1], [], []>, transpose_lhs_hint = false} : vector<1000x128xf32>, vector<128x128xf32>, vector<1000x128xf32> -> vector<1000x128xf32>
    %get3A_20 = arith.constant 0 : index
    %get3A_21 = arith.constant 0 : index
    %get3A_22 = vector.load %arg5[%get3A_20, %get3A_21] : memref<1x128xf32, #tpu.memory_space<vmem>>, vector<1x128xf32>
    %add3A_23 = vector.broadcast %get3A_22 : vector<1x128xf32> to vector<1000x128xf32>
    %add3A_24 = arith.addf %dot_general3A_19, %add3A_23 : vector<1000x128xf32>
    %max3A = arith.constant 0.000000e+00 : f32
    %max3A_25 = vector.broadcast %max3A : f32 to vector<1000x128xf32>
    %max3A_26 = arith.maximumf %add3A_24, %max3A_25 : vector<1000x128xf32>
    %swap3A = arith.constant 0 : index
    %swap3A_27 = arith.constant 0 : index
    %swap3A_28 = vector.load %arg6[%swap3A, %swap3A_27] : memref<1000x128xf32, #tpu.memory_space<vmem>>, vector<1000x128xf32>
    tpu.vector_store %arg6[%swap3A, %swap3A_27], %max3A_26 {strides = array<i32>} : memref<1000x128xf32, #tpu.memory_space<vmem>>, vector<1000x128xf32>,
    return
  }
  func.func @transform_0(%arg0: i32) -> (i32, i32, i32) {
    %c0_i32 = arith.constant 0 : i32
    %c0_i32_0 = arith.constant 0 : i32
    %c0_i32_1 = arith.constant 0 : i32
    return %c0_i32, %arg0, %c0_i32_0 : i32, i32, i32
  }
  func.func @transform_1(%arg0: i32) -> (i32, i32) {
    %c0_i32 = arith.constant 0 : i32
    %c0_i32_0 = arith.constant 0 : i32
    return %arg0, %c0_i32 : i32, i32
  }
  func.func @transform_2(%arg0: i32) -> (i32, i32) {
    %c0_i32 = arith.constant 0 : i32
    %c0_i32_0 = arith.constant 0 : i32
    return %arg0, %c0_i32 : i32, i32
  }
  func.func @transform_3(%arg0: i32) -> (i32, i32) {
    %c0_i32 = arith.constant 0 : i32
    %c0_i32_0 = arith.constant 0 : i32
    %c0_i32_1 = arith.constant 0 : i32
    return %c0_i32, %c0_i32_0 : i32, i32
  }
  func.func @transform_4(%arg0: i32) -> (i32, i32) {
    %c0_i32 = arith.constant 0 : i32
    %c0_i32_0 = arith.constant 0 : i32
    %c0_i32_1 = arith.constant 0 : i32
    return %c0_i32, %c0_i32_0 : i32, i32
  }
  func.func @transform_5(%arg0: i32) -> (i32, i32) {
    %c0_i32 = arith.constant 0 : i32
    %c0_i32_0 = arith.constant 0 : i32
    return %arg0, %c0_i32 : i32, i32
  }
}

module attributes {stable_mosaic.version = 14 : i64} {
  func.func @_tc_layer_body(%arg0: i32, %arg1: memref<2x1000x128xf32, #tpu.memory_space<vmem>>, %arg2: memref<1000x128xf32, #tpu.memory_space<vmem>>, %arg3: memref<1000x128xf32, #tpu.memory_space<vmem>>, %arg4: memref<128x128xf32, #tpu.memory_space<vmem>>, %arg5: memref<1x128xf32, #tpu.memory_space<vmem>>, %arg6: memref<1000x128xf32, #tpu.memory_space<vmem>>) attributes {dimension_semantics = [#tpu.dimension_semantics<arbitrary>], iteration_bounds = array<i64: 10>, scalar_prefetch = 0 : i64, scratch_operands = 0 : i64, tpu.core_type = #tpu.core_type<tc>, window_params = [{transform_indices = @transform_0, window_bounds = array<i64: 2, 1000, 128>}, {transform_indices = @transform_1, window_bounds = array<i64: 1000, 128>}, {transform_indices = @transform_2, window_bounds = array<i64: 1000, 128>}, {pipeline_mode = #tpu.pipeline_mode<synchronous>, transform_indices = @transform_3, window_bounds = array<i64: 128, 128>}, {pipeline_mode = #tpu.pipeline_mode<synchronous>, transform_indices = @transform_4, window_bounds = array<i64: 1, 128>}, {transform_indices = @transform_5, window_bounds = array<i64: 1000, 128>}]} {
    %get3A = arith.constant 0 : index
    %get3A_0 = arith.constant 0 : index
    %get3A_1 = arith.constant 0 : index
    %get3A_2 = vector.load %arg1[%get3A, %get3A_0, %get3A_1] : memref<2x1000x128xf32, #tpu.memory_space<vmem>>, vector<1x1000x128xf32>
    %get3A_3 = vector.shape_cast %get3A_2 : vector<1x1000x128xf32> to vector<1000x128xf32>
    %get3A_4 = arith.constant 1 : index
    %get3A_5 = arith.constant 0 : index
    %get3A_6 = arith.constant 0 : index
    %get3A_7 = vector.load %arg1[%get3A_4, %get3A_5, %get3A_6] : memref<2x1000x128xf32, #tpu.memory_space<vmem>>, vector<1x1000x128xf32>
    %get3A_8 = vector.shape_cast %get3A_7 : vector<1x1000x128xf32> to vector<1000x128xf32>
    %add3A = arith.addf %get3A_3, %get3A_8 : vector<1000x128xf32>
    %get3A_9 = arith.constant 0 : index
    %get3A_10 = arith.constant 0 : index
    %get3A_11 = vector.load %arg2[%get3A_9, %get3A_10] : memref<1000x128xf32, #tpu.memory_space<vmem>>, vector<1000x128xf32>
    %add3A_12 = arith.addf %add3A, %get3A_11 : vector<1000x128xf32>
    %get3A_13 = arith.constant 0 : index
    %get3A_14 = arith.constant 0 : index
    %get3A_15 = vector.load %arg3[%get3A_13, %get3A_14] : memref<1000x128xf32, #tpu.memory_space<vmem>>, vector<1000x128xf32>
    %mul3A = arith.mulf %add3A_12, %get3A_15 : vector<1000x128xf32>
    %get3A_16 = arith.constant 0 : index
    %get3A_17 = arith.constant 0 : index
    %get3A_18 = vector.load %arg4[%get3A_16, %get3A_17] : memref<128x128xf32, #tpu.memory_space<vmem>>, vector<128x128xf32>
    %dot_general3A = arith.constant dense<0.000000e+00> : vector<1000x128xf32>
    %dot_general3A_19 = tpu.matmul %mul3A, %get3A_18, %dot_general3A {dimension_numbers = #tpu.dot_dimension_numbers<[1], [0], [0], [1], [0, 0, 1, 1], [], []>, transpose_lhs_hint = false} : vector<1000x128xf32>, vector<128x128xf32>, vector<1000x128xf32> -> vector<1000x128xf32>
    %get3A_20 = arith.constant 0 : index
    %get3A_21 = arith.constant 0 : index
    %get3A_22 = vector.load %arg5[%get3A_20, %get3A_21] : memref<1x128xf32, #tpu.memory_space<vmem>>, vector<1x128xf32>
    %add3A_23 = vector.broadcast %get3A_22 : vector<1x128xf32> to vector<1000x128xf32>
    %add3A_24 = arith.addf %dot_general3A_19, %add3A_23 : vector<1000x128xf32>
    %logistic3A = arith.negf %add3A_24 : vector<1000x128xf32>
    %logistic3A_25 = math.exp %logistic3A : vector<1000x128xf32>
    %logistic3A_26 = arith.constant 1.000000e+00 : f32
    %logistic3A_27 = vector.broadcast %logistic3A_26 : f32 to vector<1000x128xf32>
    %logistic3A_28 = arith.addf %logistic3A_27, %logistic3A_25 : vector<1000x128xf32>
    %logistic3A_29 = arith.divf %logistic3A_27, %logistic3A_28 : vector<1000x128xf32>
    %swap3A = arith.constant 0 : index
    %swap3A_30 = arith.constant 0 : index
    %swap3A_31 = vector.load %arg6[%swap3A, %swap3A_30] : memref<1000x128xf32, #tpu.memory_space<vmem>>, vector<1000x128xf32>
    tpu.vector_store %arg6[%swap3A, %swap3A_30], %logistic3A_29 {strides = array<i32>} : memref<1000x128xf32, #tpu.memory_space<vmem>>, vector<1000x128xf32>,
    return
  }
  func.func @transform_0(%arg0: i32) -> (i32, i32, i32) {
    %c0_i32 = arith.constant 0 : i32
    %c0_i32_0 = arith.constant 0 : i32
    %c0_i32_1 = arith.constant 0 : i32
    return %c0_i32, %arg0, %c0_i32_0 : i32, i32, i32
  }
  func.func @transform_1(%arg0: i32) -> (i32, i32) {
    %c0_i32 = arith.constant 0 : i32
    %c0_i32_0 = arith.constant 0 : i32
    return %arg0, %c0_i32 : i32, i32
  }
  func.func @transform_2(%arg0: i32) -> (i32, i32) {
    %c0_i32 = arith.constant 0 : i32
    %c0_i32_0 = arith.constant 0 : i32
    return %arg0, %c0_i32 : i32, i32
  }
  func.func @transform_3(%arg0: i32) -> (i32, i32) {
    %c0_i32 = arith.constant 0 : i32
    %c0_i32_0 = arith.constant 0 : i32
    %c0_i32_1 = arith.constant 0 : i32
    return %c0_i32, %c0_i32_0 : i32, i32
  }
  func.func @transform_4(%arg0: i32) -> (i32, i32) {
    %c0_i32 = arith.constant 0 : i32
    %c0_i32_0 = arith.constant 0 : i32
    %c0_i32_1 = arith.constant 0 : i32
    return %c0_i32, %c0_i32_0 : i32, i32
  }
  func.func @transform_5(%arg0: i32) -> (i32, i32) {
    %c0_i32 = arith.constant 0 : i32
    %c0_i32_0 = arith.constant 0 : i32
    return %arg0, %c0_i32 : i32, i32
  }
}

</mosaic_0001>

<sc_bundles>
// kernel: kernel.12.cloned.1.call-start
scs
__scs_entry_jumppad:
0x0: {  	(pc) =	sbr.rel $0x88, $3  }
0x1: {  	(tag) =	ssettag $0x0;
	lr =	simm.s32 $0x1  }
0x2: {  	[smem:$0x3F99] =	sst lr;
	_ =	strace $0xD0000000  }
0x3: {  	_ = 	snop  }
0x4: {  	_ = 	snop  }
0x5: {  	_ = 	snop  }
0x6: {  	_ = 	snop  }
0x7: {  	_ = 	snop  }
__scs_overlays_trampoline_lowered:
0x8: {  	[smem:$0x3FA8] =	sst s0  }
0x9: {  	[smem:$0x3FA9] =	sst s1  }
0xa: {  	[smem:$0x3FAA] =	sst s2  }
0xb: {  	[smem:$0x3FAB] =	sst s3  }
0xc: {  	[smem:$0x3FAC] =	sst s4  }
0xd: {  	[smem:$0x3FAD] =	sst s5  }
0xe: {  	[smem:$0x3FAE] =	sst s6  }
0xf: {  	[smem:$0x3FAF] =	sst s7  }
0x10: {  	[smem:$0x3FB0] =	sst s8  }
0x11: {  	[smem:$0x3FB1] =	sst s9;
	s0 =	simm.s32 @!p0 $0x0  }
0x12: {  	s1 =	sld [smem:$0x3F97];
	s0 =	simm.s32 @p0 $0x1  }
0x13: {  	[smem:$0x3FB2] =	sst s0;
	s0 =	simm.s32 @!p1 $0x0  }
0x14: {  	s2 =	sld [smem:$0x3F96];
	s0 =	simm.s32 @p1 $0x1  }
0x15: {  	[smem:$0x3FB3] =	sst s0;
	s0 =	simm.s32 @!p2 $0x0  }
0x16: {  	s3 =	sld [smem:$0x3FDB];
	s0 =	simm.s32 @p2 $0x1  }
0x17: {  	s4 =	simm.s32 $0x1BF5;
	[smem:$0x3FB5] =	sst s0  }
0x18: {  	s0 =	sld [smem:$0x3F98];
	_ =	swait.ge [sflag:s4], $0x0  }
0x19: {  	s7 =	sld [smem:$0x3F99]  }
0x1a: {  	s8 =	sadd.s32 $0xFFFFE003, lr  }
0x1b: {  	s9 =	sadd.s32 $0xFFFFFEF7, lr;
	s5 =	simm.s32 $0xFFFFFFFF;
	p2 =	slt.u32 s8, $0xFFFFF086  }
0x1c: {  	p1 =	slt.u32 s9, $0xF7A;
	s5 =	simm.s32 @!p2 $0x0  }
0x1d: {  	s5 =	simm.s32 @p1 $0x1;
	p0 =	seq.s32 s7, s2  }
0x1e: {  	s7 =	smul.u32 @!p0 $0xF7A, s2;
	p2 =	seq.s32 @!p0 s5, $0x0  }
0x1f: {  	s9 =	smul.u32 $0xF7A, s1;
	s8 =	simm.s32 @!p0 $0x1BF5;
	p2 =	por !p2, p0  }
0x20: {  	[sflag:s8] =	ssyncset.s32 @!p0 $0xFFFFF086;
	s6 =	sadd.s32 @!p0 s3, s7;
	s7 =	simm.s32 @!p0 $0x108  }
0x21: {  	s3 =	sadd.s32 s3, s9;
	s6 =	sadd.s32 @!p0 $0x88, s6;
	s7 =	simm.s32 @p2 $0x1082  }
0x22: {  	[simem:s7], [sflag:s8] =	dma.local @!p0 [hbm:s6], $0xF7A  }
0x23: {  	s9 =	sor.u32 $0xD0000000, s2;
	s6 =	simm.s32 $0x108;
	_ =	swait.ge @!p0 [sflag:s8], $0x0  }
0x24: {  	s3 =	sadd.s32 $0x88, s3;
	s6 =	simm.s32 @!p1 $0x1082;
	[sflag:s4] =	ssyncset.s32 $0xFFFFF086  }
0x25: {  	[simem:s6], [sflag:s4] =	dma.local [hbm:s3], $0xF7A  }
0x26: {  	[smem:$0x3F99] =	sst s1;
	(tag) =	ssettag s2;
	_ =	strace s9  }
0x27: {  	s1 =	sld [smem:$0x3FA9]  }
0x28: {  	s2 =	sld [smem:$0x3FAA]  }
0x29: {  	s4 =	sld [smem:$0x3FAC]  }
0x2a: {  	p0 =	seq.s32 s5, $0x0;
	s5 =	sld [smem:$0x3FAD]  }
0x2b: {  	s6 =	sld [smem:$0x3FAE]  }
0x2c: {  	s7 =	sld [smem:$0x3FAF]  }
0x2d: {  	s3 =	simm.s32 $0x108;
	s8 =	sld [smem:$0x3FB0]  }
0x2e: {  	s3 =	simm.s32 @!p0 $0x1082;
	s9 =	sld [smem:$0x3FB1]  }
0x2f: {  	lr =	sadd.s32 s0, s3;
	s0 =	sld [smem:$0x3FA8]  }
0x30: {  	s3 =	sld [smem:$0x3FAB]  }
0x31: {  	[smem:$0x3FB4] =	sst s10  }
0x32: {  	s10 =	sld [smem:$0x3FB2];
	_ =	sdelay $0x3  }
0x33: {  	p0 =	seq.s32 s10, $0x1;
	s10 =	sld [smem:$0x3FB4];
	_ =	sdelay $0x3  }
0x34: {  	[smem:$0x3FB4] =	sst s10  }
0x35: {  	s10 =	sld [smem:$0x3FB3];
	_ =	sdelay $0x3  }
0x36: {  	p1 =	seq.s32 s10, $0x1;
	s10 =	sld [smem:$0x3FB4];
	_ =	sdelay $0x3  }
0x37: {  	[smem:$0x3FB4] =	sst s10  }
0x38: {  	s10 =	sld [smem:$0x3FB5]  }
0x39: {  	_ = 	snop;
	(pc) =	sbr.ind lr, $3  }
0x3a: {  	_ = 	snop  }
0x3b: {  	_ = 	snop  }
0x3c: {  	p2 =	seq.s32 s10, $0x1;
	s10 =	sld [smem:$0x3FB4]  }
0x3d: {  	_ =	shalt  }
0x3e: {  	_ =	shalt  }
0x3f: {  	_ =	shalt  }
0x40: {  	_ =	shalt  }
0x41: {  	_ =	shalt  }
0x42: {  	_ =	shalt  }
0x43: {  	_ =	shalt  }
0x44: {  	_ =	shalt  }
0x45: {  	_ =	shalt  }
0x46: {  	_ =	shalt  }
0x47: {  	_ =	shalt  }
0x48: {  	_ =	shalt  }
0x49: {  	_ =	shalt  }
0x4a: {  	_ =	shalt  }
0x4b: {  	_ =	shalt  }
0x4c: {  	_ =	shalt  }
0x4d: {  	_ =	shalt  }
0x4e: {  	_ =	shalt  }
0x4f: {  	_ =	shalt  }
0x50: {  	_ =	shalt  }
0x51: {  	_ =	shalt  }
0x52: {  	_ =	shalt  }
0x53: {  	_ =	shalt  }
0x54: {  	_ =	shalt  }
0x55: {  	_ =	shalt  }
0x56: {  	_ =	shalt  }
0x57: {  	_ =	shalt  }
0x58: {  	_ =	shalt  }
0x59: {  	_ =	shalt  }
0x5a: {  	_ =	shalt  }
0x5b: {  	_ =	shalt  }
0x5c: {  	_ =	shalt  }
0x5d: {  	_ =	shalt  }
0x5e: {  	_ =	shalt  }
0x5f: {  	_ =	shalt  }
0x60: {  	_ =	shalt  }
0x61: {  	_ =	shalt  }
0x62: {  	_ =	shalt  }
0x63: {  	_ =	shalt  }
0x64: {  	_ =	shalt  }
0x65: {  	_ =	shalt  }
0x66: {  	_ =	shalt  }
0x67: {  	_ =	shalt  }
0x68: {  	_ =	shalt  }
0x69: {  	_ =	shalt  }
0x6a: {  	_ =	shalt  }
0x6b: {  	_ =	shalt  }
0x6c: {  	_ =	shalt  }
0x6d: {  	_ =	shalt  }
0x6e: {  	_ =	shalt  }
0x6f: {  	_ =	shalt  }
0x70: {  	_ =	shalt  }
0x71: {  	_ =	shalt  }
0x72: {  	_ =	shalt  }
0x73: {  	_ =	shalt  }
0x74: {  	_ =	shalt  }
0x75: {  	_ =	shalt  }
0x76: {  	_ =	shalt  }
0x77: {  	_ =	shalt  }
0x78: {  	_ =	shalt  }
0x79: {  	_ =	shalt  }
0x7a: {  	_ =	shalt  }
0x7b: {  	_ =	shalt  }
0x7c: {  	_ =	shalt  }
0x7d: {  	_ =	shalt  }
0x7e: {  	_ =	shalt  }
0x7f: {  	_ =	shalt  }
0x80: {  	_ =	shalt  }
0x81: {  	_ =	shalt  }
0x82: {  	_ =	shalt  }
0x83: {  	_ =	shalt  }
0x84: {  	_ =	shalt  }
0x85: {  	_ =	shalt  }
0x86: {  	_ =	shalt  }
0x87: {  	_ =	shalt  }
.Lfunc_end0:
.L_simem_size_0:
called_computation.1_lowered:
.L_overlay_start_0:
0x88: {  	s2 =	sld [smem:$0x3FD9]  }
0x89: {  	s3 =	sld [smem:$0x3FFE];
	_ =	sdelay $0x1  }
0x8a: {  	s1 =	srdreg.scid  }
0x8b: {  	s0 =	sand.u32 $0x1, s1  }
0x8c: {  	s17 =	sshll.u32 s0, $0xA;
	s2 =	sadd.s32 s3, s2  }
0x8d: {  	s2 =	sadd.s32 s2, s17  }
0x8e: {  	[smem:$0x3FC0] =	sst s2  }
0x8f: {  	_ = 	snop  }
0x90: {  	s18 =	sld [smem:$0x3FC9];
	(tm) =	ssettm $0x1  }
0x91: {  	s19 =	sld [smem:$0x3FFB];
	_ =	sdelay $0x3  }
0x92: {  	_ =	strace s19  }
0x93: {  	s2 =	sld [smem:$0x3FFC];
	_ =	sdelay $0x3  }
0x94: {  	_ =	strace s2  }
0x95: {  	s2 =	sld [smem:$0x3FFD];
	_ =	sdelay $0x3  }
0x96: {  	_ =	strace s2  }
0x97: {  	_ =	strace $0x8FFFFFFF  }
0x98: {  	s20 =	sld [smem:$0x3FDB];
	_ =	sdelay $0x1  }
0x99: {  	s4 =	simm.s32 $_scs_section_size  }
0x9a: {  	s5 =	simm.s32 $_size__tile_overlayer_lowered;
	s6 =	simm.s32 $_tile_overlayer_lowered  }
0x9b: {  	s7 =	simm.s32 $0x1BFF;
	s21 =	sshll.u32 s6, $0x1;
	s4 =	sadd.s32 s4, s20  }
0x9c: {  	s22 =	simm.s32 $0x0;
	s5 =	sshll.u32 s5, $0x1;
	s6 =	sadd.s32 s21, s4  }
0x9d: {  	[timem:s22], [sflag:s7] =	dma.local [hbm:s6], s5  }
0x9e: {  	_ =	swait.ge [sflag:s7], s5  }
0x9f: {  	s5 =	ssub.s32 $0x0, s5;
	[sflag:s7] =	ssyncset.done $0x0  }
0xa0: {  	[sflag:s7] =	ssyncadd.s32 s5;
	_ =	sdelay $0x1  }
0xa1: {  	s23 =	simm.s32 $0x1B8B  }
0xa2: {  	_ =	swait.ge [sflag:s23], $0x1  }
0xa3: {  	[sflag:s23] =	ssyncset.done $0x0  }
0xa4: {  	[sflag:s23] =	ssyncadd.s32 $0xFFFFFFFF  }
0xa5: {  	s5 =	sld [smem:$0x0]  }
0xa6: {  	s6 =	sand.u32 $0xFFFFFFFE, s1  }
0xa7: {  	p0 =	sne.s32 s1, s6  }
0xa8: {  	s6 =	sshll.u32 @p0 s6, $0xE  }
0xa9: {  	s6 =	sadd.s32 @p0 $0x11B8D, s6;
	s7 =	sshll.u32 @p0 s5, $0x11  }
0xaa: {  	s6 =	sor.u32 @p0 s7, s6  }
0xab: {  	[sflag:s6] =	ssyncadd.remote.s32 @p0 $0x1;
	_ =	sdelay $0x1  }
0xac: {  	s6 =	simm.s32 @p0 $0x1B8D  }
0xad: {  	_ =	swait.eq @p0 [sflag:s6], $0x1  }
0xae: {  	[sflag:s6] =	ssyncadd.s32 @p0 $0xFFFFFFFF  }
0xaf: {  	s7 =	sshll.u32 @!p0 s1, $0xE  }
0xb0: {  	s7 =	sor.u32 @!p0 $0x4000, s7;
	s6 =	simm.s32 @!p0 $0x1B8D  }
0xb1: {  	s5 =	sshll.u32 @!p0 s5, $0x11;
	s7 =	sadd.s32 @!p0 $0x11B8D, s7;
	_ =	swait.eq @!p0 [sflag:s6], $0x1  }
0xb2: {  	s5 =	sor.u32 @!p0 s5, s7;
	[sflag:s6] =	ssyncadd.s32 @!p0 $0xFFFFFFFF  }
0xb3: {  	s25 =	simm.s32 $0x1B8E;
	s24 =	sld [smem:$0x3FFE];
	[sflag:s5] =	ssyncadd.remote.s32 @!p0 $0x1  }
0xb4: {  	s26 =	simm.s32 $execute0_lowered;
	[smem:$0x3FD2] =	sst s25  }
0xb5: {  	s6 =	sshll.u32 s26, $0x1;
	_ =	strace $0x80000049;
	[dreg:$0x1] =	wrdreg $0xFFFFFFFF  }
0xb6: {  	s28 =	simm.s32 $_size_execute0_lowered;
	s4 =	sadd.s32 s4, s6;
	[dreg:$0x0] =	wrdreg $0x0  }
0xb7: {  	s6 =	sshll.u32 s28, $0x1;
	[dreg:$0x2] =	wrdreg s4  }
0xb8: {  	[dreg:$0x3] =	wrdreg s6  }
0xb9: {  	[dreg:$0x4] =	wrdreg $0xC0  }
0xba: {  	_ =	task [dreg:s22], $0x5FFFF  }
0xbb: {  	[dreg:$0x1] =	wrdreg $0xFFFFFFFF  }
0xbc: {  	[dreg:$0x0] =	wrdreg $0x60  }
0xbd: {  	[dreg:$0x2] =	wrdreg s18  }
0xbe: {  	[dreg:$0x3] =	wrdreg s24  }
0xbf: {  	[dreg:$0x4] =	wrdreg $0xA8000  }
0xc0: {  	[dreg:$0x5] =	wrdreg $0xA  }
0xc1: {  	_ =	task.clear_ibuf [dreg:s22], $0x6FFFF;
	_ =	strace $0x90000049  }
0xc2: {  	s29 =	simm.s32 $0xA;
	_ =	strace $0x8000004B  }
0xc3: {  	_ =	swait.ge [sflag:s29], $0x1  }
0xc4: {  	[sflag:s29] =	ssyncadd.s32 $0xFFFFFFFF  }
0xc5: {  	_ =	strace $0x9000004B  }
0xc6: {  	_ =	sfence  }
0xc7: {  	s30 =	sld [smem:$0x0];
	_ =	sdelay $0x2  }
0xc8: {  	s31 =	sshll.u32 s1, $0xD;
	s1 =	sshrl.u32 s1, $0x2  }
0xc9: {  	s4 =	sand.u32 $0x4000, s31;
	s1 =	sadd.s32 s1, s30  }
0xca: {  	s0 =	sor.u32 s4, s0;
	s1 =	sshll.u32 s1, $0x11  }
0xcb: {  	s0 =	sor.u32 s1, s0  }
0xcc: {  	s0 =	sadd.s32 $0x8F2B, s0  }
0xcd: {  	[sflag:s0] =	ssyncadd.remote.s32 $0x1  }
0xce: {  	_ =	sfence.sel $0xFFFF  }
0xcf: {  	[dreg:$0x0] =	wrdreg $0xFFFFFFFF;
	(pc) =	sbr.abs _section_cstart, $3  }
0xd0: {  	[dreg:$0x1] =	wrdreg $0xFFFFFFFF  }
0xd1: {  	_ =	task.clear_ibuf [dreg:s22], $0x2FFFF;
	_ =	strace $0x9FFFFFFF  }
0xd2: {  	(tm) =	ssettm $0x7FFFFFFF  }
0xd3: {  	_ =	shalt  }
tec
execute0_lowered:
.L_overlay_start_1:
0x0: {  	(tag) =	ssettag $0x1  }
0x1: {  	s1 =	rddreg [dreg:$0x0]  }
0x2: {  	s6 =	rddreg [dreg:$0x1]  }
0x3: {  	s0 =	srdreg.scid;
	s3 =	rddreg [dreg:$0x2]  }
0x4: {  	s4 =	simm.s32 $0x0;
	s14 =	simm.s32 $0x3;
	s15 =	simm.s32 $0x1400  }
0x5: {  	s16 =	simm.s32 $0x80;
	s17 =	simm.s32 $0x6800;
	s18 =	simm.s32 $0x1  }
0x6: {  	s19 =	simm.s32 $0x2;
	s5 =	sand.u32 $0x1, s0;
	s0 =	stileid.u32  }
0x7: {  	s20 =	simm.s32 $0x1380;
	s21 =	simm.s32 $0x2700;
	s8 =	smul.u32 $0x50000, s0  }
0x8: {  	s22 =	simm.s32 $0x2780;
	[smem:$0x7FF] =	sst s4;
	s9 =	smul.u32 $0x28000, s5  }
0x9: {  	s2 =	sshll.u32 s5, $0x4;
	s5 =	ssub.s32 $0x2, s5;
	s24 =	smul.u32 $0x2800, s0  }
0xa: {  	s7 =	sor.u32 s0, s2;
	s2 =	rddreg [dreg:$0x3];
	_ =	strace $0x8000004A  }
0xb: {  	s31 =	sshrl.u32 s5, $0x1;
	s7 =	smul.u32 $0x500, s7;
	s8 =	sshrl.u32 s8, $0x2  }
0xc: {  	s12 =	sadd.s32 s9, s6;
	s13 =	ssub.s32 s5, s31;
	s5 =	sadd.s32 s8, s3  }
0xd: {  	s23 =	sadd.s32 $0x20C00, s12;
	s12 =	smax.u32 s13, $0x1;
	s13 =	simm.s32 $0x2800  }
0xe: {  	s11 =	sadd.s32 s7, s6;
	s6 =	sadd.s32 $0x4000, s5;
	s7 =	sadd.s32 $0x8000, s5  }
0xf: {  	s8 =	sadd.s32 $0xC000, s5;
	s9 =	sadd.s32 $0x10000, s5;
	s23 =	sadd.s32 s24, s23  }
0x10: {  	v0 =	vimm.f32 $0.0e+00;
	s24 =	simm.s32 $0x0;
	s10 =	sadd.s32 $0x16C00, s11;
	s11 =	sadd.s32 $0xCC00, s11  }
.LBB2_1:
0x11: {  	s25 =	sand.u32 $0xFE00, s4  }
0x12: {  	s26 =	sand.u32 $0x70, s4;
	s28 =	sshrl.u32 s25, $0x2  }
0x13: {  	s25 =	simm.s32 $0x40;
	s28 =	sor.u32 s26, s28;
	s26 =	simm.s32 $0x0  }
.LBB2_2:
0x14: {  	p0 =	sne.s32 s25, $0xFFC0  }
0x15: {  	[tilespmem:s28+$0x2800] =	vst v0;
	s26 =	sadd.s32 $0x10, s26;
	s28 =	smov.u32 s25;
	s25 =	sadd.s32 $0x40, s25  }
.Ltmp0:
0x16: {  	(pc) =	sbr.rel @p0 .LBB2_2-.Ltmp0, $4  }
0x17: {  	_ = 	snop  }
0x18: {  	s28 =	sand.u32 $0xFE00, s28  }
0x19: {  	s29 =	sand.u32 $0x70, s26;
	s28 =	sshrl.u32 s28, $0x2  }
0x1a: {  	s28 =	sor.u32 s29, s28  }
0x1b: {  	[tilespmem:s28+$0x2800] =	vst v0  }
0x1c: {  	[spmem:s5] =	stream.linear.scatter [tilespmem:s13], [sflag:$0x3], $0x4000, $0x38;
	[tilespmem:$0x1E800] =	vst v63  }
0x1d: {  	_ =	swait.ge [sflag:s14], $0x4000  }
0x1e: {  	[sflag:s14] =	ssyncset.done $0x0  }
0x1f: {  	[sflag:s14] =	ssyncadd.s32 $0xFFFFC000  }
0x20: {  	[spmem:s6] =	stream.linear.scatter [tilespmem:s13], [sflag:$0x3], $0x4000, $0x38;
	[tilespmem:$0x1E800] =	vst v63  }
0x21: {  	_ =	swait.ge [sflag:s14], $0x4000  }
0x22: {  	[sflag:s14] =	ssyncset.done $0x0  }
0x23: {  	[sflag:s14] =	ssyncadd.s32 $0xFFFFC000  }
0x24: {  	[spmem:s7] =	stream.linear.scatter [tilespmem:s13], [sflag:$0x3], $0x4000, $0x38;
	[tilespmem:$0x1E800] =	vst v63  }
0x25: {  	_ =	swait.ge [sflag:s14], $0x4000  }
0x26: {  	[sflag:s14] =	ssyncset.done $0x0  }
0x27: {  	[sflag:s14] =	ssyncadd.s32 $0xFFFFC000  }
0x28: {  	[spmem:s8] =	stream.linear.scatter [tilespmem:s13], [sflag:$0x3], $0x4000, $0x38;
	[tilespmem:$0x1E800] =	vst v63  }
0x29: {  	_ =	swait.ge [sflag:s14], $0x4000  }
0x2a: {  	[sflag:s14] =	ssyncset.done $0x0  }
0x2b: {  	[sflag:s14] =	ssyncadd.s32 $0xFFFFC000  }
0x2c: {  	[spmem:s9] =	stream.linear.scatter [tilespmem:s13], [sflag:$0x3], $0x4000, $0x38;
	[tilespmem:$0x1E800] =	vst v63  }
0x2d: {  	_ =	swait.ge [sflag:s14], $0x4000  }
0x2e: {  	[sflag:s14] =	ssyncset.done $0x0  }
0x2f: {  	[sflag:s14] =	ssyncadd.s32 $0xFFFFC000  }
0x30: {  	s25 =	simm.s32 $0x0;
	[bflag:$0x0] =	sbarrier.arrive $0xFFFF  }
0x31: {  	[tilespmem:s25], [sflag:$0x3] =	stream.linear.gather [hbm4b:s10+s25], $0x1400, $0x38;
	[tilespmem:$0x1E800] =	vst v63  }
0x32: {  	_ =	swait.ge [sflag:s14], $0x1400  }
0x33: {  	[sflag:s14] =	ssyncset.done $0x0  }
0x34: {  	[sflag:s14] =	ssyncadd.s32 $0xFFFFEC00  }
0x35: {  	[tilespmem:s15], [sflag:$0x3] =	stream.linear.gather [hbm4b:s11+s25], $0x1400, $0x38;
	[tilespmem:$0x1E800] =	vst v63  }
0x36: {  	_ =	swait.ge [sflag:s14], $0x1400  }
0x37: {  	[sflag:s14] =	ssyncset.done $0x0  }
0x38: {  	[sflag:s14] =	ssyncadd.s32 $0xFFFFEC00  }
0x39: {  	[tilespmem:s13], [sflag:$0x1] =	stream.indirect.gather [hbm4b:s1+s16], $0x80, s25, s16, $0xb8;
	[tilespmem:$0x1E800] =	vst v63  }
0x3a: {  	s28 =	simm.s32 $0x80  }
0x3b: {  	[tilespmem:s17], [sflag:$0x2] =	stream.indirect.gather [hbm4b:s1+s16], $0x80, s28, s16, $0xb8;
	[tilespmem:$0x1E800] =	vst v63  }
0x3c: {  	_ =	swait.ge [sflag:s18], $0x4000  }
0x3d: {  	[sflag:s18] =	ssyncset.done $0x0  }
0x3e: {  	s29 =	simm.s32 $0x1400;
	[sflag:s18] =	ssyncadd.s32 $0xFFFFC000  }
0x3f: {  	[spmem:s3] =	stream.indirect.scatter.add.f32 [tilespmem:s13], [sflag:$0x3], $0x80, s29, s16, $0xb8;
	[tilespmem:$0x1E800] =	vst v63  }
0x40: {  	_ =	swait.ge [sflag:s14], $0x4000  }
0x41: {  	[sflag:s14] =	ssyncset.done $0x0  }
0x42: {  	s30 =	simm.s32 $0x100;
	[sflag:s14] =	ssyncadd.s32 $0xFFFFC000  }
0x43: {  	[tilespmem:s13], [sflag:$0x1] =	stream.indirect.gather [hbm4b:s1+s16], $0x80, s30, s16, $0xb8;
	[tilespmem:$0x1E800] =	vst v63  }
0x44: {  	_ =	swait.ge [sflag:s19], $0x4000  }
0x45: {  	[sflag:s19] =	ssyncset.done $0x0  }
0x46: {  	s31 =	simm.s32 $0x1480;
	[sflag:s19] =	ssyncadd.s32 $0xFFFFC000  }
0x47: {  	[spmem:s3] =	stream.indirect.scatter.add.f32 [tilespmem:s17], [sflag:$0x3], $0x80, s31, s16, $0xb8;
	[tilespmem:$0x1E800] =	vst v63  }
0x48: {  	_ =	swait.ge [sflag:s14], $0x4000  }
0x49: {  	s26 =	simm.s32 $0x800;
	s25 =	simm.s32 $0x100;
	[sflag:s14] =	ssyncset.done $0x0  }
.LBB2_4:
0x4a: {  	s28 =	sadd.s32 $0x80, s25  }
0x4b: {  	[sflag:s14] =	ssyncadd.s32 $0xFFFFC000;
	s29 =	smov.u32 s26;
	s30 =	sadd.s32 $0x400, s26  }
0x4c: {  	[tilespmem:s17], [sflag:$0x2] =	stream.indirect.gather [hbm4b:s1+s16], $0x80, s28, s16, $0xb8;
	[tilespmem:$0x1E800] =	vst v63  }
0x4d: {  	p0 =	sne.s32 s26, $0x4800;
	_ =	swait.ge [sflag:s18], $0x4000  }
0x4e: {  	[sflag:s18] =	ssyncset.done $0x0  }
0x4f: {  	s26 =	sadd.s32 $0x1400, s25;
	[sflag:s18] =	ssyncadd.s32 $0xFFFFC000  }
0x50: {  	[spmem:s3] =	stream.indirect.scatter.add.f32 [tilespmem:s13], [sflag:$0x3], $0x80, s26, s16, $0xb8;
	[tilespmem:$0x1E800] =	vst v63  }
0x51: {  	_ =	swait.ge [sflag:s14], $0x4000  }
0x52: {  	[sflag:s14] =	ssyncset.done $0x0  }
0x53: {  	s26 =	sadd.s32 $0x100, s25;
	[sflag:s14] =	ssyncadd.s32 $0xFFFFC000  }
0x54: {  	[tilespmem:s13], [sflag:$0x1] =	stream.indirect.gather [hbm4b:s1+s16], $0x80, s26, s16, $0xb8;
	[tilespmem:$0x1E800] =	vst v63  }
0x55: {  	_ =	swait.ge [sflag:s19], $0x4000  }
.Ltmp1:
0x56: {  	[sflag:s19] =	ssyncset.done $0x0;
	(pc) =	sbr.rel @p0 .LBB2_4-.Ltmp1, $4  }
0x57: {  	s25 =	sadd.s32 $0x1480, s25;
	[sflag:s19] =	ssyncadd.s32 $0xFFFFC000  }
0x58: {  	[spmem:s3] =	stream.indirect.scatter.add.f32 [tilespmem:s17], [sflag:$0x3], $0x80, s25, s16, $0xb8;
	[tilespmem:$0x1E800] =	vst v63  }
0x59: {  	_ =	swait.ge [sflag:s14], $0x4000  }
0x5a: {  	s26 =	smov.u32 s30;
	s25 =	sshra.s32 s29, $0x2;
	[sflag:s14] =	ssyncset.done $0x0  }
0x5b: {  	s26 =	sadd.s32 $0x80, s25;
	[sflag:s14] =	ssyncadd.s32 $0xFFFFC000  }
0x5c: {  	[tilespmem:s17], [sflag:$0x2] =	stream.indirect.gather [hbm4b:s1+s16], $0x80, s26, s16, $0xb8;
	[tilespmem:$0x1E800] =	vst v63  }
0x5d: {  	_ =	swait.ge [sflag:s18], $0x4000  }
0x5e: {  	[sflag:s18] =	ssyncset.done $0x0  }
0x5f: {  	s30 =	sadd.s32 $0x1400, s25;
	[sflag:s18] =	ssyncadd.s32 $0xFFFFC000  }
0x60: {  	[spmem:s3] =	stream.indirect.scatter.add.f32 [tilespmem:s13], [sflag:$0x3], $0x80, s30, s16, $0xb8;
	[tilespmem:$0x1E800] =	vst v63  }
0x61: {  	_ =	swait.ge [sflag:s14], $0x4000  }
0x62: {  	[sflag:s14] =	ssyncset.done $0x0  }
0x63: {  	s31 =	sadd.s32 $0x100, s25;
	[sflag:s14] =	ssyncadd.s32 $0xFFFFC000  }
0x64: {  	[tilespmem:s13], [sflag:$0x1] =	stream.indirect.gather [hbm4b:s1+s16], $0x80, s31, s16, $0xb8;
	[tilespmem:$0x1E800] =	vst v63  }
0x65: {  	_ =	swait.ge [sflag:s19], $0x4000  }
0x66: {  	[sflag:s19] =	ssyncset.done $0x0  }
0x67: {  	s28 =	sadd.s32 $0x1480, s25;
	[sflag:s19] =	ssyncadd.s32 $0xFFFFC000  }
0x68: {  	[spmem:s3] =	stream.indirect.scatter.add.f32 [tilespmem:s17], [sflag:$0x3], $0x80, s28, s16, $0xb8;
	[tilespmem:$0x1E800] =	vst v63  }
0x69: {  	_ =	swait.ge [sflag:s14], $0x4000  }
0x6a: {  	[sflag:s14] =	ssyncset.done $0x0  }
0x6b: {  	[sflag:s14] =	ssyncadd.s32 $0xFFFFC000  }
0x6c: {  	[tilespmem:s17], [sflag:$0x2] =	stream.indirect.gather [hbm4b:s1+s16], $0x80, s20, s16, $0xb8;
	[tilespmem:$0x1E800] =	vst v63  }
0x6d: {  	_ =	swait.ge [sflag:s18], $0x4000  }
0x6e: {  	[sflag:s18] =	ssyncset.done $0x0  }
0x6f: {  	[sflag:s18] =	ssyncadd.s32 $0xFFFFC000  }
0x70: {  	[spmem:s3] =	stream.indirect.scatter.add.f32 [tilespmem:s13], [sflag:$0x3], $0x80, s21, s16, $0xb8;
	[tilespmem:$0x1E800] =	vst v63  }
0x71: {  	_ =	swait.ge [sflag:s14], $0x4000  }
0x72: {  	[sflag:s14] =	ssyncset.done $0x0  }
0x73: {  	[sflag:s14] =	ssyncadd.s32 $0xFFFFC000  }
0x74: {  	_ =	swait.ge [sflag:s19], $0x4000  }
0x75: {  	[sflag:s19] =	ssyncset.done $0x0  }
0x76: {  	[sflag:s19] =	ssyncadd.s32 $0xFFFFC000  }
0x77: {  	[spmem:s3] =	stream.indirect.scatter.add.f32 [tilespmem:s17], [sflag:$0x3], $0x80, s22, s16, $0xb8;
	[tilespmem:$0x1E800] =	vst v63  }
0x78: {  	_ =	swait.ge [sflag:s14], $0x4000  }
0x79: {  	[sflag:s14] =	ssyncset.done $0x0  }
0x7a: {  	s29 =	sadd.s32 $0x280, s10;
	s30 =	simm.s32 $0x0;
	[sflag:s14] =	ssyncadd.s32 $0xFFFFC000  }
0x7b: {  	[tilespmem:s30], [sflag:$0x3] =	stream.linear.gather [hbm4b:s29+s30], $0x1400, $0x38;
	[tilespmem:$0x1E800] =	vst v63  }
0x7c: {  	_ =	swait.ge [sflag:s14], $0x1400  }
0x7d: {  	[sflag:s14] =	ssyncset.done $0x0  }
0x7e: {  	s31 =	sadd.s32 $0x280, s11;
	[sflag:s14] =	ssyncadd.s32 $0xFFFFEC00  }
0x7f: {  	[tilespmem:s15], [sflag:$0x3] =	stream.linear.gather [hbm4b:s31+s30], $0x1400, $0x38;
	[tilespmem:$0x1E800] =	vst v63  }
0x80: {  	_ =	swait.ge [sflag:s14], $0x1400  }
0x81: {  	[sflag:s14] =	ssyncset.done $0x0  }
0x82: {  	[sflag:s14] =	ssyncadd.s32 $0xFFFFEC00  }
0x83: {  	[tilespmem:s13], [sflag:$0x1] =	stream.indirect.gather [hbm4b:s1+s16], $0x80, s30, s16, $0xb8;
	[tilespmem:$0x1E800] =	vst v63  }
0x84: {  	s28 =	simm.s32 $0x80  }
0x85: {  	[tilespmem:s17], [sflag:$0x2] =	stream.indirect.gather [hbm4b:s1+s16], $0x80, s28, s16, $0xb8;
	[tilespmem:$0x1E800] =	vst v63  }
0x86: {  	_ =	swait.ge [sflag:s18], $0x4000  }
0x87: {  	[sflag:s18] =	ssyncset.done $0x0  }
0x88: {  	s29 =	simm.s32 $0x1400;
	[sflag:s18] =	ssyncadd.s32 $0xFFFFC000  }
0x89: {  	[spmem:s3] =	stream.indirect.scatter.add.f32 [tilespmem:s13], [sflag:$0x3], $0x80, s29, s16, $0xb8;
	[tilespmem:$0x1E800] =	vst v63  }
0x8a: {  	_ =	swait.ge [sflag:s14], $0x4000  }
0x8b: {  	[sflag:s14] =	ssyncset.done $0x0  }
0x8c: {  	s30 =	simm.s32 $0x100;
	[sflag:s14] =	ssyncadd.s32 $0xFFFFC000  }
0x8d: {  	[tilespmem:s13], [sflag:$0x1] =	stream.indirect.gather [hbm4b:s1+s16], $0x80, s30, s16, $0xb8;
	[tilespmem:$0x1E800] =	vst v63  }
0x8e: {  	_ =	swait.ge [sflag:s19], $0x4000  }
0x8f: {  	[sflag:s19] =	ssyncset.done $0x0  }
0x90: {  	s31 =	simm.s32 $0x1480;
	[sflag:s19] =	ssyncadd.s32 $0xFFFFC000  }
0x91: {  	[spmem:s3] =	stream.indirect.scatter.add.f32 [tilespmem:s17], [sflag:$0x3], $0x80, s31, s16, $0xb8;
	[tilespmem:$0x1E800] =	vst v63  }
0x92: {  	_ =	swait.ge [sflag:s14], $0x4000  }
0x93: {  	s25 =	simm.s32 $0x100;
	s26 =	simm.s32 $0x800;
	[sflag:s14] =	ssyncset.done $0x0  }
.LBB2_6:
0x94: {  	s28 =	sadd.s32 $0x80, s25  }
0x95: {  	[sflag:s14] =	ssyncadd.s32 $0xFFFFC000;
	s29 =	smov.u32 s26;
	s30 =	sadd.s32 $0x400, s26  }
0x96: {  	[tilespmem:s17], [sflag:$0x2] =	stream.indirect.gather [hbm4b:s1+s16], $0x80, s28, s16, $0xb8;
	[tilespmem:$0x1E800] =	vst v63  }
0x97: {  	p0 =	sne.s32 s26, $0x4800;
	_ =	swait.ge [sflag:s18], $0x4000  }
0x98: {  	[sflag:s18] =	ssyncset.done $0x0  }
0x99: {  	s26 =	sadd.s32 $0x1400, s25;
	[sflag:s18] =	ssyncadd.s32 $0xFFFFC000  }
0x9a: {  	[spmem:s3] =	stream.indirect.scatter.add.f32 [tilespmem:s13], [sflag:$0x3], $0x80, s26, s16, $0xb8;
	[tilespmem:$0x1E800] =	vst v63  }
0x9b: {  	_ =	swait.ge [sflag:s14], $0x4000  }
0x9c: {  	[sflag:s14] =	ssyncset.done $0x0  }
0x9d: {  	s26 =	sadd.s32 $0x100, s25;
	[sflag:s14] =	ssyncadd.s32 $0xFFFFC000  }
0x9e: {  	[tilespmem:s13], [sflag:$0x1] =	stream.indirect.gather [hbm4b:s1+s16], $0x80, s26, s16, $0xb8;
	[tilespmem:$0x1E800] =	vst v63  }
0x9f: {  	_ =	swait.ge [sflag:s19], $0x4000  }
.Ltmp2:
0xa0: {  	[sflag:s19] =	ssyncset.done $0x0;
	(pc) =	sbr.rel @p0 .LBB2_6-.Ltmp2, $4  }
0xa1: {  	s25 =	sadd.s32 $0x1480, s25;
	[sflag:s19] =	ssyncadd.s32 $0xFFFFC000  }
0xa2: {  	[spmem:s3] =	stream.indirect.scatter.add.f32 [tilespmem:s17], [sflag:$0x3], $0x80, s25, s16, $0xb8;
	[tilespmem:$0x1E800] =	vst v63  }
0xa3: {  	_ =	swait.ge [sflag:s14], $0x4000  }
0xa4: {  	s26 =	smov.u32 s30;
	s25 =	sshra.s32 s29, $0x2;
	[sflag:s14] =	ssyncset.done $0x0  }
0xa5: {  	s26 =	sadd.s32 $0x80, s25;
	[sflag:s14] =	ssyncadd.s32 $0xFFFFC000  }
0xa6: {  	[tilespmem:s17], [sflag:$0x2] =	stream.indirect.gather [hbm4b:s1+s16], $0x80, s26, s16, $0xb8;
	[tilespmem:$0x1E800] =	vst v63  }
0xa7: {  	_ =	swait.ge [sflag:s18], $0x4000  }
0xa8: {  	[sflag:s18] =	ssyncset.done $0x0  }
0xa9: {  	s31 =	sadd.s32 $0x1400, s25;
	[sflag:s18] =	ssyncadd.s32 $0xFFFFC000  }
0xaa: {  	[spmem:s3] =	stream.indirect.scatter.add.f32 [tilespmem:s13], [sflag:$0x3], $0x80, s31, s16, $0xb8;
	[tilespmem:$0x1E800] =	vst v63  }
0xab: {  	_ =	swait.ge [sflag:s14], $0x4000  }
0xac: {  	[sflag:s14] =	ssyncset.done $0x0  }
0xad: {  	s28 =	sadd.s32 $0x100, s25;
	[sflag:s14] =	ssyncadd.s32 $0xFFFFC000  }
0xae: {  	[tilespmem:s13], [sflag:$0x1] =	stream.indirect.gather [hbm4b:s1+s16], $0x80, s28, s16, $0xb8;
	[tilespmem:$0x1E800] =	vst v63  }
0xaf: {  	_ =	swait.ge [sflag:s19], $0x4000  }
0xb0: {  	[sflag:s19] =	ssyncset.done $0x0  }
0xb1: {  	s29 =	sadd.s32 $0x1480, s25;
	[sflag:s19] =	ssyncadd.s32 $0xFFFFC000  }
0xb2: {  	[spmem:s3] =	stream.indirect.scatter.add.f32 [tilespmem:s17], [sflag:$0x3], $0x80, s29, s16, $0xb8;
	[tilespmem:$0x1E800] =	vst v63  }
0xb3: {  	_ =	swait.ge [sflag:s14], $0x4000  }
0xb4: {  	[sflag:s14] =	ssyncset.done $0x0  }
0xb5: {  	[sflag:s14] =	ssyncadd.s32 $0xFFFFC000  }
0xb6: {  	[tilespmem:s17], [sflag:$0x2] =	stream.indirect.gather [hbm4b:s1+s16], $0x80, s20, s16, $0xb8;
	[tilespmem:$0x1E800] =	vst v63  }
0xb7: {  	_ =	swait.ge [sflag:s18], $0x4000  }
0xb8: {  	[sflag:s18] =	ssyncset.done $0x0  }
0xb9: {  	[sflag:s18] =	ssyncadd.s32 $0xFFFFC000  }
0xba: {  	[spmem:s3] =	stream.indirect.scatter.add.f32 [tilespmem:s13], [sflag:$0x3], $0x80, s21, s16, $0xb8;
	[tilespmem:$0x1E800] =	vst v63  }
0xbb: {  	_ =	swait.ge [sflag:s14], $0x4000  }
0xbc: {  	[sflag:s14] =	ssyncset.done $0x0  }
0xbd: {  	[sflag:s14] =	ssyncadd.s32 $0xFFFFC000  }
0xbe: {  	_ =	swait.ge [sflag:s19], $0x4000  }
0xbf: {  	[sflag:s19] =	ssyncset.done $0x0  }
0xc0: {  	[sflag:s19] =	ssyncadd.s32 $0xFFFFC000  }
0xc1: {  	[spmem:s3] =	stream.indirect.scatter.add.f32 [tilespmem:s17], [sflag:$0x3], $0x80, s22, s16, $0xb8;
	[tilespmem:$0x1E800] =	vst v63  }
0xc2: {  	_ =	swait.ge [sflag:s14], $0x4000  }
0xc3: {  	s30 =	sshll.u32 s0, $0x6;
	s24 =	sadd.s32 $0x1, s24;
	[sflag:s14] =	ssyncset.done $0x0  }
0xc4: {  	s25 =	sor.u32 $0x1C03, s30;
	p0 =	sne.s32 s24, s12;
	[sflag:s14] =	ssyncadd.s32 $0xFFFFC000  }
.Ltmp3:
0xc5: {  	s31 =	sshrl.u32 s5, $0x3;
	[bflag:$0x0] =	sbarrier.arrive $0xFFFF;
	(pc) =	sbr.rel @p0 .LBB2_1-.Ltmp3, $4  }
0xc6: {  	[hbm:s23], [sflag:s25] =	dma.local [spmem:s31], $0x2800  }
0xc7: {  	_ =	swait.ge [sflag:s14], $0x2800  }
0xc8: {  	[sflag:s14] =	ssyncset.done $0x0  }
0xc9: {  	[sflag:s14] =	ssyncadd.s32 $0xFFFFD800  }
0xca: {  	_ =	sfence.sel $0x180000  }
0xcb: {  	[bflag:$0x0] =	sbarrier.arrive $0xFFFF  }
0xcc: {  	p0 =	sne.s32 s0, $0x0;
	_ =	strace $0x9000004A  }
0xcd: {  	s0 =	sadd.s32 @!p0 $0x100000, s2;
	[bflag:$0x2] =	sbarrier.arrive $0xFFFF  }
0xce: {  	[sflag:s0] =	ssyncadd.tile.s32 @!p0 $0x1;
	_ =	shalt  }
.Lfunc_end2:
_tile_overlayer_lowered:
.L_overlay_start_2:
0xcf: {  	(tag) =	ssettag $0x2  }
0xd0: {  	s0 =	rddreg [dreg:$0x0];
	s2 =	stileid.u32  }
0xd1: {  	s1 =	rddreg [dreg:$0x1];
	p0 =	sne.s32 s2, $0x0  }
0xd2: {  	s3 =	rddreg [dreg:$0x2];
	[bflag:$0x3] =	sbarrier.arrive $0xFFFF;
	s2 =	simm.s32 @!p0 $0x1C03  }
0xd3: {  	[timem:s3], [sflag:s2] =	dma.local @!p0 [hbm:s0], s1  }
0xd4: {  	s0 =	simm.s32 @!p0 $0x3  }
0xd5: {  	_ =	swait.ge @!p0 [sflag:s0], s1  }
0xd6: {  	s1 =	ssub.s32 @!p0 $0x0, s1;
	[sflag:s0] =	ssyncset.done @!p0 $0x0  }
0xd7: {  	[sflag:s0] =	ssyncadd.s32 @!p0 s1  }
0xd8: {  	[bflag:$0x3] =	sbarrier.arrive $0xFFFF  }
0xd9: {  	_ =	shalt  }

// kernel: kernel.15.cloned.1.call-start
scs
__scs_entry_jumppad:
0x0: {  	(pc) =	sbr.rel $0x88, $3  }
0x1: {  	(tag) =	ssettag $0x0;
	lr =	simm.s32 $0x1  }
0x2: {  	[smem:$0x3F99] =	sst lr;
	_ =	strace $0xD0000000  }
0x3: {  	_ = 	snop  }
0x4: {  	_ = 	snop  }
0x5: {  	_ = 	snop  }
0x6: {  	_ = 	snop  }
0x7: {  	_ = 	snop  }
__scs_overlays_trampoline_lowered:
0x8: {  	[smem:$0x3FA8] =	sst s0  }
0x9: {  	[smem:$0x3FA9] =	sst s1  }
0xa: {  	[smem:$0x3FAA] =	sst s2  }
0xb: {  	[smem:$0x3FAB] =	sst s3  }
0xc: {  	[smem:$0x3FAC] =	sst s4  }
0xd: {  	[smem:$0x3FAD] =	sst s5  }
0xe: {  	[smem:$0x3FAE] =	sst s6  }
0xf: {  	[smem:$0x3FAF] =	sst s7  }
0x10: {  	[smem:$0x3FB0] =	sst s8  }
0x11: {  	[smem:$0x3FB1] =	sst s9;
	s0 =	simm.s32 @!p0 $0x0  }
0x12: {  	s1 =	sld [smem:$0x3F97];
	s0 =	simm.s32 @p0 $0x1  }
0x13: {  	[smem:$0x3FB2] =	sst s0;
	s0 =	simm.s32 @!p1 $0x0  }
0x14: {  	s2 =	sld [smem:$0x3F96];
	s0 =	simm.s32 @p1 $0x1  }
0x15: {  	[smem:$0x3FB3] =	sst s0;
	s0 =	simm.s32 @!p2 $0x0  }
0x16: {  	s3 =	sld [smem:$0x3FDB];
	s0 =	simm.s32 @p2 $0x1  }
0x17: {  	s4 =	simm.s32 $0x1BF5;
	[smem:$0x3FB5] =	sst s0  }
0x18: {  	s0 =	sld [smem:$0x3F98];
	_ =	swait.ge [sflag:s4], $0x0  }
0x19: {  	s7 =	sld [smem:$0x3F99]  }
0x1a: {  	s8 =	sadd.s32 $0xFFFFE003, lr  }
0x1b: {  	s9 =	sadd.s32 $0xFFFFFEF7, lr;
	s5 =	simm.s32 $0xFFFFFFFF;
	p2 =	slt.u32 s8, $0xFFFFF086  }
0x1c: {  	p1 =	slt.u32 s9, $0xF7A;
	s5 =	simm.s32 @!p2 $0x0  }
0x1d: {  	s5 =	simm.s32 @p1 $0x1;
	p0 =	seq.s32 s7, s2  }
0x1e: {  	s7 =	smul.u32 @!p0 $0xF7A, s2;
	p2 =	seq.s32 @!p0 s5, $0x0  }
0x1f: {  	s9 =	smul.u32 $0xF7A, s1;
	s8 =	simm.s32 @!p0 $0x1BF5;
	p2 =	por !p2, p0  }
0x20: {  	[sflag:s8] =	ssyncset.s32 @!p0 $0xFFFFF086;
	s6 =	sadd.s32 @!p0 s3, s7;
	s7 =	simm.s32 @!p0 $0x108  }
0x21: {  	s3 =	sadd.s32 s3, s9;
	s6 =	sadd.s32 @!p0 $0x88, s6;
	s7 =	simm.s32 @p2 $0x1082  }
0x22: {  	[simem:s7], [sflag:s8] =	dma.local @!p0 [hbm:s6], $0xF7A  }
0x23: {  	s9 =	sor.u32 $0xD0000000, s2;
	s6 =	simm.s32 $0x108;
	_ =	swait.ge @!p0 [sflag:s8], $0x0  }
0x24: {  	s3 =	sadd.s32 $0x88, s3;
	s6 =	simm.s32 @!p1 $0x1082;
	[sflag:s4] =	ssyncset.s32 $0xFFFFF086  }
0x25: {  	[simem:s6], [sflag:s4] =	dma.local [hbm:s3], $0xF7A  }
0x26: {  	[smem:$0x3F99] =	sst s1;
	(tag) =	ssettag s2;
	_ =	strace s9  }
0x27: {  	s1 =	sld [smem:$0x3FA9]  }
0x28: {  	s2 =	sld [smem:$0x3FAA]  }
0x29: {  	s4 =	sld [smem:$0x3FAC]  }
0x2a: {  	p0 =	seq.s32 s5, $0x0;
	s5 =	sld [smem:$0x3FAD]  }
0x2b: {  	s6 =	sld [smem:$0x3FAE]  }
0x2c: {  	s7 =	sld [smem:$0x3FAF]  }
0x2d: {  	s3 =	simm.s32 $0x108;
	s8 =	sld [smem:$0x3FB0]  }
0x2e: {  	s3 =	simm.s32 @!p0 $0x1082;
	s9 =	sld [smem:$0x3FB1]  }
0x2f: {  	lr =	sadd.s32 s0, s3;
	s0 =	sld [smem:$0x3FA8]  }
0x30: {  	s3 =	sld [smem:$0x3FAB]  }
0x31: {  	[smem:$0x3FB4] =	sst s10  }
0x32: {  	s10 =	sld [smem:$0x3FB2];
	_ =	sdelay $0x3  }
0x33: {  	p0 =	seq.s32 s10, $0x1;
	s10 =	sld [smem:$0x3FB4];
	_ =	sdelay $0x3  }
0x34: {  	[smem:$0x3FB4] =	sst s10  }
0x35: {  	s10 =	sld [smem:$0x3FB3];
	_ =	sdelay $0x3  }
0x36: {  	p1 =	seq.s32 s10, $0x1;
	s10 =	sld [smem:$0x3FB4];
	_ =	sdelay $0x3  }
0x37: {  	[smem:$0x3FB4] =	sst s10  }
0x38: {  	s10 =	sld [smem:$0x3FB5]  }
0x39: {  	_ = 	snop;
	(pc) =	sbr.ind lr, $3  }
0x3a: {  	_ = 	snop  }
0x3b: {  	_ = 	snop  }
0x3c: {  	p2 =	seq.s32 s10, $0x1;
	s10 =	sld [smem:$0x3FB4]  }
0x3d: {  	_ =	shalt  }
0x3e: {  	_ =	shalt  }
0x3f: {  	_ =	shalt  }
0x40: {  	_ =	shalt  }
0x41: {  	_ =	shalt  }
0x42: {  	_ =	shalt  }
0x43: {  	_ =	shalt  }
0x44: {  	_ =	shalt  }
0x45: {  	_ =	shalt  }
0x46: {  	_ =	shalt  }
0x47: {  	_ =	shalt  }
0x48: {  	_ =	shalt  }
0x49: {  	_ =	shalt  }
0x4a: {  	_ =	shalt  }
0x4b: {  	_ =	shalt  }
0x4c: {  	_ =	shalt  }
0x4d: {  	_ =	shalt  }
0x4e: {  	_ =	shalt  }
0x4f: {  	_ =	shalt  }
0x50: {  	_ =	shalt  }
0x51: {  	_ =	shalt  }
0x52: {  	_ =	shalt  }
0x53: {  	_ =	shalt  }
0x54: {  	_ =	shalt  }
0x55: {  	_ =	shalt  }
0x56: {  	_ =	shalt  }
0x57: {  	_ =	shalt  }
0x58: {  	_ =	shalt  }
0x59: {  	_ =	shalt  }
0x5a: {  	_ =	shalt  }
0x5b: {  	_ =	shalt  }
0x5c: {  	_ =	shalt  }
0x5d: {  	_ =	shalt  }
0x5e: {  	_ =	shalt  }
0x5f: {  	_ =	shalt  }
0x60: {  	_ =	shalt  }
0x61: {  	_ =	shalt  }
0x62: {  	_ =	shalt  }
0x63: {  	_ =	shalt  }
0x64: {  	_ =	shalt  }
0x65: {  	_ =	shalt  }
0x66: {  	_ =	shalt  }
0x67: {  	_ =	shalt  }
0x68: {  	_ =	shalt  }
0x69: {  	_ =	shalt  }
0x6a: {  	_ =	shalt  }
0x6b: {  	_ =	shalt  }
0x6c: {  	_ =	shalt  }
0x6d: {  	_ =	shalt  }
0x6e: {  	_ =	shalt  }
0x6f: {  	_ =	shalt  }
0x70: {  	_ =	shalt  }
0x71: {  	_ =	shalt  }
0x72: {  	_ =	shalt  }
0x73: {  	_ =	shalt  }
0x74: {  	_ =	shalt  }
0x75: {  	_ =	shalt  }
0x76: {  	_ =	shalt  }
0x77: {  	_ =	shalt  }
0x78: {  	_ =	shalt  }
0x79: {  	_ =	shalt  }
0x7a: {  	_ =	shalt  }
0x7b: {  	_ =	shalt  }
0x7c: {  	_ =	shalt  }
0x7d: {  	_ =	shalt  }
0x7e: {  	_ =	shalt  }
0x7f: {  	_ =	shalt  }
0x80: {  	_ =	shalt  }
0x81: {  	_ =	shalt  }
0x82: {  	_ =	shalt  }
0x83: {  	_ =	shalt  }
0x84: {  	_ =	shalt  }
0x85: {  	_ =	shalt  }
0x86: {  	_ =	shalt  }
0x87: {  	_ =	shalt  }
.Lfunc_end0:
.L_simem_size_0:
called_computation.2_lowered:
.L_overlay_start_0:
0x88: {  	s2 =	sld [smem:$0x3FD9]  }
0x89: {  	s3 =	sld [smem:$0x3FFE];
	_ =	sdelay $0x1  }
0x8a: {  	s1 =	srdreg.scid  }
0x8b: {  	s0 =	sand.u32 $0x1, s1  }
0x8c: {  	s17 =	sshll.u32 s0, $0xA;
	s2 =	sadd.s32 s3, s2  }
0x8d: {  	s2 =	sadd.s32 s2, s17  }
0x8e: {  	[smem:$0x3FC0] =	sst s2  }
0x8f: {  	_ = 	snop  }
0x90: {  	s2 =	sld [smem:$0x3FD0];
	(tm) =	ssettm $0x1  }
0x91: {  	s18 =	sld [smem:$0x3FFB];
	_ =	sdelay $0x3  }
0x92: {  	_ =	strace s18  }
0x93: {  	s3 =	sld [smem:$0x3FFC];
	_ =	sdelay $0x3  }
0x94: {  	_ =	strace s3  }
0x95: {  	s3 =	sld [smem:$0x3FFD];
	_ =	sdelay $0x3  }
0x96: {  	_ =	strace s3  }
0x97: {  	_ =	strace $0x8FFFFFFF  }
0x98: {  	s19 =	sld [smem:$0x3FDB];
	_ =	sdelay $0x1  }
0x99: {  	s4 =	simm.s32 $_scs_section_size  }
0x9a: {  	s5 =	simm.s32 $_size__tile_overlayer_lowered;
	s6 =	simm.s32 $_tile_overlayer_lowered  }
0x9b: {  	s22 =	simm.s32 $0x1BFF;
	s21 =	sshll.u32 s6, $0x1;
	s3 =	sadd.s32 s4, s19  }
0x9c: {  	s7 =	simm.s32 $0x0;
	s20 =	sshll.u32 s5, $0x1;
	s5 =	sadd.s32 s21, s3  }
0x9d: {  	[timem:s7], [sflag:s22] =	dma.local [hbm:s5], s20  }
0x9e: {  	_ =	swait.ge [sflag:s22], s20  }
0x9f: {  	s4 =	ssub.s32 $0x0, s20;
	[sflag:s22] =	ssyncset.done $0x0  }
0xa0: {  	[sflag:s22] =	ssyncadd.s32 s4;
	_ =	sdelay $0x1  }
0xa1: {  	s23 =	simm.s32 $0x1B8B  }
0xa2: {  	_ =	swait.ge [sflag:s23], $0x1  }
0xa3: {  	[sflag:s23] =	ssyncset.done $0x0  }
0xa4: {  	s25 =	simm.s32 $0x1B8E;
	s24 =	sld [smem:$0x3FFE];
	[sflag:s23] =	ssyncadd.s32 $0xFFFFFFFF  }
0xa5: {  	s26 =	simm.s32 $execute0_lowered;
	[smem:$0x3FD2] =	sst s25  }
0xa6: {  	s5 =	sshll.u32 s26, $0x1;
	_ =	strace $0x8000004C;
	[dreg:$0x1] =	wrdreg $0xFFFFFFFF  }
0xa7: {  	s28 =	simm.s32 $_size_execute0_lowered;
	s3 =	sadd.s32 s3, s5;
	[dreg:$0x0] =	wrdreg $0x0  }
0xa8: {  	s5 =	sshll.u32 s28, $0x1;
	[dreg:$0x2] =	wrdreg s3  }
0xa9: {  	[dreg:$0x3] =	wrdreg s5  }
0xaa: {  	[dreg:$0x4] =	wrdreg $0xC0  }
0xab: {  	_ =	task [dreg:s7], $0x5FFFF  }
0xac: {  	[dreg:$0x1] =	wrdreg $0xFFFFFFFF  }
0xad: {  	[dreg:$0x0] =	wrdreg $0x60  }
0xae: {  	[dreg:$0x2] =	wrdreg s2  }
0xaf: {  	[dreg:$0x3] =	wrdreg s24  }
0xb0: {  	[dreg:$0x4] =	wrdreg $0xA8000  }
0xb1: {  	[dreg:$0x5] =	wrdreg $0x9  }
0xb2: {  	_ =	task.clear_ibuf [dreg:s7], $0x6FFFF;
	_ =	strace $0x9000004C  }
0xb3: {  	s29 =	simm.s32 $0x9;
	_ =	strace $0x8000004E  }
0xb4: {  	_ =	swait.ge [sflag:s29], $0x1  }
0xb5: {  	[sflag:s29] =	ssyncadd.s32 $0xFFFFFFFF  }
0xb6: {  	_ =	strace $0x9000004E  }
0xb7: {  	_ =	sfence  }
0xb8: {  	s30 =	sld [smem:$0x0];
	_ =	sdelay $0x2  }
0xb9: {  	s31 =	sshll.u32 s1, $0xD;
	s1 =	sshrl.u32 s1, $0x2  }
0xba: {  	s3 =	sand.u32 $0x4000, s31;
	s1 =	sadd.s32 s1, s30  }
0xbb: {  	s0 =	sor.u32 s3, s0;
	s1 =	sshll.u32 s1, $0x11  }
0xbc: {  	s0 =	sor.u32 s1, s0  }
0xbd: {  	s0 =	sadd.s32 $0x8F2B, s0  }
0xbe: {  	[sflag:s0] =	ssyncadd.remote.s32 $0x1  }
0xbf: {  	_ =	sfence.sel $0xFFFF  }
0xc0: {  	[dreg:$0x0] =	wrdreg $0xFFFFFFFF;
	(pc) =	sbr.abs _section_cstart, $3  }
0xc1: {  	[dreg:$0x1] =	wrdreg $0xFFFFFFFF  }
0xc2: {  	_ =	task.clear_ibuf [dreg:s7], $0x2FFFF;
	_ =	strace $0x9FFFFFFF  }
0xc3: {  	(tm) =	ssettm $0x7FFFFFFF  }
tec
execute0_lowered:
.L_overlay_start_1:
0x0: {  	(tag) =	ssettag $0x1  }
0x1: {  	s1 =	rddreg [dreg:$0x0]  }
0x2: {  	s6 =	rddreg [dreg:$0x1]  }
0x3: {  	s0 =	srdreg.scid;
	s3 =	rddreg [dreg:$0x2]  }
0x4: {  	s4 =	simm.s32 $0x0;
	s14 =	simm.s32 $0x3;
	s15 =	simm.s32 $0x1400  }
0x5: {  	s16 =	simm.s32 $0x80;
	s17 =	simm.s32 $0x6800;
	s18 =	simm.s32 $0x1  }
0x6: {  	s19 =	simm.s32 $0x2;
	s5 =	sand.u32 $0x1, s0;
	s0 =	stileid.u32  }
0x7: {  	s20 =	simm.s32 $0x1380;
	s21 =	simm.s32 $0x2700;
	s8 =	smul.u32 $0x50000, s0  }
0x8: {  	s22 =	simm.s32 $0x2780;
	[smem:$0x7FF] =	sst s4;
	s9 =	smul.u32 $0x28000, s5  }
0x9: {  	s2 =	sshll.u32 s5, $0x4;
	s5 =	ssub.s32 $0x2, s5;
	s24 =	smul.u32 $0x2800, s0  }
0xa: {  	s7 =	sor.u32 s0, s2;
	s2 =	rddreg [dreg:$0x3];
	_ =	strace $0x8000004D  }
0xb: {  	s31 =	sshrl.u32 s5, $0x1;
	s7 =	smul.u32 $0x500, s7;
	s8 =	sshrl.u32 s8, $0x2  }
0xc: {  	s12 =	sadd.s32 s9, s6;
	s13 =	ssub.s32 s5, s31;
	s5 =	sadd.s32 s8, s3  }
0xd: {  	s23 =	sadd.s32 $0x20C00, s12;
	s12 =	smax.u32 s13, $0x1;
	s13 =	simm.s32 $0x2800  }
0xe: {  	s11 =	sadd.s32 s7, s6;
	s6 =	sadd.s32 $0x4000, s5;
	s7 =	sadd.s32 $0x8000, s5  }
0xf: {  	s8 =	sadd.s32 $0xC000, s5;
	s9 =	sadd.s32 $0x10000, s5;
	s23 =	sadd.s32 s24, s23  }
0x10: {  	v0 =	vimm.f32 $0.0e+00;
	s24 =	simm.s32 $0x0;
	s10 =	sadd.s32 $0x16C00, s11;
	s11 =	sadd.s32 $0xCC00, s11  }
.LBB2_1:
0x11: {  	s25 =	sand.u32 $0xFE00, s4  }
0x12: {  	s26 =	sand.u32 $0x70, s4;
	s28 =	sshrl.u32 s25, $0x2  }
0x13: {  	s25 =	simm.s32 $0x40;
	s28 =	sor.u32 s26, s28;
	s26 =	simm.s32 $0x0  }
.LBB2_2:
0x14: {  	p0 =	sne.s32 s25, $0xFFC0  }
0x15: {  	[tilespmem:s28+$0x2800] =	vst v0;
	s26 =	sadd.s32 $0x10, s26;
	s28 =	smov.u32 s25;
	s25 =	sadd.s32 $0x40, s25  }
.Ltmp0:
0x16: {  	(pc) =	sbr.rel @p0 .LBB2_2-.Ltmp0, $4  }
0x17: {  	_ = 	snop  }
0x18: {  	s28 =	sand.u32 $0xFE00, s28  }
0x19: {  	s29 =	sand.u32 $0x70, s26;
	s28 =	sshrl.u32 s28, $0x2  }
0x1a: {  	s28 =	sor.u32 s29, s28  }
0x1b: {  	[tilespmem:s28+$0x2800] =	vst v0  }
0x1c: {  	[spmem:s5] =	stream.linear.scatter [tilespmem:s13], [sflag:$0x3], $0x4000, $0x38;
	[tilespmem:$0x1E800] =	vst v63  }
0x1d: {  	_ =	swait.ge [sflag:s14], $0x4000  }
0x1e: {  	[sflag:s14] =	ssyncset.done $0x0  }
0x1f: {  	[sflag:s14] =	ssyncadd.s32 $0xFFFFC000  }
0x20: {  	[spmem:s6] =	stream.linear.scatter [tilespmem:s13], [sflag:$0x3], $0x4000, $0x38;
	[tilespmem:$0x1E800] =	vst v63  }
0x21: {  	_ =	swait.ge [sflag:s14], $0x4000  }
0x22: {  	[sflag:s14] =	ssyncset.done $0x0  }
0x23: {  	[sflag:s14] =	ssyncadd.s32 $0xFFFFC000  }
0x24: {  	[spmem:s7] =	stream.linear.scatter [tilespmem:s13], [sflag:$0x3], $0x4000, $0x38;
	[tilespmem:$0x1E800] =	vst v63  }
0x25: {  	_ =	swait.ge [sflag:s14], $0x4000  }
0x26: {  	[sflag:s14] =	ssyncset.done $0x0  }
0x27: {  	[sflag:s14] =	ssyncadd.s32 $0xFFFFC000  }
0x28: {  	[spmem:s8] =	stream.linear.scatter [tilespmem:s13], [sflag:$0x3], $0x4000, $0x38;
	[tilespmem:$0x1E800] =	vst v63  }
0x29: {  	_ =	swait.ge [sflag:s14], $0x4000  }
0x2a: {  	[sflag:s14] =	ssyncset.done $0x0  }
0x2b: {  	[sflag:s14] =	ssyncadd.s32 $0xFFFFC000  }
0x2c: {  	[spmem:s9] =	stream.linear.scatter [tilespmem:s13], [sflag:$0x3], $0x4000, $0x38;
	[tilespmem:$0x1E800] =	vst v63  }
0x2d: {  	_ =	swait.ge [sflag:s14], $0x4000  }
0x2e: {  	[sflag:s14] =	ssyncset.done $0x0  }
0x2f: {  	[sflag:s14] =	ssyncadd.s32 $0xFFFFC000  }
0x30: {  	s25 =	simm.s32 $0x0;
	[bflag:$0x0] =	sbarrier.arrive $0xFFFF  }
0x31: {  	[tilespmem:s25], [sflag:$0x3] =	stream.linear.gather [hbm4b:s10+s25], $0x1400, $0x38;
	[tilespmem:$0x1E800] =	vst v63  }
0x32: {  	_ =	swait.ge [sflag:s14], $0x1400  }
0x33: {  	[sflag:s14] =	ssyncset.done $0x0  }
0x34: {  	[sflag:s14] =	ssyncadd.s32 $0xFFFFEC00  }
0x35: {  	[tilespmem:s15], [sflag:$0x3] =	stream.linear.gather [hbm4b:s11+s25], $0x1400, $0x38;
	[tilespmem:$0x1E800] =	vst v63  }
0x36: {  	_ =	swait.ge [sflag:s14], $0x1400  }
0x37: {  	[sflag:s14] =	ssyncset.done $0x0  }
0x38: {  	[sflag:s14] =	ssyncadd.s32 $0xFFFFEC00  }
0x39: {  	[tilespmem:s13], [sflag:$0x1] =	stream.indirect.gather [hbm4b:s1+s16], $0x80, s25, s16, $0xb8;
	[tilespmem:$0x1E800] =	vst v63  }
0x3a: {  	s28 =	simm.s32 $0x80  }
0x3b: {  	[tilespmem:s17], [sflag:$0x2] =	stream.indirect.gather [hbm4b:s1+s16], $0x80, s28, s16, $0xb8;
	[tilespmem:$0x1E800] =	vst v63  }
0x3c: {  	_ =	swait.ge [sflag:s18], $0x4000  }
0x3d: {  	[sflag:s18] =	ssyncset.done $0x0  }
0x3e: {  	s29 =	simm.s32 $0x1400;
	[sflag:s18] =	ssyncadd.s32 $0xFFFFC000  }
0x3f: {  	[spmem:s3] =	stream.indirect.scatter.add.f32 [tilespmem:s13], [sflag:$0x3], $0x80, s29, s16, $0xb8;
	[tilespmem:$0x1E800] =	vst v63  }
0x40: {  	_ =	swait.ge [sflag:s14], $0x4000  }
0x41: {  	[sflag:s14] =	ssyncset.done $0x0  }
0x42: {  	s30 =	simm.s32 $0x100;
	[sflag:s14] =	ssyncadd.s32 $0xFFFFC000  }
0x43: {  	[tilespmem:s13], [sflag:$0x1] =	stream.indirect.gather [hbm4b:s1+s16], $0x80, s30, s16, $0xb8;
	[tilespmem:$0x1E800] =	vst v63  }
0x44: {  	_ =	swait.ge [sflag:s19], $0x4000  }
0x45: {  	[sflag:s19] =	ssyncset.done $0x0  }
0x46: {  	s31 =	simm.s32 $0x1480;
	[sflag:s19] =	ssyncadd.s32 $0xFFFFC000  }
0x47: {  	[spmem:s3] =	stream.indirect.scatter.add.f32 [tilespmem:s17], [sflag:$0x3], $0x80, s31, s16, $0xb8;
	[tilespmem:$0x1E800] =	vst v63  }
0x48: {  	_ =	swait.ge [sflag:s14], $0x4000  }
0x49: {  	s26 =	simm.s32 $0x800;
	s25 =	simm.s32 $0x100;
	[sflag:s14] =	ssyncset.done $0x0  }
.LBB2_4:
0x4a: {  	s28 =	sadd.s32 $0x80, s25  }
0x4b: {  	[sflag:s14] =	ssyncadd.s32 $0xFFFFC000;
	s29 =	smov.u32 s26;
	s30 =	sadd.s32 $0x400, s26  }
0x4c: {  	[tilespmem:s17], [sflag:$0x2] =	stream.indirect.gather [hbm4b:s1+s16], $0x80, s28, s16, $0xb8;
	[tilespmem:$0x1E800] =	vst v63  }
0x4d: {  	p0 =	sne.s32 s26, $0x4800;
	_ =	swait.ge [sflag:s18], $0x4000  }
0x4e: {  	[sflag:s18] =	ssyncset.done $0x0  }
0x4f: {  	s26 =	sadd.s32 $0x1400, s25;
	[sflag:s18] =	ssyncadd.s32 $0xFFFFC000  }
0x50: {  	[spmem:s3] =	stream.indirect.scatter.add.f32 [tilespmem:s13], [sflag:$0x3], $0x80, s26, s16, $0xb8;
	[tilespmem:$0x1E800] =	vst v63  }
0x51: {  	_ =	swait.ge [sflag:s14], $0x4000  }
0x52: {  	[sflag:s14] =	ssyncset.done $0x0  }
0x53: {  	s26 =	sadd.s32 $0x100, s25;
	[sflag:s14] =	ssyncadd.s32 $0xFFFFC000  }
0x54: {  	[tilespmem:s13], [sflag:$0x1] =	stream.indirect.gather [hbm4b:s1+s16], $0x80, s26, s16, $0xb8;
	[tilespmem:$0x1E800] =	vst v63  }
0x55: {  	_ =	swait.ge [sflag:s19], $0x4000  }
.Ltmp1:
0x56: {  	[sflag:s19] =	ssyncset.done $0x0;
	(pc) =	sbr.rel @p0 .LBB2_4-.Ltmp1, $4  }
0x57: {  	s25 =	sadd.s32 $0x1480, s25;
	[sflag:s19] =	ssyncadd.s32 $0xFFFFC000  }
0x58: {  	[spmem:s3] =	stream.indirect.scatter.add.f32 [tilespmem:s17], [sflag:$0x3], $0x80, s25, s16, $0xb8;
	[tilespmem:$0x1E800] =	vst v63  }
0x59: {  	_ =	swait.ge [sflag:s14], $0x4000  }
0x5a: {  	s26 =	smov.u32 s30;
	s25 =	sshra.s32 s29, $0x2;
	[sflag:s14] =	ssyncset.done $0x0  }
0x5b: {  	s26 =	sadd.s32 $0x80, s25;
	[sflag:s14] =	ssyncadd.s32 $0xFFFFC000  }
0x5c: {  	[tilespmem:s17], [sflag:$0x2] =	stream.indirect.gather [hbm4b:s1+s16], $0x80, s26, s16, $0xb8;
	[tilespmem:$0x1E800] =	vst v63  }
0x5d: {  	_ =	swait.ge [sflag:s18], $0x4000  }
0x5e: {  	[sflag:s18] =	ssyncset.done $0x0  }
0x5f: {  	s30 =	sadd.s32 $0x1400, s25;
	[sflag:s18] =	ssyncadd.s32 $0xFFFFC000  }
0x60: {  	[spmem:s3] =	stream.indirect.scatter.add.f32 [tilespmem:s13], [sflag:$0x3], $0x80, s30, s16, $0xb8;
	[tilespmem:$0x1E800] =	vst v63  }
0x61: {  	_ =	swait.ge [sflag:s14], $0x4000  }
0x62: {  	[sflag:s14] =	ssyncset.done $0x0  }
0x63: {  	s31 =	sadd.s32 $0x100, s25;
	[sflag:s14] =	ssyncadd.s32 $0xFFFFC000  }
0x64: {  	[tilespmem:s13], [sflag:$0x1] =	stream.indirect.gather [hbm4b:s1+s16], $0x80, s31, s16, $0xb8;
	[tilespmem:$0x1E800] =	vst v63  }
0x65: {  	_ =	swait.ge [sflag:s19], $0x4000  }
0x66: {  	[sflag:s19] =	ssyncset.done $0x0  }
0x67: {  	s28 =	sadd.s32 $0x1480, s25;
	[sflag:s19] =	ssyncadd.s32 $0xFFFFC000  }
0x68: {  	[spmem:s3] =	stream.indirect.scatter.add.f32 [tilespmem:s17], [sflag:$0x3], $0x80, s28, s16, $0xb8;
	[tilespmem:$0x1E800] =	vst v63  }
0x69: {  	_ =	swait.ge [sflag:s14], $0x4000  }
0x6a: {  	[sflag:s14] =	ssyncset.done $0x0  }
0x6b: {  	[sflag:s14] =	ssyncadd.s32 $0xFFFFC000  }
0x6c: {  	[tilespmem:s17], [sflag:$0x2] =	stream.indirect.gather [hbm4b:s1+s16], $0x80, s20, s16, $0xb8;
	[tilespmem:$0x1E800] =	vst v63  }
0x6d: {  	_ =	swait.ge [sflag:s18], $0x4000  }
0x6e: {  	[sflag:s18] =	ssyncset.done $0x0  }
0x6f: {  	[sflag:s18] =	ssyncadd.s32 $0xFFFFC000  }
0x70: {  	[spmem:s3] =	stream.indirect.scatter.add.f32 [tilespmem:s13], [sflag:$0x3], $0x80, s21, s16, $0xb8;
	[tilespmem:$0x1E800] =	vst v63  }
0x71: {  	_ =	swait.ge [sflag:s14], $0x4000  }
0x72: {  	[sflag:s14] =	ssyncset.done $0x0  }
0x73: {  	[sflag:s14] =	ssyncadd.s32 $0xFFFFC000  }
0x74: {  	_ =	swait.ge [sflag:s19], $0x4000  }
0x75: {  	[sflag:s19] =	ssyncset.done $0x0  }
0x76: {  	[sflag:s19] =	ssyncadd.s32 $0xFFFFC000  }
0x77: {  	[spmem:s3] =	stream.indirect.scatter.add.f32 [tilespmem:s17], [sflag:$0x3], $0x80, s22, s16, $0xb8;
	[tilespmem:$0x1E800] =	vst v63  }
0x78: {  	_ =	swait.ge [sflag:s14], $0x4000  }
0x79: {  	[sflag:s14] =	ssyncset.done $0x0  }
0x7a: {  	s29 =	sadd.s32 $0x280, s10;
	s30 =	simm.s32 $0x0;
	[sflag:s14] =	ssyncadd.s32 $0xFFFFC000  }
0x7b: {  	[tilespmem:s30], [sflag:$0x3] =	stream.linear.gather [hbm4b:s29+s30], $0x1400, $0x38;
	[tilespmem:$0x1E800] =	vst v63  }
0x7c: {  	_ =	swait.ge [sflag:s14], $0x1400  }
0x7d: {  	[sflag:s14] =	ssyncset.done $0x0  }
0x7e: {  	s31 =	sadd.s32 $0x280, s11;
	[sflag:s14] =	ssyncadd.s32 $0xFFFFEC00  }
0x7f: {  	[tilespmem:s15], [sflag:$0x3] =	stream.linear.gather [hbm4b:s31+s30], $0x1400, $0x38;
	[tilespmem:$0x1E800] =	vst v63  }
0x80: {  	_ =	swait.ge [sflag:s14], $0x1400  }
0x81: {  	[sflag:s14] =	ssyncset.done $0x0  }
0x82: {  	[sflag:s14] =	ssyncadd.s32 $0xFFFFEC00  }
0x83: {  	[tilespmem:s13], [sflag:$0x1] =	stream.indirect.gather [hbm4b:s1+s16], $0x80, s30, s16, $0xb8;
	[tilespmem:$0x1E800] =	vst v63  }
0x84: {  	s28 =	simm.s32 $0x80  }
0x85: {  	[tilespmem:s17], [sflag:$0x2] =	stream.indirect.gather [hbm4b:s1+s16], $0x80, s28, s16, $0xb8;
	[tilespmem:$0x1E800] =	vst v63  }
0x86: {  	_ =	swait.ge [sflag:s18], $0x4000  }
0x87: {  	[sflag:s18] =	ssyncset.done $0x0  }
0x88: {  	s29 =	simm.s32 $0x1400;
	[sflag:s18] =	ssyncadd.s32 $0xFFFFC000  }
0x89: {  	[spmem:s3] =	stream.indirect.scatter.add.f32 [tilespmem:s13], [sflag:$0x3], $0x80, s29, s16, $0xb8;
	[tilespmem:$0x1E800] =	vst v63  }
0x8a: {  	_ =	swait.ge [sflag:s14], $0x4000  }
0x8b: {  	[sflag:s14] =	ssyncset.done $0x0  }
0x8c: {  	s30 =	simm.s32 $0x100;
	[sflag:s14] =	ssyncadd.s32 $0xFFFFC000  }
0x8d: {  	[tilespmem:s13], [sflag:$0x1] =	stream.indirect.gather [hbm4b:s1+s16], $0x80, s30, s16, $0xb8;
	[tilespmem:$0x1E800] =	vst v63  }
0x8e: {  	_ =	swait.ge [sflag:s19], $0x4000  }
0x8f: {  	[sflag:s19] =	ssyncset.done $0x0  }
0x90: {  	s31 =	simm.s32 $0x1480;
	[sflag:s19] =	ssyncadd.s32 $0xFFFFC000  }
0x91: {  	[spmem:s3] =	stream.indirect.scatter.add.f32 [tilespmem:s17], [sflag:$0x3], $0x80, s31, s16, $0xb8;
	[tilespmem:$0x1E800] =	vst v63  }
0x92: {  	_ =	swait.ge [sflag:s14], $0x4000  }
0x93: {  	s25 =	simm.s32 $0x100;
	s26 =	simm.s32 $0x800;
	[sflag:s14] =	ssyncset.done $0x0  }
.LBB2_6:
0x94: {  	s28 =	sadd.s32 $0x80, s25  }
0x95: {  	[sflag:s14] =	ssyncadd.s32 $0xFFFFC000;
	s29 =	smov.u32 s26;
	s30 =	sadd.s32 $0x400, s26  }
0x96: {  	[tilespmem:s17], [sflag:$0x2] =	stream.indirect.gather [hbm4b:s1+s16], $0x80, s28, s16, $0xb8;
	[tilespmem:$0x1E800] =	vst v63  }
0x97: {  	p0 =	sne.s32 s26, $0x4800;
	_ =	swait.ge [sflag:s18], $0x4000  }
0x98: {  	[sflag:s18] =	ssyncset.done $0x0  }
0x99: {  	s26 =	sadd.s32 $0x1400, s25;
	[sflag:s18] =	ssyncadd.s32 $0xFFFFC000  }
0x9a: {  	[spmem:s3] =	stream.indirect.scatter.add.f32 [tilespmem:s13], [sflag:$0x3], $0x80, s26, s16, $0xb8;
	[tilespmem:$0x1E800] =	vst v63  }
0x9b: {  	_ =	swait.ge [sflag:s14], $0x4000  }
0x9c: {  	[sflag:s14] =	ssyncset.done $0x0  }
0x9d: {  	s26 =	sadd.s32 $0x100, s25;
	[sflag:s14] =	ssyncadd.s32 $0xFFFFC000  }
0x9e: {  	[tilespmem:s13], [sflag:$0x1] =	stream.indirect.gather [hbm4b:s1+s16], $0x80, s26, s16, $0xb8;
	[tilespmem:$0x1E800] =	vst v63  }
0x9f: {  	_ =	swait.ge [sflag:s19], $0x4000  }
.Ltmp2:
0xa0: {  	[sflag:s19] =	ssyncset.done $0x0;
	(pc) =	sbr.rel @p0 .LBB2_6-.Ltmp2, $4  }
0xa1: {  	s25 =	sadd.s32 $0x1480, s25;
	[sflag:s19] =	ssyncadd.s32 $0xFFFFC000  }
0xa2: {  	[spmem:s3] =	stream.indirect.scatter.add.f32 [tilespmem:s17], [sflag:$0x3], $0x80, s25, s16, $0xb8;
	[tilespmem:$0x1E800] =	vst v63  }
0xa3: {  	_ =	swait.ge [sflag:s14], $0x4000  }
0xa4: {  	s26 =	smov.u32 s30;
	s25 =	sshra.s32 s29, $0x2;
	[sflag:s14] =	ssyncset.done $0x0  }
0xa5: {  	s26 =	sadd.s32 $0x80, s25;
	[sflag:s14] =	ssyncadd.s32 $0xFFFFC000  }
0xa6: {  	[tilespmem:s17], [sflag:$0x2] =	stream.indirect.gather [hbm4b:s1+s16], $0x80, s26, s16, $0xb8;
	[tilespmem:$0x1E800] =	vst v63  }
0xa7: {  	_ =	swait.ge [sflag:s18], $0x4000  }
0xa8: {  	[sflag:s18] =	ssyncset.done $0x0  }
0xa9: {  	s31 =	sadd.s32 $0x1400, s25;
	[sflag:s18] =	ssyncadd.s32 $0xFFFFC000  }
0xaa: {  	[spmem:s3] =	stream.indirect.scatter.add.f32 [tilespmem:s13], [sflag:$0x3], $0x80, s31, s16, $0xb8;
	[tilespmem:$0x1E800] =	vst v63  }
0xab: {  	_ =	swait.ge [sflag:s14], $0x4000  }
0xac: {  	[sflag:s14] =	ssyncset.done $0x0  }
0xad: {  	s28 =	sadd.s32 $0x100, s25;
	[sflag:s14] =	ssyncadd.s32 $0xFFFFC000  }
0xae: {  	[tilespmem:s13], [sflag:$0x1] =	stream.indirect.gather [hbm4b:s1+s16], $0x80, s28, s16, $0xb8;
	[tilespmem:$0x1E800] =	vst v63  }
0xaf: {  	_ =	swait.ge [sflag:s19], $0x4000  }
0xb0: {  	[sflag:s19] =	ssyncset.done $0x0  }
0xb1: {  	s29 =	sadd.s32 $0x1480, s25;
	[sflag:s19] =	ssyncadd.s32 $0xFFFFC000  }
0xb2: {  	[spmem:s3] =	stream.indirect.scatter.add.f32 [tilespmem:s17], [sflag:$0x3], $0x80, s29, s16, $0xb8;
	[tilespmem:$0x1E800] =	vst v63  }
0xb3: {  	_ =	swait.ge [sflag:s14], $0x4000  }
0xb4: {  	[sflag:s14] =	ssyncset.done $0x0  }
0xb5: {  	[sflag:s14] =	ssyncadd.s32 $0xFFFFC000  }
0xb6: {  	[tilespmem:s17], [sflag:$0x2] =	stream.indirect.gather [hbm4b:s1+s16], $0x80, s20, s16, $0xb8;
	[tilespmem:$0x1E800] =	vst v63  }
0xb7: {  	_ =	swait.ge [sflag:s18], $0x4000  }
0xb8: {  	[sflag:s18] =	ssyncset.done $0x0  }
0xb9: {  	[sflag:s18] =	ssyncadd.s32 $0xFFFFC000  }
0xba: {  	[spmem:s3] =	stream.indirect.scatter.add.f32 [tilespmem:s13], [sflag:$0x3], $0x80, s21, s16, $0xb8;
	[tilespmem:$0x1E800] =	vst v63  }
0xbb: {  	_ =	swait.ge [sflag:s14], $0x4000  }
0xbc: {  	[sflag:s14] =	ssyncset.done $0x0  }
0xbd: {  	[sflag:s14] =	ssyncadd.s32 $0xFFFFC000  }
0xbe: {  	_ =	swait.ge [sflag:s19], $0x4000  }
0xbf: {  	[sflag:s19] =	ssyncset.done $0x0  }
0xc0: {  	[sflag:s19] =	ssyncadd.s32 $0xFFFFC000  }
0xc1: {  	[spmem:s3] =	stream.indirect.scatter.add.f32 [tilespmem:s17], [sflag:$0x3], $0x80, s22, s16, $0xb8;
	[tilespmem:$0x1E800] =	vst v63  }
0xc2: {  	_ =	swait.ge [sflag:s14], $0x4000  }
0xc3: {  	s30 =	sshll.u32 s0, $0x6;
	s24 =	sadd.s32 $0x1, s24;
	[sflag:s14] =	ssyncset.done $0x0  }
0xc4: {  	s25 =	sor.u32 $0x1C03, s30;
	p0 =	sne.s32 s24, s12;
	[sflag:s14] =	ssyncadd.s32 $0xFFFFC000  }
.Ltmp3:
0xc5: {  	s31 =	sshrl.u32 s5, $0x3;
	[bflag:$0x0] =	sbarrier.arrive $0xFFFF;
	(pc) =	sbr.rel @p0 .LBB2_1-.Ltmp3, $4  }
0xc6: {  	[hbm:s23], [sflag:s25] =	dma.local [spmem:s31], $0x2800  }
0xc7: {  	_ =	swait.ge [sflag:s14], $0x2800  }
0xc8: {  	[sflag:s14] =	ssyncset.done $0x0  }
0xc9: {  	[sflag:s14] =	ssyncadd.s32 $0xFFFFD800  }
0xca: {  	_ =	sfence.sel $0x180000  }
0xcb: {  	[bflag:$0x0] =	sbarrier.arrive $0xFFFF  }
0xcc: {  	p0 =	sne.s32 s0, $0x0;
	_ =	strace $0x9000004D  }
0xcd: {  	s0 =	sadd.s32 @!p0 $0x100000, s2;
	[bflag:$0x2] =	sbarrier.arrive $0xFFFF  }
0xce: {  	[sflag:s0] =	ssyncadd.tile.s32 @!p0 $0x1;
	_ =	shalt  }
.Lfunc_end2:
_tile_overlayer_lowered:
.L_overlay_start_2:
0xcf: {  	(tag) =	ssettag $0x2  }
0xd0: {  	s0 =	rddreg [dreg:$0x0];
	s2 =	stileid.u32  }
0xd1: {  	s1 =	rddreg [dreg:$0x1];
	p0 =	sne.s32 s2, $0x0  }
0xd2: {  	s3 =	rddreg [dreg:$0x2];
	[bflag:$0x3] =	sbarrier.arrive $0xFFFF;
	s2 =	simm.s32 @!p0 $0x1C03  }
0xd3: {  	[timem:s3], [sflag:s2] =	dma.local @!p0 [hbm:s0], s1  }
0xd4: {  	s0 =	simm.s32 @!p0 $0x3  }
0xd5: {  	_ =	swait.ge @!p0 [sflag:s0], s1  }
0xd6: {  	s1 =	ssub.s32 @!p0 $0x0, s1;
	[sflag:s0] =	ssyncset.done @!p0 $0x0  }
0xd7: {  	[sflag:s0] =	ssyncadd.s32 @!p0 s1  }
0xd8: {  	[bflag:$0x3] =	sbarrier.arrive $0xFFFF  }
0xd9: {  	_ =	shalt  }

// kernel: kernel.18.cloned.1.call-start
scs
__scs_entry_jumppad:
0x0: {  	(pc) =	sbr.rel $0x88, $3  }
0x1: {  	(tag) =	ssettag $0x0;
	lr =	simm.s32 $0x1  }
0x2: {  	[smem:$0x3F99] =	sst lr;
	_ =	strace $0xD0000000  }
0x3: {  	_ = 	snop  }
0x4: {  	_ = 	snop  }
0x5: {  	_ = 	snop  }
0x6: {  	_ = 	snop  }
0x7: {  	_ = 	snop  }
__scs_overlays_trampoline_lowered:
0x8: {  	[smem:$0x3FA8] =	sst s0  }
0x9: {  	[smem:$0x3FA9] =	sst s1  }
0xa: {  	[smem:$0x3FAA] =	sst s2  }
0xb: {  	[smem:$0x3FAB] =	sst s3  }
0xc: {  	[smem:$0x3FAC] =	sst s4  }
0xd: {  	[smem:$0x3FAD] =	sst s5  }
0xe: {  	[smem:$0x3FAE] =	sst s6  }
0xf: {  	[smem:$0x3FAF] =	sst s7  }
0x10: {  	[smem:$0x3FB0] =	sst s8  }
0x11: {  	[smem:$0x3FB1] =	sst s9;
	s0 =	simm.s32 @!p0 $0x0  }
0x12: {  	s1 =	sld [smem:$0x3F97];
	s0 =	simm.s32 @p0 $0x1  }
0x13: {  	[smem:$0x3FB2] =	sst s0;
	s0 =	simm.s32 @!p1 $0x0  }
0x14: {  	s2 =	sld [smem:$0x3F96];
	s0 =	simm.s32 @p1 $0x1  }
0x15: {  	[smem:$0x3FB3] =	sst s0;
	s0 =	simm.s32 @!p2 $0x0  }
0x16: {  	s3 =	sld [smem:$0x3FDB];
	s0 =	simm.s32 @p2 $0x1  }
0x17: {  	s4 =	simm.s32 $0x1BF5;
	[smem:$0x3FB5] =	sst s0  }
0x18: {  	s0 =	sld [smem:$0x3F98];
	_ =	swait.ge [sflag:s4], $0x0  }
0x19: {  	s7 =	sld [smem:$0x3F99]  }
0x1a: {  	s8 =	sadd.s32 $0xFFFFE003, lr  }
0x1b: {  	s9 =	sadd.s32 $0xFFFFFEF7, lr;
	s5 =	simm.s32 $0xFFFFFFFF;
	p2 =	slt.u32 s8, $0xFFFFF086  }
0x1c: {  	p1 =	slt.u32 s9, $0xF7A;
	s5 =	simm.s32 @!p2 $0x0  }
0x1d: {  	s5 =	simm.s32 @p1 $0x1;
	p0 =	seq.s32 s7, s2  }
0x1e: {  	s7 =	smul.u32 @!p0 $0xF7A, s2;
	p2 =	seq.s32 @!p0 s5, $0x0  }
0x1f: {  	s9 =	smul.u32 $0xF7A, s1;
	s8 =	simm.s32 @!p0 $0x1BF5;
	p2 =	por !p2, p0  }
0x20: {  	[sflag:s8] =	ssyncset.s32 @!p0 $0xFFFFF086;
	s6 =	sadd.s32 @!p0 s3, s7;
	s7 =	simm.s32 @!p0 $0x108  }
0x21: {  	s3 =	sadd.s32 s3, s9;
	s6 =	sadd.s32 @!p0 $0x88, s6;
	s7 =	simm.s32 @p2 $0x1082  }
0x22: {  	[simem:s7], [sflag:s8] =	dma.local @!p0 [hbm:s6], $0xF7A  }
0x23: {  	s9 =	sor.u32 $0xD0000000, s2;
	s6 =	simm.s32 $0x108;
	_ =	swait.ge @!p0 [sflag:s8], $0x0  }
0x24: {  	s3 =	sadd.s32 $0x88, s3;
	s6 =	simm.s32 @!p1 $0x1082;
	[sflag:s4] =	ssyncset.s32 $0xFFFFF086  }
0x25: {  	[simem:s6], [sflag:s4] =	dma.local [hbm:s3], $0xF7A  }
0x26: {  	[smem:$0x3F99] =	sst s1;
	(tag) =	ssettag s2;
	_ =	strace s9  }
0x27: {  	s1 =	sld [smem:$0x3FA9]  }
0x28: {  	s2 =	sld [smem:$0x3FAA]  }
0x29: {  	s4 =	sld [smem:$0x3FAC]  }
0x2a: {  	p0 =	seq.s32 s5, $0x0;
	s5 =	sld [smem:$0x3FAD]  }
0x2b: {  	s6 =	sld [smem:$0x3FAE]  }
0x2c: {  	s7 =	sld [smem:$0x3FAF]  }
0x2d: {  	s3 =	simm.s32 $0x108;
	s8 =	sld [smem:$0x3FB0]  }
0x2e: {  	s3 =	simm.s32 @!p0 $0x1082;
	s9 =	sld [smem:$0x3FB1]  }
0x2f: {  	lr =	sadd.s32 s0, s3;
	s0 =	sld [smem:$0x3FA8]  }
0x30: {  	s3 =	sld [smem:$0x3FAB]  }
0x31: {  	[smem:$0x3FB4] =	sst s10  }
0x32: {  	s10 =	sld [smem:$0x3FB2];
	_ =	sdelay $0x3  }
0x33: {  	p0 =	seq.s32 s10, $0x1;
	s10 =	sld [smem:$0x3FB4];
	_ =	sdelay $0x3  }
0x34: {  	[smem:$0x3FB4] =	sst s10  }
0x35: {  	s10 =	sld [smem:$0x3FB3];
	_ =	sdelay $0x3  }
0x36: {  	p1 =	seq.s32 s10, $0x1;
	s10 =	sld [smem:$0x3FB4];
	_ =	sdelay $0x3  }
0x37: {  	[smem:$0x3FB4] =	sst s10  }
0x38: {  	s10 =	sld [smem:$0x3FB5]  }
0x39: {  	_ = 	snop;
	(pc) =	sbr.ind lr, $3  }
0x3a: {  	_ = 	snop  }
0x3b: {  	_ = 	snop  }
0x3c: {  	p2 =	seq.s32 s10, $0x1;
	s10 =	sld [smem:$0x3FB4]  }
0x3d: {  	_ =	shalt  }
0x3e: {  	_ =	shalt  }
0x3f: {  	_ =	shalt  }
0x40: {  	_ =	shalt  }
0x41: {  	_ =	shalt  }
0x42: {  	_ =	shalt  }
0x43: {  	_ =	shalt  }
0x44: {  	_ =	shalt  }
0x45: {  	_ =	shalt  }
0x46: {  	_ =	shalt  }
0x47: {  	_ =	shalt  }
0x48: {  	_ =	shalt  }
0x49: {  	_ =	shalt  }
0x4a: {  	_ =	shalt  }
0x4b: {  	_ =	shalt  }
0x4c: {  	_ =	shalt  }
0x4d: {  	_ =	shalt  }
0x4e: {  	_ =	shalt  }
0x4f: {  	_ =	shalt  }
0x50: {  	_ =	shalt  }
0x51: {  	_ =	shalt  }
0x52: {  	_ =	shalt  }
0x53: {  	_ =	shalt  }
0x54: {  	_ =	shalt  }
0x55: {  	_ =	shalt  }
0x56: {  	_ =	shalt  }
0x57: {  	_ =	shalt  }
0x58: {  	_ =	shalt  }
0x59: {  	_ =	shalt  }
0x5a: {  	_ =	shalt  }
0x5b: {  	_ =	shalt  }
0x5c: {  	_ =	shalt  }
0x5d: {  	_ =	shalt  }
0x5e: {  	_ =	shalt  }
0x5f: {  	_ =	shalt  }
0x60: {  	_ =	shalt  }
0x61: {  	_ =	shalt  }
0x62: {  	_ =	shalt  }
0x63: {  	_ =	shalt  }
0x64: {  	_ =	shalt  }
0x65: {  	_ =	shalt  }
0x66: {  	_ =	shalt  }
0x67: {  	_ =	shalt  }
0x68: {  	_ =	shalt  }
0x69: {  	_ =	shalt  }
0x6a: {  	_ =	shalt  }
0x6b: {  	_ =	shalt  }
0x6c: {  	_ =	shalt  }
0x6d: {  	_ =	shalt  }
0x6e: {  	_ =	shalt  }
0x6f: {  	_ =	shalt  }
0x70: {  	_ =	shalt  }
0x71: {  	_ =	shalt  }
0x72: {  	_ =	shalt  }
0x73: {  	_ =	shalt  }
0x74: {  	_ =	shalt  }
0x75: {  	_ =	shalt  }
0x76: {  	_ =	shalt  }
0x77: {  	_ =	shalt  }
0x78: {  	_ =	shalt  }
0x79: {  	_ =	shalt  }
0x7a: {  	_ =	shalt  }
0x7b: {  	_ =	shalt  }
0x7c: {  	_ =	shalt  }
0x7d: {  	_ =	shalt  }
0x7e: {  	_ =	shalt  }
0x7f: {  	_ =	shalt  }
0x80: {  	_ =	shalt  }
0x81: {  	_ =	shalt  }
0x82: {  	_ =	shalt  }
0x83: {  	_ =	shalt  }
0x84: {  	_ =	shalt  }
0x85: {  	_ =	shalt  }
0x86: {  	_ =	shalt  }
0x87: {  	_ =	shalt  }
.Lfunc_end0:
.L_simem_size_0:
called_computation.3_lowered:
.L_overlay_start_0:
0x88: {  	s2 =	sld [smem:$0x3FD9]  }
0x89: {  	s3 =	sld [smem:$0x3FFE];
	_ =	sdelay $0x1  }
0x8a: {  	s1 =	srdreg.scid  }
0x8b: {  	s0 =	sand.u32 $0x1, s1  }
0x8c: {  	s17 =	sshll.u32 s0, $0xA;
	s2 =	sadd.s32 s3, s2  }
0x8d: {  	s2 =	sadd.s32 s2, s17  }
0x8e: {  	[smem:$0x3FC0] =	sst s2  }
0x8f: {  	_ = 	snop  }
0x90: {  	s2 =	sld [smem:$0x3FD0];
	(tm) =	ssettm $0x1  }
0x91: {  	s18 =	sld [smem:$0x3FFB];
	_ =	sdelay $0x3  }
0x92: {  	_ =	strace s18  }
0x93: {  	s3 =	sld [smem:$0x3FFC];
	_ =	sdelay $0x3  }
0x94: {  	_ =	strace s3  }
0x95: {  	s3 =	sld [smem:$0x3FFD];
	_ =	sdelay $0x3  }
0x96: {  	_ =	strace s3  }
0x97: {  	_ =	strace $0x8FFFFFFF  }
0x98: {  	s19 =	sld [smem:$0x3FDB];
	_ =	sdelay $0x1  }
0x99: {  	s4 =	simm.s32 $_scs_section_size  }
0x9a: {  	s5 =	simm.s32 $_size__tile_overlayer_lowered;
	s6 =	simm.s32 $_tile_overlayer_lowered  }
0x9b: {  	s22 =	simm.s32 $0x1BFF;
	s21 =	sshll.u32 s6, $0x1;
	s3 =	sadd.s32 s4, s19  }
0x9c: {  	s7 =	simm.s32 $0x0;
	s20 =	sshll.u32 s5, $0x1;
	s5 =	sadd.s32 s21, s3  }
0x9d: {  	[timem:s7], [sflag:s22] =	dma.local [hbm:s5], s20  }
0x9e: {  	_ =	swait.ge [sflag:s22], s20  }
0x9f: {  	s4 =	ssub.s32 $0x0, s20;
	[sflag:s22] =	ssyncset.done $0x0  }
0xa0: {  	[sflag:s22] =	ssyncadd.s32 s4;
	_ =	sdelay $0x1  }
0xa1: {  	s23 =	simm.s32 $0x1B8B  }
0xa2: {  	_ =	swait.ge [sflag:s23], $0x1  }
0xa3: {  	[sflag:s23] =	ssyncset.done $0x0  }
0xa4: {  	s25 =	simm.s32 $0x1B8E;
	s24 =	sld [smem:$0x3FFE];
	[sflag:s23] =	ssyncadd.s32 $0xFFFFFFFF  }
0xa5: {  	s26 =	simm.s32 $execute0_lowered;
	[smem:$0x3FD2] =	sst s25  }
0xa6: {  	s5 =	sshll.u32 s26, $0x1;
	_ =	strace $0x8000004F;
	[dreg:$0x1] =	wrdreg $0xFFFFFFFF  }
0xa7: {  	s28 =	simm.s32 $_size_execute0_lowered;
	s3 =	sadd.s32 s3, s5;
	[dreg:$0x0] =	wrdreg $0x0  }
0xa8: {  	s5 =	sshll.u32 s28, $0x1;
	[dreg:$0x2] =	wrdreg s3  }
0xa9: {  	[dreg:$0x3] =	wrdreg s5  }
0xaa: {  	[dreg:$0x4] =	wrdreg $0xC0  }
0xab: {  	_ =	task [dreg:s7], $0x5FFFF  }
0xac: {  	[dreg:$0x1] =	wrdreg $0xFFFFFFFF  }
0xad: {  	[dreg:$0x0] =	wrdreg $0x60  }
0xae: {  	[dreg:$0x2] =	wrdreg s2  }
0xaf: {  	[dreg:$0x3] =	wrdreg s24  }
0xb0: {  	[dreg:$0x4] =	wrdreg $0xA8000  }
0xb1: {  	[dreg:$0x5] =	wrdreg $0x9  }
0xb2: {  	_ =	task.clear_ibuf [dreg:s7], $0x6FFFF;
	_ =	strace $0x9000004F  }
0xb3: {  	s29 =	simm.s32 $0x9;
	_ =	strace $0x80000051  }
0xb4: {  	_ =	swait.ge [sflag:s29], $0x1  }
0xb5: {  	[sflag:s29] =	ssyncadd.s32 $0xFFFFFFFF  }
0xb6: {  	_ =	strace $0x90000051  }
0xb7: {  	_ =	sfence  }
0xb8: {  	s30 =	sld [smem:$0x0];
	_ =	sdelay $0x2  }
0xb9: {  	s31 =	sshll.u32 s1, $0xD;
	s1 =	sshrl.u32 s1, $0x2  }
0xba: {  	s3 =	sand.u32 $0x4000, s31;
	s1 =	sadd.s32 s1, s30  }
0xbb: {  	s0 =	sor.u32 s3, s0;
	s1 =	sshll.u32 s1, $0x11  }
0xbc: {  	s0 =	sor.u32 s1, s0  }
0xbd: {  	s0 =	sadd.s32 $0x8F2B, s0  }
0xbe: {  	[sflag:s0] =	ssyncadd.remote.s32 $0x1  }
0xbf: {  	_ =	sfence.sel $0xFFFF  }
0xc0: {  	[dreg:$0x0] =	wrdreg $0xFFFFFFFF;
	(pc) =	sbr.abs _section_cstart, $3  }
0xc1: {  	[dreg:$0x1] =	wrdreg $0xFFFFFFFF  }
0xc2: {  	_ =	task.clear_ibuf [dreg:s7], $0x2FFFF;
	_ =	strace $0x9FFFFFFF  }
0xc3: {  	(tm) =	ssettm $0x7FFFFFFF  }
tec
execute0_lowered:
.L_overlay_start_1:
0x0: {  	(tag) =	ssettag $0x1  }
0x1: {  	s1 =	rddreg [dreg:$0x0]  }
0x2: {  	s6 =	rddreg [dreg:$0x1]  }
0x3: {  	s0 =	srdreg.scid;
	s3 =	rddreg [dreg:$0x2]  }
0x4: {  	s4 =	simm.s32 $0x0;
	s14 =	simm.s32 $0x3;
	s15 =	simm.s32 $0x1400  }
0x5: {  	s16 =	simm.s32 $0x80;
	s17 =	simm.s32 $0x6800;
	s18 =	simm.s32 $0x1  }
0x6: {  	s19 =	simm.s32 $0x2;
	s5 =	sand.u32 $0x1, s0;
	s0 =	stileid.u32  }
0x7: {  	s20 =	simm.s32 $0x1380;
	s21 =	simm.s32 $0x2700;
	s8 =	smul.u32 $0x50000, s0  }
0x8: {  	s22 =	simm.s32 $0x2780;
	[smem:$0x7FF] =	sst s4;
	s9 =	smul.u32 $0x28000, s5  }
0x9: {  	s2 =	sshll.u32 s5, $0x4;
	s5 =	ssub.s32 $0x2, s5;
	s24 =	smul.u32 $0x2800, s0  }
0xa: {  	s7 =	sor.u32 s0, s2;
	s2 =	rddreg [dreg:$0x3];
	_ =	strace $0x80000050  }
0xb: {  	s31 =	sshrl.u32 s5, $0x1;
	s7 =	smul.u32 $0x500, s7;
	s8 =	sshrl.u32 s8, $0x2  }
0xc: {  	s12 =	sadd.s32 s9, s6;
	s13 =	ssub.s32 s5, s31;
	s5 =	sadd.s32 s8, s3  }
0xd: {  	s23 =	sadd.s32 $0x20C00, s12;
	s12 =	smax.u32 s13, $0x1;
	s13 =	simm.s32 $0x2800  }
0xe: {  	s11 =	sadd.s32 s7, s6;
	s6 =	sadd.s32 $0x4000, s5;
	s7 =	sadd.s32 $0x8000, s5  }
0xf: {  	s8 =	sadd.s32 $0xC000, s5;
	s9 =	sadd.s32 $0x10000, s5;
	s23 =	sadd.s32 s24, s23  }
0x10: {  	v0 =	vimm.f32 $0.0e+00;
	s24 =	simm.s32 $0x0;
	s10 =	sadd.s32 $0x16C00, s11;
	s11 =	sadd.s32 $0xCC00, s11  }
.LBB2_1:
0x11: {  	s25 =	sand.u32 $0xFE00, s4  }
0x12: {  	s26 =	sand.u32 $0x70, s4;
	s28 =	sshrl.u32 s25, $0x2  }
0x13: {  	s25 =	simm.s32 $0x40;
	s28 =	sor.u32 s26, s28;
	s26 =	simm.s32 $0x0  }
.LBB2_2:
0x14: {  	p0 =	sne.s32 s25, $0xFFC0  }
0x15: {  	[tilespmem:s28+$0x2800] =	vst v0;
	s26 =	sadd.s32 $0x10, s26;
	s28 =	smov.u32 s25;
	s25 =	sadd.s32 $0x40, s25  }
.Ltmp0:
0x16: {  	(pc) =	sbr.rel @p0 .LBB2_2-.Ltmp0, $4  }
0x17: {  	_ = 	snop  }
0x18: {  	s28 =	sand.u32 $0xFE00, s28  }
0x19: {  	s29 =	sand.u32 $0x70, s26;
	s28 =	sshrl.u32 s28, $0x2  }
0x1a: {  	s28 =	sor.u32 s29, s28  }
0x1b: {  	[tilespmem:s28+$0x2800] =	vst v0  }
0x1c: {  	[spmem:s5] =	stream.linear.scatter [tilespmem:s13], [sflag:$0x3], $0x4000, $0x38;
	[tilespmem:$0x1E800] =	vst v63  }
0x1d: {  	_ =	swait.ge [sflag:s14], $0x4000  }
0x1e: {  	[sflag:s14] =	ssyncset.done $0x0  }
0x1f: {  	[sflag:s14] =	ssyncadd.s32 $0xFFFFC000  }
0x20: {  	[spmem:s6] =	stream.linear.scatter [tilespmem:s13], [sflag:$0x3], $0x4000, $0x38;
	[tilespmem:$0x1E800] =	vst v63  }
0x21: {  	_ =	swait.ge [sflag:s14], $0x4000  }
0x22: {  	[sflag:s14] =	ssyncset.done $0x0  }
0x23: {  	[sflag:s14] =	ssyncadd.s32 $0xFFFFC000  }
0x24: {  	[spmem:s7] =	stream.linear.scatter [tilespmem:s13], [sflag:$0x3], $0x4000, $0x38;
	[tilespmem:$0x1E800] =	vst v63  }
0x25: {  	_ =	swait.ge [sflag:s14], $0x4000  }
0x26: {  	[sflag:s14] =	ssyncset.done $0x0  }
0x27: {  	[sflag:s14] =	ssyncadd.s32 $0xFFFFC000  }
0x28: {  	[spmem:s8] =	stream.linear.scatter [tilespmem:s13], [sflag:$0x3], $0x4000, $0x38;
	[tilespmem:$0x1E800] =	vst v63  }
0x29: {  	_ =	swait.ge [sflag:s14], $0x4000  }
0x2a: {  	[sflag:s14] =	ssyncset.done $0x0  }
0x2b: {  	[sflag:s14] =	ssyncadd.s32 $0xFFFFC000  }
0x2c: {  	[spmem:s9] =	stream.linear.scatter [tilespmem:s13], [sflag:$0x3], $0x4000, $0x38;
	[tilespmem:$0x1E800] =	vst v63  }
0x2d: {  	_ =	swait.ge [sflag:s14], $0x4000  }
0x2e: {  	[sflag:s14] =	ssyncset.done $0x0  }
0x2f: {  	[sflag:s14] =	ssyncadd.s32 $0xFFFFC000  }
0x30: {  	s25 =	simm.s32 $0x0;
	[bflag:$0x0] =	sbarrier.arrive $0xFFFF  }
0x31: {  	[tilespmem:s25], [sflag:$0x3] =	stream.linear.gather [hbm4b:s10+s25], $0x1400, $0x38;
	[tilespmem:$0x1E800] =	vst v63  }
0x32: {  	_ =	swait.ge [sflag:s14], $0x1400  }
0x33: {  	[sflag:s14] =	ssyncset.done $0x0  }
0x34: {  	[sflag:s14] =	ssyncadd.s32 $0xFFFFEC00  }
0x35: {  	[tilespmem:s15], [sflag:$0x3] =	stream.linear.gather [hbm4b:s11+s25], $0x1400, $0x38;
	[tilespmem:$0x1E800] =	vst v63  }
0x36: {  	_ =	swait.ge [sflag:s14], $0x1400  }
0x37: {  	[sflag:s14] =	ssyncset.done $0x0  }
0x38: {  	[sflag:s14] =	ssyncadd.s32 $0xFFFFEC00  }
0x39: {  	[tilespmem:s13], [sflag:$0x1] =	stream.indirect.gather [hbm4b:s1+s16], $0x80, s25, s16, $0xb8;
	[tilespmem:$0x1E800] =	vst v63  }
0x3a: {  	s28 =	simm.s32 $0x80  }
0x3b: {  	[tilespmem:s17], [sflag:$0x2] =	stream.indirect.gather [hbm4b:s1+s16], $0x80, s28, s16, $0xb8;
	[tilespmem:$0x1E800] =	vst v63  }
0x3c: {  	_ =	swait.ge [sflag:s18], $0x4000  }
0x3d: {  	[sflag:s18] =	ssyncset.done $0x0  }
0x3e: {  	s29 =	simm.s32 $0x1400;
	[sflag:s18] =	ssyncadd.s32 $0xFFFFC000  }
0x3f: {  	[spmem:s3] =	stream.indirect.scatter.add.f32 [tilespmem:s13], [sflag:$0x3], $0x80, s29, s16, $0xb8;
	[tilespmem:$0x1E800] =	vst v63  }
0x40: {  	_ =	swait.ge [sflag:s14], $0x4000  }
0x41: {  	[sflag:s14] =	ssyncset.done $0x0  }
0x42: {  	s30 =	simm.s32 $0x100;
	[sflag:s14] =	ssyncadd.s32 $0xFFFFC000  }
0x43: {  	[tilespmem:s13], [sflag:$0x1] =	stream.indirect.gather [hbm4b:s1+s16], $0x80, s30, s16, $0xb8;
	[tilespmem:$0x1E800] =	vst v63  }
0x44: {  	_ =	swait.ge [sflag:s19], $0x4000  }
0x45: {  	[sflag:s19] =	ssyncset.done $0x0  }
0x46: {  	s31 =	simm.s32 $0x1480;
	[sflag:s19] =	ssyncadd.s32 $0xFFFFC000  }
0x47: {  	[spmem:s3] =	stream.indirect.scatter.add.f32 [tilespmem:s17], [sflag:$0x3], $0x80, s31, s16, $0xb8;
	[tilespmem:$0x1E800] =	vst v63  }
0x48: {  	_ =	swait.ge [sflag:s14], $0x4000  }
0x49: {  	s26 =	simm.s32 $0x800;
	s25 =	simm.s32 $0x100;
	[sflag:s14] =	ssyncset.done $0x0  }
.LBB2_4:
0x4a: {  	s28 =	sadd.s32 $0x80, s25  }
0x4b: {  	[sflag:s14] =	ssyncadd.s32 $0xFFFFC000;
	s29 =	smov.u32 s26;
	s30 =	sadd.s32 $0x400, s26  }
0x4c: {  	[tilespmem:s17], [sflag:$0x2] =	stream.indirect.gather [hbm4b:s1+s16], $0x80, s28, s16, $0xb8;
	[tilespmem:$0x1E800] =	vst v63  }
0x4d: {  	p0 =	sne.s32 s26, $0x4800;
	_ =	swait.ge [sflag:s18], $0x4000  }
0x4e: {  	[sflag:s18] =	ssyncset.done $0x0  }
0x4f: {  	s26 =	sadd.s32 $0x1400, s25;
	[sflag:s18] =	ssyncadd.s32 $0xFFFFC000  }
0x50: {  	[spmem:s3] =	stream.indirect.scatter.add.f32 [tilespmem:s13], [sflag:$0x3], $0x80, s26, s16, $0xb8;
	[tilespmem:$0x1E800] =	vst v63  }
0x51: {  	_ =	swait.ge [sflag:s14], $0x4000  }
0x52: {  	[sflag:s14] =	ssyncset.done $0x0  }
0x53: {  	s26 =	sadd.s32 $0x100, s25;
	[sflag:s14] =	ssyncadd.s32 $0xFFFFC000  }
0x54: {  	[tilespmem:s13], [sflag:$0x1] =	stream.indirect.gather [hbm4b:s1+s16], $0x80, s26, s16, $0xb8;
	[tilespmem:$0x1E800] =	vst v63  }
0x55: {  	_ =	swait.ge [sflag:s19], $0x4000  }
.Ltmp1:
0x56: {  	[sflag:s19] =	ssyncset.done $0x0;
	(pc) =	sbr.rel @p0 .LBB2_4-.Ltmp1, $4  }
0x57: {  	s25 =	sadd.s32 $0x1480, s25;
	[sflag:s19] =	ssyncadd.s32 $0xFFFFC000  }
0x58: {  	[spmem:s3] =	stream.indirect.scatter.add.f32 [tilespmem:s17], [sflag:$0x3], $0x80, s25, s16, $0xb8;
	[tilespmem:$0x1E800] =	vst v63  }
0x59: {  	_ =	swait.ge [sflag:s14], $0x4000  }
0x5a: {  	s26 =	smov.u32 s30;
	s25 =	sshra.s32 s29, $0x2;
	[sflag:s14] =	ssyncset.done $0x0  }
0x5b: {  	s26 =	sadd.s32 $0x80, s25;
	[sflag:s14] =	ssyncadd.s32 $0xFFFFC000  }
0x5c: {  	[tilespmem:s17], [sflag:$0x2] =	stream.indirect.gather [hbm4b:s1+s16], $0x80, s26, s16, $0xb8;
	[tilespmem:$0x1E800] =	vst v63  }
0x5d: {  	_ =	swait.ge [sflag:s18], $0x4000  }
0x5e: {  	[sflag:s18] =	ssyncset.done $0x0  }
0x5f: {  	s30 =	sadd.s32 $0x1400, s25;
	[sflag:s18] =	ssyncadd.s32 $0xFFFFC000  }
0x60: {  	[spmem:s3] =	stream.indirect.scatter.add.f32 [tilespmem:s13], [sflag:$0x3], $0x80, s30, s16, $0xb8;
	[tilespmem:$0x1E800] =	vst v63  }
0x61: {  	_ =	swait.ge [sflag:s14], $0x4000  }
0x62: {  	[sflag:s14] =	ssyncset.done $0x0  }
0x63: {  	s31 =	sadd.s32 $0x100, s25;
	[sflag:s14] =	ssyncadd.s32 $0xFFFFC000  }
0x64: {  	[tilespmem:s13], [sflag:$0x1] =	stream.indirect.gather [hbm4b:s1+s16], $0x80, s31, s16, $0xb8;
	[tilespmem:$0x1E800] =	vst v63  }
0x65: {  	_ =	swait.ge [sflag:s19], $0x4000  }
0x66: {  	[sflag:s19] =	ssyncset.done $0x0  }
0x67: {  	s28 =	sadd.s32 $0x1480, s25;
	[sflag:s19] =	ssyncadd.s32 $0xFFFFC000  }
0x68: {  	[spmem:s3] =	stream.indirect.scatter.add.f32 [tilespmem:s17], [sflag:$0x3], $0x80, s28, s16, $0xb8;
	[tilespmem:$0x1E800] =	vst v63  }
0x69: {  	_ =	swait.ge [sflag:s14], $0x4000  }
0x6a: {  	[sflag:s14] =	ssyncset.done $0x0  }
0x6b: {  	[sflag:s14] =	ssyncadd.s32 $0xFFFFC000  }
0x6c: {  	[tilespmem:s17], [sflag:$0x2] =	stream.indirect.gather [hbm4b:s1+s16], $0x80, s20, s16, $0xb8;
	[tilespmem:$0x1E800] =	vst v63  }
0x6d: {  	_ =	swait.ge [sflag:s18], $0x4000  }
0x6e: {  	[sflag:s18] =	ssyncset.done $0x0  }
0x6f: {  	[sflag:s18] =	ssyncadd.s32 $0xFFFFC000  }
0x70: {  	[spmem:s3] =	stream.indirect.scatter.add.f32 [tilespmem:s13], [sflag:$0x3], $0x80, s21, s16, $0xb8;
	[tilespmem:$0x1E800] =	vst v63  }
0x71: {  	_ =	swait.ge [sflag:s14], $0x4000  }
0x72: {  	[sflag:s14] =	ssyncset.done $0x0  }
0x73: {  	[sflag:s14] =	ssyncadd.s32 $0xFFFFC000  }
0x74: {  	_ =	swait.ge [sflag:s19], $0x4000  }
0x75: {  	[sflag:s19] =	ssyncset.done $0x0  }
0x76: {  	[sflag:s19] =	ssyncadd.s32 $0xFFFFC000  }
0x77: {  	[spmem:s3] =	stream.indirect.scatter.add.f32 [tilespmem:s17], [sflag:$0x3], $0x80, s22, s16, $0xb8;
	[tilespmem:$0x1E800] =	vst v63  }
0x78: {  	_ =	swait.ge [sflag:s14], $0x4000  }
0x79: {  	[sflag:s14] =	ssyncset.done $0x0  }
0x7a: {  	s29 =	sadd.s32 $0x280, s10;
	s30 =	simm.s32 $0x0;
	[sflag:s14] =	ssyncadd.s32 $0xFFFFC000  }
0x7b: {  	[tilespmem:s30], [sflag:$0x3] =	stream.linear.gather [hbm4b:s29+s30], $0x1400, $0x38;
	[tilespmem:$0x1E800] =	vst v63  }
0x7c: {  	_ =	swait.ge [sflag:s14], $0x1400  }
0x7d: {  	[sflag:s14] =	ssyncset.done $0x0  }
0x7e: {  	s31 =	sadd.s32 $0x280, s11;
	[sflag:s14] =	ssyncadd.s32 $0xFFFFEC00  }
0x7f: {  	[tilespmem:s15], [sflag:$0x3] =	stream.linear.gather [hbm4b:s31+s30], $0x1400, $0x38;
	[tilespmem:$0x1E800] =	vst v63  }
0x80: {  	_ =	swait.ge [sflag:s14], $0x1400  }
0x81: {  	[sflag:s14] =	ssyncset.done $0x0  }
0x82: {  	[sflag:s14] =	ssyncadd.s32 $0xFFFFEC00  }
0x83: {  	[tilespmem:s13], [sflag:$0x1] =	stream.indirect.gather [hbm4b:s1+s16], $0x80, s30, s16, $0xb8;
	[tilespmem:$0x1E800] =	vst v63  }
0x84: {  	s28 =	simm.s32 $0x80  }
0x85: {  	[tilespmem:s17], [sflag:$0x2] =	stream.indirect.gather [hbm4b:s1+s16], $0x80, s28, s16, $0xb8;
	[tilespmem:$0x1E800] =	vst v63  }
0x86: {  	_ =	swait.ge [sflag:s18], $0x4000  }
0x87: {  	[sflag:s18] =	ssyncset.done $0x0  }
0x88: {  	s29 =	simm.s32 $0x1400;
	[sflag:s18] =	ssyncadd.s32 $0xFFFFC000  }
0x89: {  	[spmem:s3] =	stream.indirect.scatter.add.f32 [tilespmem:s13], [sflag:$0x3], $0x80, s29, s16, $0xb8;
	[tilespmem:$0x1E800] =	vst v63  }
0x8a: {  	_ =	swait.ge [sflag:s14], $0x4000  }
0x8b: {  	[sflag:s14] =	ssyncset.done $0x0  }
0x8c: {  	s30 =	simm.s32 $0x100;
	[sflag:s14] =	ssyncadd.s32 $0xFFFFC000  }
0x8d: {  	[tilespmem:s13], [sflag:$0x1] =	stream.indirect.gather [hbm4b:s1+s16], $0x80, s30, s16, $0xb8;
	[tilespmem:$0x1E800] =	vst v63  }
0x8e: {  	_ =	swait.ge [sflag:s19], $0x4000  }
0x8f: {  	[sflag:s19] =	ssyncset.done $0x0  }
0x90: {  	s31 =	simm.s32 $0x1480;
	[sflag:s19] =	ssyncadd.s32 $0xFFFFC000  }
0x91: {  	[spmem:s3] =	stream.indirect.scatter.add.f32 [tilespmem:s17], [sflag:$0x3], $0x80, s31, s16, $0xb8;
	[tilespmem:$0x1E800] =	vst v63  }
0x92: {  	_ =	swait.ge [sflag:s14], $0x4000  }
0x93: {  	s25 =	simm.s32 $0x100;
	s26 =	simm.s32 $0x800;
	[sflag:s14] =	ssyncset.done $0x0  }
.LBB2_6:
0x94: {  	s28 =	sadd.s32 $0x80, s25  }
0x95: {  	[sflag:s14] =	ssyncadd.s32 $0xFFFFC000;
	s29 =	smov.u32 s26;
	s30 =	sadd.s32 $0x400, s26  }
0x96: {  	[tilespmem:s17], [sflag:$0x2] =	stream.indirect.gather [hbm4b:s1+s16], $0x80, s28, s16, $0xb8;
	[tilespmem:$0x1E800] =	vst v63  }
0x97: {  	p0 =	sne.s32 s26, $0x4800;
	_ =	swait.ge [sflag:s18], $0x4000  }
0x98: {  	[sflag:s18] =	ssyncset.done $0x0  }
0x99: {  	s26 =	sadd.s32 $0x1400, s25;
	[sflag:s18] =	ssyncadd.s32 $0xFFFFC000  }
0x9a: {  	[spmem:s3] =	stream.indirect.scatter.add.f32 [tilespmem:s13], [sflag:$0x3], $0x80, s26, s16, $0xb8;
	[tilespmem:$0x1E800] =	vst v63  }
0x9b: {  	_ =	swait.ge [sflag:s14], $0x4000  }
0x9c: {  	[sflag:s14] =	ssyncset.done $0x0  }
0x9d: {  	s26 =	sadd.s32 $0x100, s25;
	[sflag:s14] =	ssyncadd.s32 $0xFFFFC000  }
0x9e: {  	[tilespmem:s13], [sflag:$0x1] =	stream.indirect.gather [hbm4b:s1+s16], $0x80, s26, s16, $0xb8;
	[tilespmem:$0x1E800] =	vst v63  }
0x9f: {  	_ =	swait.ge [sflag:s19], $0x4000  }
.Ltmp2:
0xa0: {  	[sflag:s19] =	ssyncset.done $0x0;
	(pc) =	sbr.rel @p0 .LBB2_6-.Ltmp2, $4  }
0xa1: {  	s25 =	sadd.s32 $0x1480, s25;
	[sflag:s19] =	ssyncadd.s32 $0xFFFFC000  }
0xa2: {  	[spmem:s3] =	stream.indirect.scatter.add.f32 [tilespmem:s17], [sflag:$0x3], $0x80, s25, s16, $0xb8;
	[tilespmem:$0x1E800] =	vst v63  }
0xa3: {  	_ =	swait.ge [sflag:s14], $0x4000  }
0xa4: {  	s26 =	smov.u32 s30;
	s25 =	sshra.s32 s29, $0x2;
	[sflag:s14] =	ssyncset.done $0x0  }
0xa5: {  	s26 =	sadd.s32 $0x80, s25;
	[sflag:s14] =	ssyncadd.s32 $0xFFFFC000  }
0xa6: {  	[tilespmem:s17], [sflag:$0x2] =	stream.indirect.gather [hbm4b:s1+s16], $0x80, s26, s16, $0xb8;
	[tilespmem:$0x1E800] =	vst v63  }
0xa7: {  	_ =	swait.ge [sflag:s18], $0x4000  }
0xa8: {  	[sflag:s18] =	ssyncset.done $0x0  }
0xa9: {  	s31 =	sadd.s32 $0x1400, s25;
	[sflag:s18] =	ssyncadd.s32 $0xFFFFC000  }
0xaa: {  	[spmem:s3] =	stream.indirect.scatter.add.f32 [tilespmem:s13], [sflag:$0x3], $0x80, s31, s16, $0xb8;
	[tilespmem:$0x1E800] =	vst v63  }
0xab: {  	_ =	swait.ge [sflag:s14], $0x4000  }
0xac: {  	[sflag:s14] =	ssyncset.done $0x0  }
0xad: {  	s28 =	sadd.s32 $0x100, s25;
	[sflag:s14] =	ssyncadd.s32 $0xFFFFC000  }
0xae: {  	[tilespmem:s13], [sflag:$0x1] =	stream.indirect.gather [hbm4b:s1+s16], $0x80, s28, s16, $0xb8;
	[tilespmem:$0x1E800] =	vst v63  }
0xaf: {  	_ =	swait.ge [sflag:s19], $0x4000  }
0xb0: {  	[sflag:s19] =	ssyncset.done $0x0  }
0xb1: {  	s29 =	sadd.s32 $0x1480, s25;
	[sflag:s19] =	ssyncadd.s32 $0xFFFFC000  }
0xb2: {  	[spmem:s3] =	stream.indirect.scatter.add.f32 [tilespmem:s17], [sflag:$0x3], $0x80, s29, s16, $0xb8;
	[tilespmem:$0x1E800] =	vst v63  }
0xb3: {  	_ =	swait.ge [sflag:s14], $0x4000  }
0xb4: {  	[sflag:s14] =	ssyncset.done $0x0  }
0xb5: {  	[sflag:s14] =	ssyncadd.s32 $0xFFFFC000  }
0xb6: {  	[tilespmem:s17], [sflag:$0x2] =	stream.indirect.gather [hbm4b:s1+s16], $0x80, s20, s16, $0xb8;
	[tilespmem:$0x1E800] =	vst v63  }
0xb7: {  	_ =	swait.ge [sflag:s18], $0x4000  }
0xb8: {  	[sflag:s18] =	ssyncset.done $0x0  }
0xb9: {  	[sflag:s18] =	ssyncadd.s32 $0xFFFFC000  }
0xba: {  	[spmem:s3] =	stream.indirect.scatter.add.f32 [tilespmem:s13], [sflag:$0x3], $0x80, s21, s16, $0xb8;
	[tilespmem:$0x1E800] =	vst v63  }
0xbb: {  	_ =	swait.ge [sflag:s14], $0x4000  }
0xbc: {  	[sflag:s14] =	ssyncset.done $0x0  }
0xbd: {  	[sflag:s14] =	ssyncadd.s32 $0xFFFFC000  }
0xbe: {  	_ =	swait.ge [sflag:s19], $0x4000  }
0xbf: {  	[sflag:s19] =	ssyncset.done $0x0  }
0xc0: {  	[sflag:s19] =	ssyncadd.s32 $0xFFFFC000  }
0xc1: {  	[spmem:s3] =	stream.indirect.scatter.add.f32 [tilespmem:s17], [sflag:$0x3], $0x80, s22, s16, $0xb8;
	[tilespmem:$0x1E800] =	vst v63  }
0xc2: {  	_ =	swait.ge [sflag:s14], $0x4000  }
0xc3: {  	s30 =	sshll.u32 s0, $0x6;
	s24 =	sadd.s32 $0x1, s24;
	[sflag:s14] =	ssyncset.done $0x0  }
0xc4: {  	s25 =	sor.u32 $0x1C03, s30;
	p0 =	sne.s32 s24, s12;
	[sflag:s14] =	ssyncadd.s32 $0xFFFFC000  }
.Ltmp3:
0xc5: {  	s31 =	sshrl.u32 s5, $0x3;
	[bflag:$0x0] =	sbarrier.arrive $0xFFFF;
	(pc) =	sbr.rel @p0 .LBB2_1-.Ltmp3, $4  }
0xc6: {  	[hbm:s23], [sflag:s25] =	dma.local [spmem:s31], $0x2800  }
0xc7: {  	_ =	swait.ge [sflag:s14], $0x2800  }
0xc8: {  	[sflag:s14] =	ssyncset.done $0x0  }
0xc9: {  	[sflag:s14] =	ssyncadd.s32 $0xFFFFD800  }
0xca: {  	_ =	sfence.sel $0x180000  }
0xcb: {  	[bflag:$0x0] =	sbarrier.arrive $0xFFFF  }
0xcc: {  	p0 =	sne.s32 s0, $0x0;
	_ =	strace $0x90000050  }
0xcd: {  	s0 =	sadd.s32 @!p0 $0x100000, s2;
	[bflag:$0x2] =	sbarrier.arrive $0xFFFF  }
0xce: {  	[sflag:s0] =	ssyncadd.tile.s32 @!p0 $0x1;
	_ =	shalt  }
.Lfunc_end2:
_tile_overlayer_lowered:
.L_overlay_start_2:
0xcf: {  	(tag) =	ssettag $0x2  }
0xd0: {  	s0 =	rddreg [dreg:$0x0];
	s2 =	stileid.u32  }
0xd1: {  	s1 =	rddreg [dreg:$0x1];
	p0 =	sne.s32 s2, $0x0  }
0xd2: {  	s3 =	rddreg [dreg:$0x2];
	[bflag:$0x3] =	sbarrier.arrive $0xFFFF;
	s2 =	simm.s32 @!p0 $0x1C03  }
0xd3: {  	[timem:s3], [sflag:s2] =	dma.local @!p0 [hbm:s0], s1  }
0xd4: {  	s0 =	simm.s32 @!p0 $0x3  }
0xd5: {  	_ =	swait.ge @!p0 [sflag:s0], s1  }
0xd6: {  	s1 =	ssub.s32 @!p0 $0x0, s1;
	[sflag:s0] =	ssyncset.done @!p0 $0x0  }
0xd7: {  	[sflag:s0] =	ssyncadd.s32 @!p0 s1  }
0xd8: {  	[bflag:$0x3] =	sbarrier.arrive $0xFFFF  }
0xd9: {  	_ =	shalt  }

// kernel: kernel.9.cloned.1.call-start
scs
__scs_entry_jumppad:
0x0: {  	(pc) =	sbr.rel $0x88, $3  }
0x1: {  	(tag) =	ssettag $0x0;
	lr =	simm.s32 $0x1  }
0x2: {  	[smem:$0x3F99] =	sst lr;
	_ =	strace $0xD0000000  }
0x3: {  	_ = 	snop  }
0x4: {  	_ = 	snop  }
0x5: {  	_ = 	snop  }
0x6: {  	_ = 	snop  }
0x7: {  	_ = 	snop  }
__scs_overlays_trampoline_lowered:
0x8: {  	[smem:$0x3FA8] =	sst s0  }
0x9: {  	[smem:$0x3FA9] =	sst s1  }
0xa: {  	[smem:$0x3FAA] =	sst s2  }
0xb: {  	[smem:$0x3FAB] =	sst s3  }
0xc: {  	[smem:$0x3FAC] =	sst s4  }
0xd: {  	[smem:$0x3FAD] =	sst s5  }
0xe: {  	[smem:$0x3FAE] =	sst s6  }
0xf: {  	[smem:$0x3FAF] =	sst s7  }
0x10: {  	[smem:$0x3FB0] =	sst s8  }
0x11: {  	[smem:$0x3FB1] =	sst s9;
	s0 =	simm.s32 @!p0 $0x0  }
0x12: {  	s1 =	sld [smem:$0x3F97];
	s0 =	simm.s32 @p0 $0x1  }
0x13: {  	[smem:$0x3FB2] =	sst s0;
	s0 =	simm.s32 @!p1 $0x0  }
0x14: {  	s2 =	sld [smem:$0x3F96];
	s0 =	simm.s32 @p1 $0x1  }
0x15: {  	[smem:$0x3FB3] =	sst s0;
	s0 =	simm.s32 @!p2 $0x0  }
0x16: {  	s3 =	sld [smem:$0x3FDB];
	s0 =	simm.s32 @p2 $0x1  }
0x17: {  	s4 =	simm.s32 $0x1BF5;
	[smem:$0x3FB5] =	sst s0  }
0x18: {  	s0 =	sld [smem:$0x3F98];
	_ =	swait.ge [sflag:s4], $0x0  }
0x19: {  	s7 =	sld [smem:$0x3F99]  }
0x1a: {  	s8 =	sadd.s32 $0xFFFFE003, lr  }
0x1b: {  	s9 =	sadd.s32 $0xFFFFFEF7, lr;
	s5 =	simm.s32 $0xFFFFFFFF;
	p2 =	slt.u32 s8, $0xFFFFF086  }
0x1c: {  	p1 =	slt.u32 s9, $0xF7A;
	s5 =	simm.s32 @!p2 $0x0  }
0x1d: {  	s5 =	simm.s32 @p1 $0x1;
	p0 =	seq.s32 s7, s2  }
0x1e: {  	s7 =	smul.u32 @!p0 $0xF7A, s2;
	p2 =	seq.s32 @!p0 s5, $0x0  }
0x1f: {  	s9 =	smul.u32 $0xF7A, s1;
	s8 =	simm.s32 @!p0 $0x1BF5;
	p2 =	por !p2, p0  }
0x20: {  	[sflag:s8] =	ssyncset.s32 @!p0 $0xFFFFF086;
	s6 =	sadd.s32 @!p0 s3, s7;
	s7 =	simm.s32 @!p0 $0x108  }
0x21: {  	s3 =	sadd.s32 s3, s9;
	s6 =	sadd.s32 @!p0 $0x88, s6;
	s7 =	simm.s32 @p2 $0x1082  }
0x22: {  	[simem:s7], [sflag:s8] =	dma.local @!p0 [hbm:s6], $0xF7A  }
0x23: {  	s9 =	sor.u32 $0xD0000000, s2;
	s6 =	simm.s32 $0x108;
	_ =	swait.ge @!p0 [sflag:s8], $0x0  }
0x24: {  	s3 =	sadd.s32 $0x88, s3;
	s6 =	simm.s32 @!p1 $0x1082;
	[sflag:s4] =	ssyncset.s32 $0xFFFFF086  }
0x25: {  	[simem:s6], [sflag:s4] =	dma.local [hbm:s3], $0xF7A  }
0x26: {  	[smem:$0x3F99] =	sst s1;
	(tag) =	ssettag s2;
	_ =	strace s9  }
0x27: {  	s1 =	sld [smem:$0x3FA9]  }
0x28: {  	s2 =	sld [smem:$0x3FAA]  }
0x29: {  	s4 =	sld [smem:$0x3FAC]  }
0x2a: {  	p0 =	seq.s32 s5, $0x0;
	s5 =	sld [smem:$0x3FAD]  }
0x2b: {  	s6 =	sld [smem:$0x3FAE]  }
0x2c: {  	s7 =	sld [smem:$0x3FAF]  }
0x2d: {  	s3 =	simm.s32 $0x108;
	s8 =	sld [smem:$0x3FB0]  }
0x2e: {  	s3 =	simm.s32 @!p0 $0x1082;
	s9 =	sld [smem:$0x3FB1]  }
0x2f: {  	lr =	sadd.s32 s0, s3;
	s0 =	sld [smem:$0x3FA8]  }
0x30: {  	s3 =	sld [smem:$0x3FAB]  }
0x31: {  	[smem:$0x3FB4] =	sst s10  }
0x32: {  	s10 =	sld [smem:$0x3FB2];
	_ =	sdelay $0x3  }
0x33: {  	p0 =	seq.s32 s10, $0x1;
	s10 =	sld [smem:$0x3FB4];
	_ =	sdelay $0x3  }
0x34: {  	[smem:$0x3FB4] =	sst s10  }
0x35: {  	s10 =	sld [smem:$0x3FB3];
	_ =	sdelay $0x3  }
0x36: {  	p1 =	seq.s32 s10, $0x1;
	s10 =	sld [smem:$0x3FB4];
	_ =	sdelay $0x3  }
0x37: {  	[smem:$0x3FB4] =	sst s10  }
0x38: {  	s10 =	sld [smem:$0x3FB5]  }
0x39: {  	_ = 	snop;
	(pc) =	sbr.ind lr, $3  }
0x3a: {  	_ = 	snop  }
0x3b: {  	_ = 	snop  }
0x3c: {  	p2 =	seq.s32 s10, $0x1;
	s10 =	sld [smem:$0x3FB4]  }
0x3d: {  	_ =	shalt  }
0x3e: {  	_ =	shalt  }
0x3f: {  	_ =	shalt  }
0x40: {  	_ =	shalt  }
0x41: {  	_ =	shalt  }
0x42: {  	_ =	shalt  }
0x43: {  	_ =	shalt  }
0x44: {  	_ =	shalt  }
0x45: {  	_ =	shalt  }
0x46: {  	_ =	shalt  }
0x47: {  	_ =	shalt  }
0x48: {  	_ =	shalt  }
0x49: {  	_ =	shalt  }
0x4a: {  	_ =	shalt  }
0x4b: {  	_ =	shalt  }
0x4c: {  	_ =	shalt  }
0x4d: {  	_ =	shalt  }
0x4e: {  	_ =	shalt  }
0x4f: {  	_ =	shalt  }
0x50: {  	_ =	shalt  }
0x51: {  	_ =	shalt  }
0x52: {  	_ =	shalt  }
0x53: {  	_ =	shalt  }
0x54: {  	_ =	shalt  }
0x55: {  	_ =	shalt  }
0x56: {  	_ =	shalt  }
0x57: {  	_ =	shalt  }
0x58: {  	_ =	shalt  }
0x59: {  	_ =	shalt  }
0x5a: {  	_ =	shalt  }
0x5b: {  	_ =	shalt  }
0x5c: {  	_ =	shalt  }
0x5d: {  	_ =	shalt  }
0x5e: {  	_ =	shalt  }
0x5f: {  	_ =	shalt  }
0x60: {  	_ =	shalt  }
0x61: {  	_ =	shalt  }
0x62: {  	_ =	shalt  }
0x63: {  	_ =	shalt  }
0x64: {  	_ =	shalt  }
0x65: {  	_ =	shalt  }
0x66: {  	_ =	shalt  }
0x67: {  	_ =	shalt  }
0x68: {  	_ =	shalt  }
0x69: {  	_ =	shalt  }
0x6a: {  	_ =	shalt  }
0x6b: {  	_ =	shalt  }
0x6c: {  	_ =	shalt  }
0x6d: {  	_ =	shalt  }
0x6e: {  	_ =	shalt  }
0x6f: {  	_ =	shalt  }
0x70: {  	_ =	shalt  }
0x71: {  	_ =	shalt  }
0x72: {  	_ =	shalt  }
0x73: {  	_ =	shalt  }
0x74: {  	_ =	shalt  }
0x75: {  	_ =	shalt  }
0x76: {  	_ =	shalt  }
0x77: {  	_ =	shalt  }
0x78: {  	_ =	shalt  }
0x79: {  	_ =	shalt  }
0x7a: {  	_ =	shalt  }
0x7b: {  	_ =	shalt  }
0x7c: {  	_ =	shalt  }
0x7d: {  	_ =	shalt  }
0x7e: {  	_ =	shalt  }
0x7f: {  	_ =	shalt  }
0x80: {  	_ =	shalt  }
0x81: {  	_ =	shalt  }
0x82: {  	_ =	shalt  }
0x83: {  	_ =	shalt  }
0x84: {  	_ =	shalt  }
0x85: {  	_ =	shalt  }
0x86: {  	_ =	shalt  }
0x87: {  	_ =	shalt  }
.Lfunc_end0:
.L_simem_size_0:
called_computation_lowered:
.L_overlay_start_0:
0x88: {  	s2 =	sld [smem:$0x3FD9]  }
0x89: {  	s3 =	sld [smem:$0x3FFE];
	_ =	sdelay $0x1  }
0x8a: {  	s1 =	srdreg.scid  }
0x8b: {  	s0 =	sand.u32 $0x1, s1  }
0x8c: {  	s17 =	sshll.u32 s0, $0xA;
	s2 =	sadd.s32 s3, s2  }
0x8d: {  	s2 =	sadd.s32 s2, s17  }
0x8e: {  	[smem:$0x3FC0] =	sst s2  }
0x8f: {  	_ = 	snop  }
0x90: {  	s2 =	sld [smem:$0x3FD0];
	(tm) =	ssettm $0x1  }
0x91: {  	s18 =	sld [smem:$0x3FFB];
	_ =	sdelay $0x3  }
0x92: {  	_ =	strace s18  }
0x93: {  	s3 =	sld [smem:$0x3FFC];
	_ =	sdelay $0x3  }
0x94: {  	_ =	strace s3  }
0x95: {  	s3 =	sld [smem:$0x3FFD];
	_ =	sdelay $0x3  }
0x96: {  	_ =	strace s3  }
0x97: {  	_ =	strace $0x8FFFFFFF  }
0x98: {  	s19 =	sld [smem:$0x3FDB];
	_ =	sdelay $0x1  }
0x99: {  	s4 =	simm.s32 $_scs_section_size  }
0x9a: {  	s5 =	simm.s32 $_size__tile_overlayer_lowered;
	s6 =	simm.s32 $_tile_overlayer_lowered  }
0x9b: {  	s22 =	simm.s32 $0x1BFF;
	s21 =	sshll.u32 s6, $0x1;
	s3 =	sadd.s32 s4, s19  }
0x9c: {  	s7 =	simm.s32 $0x0;
	s20 =	sshll.u32 s5, $0x1;
	s5 =	sadd.s32 s21, s3  }
0x9d: {  	[timem:s7], [sflag:s22] =	dma.local [hbm:s5], s20  }
0x9e: {  	_ =	swait.ge [sflag:s22], s20  }
0x9f: {  	s4 =	ssub.s32 $0x0, s20;
	[sflag:s22] =	ssyncset.done $0x0  }
0xa0: {  	[sflag:s22] =	ssyncadd.s32 s4;
	_ =	sdelay $0x1  }
0xa1: {  	s23 =	simm.s32 $0x1B8B  }
0xa2: {  	_ =	swait.ge [sflag:s23], $0x1  }
0xa3: {  	[sflag:s23] =	ssyncset.done $0x0  }
0xa4: {  	s25 =	simm.s32 $0x1B8E;
	s24 =	sld [smem:$0x3FFE];
	[sflag:s23] =	ssyncadd.s32 $0xFFFFFFFF  }
0xa5: {  	s26 =	simm.s32 $execute0_lowered;
	[smem:$0x3FD2] =	sst s25  }
0xa6: {  	s5 =	sshll.u32 s26, $0x1;
	_ =	strace $0x80000046;
	[dreg:$0x1] =	wrdreg $0xFFFFFFFF  }
0xa7: {  	s28 =	simm.s32 $_size_execute0_lowered;
	s3 =	sadd.s32 s3, s5;
	[dreg:$0x0] =	wrdreg $0x0  }
0xa8: {  	s5 =	sshll.u32 s28, $0x1;
	[dreg:$0x2] =	wrdreg s3  }
0xa9: {  	[dreg:$0x3] =	wrdreg s5  }
0xaa: {  	[dreg:$0x4] =	wrdreg $0xC0  }
0xab: {  	_ =	task [dreg:s7], $0x5FFFF  }
0xac: {  	[dreg:$0x1] =	wrdreg $0xFFFFFFFF  }
0xad: {  	[dreg:$0x0] =	wrdreg $0x60  }
0xae: {  	[dreg:$0x2] =	wrdreg s2  }
0xaf: {  	[dreg:$0x3] =	wrdreg s24  }
0xb0: {  	[dreg:$0x4] =	wrdreg $0x9  }
0xb1: {  	_ =	task.clear_ibuf [dreg:s7], $0x5FFFF;
	_ =	strace $0x90000046  }
0xb2: {  	s29 =	simm.s32 $0x9;
	_ =	strace $0x80000048  }
0xb3: {  	_ =	swait.ge [sflag:s29], $0x1  }
0xb4: {  	[sflag:s29] =	ssyncadd.s32 $0xFFFFFFFF  }
0xb5: {  	_ =	strace $0x90000048  }
0xb6: {  	_ =	sfence  }
0xb7: {  	s30 =	sld [smem:$0x0];
	_ =	sdelay $0x2  }
0xb8: {  	s31 =	sshll.u32 s1, $0xD;
	s1 =	sshrl.u32 s1, $0x2  }
0xb9: {  	s3 =	sand.u32 $0x4000, s31;
	s1 =	sadd.s32 s1, s30  }
0xba: {  	s0 =	sor.u32 s3, s0;
	s1 =	sshll.u32 s1, $0x11  }
0xbb: {  	s0 =	sor.u32 s1, s0  }
0xbc: {  	s0 =	sadd.s32 $0x8F2B, s0  }
0xbd: {  	[sflag:s0] =	ssyncadd.remote.s32 $0x1  }
0xbe: {  	_ =	sfence.sel $0xFFFF  }
0xbf: {  	[dreg:$0x0] =	wrdreg $0xFFFFFFFF;
	(pc) =	sbr.abs _section_cstart, $3  }
0xc0: {  	[dreg:$0x1] =	wrdreg $0xFFFFFFFF  }
0xc1: {  	_ =	task.clear_ibuf [dreg:s7], $0x2FFFF;
	_ =	strace $0x9FFFFFFF  }
0xc2: {  	(tm) =	ssettm $0x7FFFFFFF  }
0xc3: {  	_ =	shalt  }
tec
execute0_lowered:
.L_overlay_start_1:
0x0: {  	(tag) =	ssettag $0x1  }
0x1: {  	s0 =	srdreg.scid;
	s3 =	rddreg [dreg:$0x0]  }
0x2: {  	s5 =	rddreg [dreg:$0x1];
	s1 =	stileid.u32;
	s4 =	sand.u32 $0x1, s0  }
0x3: {  	s2 =	simm.s32 $0x0;
	s0 =	rddreg [dreg:$0x2];
	s6 =	sshll.u32 s4, $0x4  }
0x4: {  	[smem:$0x7FF] =	sst s2;
	s4 =	ssub.s32 $0x2, s4;
	s6 =	sor.u32 s1, s6  }
0x5: {  	_ =	strace $0x80000047;
	s8 =	sshrl.u32 s4, $0x1;
	s7 =	smul.u32 $0x4E2, s6  }
0x6: {  	s30 =	ssub.s32 s4, s8;
	s31 =	sshll.u32 s6, $0xB;
	s6 =	simm.s32 $0x1  }
0x7: {  	s8 =	simm.s32 $0x0;
	s3 =	sadd.s32 s3, s31;
	s5 =	sadd.s32 s7, s5  }
0x8: {  	v0 =	vimm.f32 $0.0e+00;
	v1 =	vimm.f32 $1.000000000e+00;
	s7 =	simm.s32 $0x4000;
	s4 =	sadd.s32 $0x2E00, s5;
	s5 =	smax.u32 s30, $0x1  }
.LBB2_1:
0x9: {  	[tilespmem:s2], [sflag:$0x1] =	stream.linear.gather [hbm4b:s3+s2], $0x3E80, $0x38;
	[tilespmem:$0x6780] =	vst v63  }
0xa: {  	_ =	swait.ge [sflag:s6], $0x3E80  }
0xb: {  	[sflag:s6] =	ssyncset.done $0x0  }
0xc: {  	s9 =	simm.s32 $0x0;
	[sflag:s6] =	ssyncadd.s32 $0xFFFFC180  }
.LBB2_2:
0xd: {  	p0 =	sne.s32 s9, $0x9C00  }
.Ltmp0:
0xe: {  	_ = 	snop;
	(pc) =	sbr.rel @p0 .LBB2_2-.Ltmp0, $3  }
0xf: {  	_ =	sdelay $0x1  }
0x10: {  	s10 =	sshra.s32 s9, $0x2  }
0x11: {  	s9 =	sadd.s32 $0x40, s9;
	[tilespmem:s10+$0x4000] =	vst v0  }
0x12: {  	s9 =	simm.s32 $0x0  }
0x13: {  	s9 =	smul.u32 $0xCCCD, s9;
	_ =	sdelay $0x1  }
0x14: {  	s9 =	sshrl.u32 s9, $0x12  }
0x15: {  	s10 =	smul.u32 $0x5, s9;
	_ =	sdelay $0x1  }
0x16: {  	s10 =	ssub.s32 $0x0, s10  }
0x17: {  	s10 =	sand.u32 $0xFFFF, s10  }
0x18: {  	s11 =	sshll.u32 s9, $0x7;
	s10 =	sshll.u32 s10, $0x4  }
0x19: {  	s9 =	simm.s32 $0x1;
	s12 =	sor.u32 s10, s11  }
0x1a: {  	s11 =	smul.u32 $0xCCCD, s9;
	s10 =	simm.s32 $0x2;
	v2 =	vld [tilespmem:s12+$0x0]  }
.LBB2_4:
0x1b: {  	p0 =	sne.s32 s10, $0x270  }
0x1c: {  	s11 =	sshrl.u32 s11, $0x12  }
0x1d: {  	s12 =	smul.u32 $0x5, s11;
	_ =	sdelay $0x1  }
.Ltmp1:
0x1e: {  	s12 =	ssub.s32 s9, s12;
	s9 =	smov.u32 s10;
	(pc) =	sbr.rel @p0 .LBB2_4-.Ltmp1, $4  }
0x1f: {  	s12 =	sand.u32 $0xFFFF, s12  }
0x20: {  	s11 =	sshll.u32 s11, $0x7;
	s12 =	sshll.u32 s12, $0x4  }
0x21: {  	s12 =	sor.u32 s12, s11;
	[tilespmem:v2+s7+$0x0] =	vst.idx.add.f32.msk $0xffff, v1  }
0x22: {  	s10 =	sadd.s32 $0x1, s10;
	s11 =	smul.u32 $0xCCCD, s9;
	v2 =	vld [tilespmem:s12+$0x0]  }
0x23: {  	_ =	sdelay $0x1  }
0x24: {  	s10 =	sshrl.u32 s11, $0x12  }
0x25: {  	s11 =	smul.u32 $0x5, s10;
	_ =	sdelay $0x1  }
0x26: {  	s9 =	ssub.s32 s9, s11  }
0x27: {  	s9 =	sand.u32 $0xFFFF, s9  }
0x28: {  	s10 =	sshll.u32 s10, $0x7;
	s9 =	sshll.u32 s9, $0x4  }
0x29: {  	[tilespmem:v2+s7+$0x0] =	vst.idx.add.f32.msk $0xffff, v1;
	s9 =	sor.u32 s9, s10  }
0x2a: {  	v2 =	vld [tilespmem:s9+$0x0];
	_ =	sdelay $0x5  }
0x2b: {  	s8 =	sadd.s32 $0x1, s8  }
0x2c: {  	p0 =	sne.s32 s8, s5  }
.Ltmp2:
0x2d: {  	[tilespmem:v2+s7+$0x0] =	vst.idx.add.f32.msk $0xffff, v1;
	(pc) =	sbr.rel @p0 .LBB2_1-.Ltmp2, $4  }
0x2e: {  	[hbm4b:s4+s2] =	stream.linear.scatter [tilespmem:s7], [sflag:$0x1], $0x2710, $0x38;
	[tilespmem:$0x6780] =	vst v63  }
0x2f: {  	_ =	swait.ge [sflag:s6], $0x2710  }
0x30: {  	[sflag:s6] =	ssyncset.done $0x0  }
0x31: {  	[sflag:s6] =	ssyncadd.s32 $0xFFFFD8F0  }
0x32: {  	_ =	sfence.sel $0x180000  }
0x33: {  	[bflag:$0x0] =	sbarrier.arrive $0xFFFF  }
0x34: {  	p0 =	sne.s32 s1, $0x0;
	_ =	strace $0x90000047  }
0x35: {  	s0 =	sadd.s32 @!p0 $0x100000, s0;
	[bflag:$0x2] =	sbarrier.arrive $0xFFFF  }
0x36: {  	[sflag:s0] =	ssyncadd.tile.s32 @!p0 $0x1;
	_ =	shalt  }
.Lfunc_end2:
_tile_overlayer_lowered:
.L_overlay_start_2:
0x37: {  	(tag) =	ssettag $0x2  }
0x38: {  	s0 =	rddreg [dreg:$0x0];
	s2 =	stileid.u32  }
0x39: {  	s1 =	rddreg [dreg:$0x1];
	p0 =	sne.s32 s2, $0x0  }
0x3a: {  	s3 =	rddreg [dreg:$0x2];
	[bflag:$0x3] =	sbarrier.arrive $0xFFFF;
	s2 =	simm.s32 @!p0 $0x1C01  }
0x3b: {  	[timem:s3], [sflag:s2] =	dma.local @!p0 [hbm:s0], s1  }
0x3c: {  	s0 =	simm.s32 @!p0 $0x1  }
0x3d: {  	_ =	swait.ge @!p0 [sflag:s0], s1  }
0x3e: {  	s1 =	ssub.s32 @!p0 $0x0, s1;
	[sflag:s0] =	ssyncset.done @!p0 $0x0  }
0x3f: {  	[sflag:s0] =	ssyncadd.s32 @!p0 s1  }
0x40: {  	[bflag:$0x3] =	sbarrier.arrive $0xFFFF  }
0x41: {  	_ =	shalt  }

</sc_bundles>
